<compile_context>
chip_gen: v7x
topology: tpu7x:2x2x1
jax: 0.10.2.dev20260603
libtpu: 0.0.44.dev20260713+nightly
codegen_flags: <defaults>
</compile_context>

<pallas_src>
import functools

import jax
import jax.numpy as jnp
from jax import lax
from jax.experimental import pallas as pl
from jax.experimental.pallas import tpu as pltpu
from jax.experimental.pallas import tpu_sc as plsc

N_NODES = 10000
DIM = 128
C = 1.0
EPS = 1e-7
N_EDGES = 320000
B_DECODE = 8192

NC = 2
NS = 16
NW = NC * NS
CH = 128

EPW = N_EDGES // NW
NCHUNK = -(-EPW // CH)
PADW = NCHUNK * CH - EPW

DUMMY = N_NODES
NACC = 10368
RPT = NACC // NS

_MESH = plsc.VectorSubcoreMesh(
    core_axis_name="c", subcore_axis_name="s", num_cores=NC, num_subcores=NS)


@functools.partial(
    pl.kernel,
    out_type=jax.ShapeDtypeStruct((NC, NACC, DIM), jnp.float32),
    mesh=_MESH,
    scratch_types=[
        pltpu.VMEM((NCHUNK, CH), jnp.int32),
        pltpu.VMEM((CH, DIM), jnp.float32),
        pltpu.VMEM_SHARED((NACC, DIM), jnp.float32),
    ],
)
def _deg_kernel(dst_hbm, out_hbm, idst, buf, acc):
    c = lax.axis_index("c")
    s = lax.axis_index("s")
    w = s * NC + c
    pltpu.sync_copy(dst_hbm.at[w], idst)

    def fill(val):
        def body(r, _):
            for k in range(DIM // 16):
                buf[r, pl.ds(k * 16, 16)] = val
            return 0
        lax.fori_loop(0, CH, body, 0)

    fill(jnp.zeros((16,), jnp.float32))
    base = s * RPT
    for k in range(RPT // CH):
        pltpu.sync_copy(buf, acc.at[pl.ds(base + k * CH, CH)])
    pltpu.sync_copy(buf.at[pl.ds(0, 8)],
                    acc.at[pl.ds(base + (RPT // CH) * CH, 8)])
    fill(jnp.ones((16,), jnp.float32))
    plsc.subcore_barrier()

    def scat_body(j, _):
        pltpu.sync_copy(buf, acc.at[idst.at[j]], add=True)
        return 0
    lax.fori_loop(0, NCHUNK, scat_body, 0)
    plsc.subcore_barrier()

    for k in range(RPT // CH):
        r0 = base + k * CH
        pltpu.sync_copy(acc.at[pl.ds(r0, CH)], buf)
        pltpu.sync_copy(buf, out_hbm.at[c, pl.ds(r0, CH)])
    r1 = base + (RPT // CH) * CH
    pltpu.sync_copy(acc.at[pl.ds(r1, 8)], buf.at[pl.ds(0, 8)])
    pltpu.sync_copy(buf.at[pl.ds(0, 8)], out_hbm.at[c, pl.ds(r1, 8)])


@functools.partial(
    pl.kernel,
    out_type=jax.ShapeDtypeStruct((NC, NACC, DIM), jnp.float32),
    mesh=_MESH,
    scratch_types=[
        pltpu.VMEM((NCHUNK, CH), jnp.int32),
        pltpu.VMEM((2, CH), jnp.int32),
        pltpu.VMEM((2, CH, DIM), jnp.float32),
        pltpu.VMEM_SHARED((NACC, DIM), jnp.float32),
        pltpu.SemaphoreType.DMA((2,)),
        pltpu.SemaphoreType.DMA((2,)),
        pltpu.SemaphoreType.DMA((2,)),
    ],
)
def _edge_kernel(u_hbm, src_hbm, dst_hbm, out_hbm,
                 isrc, idst2, rows2, acc, gs, ss, ds):
    c = lax.axis_index("c")
    s = lax.axis_index("s")
    w = s * NC + c
    pltpu.sync_copy(src_hbm.at[w], isrc)

    zeros_v = jnp.zeros((16,), jnp.float32)

    def zero_body(r, _):
        for k in range(DIM // 16):
            rows2[0, r, pl.ds(k * 16, 16)] = zeros_v
        return 0
    lax.fori_loop(0, CH, zero_body, 0)
    base = s * RPT
    for k in range(RPT // CH):
        pltpu.sync_copy(rows2.at[0], acc.at[pl.ds(base + k * CH, CH)])
    pltpu.sync_copy(rows2.at[0].at[pl.ds(0, 8)],
                    acc.at[pl.ds(base + (RPT // CH) * CH, 8)])
    plsc.subcore_barrier()

    def start_gather(j, b):
        pltpu.async_copy(u_hbm.at[isrc.at[j]], rows2.at[b], gs.at[b])

    def start_dst(j, b):
        pltpu.async_copy(dst_hbm.at[w, j], idst2.at[b], ds.at[b])

    start_gather(0, 0)
    start_dst(0, 0)

    def edge_body(j, _):
        b = j & 1
        pltpu.make_async_copy(dst_hbm.at[w, j], idst2.at[b], ds.at[b]).wait()
        pltpu.make_async_copy(u_hbm.at[isrc.at[j]], rows2.at[b],
                              gs.at[b]).wait()
        pltpu.async_copy(rows2.at[b], acc.at[idst2.at[b]], ss.at[b], add=True)

        @pl.when(j >= 1)
        def _():
            pltpu.make_async_copy(rows2.at[1 - b], acc.at[idst2.at[1 - b]],
                                  ss.at[1 - b]).wait()

        @pl.when(j + 1 < NCHUNK)
        def _():
            start_gather(j + 1, 1 - b)
            start_dst(j + 1, 1 - b)
        return 0
    lax.fori_loop(0, NCHUNK, edge_body, 0)
    bl = (NCHUNK - 1) & 1
    pltpu.make_async_copy(rows2.at[bl], acc.at[idst2.at[bl]],
                          ss.at[bl]).wait()
    plsc.subcore_barrier()

    for k in range(RPT // CH):
        r0 = base + k * CH
        pltpu.sync_copy(acc.at[pl.ds(r0, CH)], rows2.at[0])
        pltpu.sync_copy(rows2.at[0], out_hbm.at[c, pl.ds(r0, CH)])
    r1 = base + (RPT // CH) * CH
    pltpu.sync_copy(acc.at[pl.ds(r1, 8)], rows2.at[0].at[pl.ds(0, 8)])
    pltpu.sync_copy(rows2.at[0].at[pl.ds(0, 8)], out_hbm.at[c, pl.ds(r1, 8)])


@functools.partial(
    pl.kernel,
    out_type=(jax.ShapeDtypeStruct((B_DECODE, DIM), jnp.float32),
              jax.ShapeDtypeStruct((B_DECODE, DIM), jnp.float32)),
    mesh=_MESH,
    scratch_types=[
        pltpu.VMEM((2, 128), jnp.int32),
        pltpu.VMEM((2, 128), jnp.int32),
        pltpu.VMEM((128, DIM), jnp.float32),
        pltpu.SemaphoreType.DMA,
    ],
)
def _decode_gather(h_hbm, i0_hbm, i1_hbm, e0_hbm, e1_hbm,
                   ib0, ib1, rows, sem):
    c = lax.axis_index("c")
    s = lax.axis_index("s")
    w = s * NC + c
    pltpu.sync_copy(i0_hbm.at[w], ib0)
    pltpu.sync_copy(i1_hbm.at[w], ib1)
    for j in range(2):
        base = w * 256 + j * 128
        pltpu.async_copy(h_hbm.at[ib0.at[j]], rows, sem).wait()
        pltpu.sync_copy(rows, e0_hbm.at[pl.ds(base, 128)])
        pltpu.async_copy(h_hbm.at[ib1.at[j]], rows, sem).wait()
        pltpu.sync_copy(rows, e1_hbm.at[pl.ds(base, 128)])


_RB = 1000


def _lane_mask(shape):
    return lax.broadcasted_iota(jnp.int32, shape, len(shape) - 1) == 0


def _arccosh(x):
    return jnp.log(x + jnp.sqrt(x * x - 1.0))


def _expmap(v):
    m0 = _lane_mask(v.shape)
    vm = jnp.where(m0, 0.0, v)
    vn = jnp.sqrt(jnp.clip(jnp.sum(vm * vm, axis=-1, keepdims=True), EPS, None))
    e = jnp.exp(vn)
    ei = 1.0 / e
    cosh = 0.5 * (e + ei)
    sinh = 0.5 * (e - ei)
    return jnp.where(m0, cosh, sinh / vn * vm)


def _logmap(x):
    m0 = _lane_mask(x.shape)
    x0 = jnp.clip(jnp.sum(jnp.where(m0, x, 0.0), axis=-1, keepdims=True),
                  1.0 + EPS, None)
    d = _arccosh(x0)
    rest = jnp.where(m0, 0.0, x)
    rn = jnp.sqrt(jnp.clip(jnp.sum(rest * rest, axis=-1, keepdims=True),
                           EPS, None))
    return jnp.where(m0, 0.0, d / rn * rest)


def _invd(degp):
    deg = degp[0, :, 0:1] + degp[1, :, 0:1]
    return lax.rsqrt(jnp.maximum(deg, 1.0))


def _dense1_body(w_ref, degp_ref, u_ref):
    invd = _invd(degp_ref[...])
    u_ref[...] = _logmap(_expmap(w_ref[...])) * invd


def _dense2_body(aggp_ref, degp_ref, u_ref):
    invd = _invd(degp_ref[...])
    agg = (aggp_ref[0] + aggp_ref[1]) * invd
    u_ref[...] = _logmap(_expmap(agg)) * invd


def _dense3_body(aggp_ref, degp_ref, h_ref):
    invd = _invd(degp_ref[...])
    h_ref[...] = _expmap((aggp_ref[0] + aggp_ref[1]) * invd)


_tab_spec = pl.BlockSpec((_RB, DIM), lambda i: (i, 0))
_degp_spec = pl.BlockSpec((NC, _RB, DIM), lambda i: (0, i, 0))
_aggp_spec = pl.BlockSpec((NC, _RB, DIM), lambda i: (0, i, 0))

_dense1 = pl.pallas_call(
    _dense1_body,
    grid=(N_NODES // _RB,),
    in_specs=[_tab_spec, _degp_spec],
    out_specs=_tab_spec,
    out_shape=jax.ShapeDtypeStruct((N_NODES, DIM), jnp.float32),
)

_dense2 = pl.pallas_call(
    _dense2_body,
    grid=(N_NODES // _RB,),
    in_specs=[_aggp_spec, _degp_spec],
    out_specs=_tab_spec,
    out_shape=jax.ShapeDtypeStruct((N_NODES, DIM), jnp.float32),
)

_dense3 = pl.pallas_call(
    _dense3_body,
    grid=(N_NODES // _RB,),
    in_specs=[_aggp_spec, _degp_spec],
    out_specs=_tab_spec,
    out_shape=jax.ShapeDtypeStruct((N_NODES, DIM), jnp.float32),
)


def _dmath_body(e0_ref, e1_ref, o_ref):
    p = e0_ref[...] * e1_ref[...]
    m0 = _lane_mask(p.shape)
    s = jnp.sum(p, axis=-1, keepdims=True)
    c0 = jnp.sum(jnp.where(m0, p, 0.0), axis=-1, keepdims=True)
    prod = s - 2.0 * c0
    theta = jnp.clip(-prod * C, 1.0 + EPS, None)
    sq = (1.0 / C) * _arccosh(theta) ** 2
    o_ref[...] = jnp.clip(sq, None, 50.0)


_DB = 1024
_dmath = pl.pallas_call(
    _dmath_body,
    grid=(B_DECODE // _DB,),
    in_specs=[pl.BlockSpec((_DB, DIM), lambda i: (i, 0)),
              pl.BlockSpec((_DB, DIM), lambda i: (i, 0))],
    out_specs=pl.BlockSpec((_DB, 1), lambda i: (i, 0)),
    out_shape=jax.ShapeDtypeStruct((B_DECODE, 1), jnp.float32),
)


def kernel(weight, edge_index, idx):
    padw = ((0, 0), (0, PADW))
    src = jnp.pad(edge_index[0].reshape(NW, EPW), padw,
                  constant_values=0).reshape(NW, NCHUNK, CH)
    dst = jnp.pad(edge_index[1].reshape(NW, EPW), padw,
                  constant_values=DUMMY).reshape(NW, NCHUNK, CH)
    degp = _deg_kernel(dst)[:, :N_NODES, :]
    u1 = _dense1(weight, degp)
    agg1p = _edge_kernel(u1, src, dst)[:, :N_NODES, :]
    u2 = _dense2(agg1p, degp)
    agg2p = _edge_kernel(u2, src, dst)[:, :N_NODES, :]
    h = _dense3(agg2p, degp)
    i0 = idx[:, 0].reshape(NW, 2, 128)
    i1 = idx[:, 1].reshape(NW, 2, 128)
    e0, e1 = _decode_gather(h, i0, i1)
    return _dmath(e0, e1)

# --- scband reference (transcript-rebuilt; emitter-appended) ---
"""Pipeline reference for scband-lgcfmodel-40785009442903 (READ-ONLY COPY).

The authoritative reference and input builder live on the scoring server;
editing this copy changes nothing except your own understanding.
"""

import jax, jax.numpy as jnp
import numpy as np

N_NODES = 10000
DIM = 128
NUM_LAYERS = 2
C = 1.0
EPS = 1e-7
N_EDGES = 320000
B_DECODE = 8192


def l_inner(x, y):
    # Minkowski inner product <x,y>_L = -x0*y0 + sum_i xi*yi
    return -x[..., 0:1] * y[..., 0:1] + jnp.sum(x[..., 1:] * y[..., 1:], axis=-1, keepdims=True)


def exp_map_zero(v):
    # exponential map at the hyperboloid origin o=(1,0,...,0); v projected to tangent (v0=0)
    rest = v[..., 1:]
    vnorm = jnp.sqrt(jnp.clip(jnp.sum(rest ** 2, axis=-1, keepdims=True), EPS, None))
    out0 = jnp.cosh(vnorm)
    out_rest = jnp.sinh(vnorm) / vnorm * rest
    return jnp.concatenate([out0, out_rest], axis=-1)


def log_map_zero(x):
    # logarithm map at origin
    x0 = jnp.clip(x[..., 0:1], 1.0 + EPS, None)
    d = jnp.arccosh(x0)
    rest = x[..., 1:]
    rnorm = jnp.sqrt(jnp.clip(jnp.sum(rest ** 2, axis=-1, keepdims=True), EPS, None))
    out_rest = d / rnorm * rest
    return jnp.concatenate([jnp.zeros_like(x0), out_rest], axis=-1)


def lorentz_sqdist(x, y, c):
    K = 1.0 / c
    prod = l_inner(x, y)
    theta = jnp.clip(-prod * c, 1.0 + EPS, None)
    sq = K * jnp.arccosh(theta) ** 2
    return jnp.clip(sq, None, 50.0)


def encode(weight, edge_index):
    # embedding.weight is mapped onto the hyperboloid (exp_map_zero at init in torch code)
    src = edge_index[0]
    dst = edge_index[1]
    deg = jnp.zeros((N_NODES,), jnp.float32).at[dst].add(1.0)
    deg = jnp.clip(deg, 1.0, None)
    norm = 1.0 / jnp.sqrt(deg[src] * deg[dst])
    x = exp_map_zero(weight)
    for _ in range(NUM_LAYERS):
        t = log_map_zero(x)          # tangent space at origin
        msg = t[src] * norm[:, None] # gather + normalize (memory-bound)
        agg = jnp.zeros_like(t).at[dst].add(msg)  # scatter-add aggregation
        x = exp_map_zero(agg)        # map back to hyperboloid
    return x


def decode(h, idx):
    emb_in = h[idx[:, 0], :]
    emb_out = h[idx[:, 1], :]
    return lorentz_sqdist(emb_in, emb_out, C)


def setup_inputs(seed: int = 0) -> dict:
    key = jax.random.key(seed)
    k1, k2, k3 = jax.random.split(key, 3)
    edge_index = jax.random.randint(k1, (2, N_EDGES), 0, N_NODES, dtype=jnp.int32)
    idx = jax.random.randint(k2, (B_DECODE, 2), 0, N_NODES, dtype=jnp.int32)
    # nn.Embedding weight, uniform(-scale, scale) as in the torch __init__
    weight = jax.random.uniform(k3, (N_NODES, DIM), minval=-0.1, maxval=0.1, dtype=jnp.float32)
    return {"weight": weight, "edge_index": edge_index, "idx": idx}


def reference(weight, edge_index, idx):
    h = encode(weight, edge_index)
    sqd = decode(h, idx)  # [B, 1] squared Lorentz distances
    return sqd

if __name__ == "__main__":
    import jax
    _d = setup_inputs()
    print(jax.jit(kernel)(*tuple(_d.values())))

</pallas_src>

<mosaic_0001>
#map = affine_map<(d0, d1) -> (0, 0)>
#map1 = affine_map<(d0, d1) -> (0, 0, 0)>
module attributes {stable_mosaic.version = 14 : i64} {
  func.func @_edge_kernel(%arg0: i32, %arg1: i32, %arg2: memref<10000x128xf32, #tpu.memory_space<hbm>>, %arg3: memref<32x79x128xi32, #tpu.memory_space<hbm>>, %arg4: memref<32x79x128xi32, #tpu.memory_space<hbm>>, %arg5: memref<2x10368x128xf32, #tpu.memory_space<hbm>>, %arg6: memref<79x128xi32, #tpu.memory_space<vmem>>, %arg7: memref<2x128xi32, #tpu.memory_space<vmem>>, %arg8: memref<2x128x128xf32, #tpu.memory_space<vmem>>, %arg9: memref<10368x128xf32, #tpu.memory_space<vmem_shared>>, %arg10: memref<2x!tpu.dma_semaphore, #tpu.memory_space<semaphore_mem>>, %arg11: memref<2x!tpu.dma_semaphore, #tpu.memory_space<semaphore_mem>>, %arg12: memref<2x!tpu.dma_semaphore, #tpu.memory_space<semaphore_mem>>) attributes {dimension_semantics = [#tpu.dimension_semantics<core_parallel>, #tpu.dimension_semantics<subcore_parallel>], iteration_bounds = array<i64: 2, 16>, scalar_prefetch = 0 : i64, scratch_operands = 7 : i64, tpu.core_type = #tpu.core_type<sc_vector_subcore>, window_params = [{transform_indices = #map}, {transform_indices = #map1}, {transform_indices = #map1}, {transform_indices = #map1}]} {
    %mul3A = arith.constant 2 : i32
    %mul3A_0 = arith.muli %arg1, %mul3A : i32
    %add3A = arith.addi %mul3A_0, %arg0 : i32
    "tpu.region"() ({
      %run_scoped3A_104 = tpu.sem_alloc : memref<!tpu.dma_semaphore, #tpu.memory_space<semaphore_mem>>
      %dma_start3A_105 = arith.constant 0 : i32
      %dma_start3A_106 = arith.constant 0 : i32
      %dma_start3A_107 = tpu.memref_slice %arg3[%add3A, %dma_start3A_105, %dma_start3A_106] : memref<32x79x128xi32, #tpu.memory_space<hbm>> -> memref<1x79x128xi32, #tpu.memory_space<hbm>>
      %dma_start3A_108 = tpu.memref_squeeze %dma_start3A_107 : memref<1x79x128xi32, #tpu.memory_space<hbm>> -> memref<79x128xi32, #tpu.memory_space<hbm>>
      %dma_start3A_109 = arith.constant 0 : i32
      %dma_start3A_110 = arith.constant 0 : i32
      %dma_start3A_111 = tpu.memref_slice %arg3[%add3A, %dma_start3A_109, %dma_start3A_110] : memref<32x79x128xi32, #tpu.memory_space<hbm>> -> memref<1x79x128xi32, #tpu.memory_space<hbm>>
      %dma_start3A_112 = tpu.memref_squeeze %dma_start3A_111 : memref<1x79x128xi32, #tpu.memory_space<hbm>> -> memref<79x128xi32, #tpu.memory_space<hbm>>
      tpu.enqueue_dma source(%dma_start3A_112 : memref<79x128xi32, #tpu.memory_space<hbm>>) target(%arg6 : memref<79x128xi32, #tpu.memory_space<vmem>>) target_semaphore(%run_scoped3A_104 : memref<!tpu.dma_semaphore, #tpu.memory_space<semaphore_mem>>)
      %dma_wait3A_113 = arith.constant 0 : i32
      %dma_wait3A_114 = arith.constant 0 : i32
      %dma_wait3A_115 = tpu.memref_slice %arg3[%add3A, %dma_wait3A_113, %dma_wait3A_114] : memref<32x79x128xi32, #tpu.memory_space<hbm>> -> memref<1x79x128xi32, #tpu.memory_space<hbm>>
      %dma_wait3A_116 = tpu.memref_squeeze %dma_wait3A_115 : memref<1x79x128xi32, #tpu.memory_space<hbm>> -> memref<79x128xi32, #tpu.memory_space<hbm>>
      %dma_wait3A_117 = arith.constant 0 : i32
      %dma_wait3A_118 = arith.constant 0 : i32
      %dma_wait3A_119 = tpu.memref_slice %arg3[%add3A, %dma_wait3A_117, %dma_wait3A_118] : memref<32x79x128xi32, #tpu.memory_space<hbm>> -> memref<1x79x128xi32, #tpu.memory_space<hbm>>
      %dma_wait3A_120 = tpu.memref_squeeze %dma_wait3A_119 : memref<1x79x128xi32, #tpu.memory_space<hbm>> -> memref<79x128xi32, #tpu.memory_space<hbm>>
      tpu.wait_dma2 semaphore(%run_scoped3A_104 : memref<!tpu.dma_semaphore, #tpu.memory_space<semaphore_mem>>) src(%dma_wait3A_120 : memref<79x128xi32, #tpu.memory_space<hbm>>) dst(%arg6 : memref<79x128xi32, #tpu.memory_space<vmem>>)
      tpu.yield
    }) : () -> ()
    %broadcast_in_dim3A = arith.constant 0.000000e+00 : f32
    %broadcast_in_dim3A_1 = vector.broadcast %broadcast_in_dim3A : f32 to vector<16xf32>
    %scan3A = arith.constant 0 : i32
    %scan3A_2 = arith.constant 0 : i32
    %scan3A_3 = arith.constant 128 : i32
    %scan3A_4 = arith.addi %scan3A_2, %scan3A_3 : i32
    %scan3A_5 = arith.constant 1 : i32
    %scan3A_6 = scf.for %scan3A_104 = %scan3A_2 to %scan3A_4 step %scan3A_5 iter_args(%scan3A_105 = %scan3A) -> (i32)  : i32 {
      %swap3A = arith.constant 0 : i32
      %swap3A_106 = arith.index_cast %swap3A : i32 to index
      %swap3A_107 = arith.index_cast %scan3A_104 : i32 to index
      %swap3A_108 = arith.constant 0 : index
      %swap3A_109 = tpu.vector_load %arg8[%swap3A_106, %swap3A_107, %swap3A_108] {strides = array<i32>} : memref<2x128x128xf32, #tpu.memory_space<vmem>>, vector<1x1x16xf32>,
      %swap3A_110 = vector.shape_cast %swap3A_109 : vector<1x1x16xf32> to vector<16xf32>
      %swap3A_111 = vector.shape_cast %broadcast_in_dim3A_1 : vector<16xf32> to vector<1x1x16xf32>
      tpu.vector_store %arg8[%swap3A_106, %swap3A_107, %swap3A_108], %swap3A_111 {strides = array<i32>} : memref<2x128x128xf32, #tpu.memory_space<vmem>>, vector<1x1x16xf32>,
      %swap3A_112 = arith.constant 0 : i32
      %swap3A_113 = arith.index_cast %swap3A_112 : i32 to index
      %swap3A_114 = arith.index_cast %scan3A_104 : i32 to index
      %swap3A_115 = arith.constant 16 : index
      %swap3A_116 = tpu.vector_load %arg8[%swap3A_113, %swap3A_114, %swap3A_115] {strides = array<i32>} : memref<2x128x128xf32, #tpu.memory_space<vmem>>, vector<1x1x16xf32>,
      %swap3A_117 = vector.shape_cast %swap3A_116 : vector<1x1x16xf32> to vector<16xf32>
      %swap3A_118 = vector.shape_cast %broadcast_in_dim3A_1 : vector<16xf32> to vector<1x1x16xf32>
      tpu.vector_store %arg8[%swap3A_113, %swap3A_114, %swap3A_115], %swap3A_118 {strides = array<i32>} : memref<2x128x128xf32, #tpu.memory_space<vmem>>, vector<1x1x16xf32>,
      %swap3A_119 = arith.constant 0 : i32
      %swap3A_120 = arith.index_cast %swap3A_119 : i32 to index
      %swap3A_121 = arith.index_cast %scan3A_104 : i32 to index
      %swap3A_122 = arith.constant 32 : index
      %swap3A_123 = tpu.vector_load %arg8[%swap3A_120, %swap3A_121, %swap3A_122] {strides = array<i32>} : memref<2x128x128xf32, #tpu.memory_space<vmem>>, vector<1x1x16xf32>,
      %swap3A_124 = vector.shape_cast %swap3A_123 : vector<1x1x16xf32> to vector<16xf32>
      %swap3A_125 = vector.shape_cast %broadcast_in_dim3A_1 : vector<16xf32> to vector<1x1x16xf32>
      tpu.vector_store %arg8[%swap3A_120, %swap3A_121, %swap3A_122], %swap3A_125 {strides = array<i32>} : memref<2x128x128xf32, #tpu.memory_space<vmem>>, vector<1x1x16xf32>,
      %swap3A_126 = arith.constant 0 : i32
      %swap3A_127 = arith.index_cast %swap3A_126 : i32 to index
      %swap3A_128 = arith.index_cast %scan3A_104 : i32 to index
      %swap3A_129 = arith.constant 48 : index
      %swap3A_130 = tpu.vector_load %arg8[%swap3A_127, %swap3A_128, %swap3A_129] {strides = array<i32>} : memref<2x128x128xf32, #tpu.memory_space<vmem>>, vector<1x1x16xf32>,
      %swap3A_131 = vector.shape_cast %swap3A_130 : vector<1x1x16xf32> to vector<16xf32>
      %swap3A_132 = vector.shape_cast %broadcast_in_dim3A_1 : vector<16xf32> to vector<1x1x16xf32>
      tpu.vector_store %arg8[%swap3A_127, %swap3A_128, %swap3A_129], %swap3A_132 {strides = array<i32>} : memref<2x128x128xf32, #tpu.memory_space<vmem>>, vector<1x1x16xf32>,
      %swap3A_133 = arith.constant 0 : i32
      %swap3A_134 = arith.index_cast %swap3A_133 : i32 to index
      %swap3A_135 = arith.index_cast %scan3A_104 : i32 to index
      %swap3A_136 = arith.constant 64 : index
      %swap3A_137 = tpu.vector_load %arg8[%swap3A_134, %swap3A_135, %swap3A_136] {strides = array<i32>} : memref<2x128x128xf32, #tpu.memory_space<vmem>>, vector<1x1x16xf32>,
      %swap3A_138 = vector.shape_cast %swap3A_137 : vector<1x1x16xf32> to vector<16xf32>
      %swap3A_139 = vector.shape_cast %broadcast_in_dim3A_1 : vector<16xf32> to vector<1x1x16xf32>
      tpu.vector_store %arg8[%swap3A_134, %swap3A_135, %swap3A_136], %swap3A_139 {strides = array<i32>} : memref<2x128x128xf32, #tpu.memory_space<vmem>>, vector<1x1x16xf32>,
      %swap3A_140 = arith.constant 0 : i32
      %swap3A_141 = arith.index_cast %swap3A_140 : i32 to index
      %swap3A_142 = arith.index_cast %scan3A_104 : i32 to index
      %swap3A_143 = arith.constant 80 : index
      %swap3A_144 = tpu.vector_load %arg8[%swap3A_141, %swap3A_142, %swap3A_143] {strides = array<i32>} : memref<2x128x128xf32, #tpu.memory_space<vmem>>, vector<1x1x16xf32>,
      %swap3A_145 = vector.shape_cast %swap3A_144 : vector<1x1x16xf32> to vector<16xf32>
      %swap3A_146 = vector.shape_cast %broadcast_in_dim3A_1 : vector<16xf32> to vector<1x1x16xf32>
      tpu.vector_store %arg8[%swap3A_141, %swap3A_142, %swap3A_143], %swap3A_146 {strides = array<i32>} : memref<2x128x128xf32, #tpu.memory_space<vmem>>, vector<1x1x16xf32>,
      %swap3A_147 = arith.constant 0 : i32
      %swap3A_148 = arith.index_cast %swap3A_147 : i32 to index
      %swap3A_149 = arith.index_cast %scan3A_104 : i32 to index
      %swap3A_150 = arith.constant 96 : index
      %swap3A_151 = tpu.vector_load %arg8[%swap3A_148, %swap3A_149, %swap3A_150] {strides = array<i32>} : memref<2x128x128xf32, #tpu.memory_space<vmem>>, vector<1x1x16xf32>,
      %swap3A_152 = vector.shape_cast %swap3A_151 : vector<1x1x16xf32> to vector<16xf32>
      %swap3A_153 = vector.shape_cast %broadcast_in_dim3A_1 : vector<16xf32> to vector<1x1x16xf32>
      tpu.vector_store %arg8[%swap3A_148, %swap3A_149, %swap3A_150], %swap3A_153 {strides = array<i32>} : memref<2x128x128xf32, #tpu.memory_space<vmem>>, vector<1x1x16xf32>,
      %swap3A_154 = arith.constant 0 : i32
      %swap3A_155 = arith.index_cast %swap3A_154 : i32 to index
      %swap3A_156 = arith.index_cast %scan3A_104 : i32 to index
      %swap3A_157 = arith.constant 112 : index
      %swap3A_158 = tpu.vector_load %arg8[%swap3A_155, %swap3A_156, %swap3A_157] {strides = array<i32>} : memref<2x128x128xf32, #tpu.memory_space<vmem>>, vector<1x1x16xf32>,
      %swap3A_159 = vector.shape_cast %swap3A_158 : vector<1x1x16xf32> to vector<16xf32>
      %swap3A_160 = vector.shape_cast %broadcast_in_dim3A_1 : vector<16xf32> to vector<1x1x16xf32>
      tpu.vector_store %arg8[%swap3A_155, %swap3A_156, %swap3A_157], %swap3A_160 {strides = array<i32>} : memref<2x128x128xf32, #tpu.memory_space<vmem>>, vector<1x1x16xf32>,
      %scan3A_161 = arith.constant 0 : i32
      scf.yield %scan3A_161 : i32
    }
    %scan3A_7 = arith.constant 128 : i32
    %mul3A_8 = arith.constant 648 : i32
    %mul3A_9 = arith.muli %arg1, %mul3A_8 : i32
    %add3A_10 = arith.constant 0 : i32
    %add3A_11 = arith.addi %mul3A_9, %add3A_10 : i32
    %run_scoped3A = arith.constant 0 : i32
    "tpu.region"() ({
      %run_scoped3A_104 = tpu.sem_alloc : memref<!tpu.dma_semaphore, #tpu.memory_space<semaphore_mem>>
      %dma_start3A_105 = arith.constant 0 : i32
      %dma_start3A_106 = arith.constant 0 : i32
      %dma_start3A_107 = tpu.memref_slice %arg8[%run_scoped3A, %dma_start3A_105, %dma_start3A_106] : memref<2x128x128xf32, #tpu.memory_space<vmem>> -> memref<1x128x128xf32, #tpu.memory_space<vmem>>
      %dma_start3A_108 = tpu.memref_squeeze %dma_start3A_107 : memref<1x128x128xf32, #tpu.memory_space<vmem>> -> memref<128x128xf32, #tpu.memory_space<vmem>>
      %dma_start3A_109 = arith.constant 0 : i32
      %dma_start3A_110 = tpu.memref_slice %arg9[%add3A_11, %dma_start3A_109] : memref<10368x128xf32, #tpu.memory_space<vmem_shared>> -> memref<128x128xf32, #tpu.memory_space<vmem_shared>>
      %dma_start3A_111 = arith.constant 0 : i32
      %dma_start3A_112 = tpu.memref_slice %arg9[%add3A_11, %dma_start3A_111] : memref<10368x128xf32, #tpu.memory_space<vmem_shared>> -> memref<128x128xf32, #tpu.memory_space<vmem_shared>>
      %dma_start3A_113 = arith.constant 0 : i32
      %dma_start3A_114 = arith.constant 0 : i32
      %dma_start3A_115 = tpu.memref_slice %arg8[%run_scoped3A, %dma_start3A_113, %dma_start3A_114] : memref<2x128x128xf32, #tpu.memory_space<vmem>> -> memref<1x128x128xf32, #tpu.memory_space<vmem>>
      %dma_start3A_116 = tpu.memref_squeeze %dma_start3A_115 : memref<1x128x128xf32, #tpu.memory_space<vmem>> -> memref<128x128xf32, #tpu.memory_space<vmem>>
      tpu.enqueue_dma source(%dma_start3A_116 : memref<128x128xf32, #tpu.memory_space<vmem>>) target(%dma_start3A_112 : memref<128x128xf32, #tpu.memory_space<vmem_shared>>) target_semaphore(%run_scoped3A_104 : memref<!tpu.dma_semaphore, #tpu.memory_space<semaphore_mem>>)
      %dma_wait3A_117 = arith.constant 0 : i32
      %dma_wait3A_118 = arith.constant 0 : i32
      %dma_wait3A_119 = tpu.memref_slice %arg8[%run_scoped3A, %dma_wait3A_117, %dma_wait3A_118] : memref<2x128x128xf32, #tpu.memory_space<vmem>> -> memref<1x128x128xf32, #tpu.memory_space<vmem>>
      %dma_wait3A_120 = tpu.memref_squeeze %dma_wait3A_119 : memref<1x128x128xf32, #tpu.memory_space<vmem>> -> memref<128x128xf32, #tpu.memory_space<vmem>>
      %dma_wait3A_121 = arith.constant 0 : i32
      %dma_wait3A_122 = tpu.memref_slice %arg9[%add3A_11, %dma_wait3A_121] : memref<10368x128xf32, #tpu.memory_space<vmem_shared>> -> memref<128x128xf32, #tpu.memory_space<vmem_shared>>
      %dma_wait3A_123 = arith.constant 0 : i32
      %dma_wait3A_124 = tpu.memref_slice %arg9[%add3A_11, %dma_wait3A_123] : memref<10368x128xf32, #tpu.memory_space<vmem_shared>> -> memref<128x128xf32, #tpu.memory_space<vmem_shared>>
      %dma_wait3A_125 = arith.constant 0 : i32
      %dma_wait3A_126 = arith.constant 0 : i32
      %dma_wait3A_127 = tpu.memref_slice %arg8[%run_scoped3A, %dma_wait3A_125, %dma_wait3A_126] : memref<2x128x128xf32, #tpu.memory_space<vmem>> -> memref<1x128x128xf32, #tpu.memory_space<vmem>>
      %dma_wait3A_128 = tpu.memref_squeeze %dma_wait3A_127 : memref<1x128x128xf32, #tpu.memory_space<vmem>> -> memref<128x128xf32, #tpu.memory_space<vmem>>
      tpu.wait_dma2 semaphore(%run_scoped3A_104 : memref<!tpu.dma_semaphore, #tpu.memory_space<semaphore_mem>>) src(%dma_wait3A_128 : memref<128x128xf32, #tpu.memory_space<vmem>>) dst(%dma_wait3A_124 : memref<128x128xf32, #tpu.memory_space<vmem_shared>>)
      tpu.yield
    }) : () -> ()
    %add3A_12 = arith.constant 128 : i32
    %add3A_13 = arith.addi %mul3A_9, %add3A_12 : i32
    %run_scoped3A_14 = arith.constant 0 : i32
    "tpu.region"() ({
      %run_scoped3A_104 = tpu.sem_alloc : memref<!tpu.dma_semaphore, #tpu.memory_space<semaphore_mem>>
      %dma_start3A_105 = arith.constant 0 : i32
      %dma_start3A_106 = arith.constant 0 : i32
      %dma_start3A_107 = tpu.memref_slice %arg8[%run_scoped3A_14, %dma_start3A_105, %dma_start3A_106] : memref<2x128x128xf32, #tpu.memory_space<vmem>> -> memref<1x128x128xf32, #tpu.memory_space<vmem>>
      %dma_start3A_108 = tpu.memref_squeeze %dma_start3A_107 : memref<1x128x128xf32, #tpu.memory_space<vmem>> -> memref<128x128xf32, #tpu.memory_space<vmem>>
      %dma_start3A_109 = arith.constant 0 : i32
      %dma_start3A_110 = tpu.memref_slice %arg9[%add3A_13, %dma_start3A_109] : memref<10368x128xf32, #tpu.memory_space<vmem_shared>> -> memref<128x128xf32, #tpu.memory_space<vmem_shared>>
      %dma_start3A_111 = arith.constant 0 : i32
      %dma_start3A_112 = tpu.memref_slice %arg9[%add3A_13, %dma_start3A_111] : memref<10368x128xf32, #tpu.memory_space<vmem_shared>> -> memref<128x128xf32, #tpu.memory_space<vmem_shared>>
      %dma_start3A_113 = arith.constant 0 : i32
      %dma_start3A_114 = arith.constant 0 : i32
      %dma_start3A_115 = tpu.memref_slice %arg8[%run_scoped3A_14, %dma_start3A_113, %dma_start3A_114] : memref<2x128x128xf32, #tpu.memory_space<vmem>> -> memref<1x128x128xf32, #tpu.memory_space<vmem>>
      %dma_start3A_116 = tpu.memref_squeeze %dma_start3A_115 : memref<1x128x128xf32, #tpu.memory_space<vmem>> -> memref<128x128xf32, #tpu.memory_space<vmem>>
      tpu.enqueue_dma source(%dma_start3A_116 : memref<128x128xf32, #tpu.memory_space<vmem>>) target(%dma_start3A_112 : memref<128x128xf32, #tpu.memory_space<vmem_shared>>) target_semaphore(%run_scoped3A_104 : memref<!tpu.dma_semaphore, #tpu.memory_space<semaphore_mem>>)
      %dma_wait3A_117 = arith.constant 0 : i32
      %dma_wait3A_118 = arith.constant 0 : i32
      %dma_wait3A_119 = tpu.memref_slice %arg8[%run_scoped3A_14, %dma_wait3A_117, %dma_wait3A_118] : memref<2x128x128xf32, #tpu.memory_space<vmem>> -> memref<1x128x128xf32, #tpu.memory_space<vmem>>
      %dma_wait3A_120 = tpu.memref_squeeze %dma_wait3A_119 : memref<1x128x128xf32, #tpu.memory_space<vmem>> -> memref<128x128xf32, #tpu.memory_space<vmem>>
      %dma_wait3A_121 = arith.constant 0 : i32
      %dma_wait3A_122 = tpu.memref_slice %arg9[%add3A_13, %dma_wait3A_121] : memref<10368x128xf32, #tpu.memory_space<vmem_shared>> -> memref<128x128xf32, #tpu.memory_space<vmem_shared>>
      %dma_wait3A_123 = arith.constant 0 : i32
      %dma_wait3A_124 = tpu.memref_slice %arg9[%add3A_13, %dma_wait3A_123] : memref<10368x128xf32, #tpu.memory_space<vmem_shared>> -> memref<128x128xf32, #tpu.memory_space<vmem_shared>>
      %dma_wait3A_125 = arith.constant 0 : i32
      %dma_wait3A_126 = arith.constant 0 : i32
      %dma_wait3A_127 = tpu.memref_slice %arg8[%run_scoped3A_14, %dma_wait3A_125, %dma_wait3A_126] : memref<2x128x128xf32, #tpu.memory_space<vmem>> -> memref<1x128x128xf32, #tpu.memory_space<vmem>>
      %dma_wait3A_128 = tpu.memref_squeeze %dma_wait3A_127 : memref<1x128x128xf32, #tpu.memory_space<vmem>> -> memref<128x128xf32, #tpu.memory_space<vmem>>
      tpu.wait_dma2 semaphore(%run_scoped3A_104 : memref<!tpu.dma_semaphore, #tpu.memory_space<semaphore_mem>>) src(%dma_wait3A_128 : memref<128x128xf32, #tpu.memory_space<vmem>>) dst(%dma_wait3A_124 : memref<128x128xf32, #tpu.memory_space<vmem_shared>>)
      tpu.yield
    }) : () -> ()
    %add3A_15 = arith.constant 256 : i32
    %add3A_16 = arith.addi %mul3A_9, %add3A_15 : i32
    %run_scoped3A_17 = arith.constant 0 : i32
    "tpu.region"() ({
      %run_scoped3A_104 = tpu.sem_alloc : memref<!tpu.dma_semaphore, #tpu.memory_space<semaphore_mem>>
      %dma_start3A_105 = arith.constant 0 : i32
      %dma_start3A_106 = arith.constant 0 : i32
      %dma_start3A_107 = tpu.memref_slice %arg8[%run_scoped3A_17, %dma_start3A_105, %dma_start3A_106] : memref<2x128x128xf32, #tpu.memory_space<vmem>> -> memref<1x128x128xf32, #tpu.memory_space<vmem>>
      %dma_start3A_108 = tpu.memref_squeeze %dma_start3A_107 : memref<1x128x128xf32, #tpu.memory_space<vmem>> -> memref<128x128xf32, #tpu.memory_space<vmem>>
      %dma_start3A_109 = arith.constant 0 : i32
      %dma_start3A_110 = tpu.memref_slice %arg9[%add3A_16, %dma_start3A_109] : memref<10368x128xf32, #tpu.memory_space<vmem_shared>> -> memref<128x128xf32, #tpu.memory_space<vmem_shared>>
      %dma_start3A_111 = arith.constant 0 : i32
      %dma_start3A_112 = tpu.memref_slice %arg9[%add3A_16, %dma_start3A_111] : memref<10368x128xf32, #tpu.memory_space<vmem_shared>> -> memref<128x128xf32, #tpu.memory_space<vmem_shared>>
      %dma_start3A_113 = arith.constant 0 : i32
      %dma_start3A_114 = arith.constant 0 : i32
      %dma_start3A_115 = tpu.memref_slice %arg8[%run_scoped3A_17, %dma_start3A_113, %dma_start3A_114] : memref<2x128x128xf32, #tpu.memory_space<vmem>> -> memref<1x128x128xf32, #tpu.memory_space<vmem>>
      %dma_start3A_116 = tpu.memref_squeeze %dma_start3A_115 : memref<1x128x128xf32, #tpu.memory_space<vmem>> -> memref<128x128xf32, #tpu.memory_space<vmem>>
      tpu.enqueue_dma source(%dma_start3A_116 : memref<128x128xf32, #tpu.memory_space<vmem>>) target(%dma_start3A_112 : memref<128x128xf32, #tpu.memory_space<vmem_shared>>) target_semaphore(%run_scoped3A_104 : memref<!tpu.dma_semaphore, #tpu.memory_space<semaphore_mem>>)
      %dma_wait3A_117 = arith.constant 0 : i32
      %dma_wait3A_118 = arith.constant 0 : i32
      %dma_wait3A_119 = tpu.memref_slice %arg8[%run_scoped3A_17, %dma_wait3A_117, %dma_wait3A_118] : memref<2x128x128xf32, #tpu.memory_space<vmem>> -> memref<1x128x128xf32, #tpu.memory_space<vmem>>
      %dma_wait3A_120 = tpu.memref_squeeze %dma_wait3A_119 : memref<1x128x128xf32, #tpu.memory_space<vmem>> -> memref<128x128xf32, #tpu.memory_space<vmem>>
      %dma_wait3A_121 = arith.constant 0 : i32
      %dma_wait3A_122 = tpu.memref_slice %arg9[%add3A_16, %dma_wait3A_121] : memref<10368x128xf32, #tpu.memory_space<vmem_shared>> -> memref<128x128xf32, #tpu.memory_space<vmem_shared>>
      %dma_wait3A_123 = arith.constant 0 : i32
      %dma_wait3A_124 = tpu.memref_slice %arg9[%add3A_16, %dma_wait3A_123] : memref<10368x128xf32, #tpu.memory_space<vmem_shared>> -> memref<128x128xf32, #tpu.memory_space<vmem_shared>>
      %dma_wait3A_125 = arith.constant 0 : i32
      %dma_wait3A_126 = arith.constant 0 : i32
      %dma_wait3A_127 = tpu.memref_slice %arg8[%run_scoped3A_17, %dma_wait3A_125, %dma_wait3A_126] : memref<2x128x128xf32, #tpu.memory_space<vmem>> -> memref<1x128x128xf32, #tpu.memory_space<vmem>>
      %dma_wait3A_128 = tpu.memref_squeeze %dma_wait3A_127 : memref<1x128x128xf32, #tpu.memory_space<vmem>> -> memref<128x128xf32, #tpu.memory_space<vmem>>
      tpu.wait_dma2 semaphore(%run_scoped3A_104 : memref<!tpu.dma_semaphore, #tpu.memory_space<semaphore_mem>>) src(%dma_wait3A_128 : memref<128x128xf32, #tpu.memory_space<vmem>>) dst(%dma_wait3A_124 : memref<128x128xf32, #tpu.memory_space<vmem_shared>>)
      tpu.yield
    }) : () -> ()
    %add3A_18 = arith.constant 384 : i32
    %add3A_19 = arith.addi %mul3A_9, %add3A_18 : i32
    %run_scoped3A_20 = arith.constant 0 : i32
    "tpu.region"() ({
      %run_scoped3A_104 = tpu.sem_alloc : memref<!tpu.dma_semaphore, #tpu.memory_space<semaphore_mem>>
      %dma_start3A_105 = arith.constant 0 : i32
      %dma_start3A_106 = arith.constant 0 : i32
      %dma_start3A_107 = tpu.memref_slice %arg8[%run_scoped3A_20, %dma_start3A_105, %dma_start3A_106] : memref<2x128x128xf32, #tpu.memory_space<vmem>> -> memref<1x128x128xf32, #tpu.memory_space<vmem>>
      %dma_start3A_108 = tpu.memref_squeeze %dma_start3A_107 : memref<1x128x128xf32, #tpu.memory_space<vmem>> -> memref<128x128xf32, #tpu.memory_space<vmem>>
      %dma_start3A_109 = arith.constant 0 : i32
      %dma_start3A_110 = tpu.memref_slice %arg9[%add3A_19, %dma_start3A_109] : memref<10368x128xf32, #tpu.memory_space<vmem_shared>> -> memref<128x128xf32, #tpu.memory_space<vmem_shared>>
      %dma_start3A_111 = arith.constant 0 : i32
      %dma_start3A_112 = tpu.memref_slice %arg9[%add3A_19, %dma_start3A_111] : memref<10368x128xf32, #tpu.memory_space<vmem_shared>> -> memref<128x128xf32, #tpu.memory_space<vmem_shared>>
      %dma_start3A_113 = arith.constant 0 : i32
      %dma_start3A_114 = arith.constant 0 : i32
      %dma_start3A_115 = tpu.memref_slice %arg8[%run_scoped3A_20, %dma_start3A_113, %dma_start3A_114] : memref<2x128x128xf32, #tpu.memory_space<vmem>> -> memref<1x128x128xf32, #tpu.memory_space<vmem>>
      %dma_start3A_116 = tpu.memref_squeeze %dma_start3A_115 : memref<1x128x128xf32, #tpu.memory_space<vmem>> -> memref<128x128xf32, #tpu.memory_space<vmem>>
      tpu.enqueue_dma source(%dma_start3A_116 : memref<128x128xf32, #tpu.memory_space<vmem>>) target(%dma_start3A_112 : memref<128x128xf32, #tpu.memory_space<vmem_shared>>) target_semaphore(%run_scoped3A_104 : memref<!tpu.dma_semaphore, #tpu.memory_space<semaphore_mem>>)
      %dma_wait3A_117 = arith.constant 0 : i32
      %dma_wait3A_118 = arith.constant 0 : i32
      %dma_wait3A_119 = tpu.memref_slice %arg8[%run_scoped3A_20, %dma_wait3A_117, %dma_wait3A_118] : memref<2x128x128xf32, #tpu.memory_space<vmem>> -> memref<1x128x128xf32, #tpu.memory_space<vmem>>
      %dma_wait3A_120 = tpu.memref_squeeze %dma_wait3A_119 : memref<1x128x128xf32, #tpu.memory_space<vmem>> -> memref<128x128xf32, #tpu.memory_space<vmem>>
      %dma_wait3A_121 = arith.constant 0 : i32
      %dma_wait3A_122 = tpu.memref_slice %arg9[%add3A_19, %dma_wait3A_121] : memref<10368x128xf32, #tpu.memory_space<vmem_shared>> -> memref<128x128xf32, #tpu.memory_space<vmem_shared>>
      %dma_wait3A_123 = arith.constant 0 : i32
      %dma_wait3A_124 = tpu.memref_slice %arg9[%add3A_19, %dma_wait3A_123] : memref<10368x128xf32, #tpu.memory_space<vmem_shared>> -> memref<128x128xf32, #tpu.memory_space<vmem_shared>>
      %dma_wait3A_125 = arith.constant 0 : i32
      %dma_wait3A_126 = arith.constant 0 : i32
      %dma_wait3A_127 = tpu.memref_slice %arg8[%run_scoped3A_20, %dma_wait3A_125, %dma_wait3A_126] : memref<2x128x128xf32, #tpu.memory_space<vmem>> -> memref<1x128x128xf32, #tpu.memory_space<vmem>>
      %dma_wait3A_128 = tpu.memref_squeeze %dma_wait3A_127 : memref<1x128x128xf32, #tpu.memory_space<vmem>> -> memref<128x128xf32, #tpu.memory_space<vmem>>
      tpu.wait_dma2 semaphore(%run_scoped3A_104 : memref<!tpu.dma_semaphore, #tpu.memory_space<semaphore_mem>>) src(%dma_wait3A_128 : memref<128x128xf32, #tpu.memory_space<vmem>>) dst(%dma_wait3A_124 : memref<128x128xf32, #tpu.memory_space<vmem_shared>>)
      tpu.yield
    }) : () -> ()
    %add3A_21 = arith.constant 512 : i32
    %add3A_22 = arith.addi %mul3A_9, %add3A_21 : i32
    %run_scoped3A_23 = arith.constant 0 : i32
    "tpu.region"() ({
      %run_scoped3A_104 = tpu.sem_alloc : memref<!tpu.dma_semaphore, #tpu.memory_space<semaphore_mem>>
      %dma_start3A_105 = arith.constant 0 : i32
      %dma_start3A_106 = arith.constant 0 : i32
      %dma_start3A_107 = tpu.memref_slice %arg8[%run_scoped3A_23, %dma_start3A_105, %dma_start3A_106] : memref<2x128x128xf32, #tpu.memory_space<vmem>> -> memref<1x128x128xf32, #tpu.memory_space<vmem>>
      %dma_start3A_108 = tpu.memref_squeeze %dma_start3A_107 : memref<1x128x128xf32, #tpu.memory_space<vmem>> -> memref<128x128xf32, #tpu.memory_space<vmem>>
      %dma_start3A_109 = arith.constant 0 : i32
      %dma_start3A_110 = tpu.memref_slice %arg9[%add3A_22, %dma_start3A_109] : memref<10368x128xf32, #tpu.memory_space<vmem_shared>> -> memref<128x128xf32, #tpu.memory_space<vmem_shared>>
      %dma_start3A_111 = arith.constant 0 : i32
      %dma_start3A_112 = tpu.memref_slice %arg9[%add3A_22, %dma_start3A_111] : memref<10368x128xf32, #tpu.memory_space<vmem_shared>> -> memref<128x128xf32, #tpu.memory_space<vmem_shared>>
      %dma_start3A_113 = arith.constant 0 : i32
      %dma_start3A_114 = arith.constant 0 : i32
      %dma_start3A_115 = tpu.memref_slice %arg8[%run_scoped3A_23, %dma_start3A_113, %dma_start3A_114] : memref<2x128x128xf32, #tpu.memory_space<vmem>> -> memref<1x128x128xf32, #tpu.memory_space<vmem>>
      %dma_start3A_116 = tpu.memref_squeeze %dma_start3A_115 : memref<1x128x128xf32, #tpu.memory_space<vmem>> -> memref<128x128xf32, #tpu.memory_space<vmem>>
      tpu.enqueue_dma source(%dma_start3A_116 : memref<128x128xf32, #tpu.memory_space<vmem>>) target(%dma_start3A_112 : memref<128x128xf32, #tpu.memory_space<vmem_shared>>) target_semaphore(%run_scoped3A_104 : memref<!tpu.dma_semaphore, #tpu.memory_space<semaphore_mem>>)
      %dma_wait3A_117 = arith.constant 0 : i32
      %dma_wait3A_118 = arith.constant 0 : i32
      %dma_wait3A_119 = tpu.memref_slice %arg8[%run_scoped3A_23, %dma_wait3A_117, %dma_wait3A_118] : memref<2x128x128xf32, #tpu.memory_space<vmem>> -> memref<1x128x128xf32, #tpu.memory_space<vmem>>
      %dma_wait3A_120 = tpu.memref_squeeze %dma_wait3A_119 : memref<1x128x128xf32, #tpu.memory_space<vmem>> -> memref<128x128xf32, #tpu.memory_space<vmem>>
      %dma_wait3A_121 = arith.constant 0 : i32
      %dma_wait3A_122 = tpu.memref_slice %arg9[%add3A_22, %dma_wait3A_121] : memref<10368x128xf32, #tpu.memory_space<vmem_shared>> -> memref<128x128xf32, #tpu.memory_space<vmem_shared>>
      %dma_wait3A_123 = arith.constant 0 : i32
      %dma_wait3A_124 = tpu.memref_slice %arg9[%add3A_22, %dma_wait3A_123] : memref<10368x128xf32, #tpu.memory_space<vmem_shared>> -> memref<128x128xf32, #tpu.memory_space<vmem_shared>>
      %dma_wait3A_125 = arith.constant 0 : i32
      %dma_wait3A_126 = arith.constant 0 : i32
      %dma_wait3A_127 = tpu.memref_slice %arg8[%run_scoped3A_23, %dma_wait3A_125, %dma_wait3A_126] : memref<2x128x128xf32, #tpu.memory_space<vmem>> -> memref<1x128x128xf32, #tpu.memory_space<vmem>>
      %dma_wait3A_128 = tpu.memref_squeeze %dma_wait3A_127 : memref<1x128x128xf32, #tpu.memory_space<vmem>> -> memref<128x128xf32, #tpu.memory_space<vmem>>
      tpu.wait_dma2 semaphore(%run_scoped3A_104 : memref<!tpu.dma_semaphore, #tpu.memory_space<semaphore_mem>>) src(%dma_wait3A_128 : memref<128x128xf32, #tpu.memory_space<vmem>>) dst(%dma_wait3A_124 : memref<128x128xf32, #tpu.memory_space<vmem_shared>>)
      tpu.yield
    }) : () -> ()
    %add3A_24 = arith.constant 640 : i32
    %add3A_25 = arith.addi %mul3A_9, %add3A_24 : i32
    %run_scoped3A_26 = arith.constant 0 : i32
    "tpu.region"() ({
      %run_scoped3A_104 = tpu.sem_alloc : memref<!tpu.dma_semaphore, #tpu.memory_space<semaphore_mem>>
      %dma_start3A_105 = arith.constant 0 : i32
      %dma_start3A_106 = arith.constant 0 : i32
      %dma_start3A_107 = tpu.memref_slice %arg8[%run_scoped3A_26, %dma_start3A_105, %dma_start3A_106] : memref<2x128x128xf32, #tpu.memory_space<vmem>> -> memref<1x128x128xf32, #tpu.memory_space<vmem>>
      %dma_start3A_108 = tpu.memref_squeeze %dma_start3A_107 : memref<1x128x128xf32, #tpu.memory_space<vmem>> -> memref<128x128xf32, #tpu.memory_space<vmem>>
      %dma_start3A_109 = arith.constant 0 : i32
      %dma_start3A_110 = arith.constant 0 : i32
      %dma_start3A_111 = tpu.memref_slice %dma_start3A_108[%dma_start3A_109, %dma_start3A_110] : memref<128x128xf32, #tpu.memory_space<vmem>> -> memref<8x128xf32, #tpu.memory_space<vmem>>
      %dma_start3A_112 = arith.constant 0 : i32
      %dma_start3A_113 = tpu.memref_slice %arg9[%add3A_25, %dma_start3A_112] : memref<10368x128xf32, #tpu.memory_space<vmem_shared>> -> memref<8x128xf32, #tpu.memory_space<vmem_shared>>
      %dma_start3A_114 = arith.constant 0 : i32
      %dma_start3A_115 = tpu.memref_slice %arg9[%add3A_25, %dma_start3A_114] : memref<10368x128xf32, #tpu.memory_space<vmem_shared>> -> memref<8x128xf32, #tpu.memory_space<vmem_shared>>
      %dma_start3A_116 = arith.constant 0 : i32
      %dma_start3A_117 = arith.constant 0 : i32
      %dma_start3A_118 = tpu.memref_slice %arg8[%run_scoped3A_26, %dma_start3A_116, %dma_start3A_117] : memref<2x128x128xf32, #tpu.memory_space<vmem>> -> memref<1x128x128xf32, #tpu.memory_space<vmem>>
      %dma_start3A_119 = tpu.memref_squeeze %dma_start3A_118 : memref<1x128x128xf32, #tpu.memory_space<vmem>> -> memref<128x128xf32, #tpu.memory_space<vmem>>
      %dma_start3A_120 = arith.constant 0 : i32
      %dma_start3A_121 = arith.constant 0 : i32
      %dma_start3A_122 = tpu.memref_slice %dma_start3A_119[%dma_start3A_120, %dma_start3A_121] : memref<128x128xf32, #tpu.memory_space<vmem>> -> memref<8x128xf32, #tpu.memory_space<vmem>>
      tpu.enqueue_dma source(%dma_start3A_122 : memref<8x128xf32, #tpu.memory_space<vmem>>) target(%dma_start3A_115 : memref<8x128xf32, #tpu.memory_space<vmem_shared>>) target_semaphore(%run_scoped3A_104 : memref<!tpu.dma_semaphore, #tpu.memory_space<semaphore_mem>>)
      %dma_wait3A_123 = arith.constant 0 : i32
      %dma_wait3A_124 = arith.constant 0 : i32
      %dma_wait3A_125 = tpu.memref_slice %arg8[%run_scoped3A_26, %dma_wait3A_123, %dma_wait3A_124] : memref<2x128x128xf32, #tpu.memory_space<vmem>> -> memref<1x128x128xf32, #tpu.memory_space<vmem>>
      %dma_wait3A_126 = tpu.memref_squeeze %dma_wait3A_125 : memref<1x128x128xf32, #tpu.memory_space<vmem>> -> memref<128x128xf32, #tpu.memory_space<vmem>>
      %dma_wait3A_127 = arith.constant 0 : i32
      %dma_wait3A_128 = arith.constant 0 : i32
      %dma_wait3A_129 = tpu.memref_slice %dma_wait3A_126[%dma_wait3A_127, %dma_wait3A_128] : memref<128x128xf32, #tpu.memory_space<vmem>> -> memref<8x128xf32, #tpu.memory_space<vmem>>
      %dma_wait3A_130 = arith.constant 0 : i32
      %dma_wait3A_131 = tpu.memref_slice %arg9[%add3A_25, %dma_wait3A_130] : memref<10368x128xf32, #tpu.memory_space<vmem_shared>> -> memref<8x128xf32, #tpu.memory_space<vmem_shared>>
      %dma_wait3A_132 = arith.constant 0 : i32
      %dma_wait3A_133 = tpu.memref_slice %arg9[%add3A_25, %dma_wait3A_132] : memref<10368x128xf32, #tpu.memory_space<vmem_shared>> -> memref<8x128xf32, #tpu.memory_space<vmem_shared>>
      %dma_wait3A_134 = arith.constant 0 : i32
      %dma_wait3A_135 = arith.constant 0 : i32
      %dma_wait3A_136 = tpu.memref_slice %arg8[%run_scoped3A_26, %dma_wait3A_134, %dma_wait3A_135] : memref<2x128x128xf32, #tpu.memory_space<vmem>> -> memref<1x128x128xf32, #tpu.memory_space<vmem>>
      %dma_wait3A_137 = tpu.memref_squeeze %dma_wait3A_136 : memref<1x128x128xf32, #tpu.memory_space<vmem>> -> memref<128x128xf32, #tpu.memory_space<vmem>>
      %dma_wait3A_138 = arith.constant 0 : i32
      %dma_wait3A_139 = arith.constant 0 : i32
      %dma_wait3A_140 = tpu.memref_slice %dma_wait3A_137[%dma_wait3A_138, %dma_wait3A_139] : memref<128x128xf32, #tpu.memory_space<vmem>> -> memref<8x128xf32, #tpu.memory_space<vmem>>
      tpu.wait_dma2 semaphore(%run_scoped3A_104 : memref<!tpu.dma_semaphore, #tpu.memory_space<semaphore_mem>>) src(%dma_wait3A_140 : memref<8x128xf32, #tpu.memory_space<vmem>>) dst(%dma_wait3A_133 : memref<8x128xf32, #tpu.memory_space<vmem_shared>>)
      tpu.yield
    }) : () -> ()
    %barrier3A = arith.constant 0 : index
    tpu.barrier barrier_id(%barrier3A)
    %dma_start3A = arith.constant 0 : i32
    %dma_start3A_27 = arith.constant 0 : i32
    %dma_start3A_28 = arith.constant 0 : i32
    %dma_start3A_29 = arith.constant 0 : i32
    %dma_start3A_30 = arith.constant 0 : i32
    %dma_start3A_31 = tpu.memref_slice %arg8[%dma_start3A_27, %dma_start3A_29, %dma_start3A_30] : memref<2x128x128xf32, #tpu.memory_space<vmem>> -> memref<1x128x128xf32, #tpu.memory_space<vmem>>
    %dma_start3A_32 = tpu.memref_squeeze %dma_start3A_31 : memref<1x128x128xf32, #tpu.memory_space<vmem>> -> memref<128x128xf32, #tpu.memory_space<vmem>>
    %dma_start3A_33 = arith.constant 0 : i32
    %dma_start3A_34 = tpu.memref_slice %arg6[%dma_start3A, %dma_start3A_33] : memref<79x128xi32, #tpu.memory_space<vmem>> -> memref<1x128xi32, #tpu.memory_space<vmem>>
    %dma_start3A_35 = tpu.memref_squeeze %dma_start3A_34 : memref<1x128xi32, #tpu.memory_space<vmem>> -> memref<128xi32, #tpu.memory_space<vmem>>
    %dma_start3A_36 = arith.constant 0 : i32
    %dma_start3A_37 = arith.constant 0 : i32
    %dma_start3A_38 = tpu.memref_slice %arg2[%dma_start3A_36, %dma_start3A_37] : memref<10000x128xf32, #tpu.memory_space<hbm>> -> memref<10000x128xf32, #tpu.memory_space<hbm>>
    %dma_start3A_39 = tpu.memref_slice %arg10[%dma_start3A_28] : memref<2x!tpu.dma_semaphore, #tpu.memory_space<semaphore_mem>> -> memref<1x!tpu.dma_semaphore, #tpu.memory_space<semaphore_mem>>
    %dma_start3A_40 = tpu.memref_squeeze %dma_start3A_39 : memref<1x!tpu.dma_semaphore, #tpu.memory_space<semaphore_mem>> -> memref<!tpu.dma_semaphore, #tpu.memory_space<semaphore_mem>>
    tpu.enqueue_indirect_dma source(%dma_start3A_38 : memref<10000x128xf32, #tpu.memory_space<hbm>>) target(%dma_start3A_32 : memref<128x128xf32, #tpu.memory_space<vmem>>) offsets(%dma_start3A_35 : memref<128xi32, #tpu.memory_space<vmem>>) semaphore(%dma_start3A_40 : memref<!tpu.dma_semaphore, #tpu.memory_space<semaphore_mem>>)
    %dma_start3A_41 = arith.constant 0 : i32
    %dma_start3A_42 = arith.constant 0 : i32
    %dma_start3A_43 = arith.constant 0 : i32
    %dma_start3A_44 = arith.constant 0 : i32
    %dma_start3A_45 = tpu.memref_slice %arg7[%dma_start3A_42, %dma_start3A_44] : memref<2x128xi32, #tpu.memory_space<vmem>> -> memref<1x128xi32, #tpu.memory_space<vmem>>
    %dma_start3A_46 = tpu.memref_squeeze %dma_start3A_45 : memref<1x128xi32, #tpu.memory_space<vmem>> -> memref<128xi32, #tpu.memory_space<vmem>>
    %dma_start3A_47 = arith.constant 0 : i32
    %dma_start3A_48 = tpu.memref_slice %arg4[%add3A, %dma_start3A_41, %dma_start3A_47] : memref<32x79x128xi32, #tpu.memory_space<hbm>> -> memref<1x1x128xi32, #tpu.memory_space<hbm>>
    %dma_start3A_49 = tpu.memref_squeeze %dma_start3A_48 : memref<1x1x128xi32, #tpu.memory_space<hbm>> -> memref<128xi32, #tpu.memory_space<hbm>>
    %dma_start3A_50 = tpu.memref_slice %arg12[%dma_start3A_43] : memref<2x!tpu.dma_semaphore, #tpu.memory_space<semaphore_mem>> -> memref<1x!tpu.dma_semaphore, #tpu.memory_space<semaphore_mem>>
    %dma_start3A_51 = tpu.memref_squeeze %dma_start3A_50 : memref<1x!tpu.dma_semaphore, #tpu.memory_space<semaphore_mem>> -> memref<!tpu.dma_semaphore, #tpu.memory_space<semaphore_mem>>
    %dma_start3A_52 = arith.constant 0 : i32
    %dma_start3A_53 = tpu.memref_slice %arg7[%dma_start3A_42, %dma_start3A_52] : memref<2x128xi32, #tpu.memory_space<vmem>> -> memref<1x128xi32, #tpu.memory_space<vmem>>
    %dma_start3A_54 = tpu.memref_squeeze %dma_start3A_53 : memref<1x128xi32, #tpu.memory_space<vmem>> -> memref<128xi32, #tpu.memory_space<vmem>>
    %dma_start3A_55 = arith.constant 0 : i32
    %dma_start3A_56 = tpu.memref_slice %arg4[%add3A, %dma_start3A_41, %dma_start3A_55] : memref<32x79x128xi32, #tpu.memory_space<hbm>> -> memref<1x1x128xi32, #tpu.memory_space<hbm>>
    %dma_start3A_57 = tpu.memref_squeeze %dma_start3A_56 : memref<1x1x128xi32, #tpu.memory_space<hbm>> -> memref<128xi32, #tpu.memory_space<hbm>>
    tpu.enqueue_dma source(%dma_start3A_57 : memref<128xi32, #tpu.memory_space<hbm>>) target(%dma_start3A_54 : memref<128xi32, #tpu.memory_space<vmem>>) target_semaphore(%dma_start3A_51 : memref<!tpu.dma_semaphore, #tpu.memory_space<semaphore_mem>>)
    %scan3A_58 = arith.constant 0 : i32
    %scan3A_59 = arith.constant 0 : i32
    %scan3A_60 = arith.constant 79 : i32
    %scan3A_61 = arith.addi %scan3A_59, %scan3A_60 : i32
    %scan3A_62 = arith.constant 1 : i32
    %scan3A_63 = scf.for %scan3A_104 = %scan3A_59 to %scan3A_61 step %scan3A_62 iter_args(%scan3A_105 = %scan3A_58) -> (i32)  : i32 {
      %and3A = arith.constant 1 : i32
      %and3A_106 = arith.andi %scan3A_104, %and3A : i32
      %dma_wait3A_107 = arith.constant 0 : i32
      %dma_wait3A_108 = tpu.memref_slice %arg7[%and3A_106, %dma_wait3A_107] : memref<2x128xi32, #tpu.memory_space<vmem>> -> memref<1x128xi32, #tpu.memory_space<vmem>>
      %dma_wait3A_109 = tpu.memref_squeeze %dma_wait3A_108 : memref<1x128xi32, #tpu.memory_space<vmem>> -> memref<128xi32, #tpu.memory_space<vmem>>
      %dma_wait3A_110 = arith.constant 0 : i32
      %dma_wait3A_111 = tpu.memref_slice %arg4[%add3A, %scan3A_104, %dma_wait3A_110] : memref<32x79x128xi32, #tpu.memory_space<hbm>> -> memref<1x1x128xi32, #tpu.memory_space<hbm>>
      %dma_wait3A_112 = tpu.memref_squeeze %dma_wait3A_111 : memref<1x1x128xi32, #tpu.memory_space<hbm>> -> memref<128xi32, #tpu.memory_space<hbm>>
      %dma_wait3A_113 = tpu.memref_slice %arg12[%and3A_106] : memref<2x!tpu.dma_semaphore, #tpu.memory_space<semaphore_mem>> -> memref<1x!tpu.dma_semaphore, #tpu.memory_space<semaphore_mem>>
      %dma_wait3A_114 = tpu.memref_squeeze %dma_wait3A_113 : memref<1x!tpu.dma_semaphore, #tpu.memory_space<semaphore_mem>> -> memref<!tpu.dma_semaphore, #tpu.memory_space<semaphore_mem>>
      %dma_wait3A_115 = arith.constant 0 : i32
      %dma_wait3A_116 = tpu.memref_slice %arg7[%and3A_106, %dma_wait3A_115] : memref<2x128xi32, #tpu.memory_space<vmem>> -> memref<1x128xi32, #tpu.memory_space<vmem>>
      %dma_wait3A_117 = tpu.memref_squeeze %dma_wait3A_116 : memref<1x128xi32, #tpu.memory_space<vmem>> -> memref<128xi32, #tpu.memory_space<vmem>>
      %dma_wait3A_118 = arith.constant 0 : i32
      %dma_wait3A_119 = tpu.memref_slice %arg4[%add3A, %scan3A_104, %dma_wait3A_118] : memref<32x79x128xi32, #tpu.memory_space<hbm>> -> memref<1x1x128xi32, #tpu.memory_space<hbm>>
      %dma_wait3A_120 = tpu.memref_squeeze %dma_wait3A_119 : memref<1x1x128xi32, #tpu.memory_space<hbm>> -> memref<128xi32, #tpu.memory_space<hbm>>
      tpu.wait_dma2 semaphore(%dma_wait3A_114 : memref<!tpu.dma_semaphore, #tpu.memory_space<semaphore_mem>>) src(%dma_wait3A_120 : memref<128xi32, #tpu.memory_space<hbm>>) dst(%dma_wait3A_117 : memref<128xi32, #tpu.memory_space<vmem>>)
      %dma_wait3A_121 = arith.constant 0 : i32
      %dma_wait3A_122 = arith.constant 0 : i32
      %dma_wait3A_123 = tpu.memref_slice %arg8[%and3A_106, %dma_wait3A_121, %dma_wait3A_122] : memref<2x128x128xf32, #tpu.memory_space<vmem>> -> memref<1x128x128xf32, #tpu.memory_space<vmem>>
      %dma_wait3A_124 = tpu.memref_squeeze %dma_wait3A_123 : memref<1x128x128xf32, #tpu.memory_space<vmem>> -> memref<128x128xf32, #tpu.memory_space<vmem>>
      %dma_wait3A_125 = arith.constant 0 : i32
      %dma_wait3A_126 = tpu.memref_slice %arg6[%scan3A_104, %dma_wait3A_125] : memref<79x128xi32, #tpu.memory_space<vmem>> -> memref<1x128xi32, #tpu.memory_space<vmem>>
      %dma_wait3A_127 = tpu.memref_squeeze %dma_wait3A_126 : memref<1x128xi32, #tpu.memory_space<vmem>> -> memref<128xi32, #tpu.memory_space<vmem>>
      %dma_wait3A_128 = arith.constant 0 : i32
      %dma_wait3A_129 = arith.constant 0 : i32
      %dma_wait3A_130 = tpu.memref_slice %arg2[%dma_wait3A_128, %dma_wait3A_129] : memref<10000x128xf32, #tpu.memory_space<hbm>> -> memref<10000x128xf32, #tpu.memory_space<hbm>>
      %dma_wait3A_131 = tpu.memref_slice %arg10[%and3A_106] : memref<2x!tpu.dma_semaphore, #tpu.memory_space<semaphore_mem>> -> memref<1x!tpu.dma_semaphore, #tpu.memory_space<semaphore_mem>>
      %dma_wait3A_132 = tpu.memref_squeeze %dma_wait3A_131 : memref<1x!tpu.dma_semaphore, #tpu.memory_space<semaphore_mem>> -> memref<!tpu.dma_semaphore, #tpu.memory_space<semaphore_mem>>
      tpu.wait_indirect_dma semaphore(%dma_wait3A_132 : memref<!tpu.dma_semaphore, #tpu.memory_space<semaphore_mem>>) src(%dma_wait3A_130 : memref<10000x128xf32, #tpu.memory_space<hbm>>) dst(%dma_wait3A_124 : memref<128x128xf32, #tpu.memory_space<vmem>>)
      %dma_start3A_133 = arith.constant 0 : i32
      %dma_start3A_134 = arith.constant 0 : i32
      %dma_start3A_135 = tpu.memref_slice %arg8[%and3A_106, %dma_start3A_133, %dma_start3A_134] : memref<2x128x128xf32, #tpu.memory_space<vmem>> -> memref<1x128x128xf32, #tpu.memory_space<vmem>>
      %dma_start3A_136 = tpu.memref_squeeze %dma_start3A_135 : memref<1x128x128xf32, #tpu.memory_space<vmem>> -> memref<128x128xf32, #tpu.memory_space<vmem>>
      %dma_start3A_137 = arith.constant 0 : i32
      %dma_start3A_138 = tpu.memref_slice %arg7[%and3A_106, %dma_start3A_137] : memref<2x128xi32, #tpu.memory_space<vmem>> -> memref<1x128xi32, #tpu.memory_space<vmem>>
      %dma_start3A_139 = tpu.memref_squeeze %dma_start3A_138 : memref<1x128xi32, #tpu.memory_space<vmem>> -> memref<128xi32, #tpu.memory_space<vmem>>
      %dma_start3A_140 = arith.constant 0 : i32
      %dma_start3A_141 = arith.constant 0 : i32
      %dma_start3A_142 = tpu.memref_slice %arg9[%dma_start3A_140, %dma_start3A_141] : memref<10368x128xf32, #tpu.memory_space<vmem_shared>> -> memref<10368x128xf32, #tpu.memory_space<vmem_shared>>
      %dma_start3A_143 = tpu.memref_slice %arg11[%and3A_106] : memref<2x!tpu.dma_semaphore, #tpu.memory_space<semaphore_mem>> -> memref<1x!tpu.dma_semaphore, #tpu.memory_space<semaphore_mem>>
      %dma_start3A_144 = tpu.memref_squeeze %dma_start3A_143 : memref<1x!tpu.dma_semaphore, #tpu.memory_space<semaphore_mem>> -> memref<!tpu.dma_semaphore, #tpu.memory_space<semaphore_mem>>
      tpu.enqueue_indirect_dma source(%dma_start3A_136 : memref<128x128xf32, #tpu.memory_space<vmem>>) target(%dma_start3A_142 : memref<10368x128xf32, #tpu.memory_space<vmem_shared>>) offsets(%dma_start3A_139 : memref<128xi32, #tpu.memory_space<vmem>>) semaphore(%dma_start3A_144 : memref<!tpu.dma_semaphore, #tpu.memory_space<semaphore_mem>>) {add = true}
      %ge3A = arith.constant 1 : i32
      %ge3A_145 = arith.cmpi sge, %scan3A_104, %ge3A : i32
      %convert_element_type3A = arith.extui %ge3A_145 : i1 to i32
      %cond3A = arith.constant 0 : i32
      %cond3A_146 = arith.cmpi ne, %convert_element_type3A, %cond3A : i32
      scf.if %cond3A_146 {
        %sub3A = arith.constant 1 : i32
        %sub3A_154 = arith.subi %sub3A, %and3A_106 : i32
        %sub3A_155 = arith.constant 1 : i32
        %sub3A_156 = arith.subi %sub3A_155, %and3A_106 : i32
        %sub3A_157 = arith.constant 1 : i32
        %sub3A_158 = arith.subi %sub3A_157, %and3A_106 : i32
        %dma_wait3A_159 = arith.constant 0 : i32
        %dma_wait3A_160 = arith.constant 0 : i32
        %dma_wait3A_161 = tpu.memref_slice %arg8[%sub3A_154, %dma_wait3A_159, %dma_wait3A_160] : memref<2x128x128xf32, #tpu.memory_space<vmem>> -> memref<1x128x128xf32, #tpu.memory_space<vmem>>
        %dma_wait3A_162 = tpu.memref_squeeze %dma_wait3A_161 : memref<1x128x128xf32, #tpu.memory_space<vmem>> -> memref<128x128xf32, #tpu.memory_space<vmem>>
        %dma_wait3A_163 = arith.constant 0 : i32
        %dma_wait3A_164 = tpu.memref_slice %arg7[%sub3A_156, %dma_wait3A_163] : memref<2x128xi32, #tpu.memory_space<vmem>> -> memref<1x128xi32, #tpu.memory_space<vmem>>
        %dma_wait3A_165 = tpu.memref_squeeze %dma_wait3A_164 : memref<1x128xi32, #tpu.memory_space<vmem>> -> memref<128xi32, #tpu.memory_space<vmem>>
        %dma_wait3A_166 = arith.constant 0 : i32
        %dma_wait3A_167 = arith.constant 0 : i32
        %dma_wait3A_168 = tpu.memref_slice %arg9[%dma_wait3A_166, %dma_wait3A_167] : memref<10368x128xf32, #tpu.memory_space<vmem_shared>> -> memref<10368x128xf32, #tpu.memory_space<vmem_shared>>
        %dma_wait3A_169 = tpu.memref_slice %arg11[%sub3A_158] : memref<2x!tpu.dma_semaphore, #tpu.memory_space<semaphore_mem>> -> memref<1x!tpu.dma_semaphore, #tpu.memory_space<semaphore_mem>>
        %dma_wait3A_170 = tpu.memref_squeeze %dma_wait3A_169 : memref<1x!tpu.dma_semaphore, #tpu.memory_space<semaphore_mem>> -> memref<!tpu.dma_semaphore, #tpu.memory_space<semaphore_mem>>
        tpu.wait_indirect_dma semaphore(%dma_wait3A_170 : memref<!tpu.dma_semaphore, #tpu.memory_space<semaphore_mem>>) src(%dma_wait3A_162 : memref<128x128xf32, #tpu.memory_space<vmem>>) dst(%dma_wait3A_168 : memref<10368x128xf32, #tpu.memory_space<vmem_shared>>)
      } else {
      }
      %add3A_147 = arith.constant 1 : i32
      %add3A_148 = arith.addi %scan3A_104, %add3A_147 : i32
      %lt3A = arith.constant 79 : i32
      %lt3A_149 = arith.cmpi slt, %add3A_148, %lt3A : i32
      %convert_element_type3A_150 = arith.extui %lt3A_149 : i1 to i32
      %cond3A_151 = arith.constant 0 : i32
      %cond3A_152 = arith.cmpi ne, %convert_element_type3A_150, %cond3A_151 : i32
      scf.if %cond3A_152 {
        %add3A_154 = arith.constant 1 : i32
        %add3A_155 = arith.addi %scan3A_104, %add3A_154 : i32
        %sub3A = arith.constant 1 : i32
        %sub3A_156 = arith.subi %sub3A, %and3A_106 : i32
        %dma_start3A_157 = arith.constant 0 : i32
        %dma_start3A_158 = arith.constant 0 : i32
        %dma_start3A_159 = tpu.memref_slice %arg8[%sub3A_156, %dma_start3A_157, %dma_start3A_158] : memref<2x128x128xf32, #tpu.memory_space<vmem>> -> memref<1x128x128xf32, #tpu.memory_space<vmem>>
        %dma_start3A_160 = tpu.memref_squeeze %dma_start3A_159 : memref<1x128x128xf32, #tpu.memory_space<vmem>> -> memref<128x128xf32, #tpu.memory_space<vmem>>
        %dma_start3A_161 = arith.constant 0 : i32
        %dma_start3A_162 = tpu.memref_slice %arg6[%add3A_155, %dma_start3A_161] : memref<79x128xi32, #tpu.memory_space<vmem>> -> memref<1x128xi32, #tpu.memory_space<vmem>>
        %dma_start3A_163 = tpu.memref_squeeze %dma_start3A_162 : memref<1x128xi32, #tpu.memory_space<vmem>> -> memref<128xi32, #tpu.memory_space<vmem>>
        %dma_start3A_164 = arith.constant 0 : i32
        %dma_start3A_165 = arith.constant 0 : i32
        %dma_start3A_166 = tpu.memref_slice %arg2[%dma_start3A_164, %dma_start3A_165] : memref<10000x128xf32, #tpu.memory_space<hbm>> -> memref<10000x128xf32, #tpu.memory_space<hbm>>
        %dma_start3A_167 = tpu.memref_slice %arg10[%sub3A_156] : memref<2x!tpu.dma_semaphore, #tpu.memory_space<semaphore_mem>> -> memref<1x!tpu.dma_semaphore, #tpu.memory_space<semaphore_mem>>
        %dma_start3A_168 = tpu.memref_squeeze %dma_start3A_167 : memref<1x!tpu.dma_semaphore, #tpu.memory_space<semaphore_mem>> -> memref<!tpu.dma_semaphore, #tpu.memory_space<semaphore_mem>>
        tpu.enqueue_indirect_dma source(%dma_start3A_166 : memref<10000x128xf32, #tpu.memory_space<hbm>>) target(%dma_start3A_160 : memref<128x128xf32, #tpu.memory_space<vmem>>) offsets(%dma_start3A_163 : memref<128xi32, #tpu.memory_space<vmem>>) semaphore(%dma_start3A_168 : memref<!tpu.dma_semaphore, #tpu.memory_space<semaphore_mem>>)
        %add3A_169 = arith.constant 1 : i32
        %add3A_170 = arith.addi %scan3A_104, %add3A_169 : i32
        %sub3A_171 = arith.constant 1 : i32
        %sub3A_172 = arith.subi %sub3A_171, %and3A_106 : i32
        %dma_start3A_173 = arith.constant 0 : i32
        %dma_start3A_174 = tpu.memref_slice %arg7[%sub3A_172, %dma_start3A_173] : memref<2x128xi32, #tpu.memory_space<vmem>> -> memref<1x128xi32, #tpu.memory_space<vmem>>
        %dma_start3A_175 = tpu.memref_squeeze %dma_start3A_174 : memref<1x128xi32, #tpu.memory_space<vmem>> -> memref<128xi32, #tpu.memory_space<vmem>>
        %dma_start3A_176 = arith.constant 0 : i32
        %dma_start3A_177 = tpu.memref_slice %arg4[%add3A, %add3A_170, %dma_start3A_176] : memref<32x79x128xi32, #tpu.memory_space<hbm>> -> memref<1x1x128xi32, #tpu.memory_space<hbm>>
        %dma_start3A_178 = tpu.memref_squeeze %dma_start3A_177 : memref<1x1x128xi32, #tpu.memory_space<hbm>> -> memref<128xi32, #tpu.memory_space<hbm>>
        %dma_start3A_179 = tpu.memref_slice %arg12[%sub3A_172] : memref<2x!tpu.dma_semaphore, #tpu.memory_space<semaphore_mem>> -> memref<1x!tpu.dma_semaphore, #tpu.memory_space<semaphore_mem>>
        %dma_start3A_180 = tpu.memref_squeeze %dma_start3A_179 : memref<1x!tpu.dma_semaphore, #tpu.memory_space<semaphore_mem>> -> memref<!tpu.dma_semaphore, #tpu.memory_space<semaphore_mem>>
        %dma_start3A_181 = arith.constant 0 : i32
        %dma_start3A_182 = tpu.memref_slice %arg7[%sub3A_172, %dma_start3A_181] : memref<2x128xi32, #tpu.memory_space<vmem>> -> memref<1x128xi32, #tpu.memory_space<vmem>>
        %dma_start3A_183 = tpu.memref_squeeze %dma_start3A_182 : memref<1x128xi32, #tpu.memory_space<vmem>> -> memref<128xi32, #tpu.memory_space<vmem>>
        %dma_start3A_184 = arith.constant 0 : i32
        %dma_start3A_185 = tpu.memref_slice %arg4[%add3A, %add3A_170, %dma_start3A_184] : memref<32x79x128xi32, #tpu.memory_space<hbm>> -> memref<1x1x128xi32, #tpu.memory_space<hbm>>
        %dma_start3A_186 = tpu.memref_squeeze %dma_start3A_185 : memref<1x1x128xi32, #tpu.memory_space<hbm>> -> memref<128xi32, #tpu.memory_space<hbm>>
        tpu.enqueue_dma source(%dma_start3A_186 : memref<128xi32, #tpu.memory_space<hbm>>) target(%dma_start3A_183 : memref<128xi32, #tpu.memory_space<vmem>>) target_semaphore(%dma_start3A_180 : memref<!tpu.dma_semaphore, #tpu.memory_space<semaphore_mem>>)
      } else {
      }
      %scan3A_153 = arith.constant 0 : i32
      scf.yield %scan3A_153 : i32
    }
    %scan3A_64 = arith.constant 79 : i32
    %dma_wait3A = arith.constant 0 : i32
    %dma_wait3A_65 = arith.constant 0 : i32
    %dma_wait3A_66 = arith.constant 0 : i32
    %dma_wait3A_67 = arith.constant 0 : i32
    %dma_wait3A_68 = arith.constant 0 : i32
    %dma_wait3A_69 = tpu.memref_slice %arg8[%dma_wait3A, %dma_wait3A_67, %dma_wait3A_68] : memref<2x128x128xf32, #tpu.memory_space<vmem>> -> memref<1x128x128xf32, #tpu.memory_space<vmem>>
    %dma_wait3A_70 = tpu.memref_squeeze %dma_wait3A_69 : memref<1x128x128xf32, #tpu.memory_space<vmem>> -> memref<128x128xf32, #tpu.memory_space<vmem>>
    %dma_wait3A_71 = arith.constant 0 : i32
    %dma_wait3A_72 = tpu.memref_slice %arg7[%dma_wait3A_65, %dma_wait3A_71] : memref<2x128xi32, #tpu.memory_space<vmem>> -> memref<1x128xi32, #tpu.memory_space<vmem>>
    %dma_wait3A_73 = tpu.memref_squeeze %dma_wait3A_72 : memref<1x128xi32, #tpu.memory_space<vmem>> -> memref<128xi32, #tpu.memory_space<vmem>>
    %dma_wait3A_74 = arith.constant 0 : i32
    %dma_wait3A_75 = arith.constant 0 : i32
    %dma_wait3A_76 = tpu.memref_slice %arg9[%dma_wait3A_74, %dma_wait3A_75] : memref<10368x128xf32, #tpu.memory_space<vmem_shared>> -> memref<10368x128xf32, #tpu.memory_space<vmem_shared>>
    %dma_wait3A_77 = tpu.memref_slice %arg11[%dma_wait3A_66] : memref<2x!tpu.dma_semaphore, #tpu.memory_space<semaphore_mem>> -> memref<1x!tpu.dma_semaphore, #tpu.memory_space<semaphore_mem>>
    %dma_wait3A_78 = tpu.memref_squeeze %dma_wait3A_77 : memref<1x!tpu.dma_semaphore, #tpu.memory_space<semaphore_mem>> -> memref<!tpu.dma_semaphore, #tpu.memory_space<semaphore_mem>>
    tpu.wait_indirect_dma semaphore(%dma_wait3A_78 : memref<!tpu.dma_semaphore, #tpu.memory_space<semaphore_mem>>) src(%dma_wait3A_70 : memref<128x128xf32, #tpu.memory_space<vmem>>) dst(%dma_wait3A_76 : memref<10368x128xf32, #tpu.memory_space<vmem_shared>>)
    %barrier3A_79 = arith.constant 0 : index
    tpu.barrier barrier_id(%barrier3A_79)
    %add3A_80 = arith.constant 0 : i32
    %add3A_81 = arith.addi %mul3A_9, %add3A_80 : i32
    %run_scoped3A_82 = arith.constant 0 : i32
    "tpu.region"() ({
      %run_scoped3A_104 = tpu.sem_alloc : memref<!tpu.dma_semaphore, #tpu.memory_space<semaphore_mem>>
      %dma_start3A_105 = arith.constant 0 : i32
      %dma_start3A_106 = arith.constant 0 : i32
      %dma_start3A_107 = tpu.memref_slice %arg8[%run_scoped3A_82, %dma_start3A_105, %dma_start3A_106] : memref<2x128x128xf32, #tpu.memory_space<vmem>> -> memref<1x128x128xf32, #tpu.memory_space<vmem>>
      %dma_start3A_108 = tpu.memref_squeeze %dma_start3A_107 : memref<1x128x128xf32, #tpu.memory_space<vmem>> -> memref<128x128xf32, #tpu.memory_space<vmem>>
      %dma_start3A_109 = arith.constant 0 : i32
      %dma_start3A_110 = tpu.memref_slice %arg9[%add3A_81, %dma_start3A_109] : memref<10368x128xf32, #tpu.memory_space<vmem_shared>> -> memref<128x128xf32, #tpu.memory_space<vmem_shared>>
      %dma_start3A_111 = arith.constant 0 : i32
      %dma_start3A_112 = arith.constant 0 : i32
      %dma_start3A_113 = tpu.memref_slice %arg8[%run_scoped3A_82, %dma_start3A_111, %dma_start3A_112] : memref<2x128x128xf32, #tpu.memory_space<vmem>> -> memref<1x128x128xf32, #tpu.memory_space<vmem>>
      %dma_start3A_114 = tpu.memref_squeeze %dma_start3A_113 : memref<1x128x128xf32, #tpu.memory_space<vmem>> -> memref<128x128xf32, #tpu.memory_space<vmem>>
      %dma_start3A_115 = arith.constant 0 : i32
      %dma_start3A_116 = tpu.memref_slice %arg9[%add3A_81, %dma_start3A_115] : memref<10368x128xf32, #tpu.memory_space<vmem_shared>> -> memref<128x128xf32, #tpu.memory_space<vmem_shared>>
      tpu.enqueue_dma source(%dma_start3A_116 : memref<128x128xf32, #tpu.memory_space<vmem_shared>>) target(%dma_start3A_114 : memref<128x128xf32, #tpu.memory_space<vmem>>) target_semaphore(%run_scoped3A_104 : memref<!tpu.dma_semaphore, #tpu.memory_space<semaphore_mem>>)
      %dma_wait3A_117 = arith.constant 0 : i32
      %dma_wait3A_118 = arith.constant 0 : i32
      %dma_wait3A_119 = tpu.memref_slice %arg8[%run_scoped3A_82, %dma_wait3A_117, %dma_wait3A_118] : memref<2x128x128xf32, #tpu.memory_space<vmem>> -> memref<1x128x128xf32, #tpu.memory_space<vmem>>
      %dma_wait3A_120 = tpu.memref_squeeze %dma_wait3A_119 : memref<1x128x128xf32, #tpu.memory_space<vmem>> -> memref<128x128xf32, #tpu.memory_space<vmem>>
      %dma_wait3A_121 = arith.constant 0 : i32
      %dma_wait3A_122 = tpu.memref_slice %arg9[%add3A_81, %dma_wait3A_121] : memref<10368x128xf32, #tpu.memory_space<vmem_shared>> -> memref<128x128xf32, #tpu.memory_space<vmem_shared>>
      %dma_wait3A_123 = arith.constant 0 : i32
      %dma_wait3A_124 = arith.constant 0 : i32
      %dma_wait3A_125 = tpu.memref_slice %arg8[%run_scoped3A_82, %dma_wait3A_123, %dma_wait3A_124] : memref<2x128x128xf32, #tpu.memory_space<vmem>> -> memref<1x128x128xf32, #tpu.memory_space<vmem>>
      %dma_wait3A_126 = tpu.memref_squeeze %dma_wait3A_125 : memref<1x128x128xf32, #tpu.memory_space<vmem>> -> memref<128x128xf32, #tpu.memory_space<vmem>>
      %dma_wait3A_127 = arith.constant 0 : i32
      %dma_wait3A_128 = tpu.memref_slice %arg9[%add3A_81, %dma_wait3A_127] : memref<10368x128xf32, #tpu.memory_space<vmem_shared>> -> memref<128x128xf32, #tpu.memory_space<vmem_shared>>
      tpu.wait_dma2 semaphore(%run_scoped3A_104 : memref<!tpu.dma_semaphore, #tpu.memory_space<semaphore_mem>>) src(%dma_wait3A_128 : memref<128x128xf32, #tpu.memory_space<vmem_shared>>) dst(%dma_wait3A_126 : memref<128x128xf32, #tpu.memory_space<vmem>>)
      tpu.yield
    }) : () -> ()
    %run_scoped3A_83 = arith.constant 0 : i32
    "tpu.region"() ({
      %run_scoped3A_104 = tpu.sem_alloc : memref<!tpu.dma_semaphore, #tpu.memory_space<semaphore_mem>>
      %dma_start3A_105 = arith.constant 0 : i32
      %dma_start3A_106 = arith.constant 0 : i32
      %dma_start3A_107 = tpu.memref_slice %arg8[%run_scoped3A_83, %dma_start3A_105, %dma_start3A_106] : memref<2x128x128xf32, #tpu.memory_space<vmem>> -> memref<1x128x128xf32, #tpu.memory_space<vmem>>
      %dma_start3A_108 = tpu.memref_squeeze %dma_start3A_107 : memref<1x128x128xf32, #tpu.memory_space<vmem>> -> memref<128x128xf32, #tpu.memory_space<vmem>>
      %dma_start3A_109 = arith.constant 0 : i32
      %dma_start3A_110 = tpu.memref_slice %arg5[%arg0, %add3A_81, %dma_start3A_109] : memref<2x10368x128xf32, #tpu.memory_space<hbm>> -> memref<1x128x128xf32, #tpu.memory_space<hbm>>
      %dma_start3A_111 = tpu.memref_squeeze %dma_start3A_110 : memref<1x128x128xf32, #tpu.memory_space<hbm>> -> memref<128x128xf32, #tpu.memory_space<hbm>>
      %dma_start3A_112 = arith.constant 0 : i32
      %dma_start3A_113 = tpu.memref_slice %arg5[%arg0, %add3A_81, %dma_start3A_112] : memref<2x10368x128xf32, #tpu.memory_space<hbm>> -> memref<1x128x128xf32, #tpu.memory_space<hbm>>
      %dma_start3A_114 = tpu.memref_squeeze %dma_start3A_113 : memref<1x128x128xf32, #tpu.memory_space<hbm>> -> memref<128x128xf32, #tpu.memory_space<hbm>>
      %dma_start3A_115 = arith.constant 0 : i32
      %dma_start3A_116 = arith.constant 0 : i32
      %dma_start3A_117 = tpu.memref_slice %arg8[%run_scoped3A_83, %dma_start3A_115, %dma_start3A_116] : memref<2x128x128xf32, #tpu.memory_space<vmem>> -> memref<1x128x128xf32, #tpu.memory_space<vmem>>
      %dma_start3A_118 = tpu.memref_squeeze %dma_start3A_117 : memref<1x128x128xf32, #tpu.memory_space<vmem>> -> memref<128x128xf32, #tpu.memory_space<vmem>>
      tpu.enqueue_dma source(%dma_start3A_118 : memref<128x128xf32, #tpu.memory_space<vmem>>) target(%dma_start3A_114 : memref<128x128xf32, #tpu.memory_space<hbm>>) target_semaphore(%run_scoped3A_104 : memref<!tpu.dma_semaphore, #tpu.memory_space<semaphore_mem>>)
      %dma_wait3A_119 = arith.constant 0 : i32
      %dma_wait3A_120 = arith.constant 0 : i32
      %dma_wait3A_121 = tpu.memref_slice %arg8[%run_scoped3A_83, %dma_wait3A_119, %dma_wait3A_120] : memref<2x128x128xf32, #tpu.memory_space<vmem>> -> memref<1x128x128xf32, #tpu.memory_space<vmem>>
      %dma_wait3A_122 = tpu.memref_squeeze %dma_wait3A_121 : memref<1x128x128xf32, #tpu.memory_space<vmem>> -> memref<128x128xf32, #tpu.memory_space<vmem>>
      %dma_wait3A_123 = arith.constant 0 : i32
      %dma_wait3A_124 = tpu.memref_slice %arg5[%arg0, %add3A_81, %dma_wait3A_123] : memref<2x10368x128xf32, #tpu.memory_space<hbm>> -> memref<1x128x128xf32, #tpu.memory_space<hbm>>
      %dma_wait3A_125 = tpu.memref_squeeze %dma_wait3A_124 : memref<1x128x128xf32, #tpu.memory_space<hbm>> -> memref<128x128xf32, #tpu.memory_space<hbm>>
      %dma_wait3A_126 = arith.constant 0 : i32
      %dma_wait3A_127 = tpu.memref_slice %arg5[%arg0, %add3A_81, %dma_wait3A_126] : memref<2x10368x128xf32, #tpu.memory_space<hbm>> -> memref<1x128x128xf32, #tpu.memory_space<hbm>>
      %dma_wait3A_128 = tpu.memref_squeeze %dma_wait3A_127 : memref<1x128x128xf32, #tpu.memory_space<hbm>> -> memref<128x128xf32, #tpu.memory_space<hbm>>
      %dma_wait3A_129 = arith.constant 0 : i32
      %dma_wait3A_130 = arith.constant 0 : i32
      %dma_wait3A_131 = tpu.memref_slice %arg8[%run_scoped3A_83, %dma_wait3A_129, %dma_wait3A_130] : memref<2x128x128xf32, #tpu.memory_space<vmem>> -> memref<1x128x128xf32, #tpu.memory_space<vmem>>
      %dma_wait3A_132 = tpu.memref_squeeze %dma_wait3A_131 : memref<1x128x128xf32, #tpu.memory_space<vmem>> -> memref<128x128xf32, #tpu.memory_space<vmem>>
      tpu.wait_dma2 semaphore(%run_scoped3A_104 : memref<!tpu.dma_semaphore, #tpu.memory_space<semaphore_mem>>) src(%dma_wait3A_132 : memref<128x128xf32, #tpu.memory_space<vmem>>) dst(%dma_wait3A_128 : memref<128x128xf32, #tpu.memory_space<hbm>>)
      tpu.yield
    }) : () -> ()
    %add3A_84 = arith.constant 128 : i32
    %add3A_85 = arith.addi %mul3A_9, %add3A_84 : i32
    %run_scoped3A_86 = arith.constant 0 : i32
    "tpu.region"() ({
      %run_scoped3A_104 = tpu.sem_alloc : memref<!tpu.dma_semaphore, #tpu.memory_space<semaphore_mem>>
      %dma_start3A_105 = arith.constant 0 : i32
      %dma_start3A_106 = arith.constant 0 : i32
      %dma_start3A_107 = tpu.memref_slice %arg8[%run_scoped3A_86, %dma_start3A_105, %dma_start3A_106] : memref<2x128x128xf32, #tpu.memory_space<vmem>> -> memref<1x128x128xf32, #tpu.memory_space<vmem>>
      %dma_start3A_108 = tpu.memref_squeeze %dma_start3A_107 : memref<1x128x128xf32, #tpu.memory_space<vmem>> -> memref<128x128xf32, #tpu.memory_space<vmem>>
      %dma_start3A_109 = arith.constant 0 : i32
      %dma_start3A_110 = tpu.memref_slice %arg9[%add3A_85, %dma_start3A_109] : memref<10368x128xf32, #tpu.memory_space<vmem_shared>> -> memref<128x128xf32, #tpu.memory_space<vmem_shared>>
      %dma_start3A_111 = arith.constant 0 : i32
      %dma_start3A_112 = arith.constant 0 : i32
      %dma_start3A_113 = tpu.memref_slice %arg8[%run_scoped3A_86, %dma_start3A_111, %dma_start3A_112] : memref<2x128x128xf32, #tpu.memory_space<vmem>> -> memref<1x128x128xf32, #tpu.memory_space<vmem>>
      %dma_start3A_114 = tpu.memref_squeeze %dma_start3A_113 : memref<1x128x128xf32, #tpu.memory_space<vmem>> -> memref<128x128xf32, #tpu.memory_space<vmem>>
      %dma_start3A_115 = arith.constant 0 : i32
      %dma_start3A_116 = tpu.memref_slice %arg9[%add3A_85, %dma_start3A_115] : memref<10368x128xf32, #tpu.memory_space<vmem_shared>> -> memref<128x128xf32, #tpu.memory_space<vmem_shared>>
      tpu.enqueue_dma source(%dma_start3A_116 : memref<128x128xf32, #tpu.memory_space<vmem_shared>>) target(%dma_start3A_114 : memref<128x128xf32, #tpu.memory_space<vmem>>) target_semaphore(%run_scoped3A_104 : memref<!tpu.dma_semaphore, #tpu.memory_space<semaphore_mem>>)
      %dma_wait3A_117 = arith.constant 0 : i32
      %dma_wait3A_118 = arith.constant 0 : i32
      %dma_wait3A_119 = tpu.memref_slice %arg8[%run_scoped3A_86, %dma_wait3A_117, %dma_wait3A_118] : memref<2x128x128xf32, #tpu.memory_space<vmem>> -> memref<1x128x128xf32, #tpu.memory_space<vmem>>
      %dma_wait3A_120 = tpu.memref_squeeze %dma_wait3A_119 : memref<1x128x128xf32, #tpu.memory_space<vmem>> -> memref<128x128xf32, #tpu.memory_space<vmem>>
      %dma_wait3A_121 = arith.constant 0 : i32
      %dma_wait3A_122 = tpu.memref_slice %arg9[%add3A_85, %dma_wait3A_121] : memref<10368x128xf32, #tpu.memory_space<vmem_shared>> -> memref<128x128xf32, #tpu.memory_space<vmem_shared>>
      %dma_wait3A_123 = arith.constant 0 : i32
      %dma_wait3A_124 = arith.constant 0 : i32
      %dma_wait3A_125 = tpu.memref_slice %arg8[%run_scoped3A_86, %dma_wait3A_123, %dma_wait3A_124] : memref<2x128x128xf32, #tpu.memory_space<vmem>> -> memref<1x128x128xf32, #tpu.memory_space<vmem>>
      %dma_wait3A_126 = tpu.memref_squeeze %dma_wait3A_125 : memref<1x128x128xf32, #tpu.memory_space<vmem>> -> memref<128x128xf32, #tpu.memory_space<vmem>>
      %dma_wait3A_127 = arith.constant 0 : i32
      %dma_wait3A_128 = tpu.memref_slice %arg9[%add3A_85, %dma_wait3A_127] : memref<10368x128xf32, #tpu.memory_space<vmem_shared>> -> memref<128x128xf32, #tpu.memory_space<vmem_shared>>
      tpu.wait_dma2 semaphore(%run_scoped3A_104 : memref<!tpu.dma_semaphore, #tpu.memory_space<semaphore_mem>>) src(%dma_wait3A_128 : memref<128x128xf32, #tpu.memory_space<vmem_shared>>) dst(%dma_wait3A_126 : memref<128x128xf32, #tpu.memory_space<vmem>>)
      tpu.yield
    }) : () -> ()
    %run_scoped3A_87 = arith.constant 0 : i32
    "tpu.region"() ({
      %run_scoped3A_104 = tpu.sem_alloc : memref<!tpu.dma_semaphore, #tpu.memory_space<semaphore_mem>>
      %dma_start3A_105 = arith.constant 0 : i32
      %dma_start3A_106 = arith.constant 0 : i32
      %dma_start3A_107 = tpu.memref_slice %arg8[%run_scoped3A_87, %dma_start3A_105, %dma_start3A_106] : memref<2x128x128xf32, #tpu.memory_space<vmem>> -> memref<1x128x128xf32, #tpu.memory_space<vmem>>
      %dma_start3A_108 = tpu.memref_squeeze %dma_start3A_107 : memref<1x128x128xf32, #tpu.memory_space<vmem>> -> memref<128x128xf32, #tpu.memory_space<vmem>>
      %dma_start3A_109 = arith.constant 0 : i32
      %dma_start3A_110 = tpu.memref_slice %arg5[%arg0, %add3A_85, %dma_start3A_109] : memref<2x10368x128xf32, #tpu.memory_space<hbm>> -> memref<1x128x128xf32, #tpu.memory_space<hbm>>
      %dma_start3A_111 = tpu.memref_squeeze %dma_start3A_110 : memref<1x128x128xf32, #tpu.memory_space<hbm>> -> memref<128x128xf32, #tpu.memory_space<hbm>>
      %dma_start3A_112 = arith.constant 0 : i32
      %dma_start3A_113 = tpu.memref_slice %arg5[%arg0, %add3A_85, %dma_start3A_112] : memref<2x10368x128xf32, #tpu.memory_space<hbm>> -> memref<1x128x128xf32, #tpu.memory_space<hbm>>
      %dma_start3A_114 = tpu.memref_squeeze %dma_start3A_113 : memref<1x128x128xf32, #tpu.memory_space<hbm>> -> memref<128x128xf32, #tpu.memory_space<hbm>>
      %dma_start3A_115 = arith.constant 0 : i32
      %dma_start3A_116 = arith.constant 0 : i32
      %dma_start3A_117 = tpu.memref_slice %arg8[%run_scoped3A_87, %dma_start3A_115, %dma_start3A_116] : memref<2x128x128xf32, #tpu.memory_space<vmem>> -> memref<1x128x128xf32, #tpu.memory_space<vmem>>
      %dma_start3A_118 = tpu.memref_squeeze %dma_start3A_117 : memref<1x128x128xf32, #tpu.memory_space<vmem>> -> memref<128x128xf32, #tpu.memory_space<vmem>>
      tpu.enqueue_dma source(%dma_start3A_118 : memref<128x128xf32, #tpu.memory_space<vmem>>) target(%dma_start3A_114 : memref<128x128xf32, #tpu.memory_space<hbm>>) target_semaphore(%run_scoped3A_104 : memref<!tpu.dma_semaphore, #tpu.memory_space<semaphore_mem>>)
      %dma_wait3A_119 = arith.constant 0 : i32
      %dma_wait3A_120 = arith.constant 0 : i32
      %dma_wait3A_121 = tpu.memref_slice %arg8[%run_scoped3A_87, %dma_wait3A_119, %dma_wait3A_120] : memref<2x128x128xf32, #tpu.memory_space<vmem>> -> memref<1x128x128xf32, #tpu.memory_space<vmem>>
      %dma_wait3A_122 = tpu.memref_squeeze %dma_wait3A_121 : memref<1x128x128xf32, #tpu.memory_space<vmem>> -> memref<128x128xf32, #tpu.memory_space<vmem>>
      %dma_wait3A_123 = arith.constant 0 : i32
      %dma_wait3A_124 = tpu.memref_slice %arg5[%arg0, %add3A_85, %dma_wait3A_123] : memref<2x10368x128xf32, #tpu.memory_space<hbm>> -> memref<1x128x128xf32, #tpu.memory_space<hbm>>
      %dma_wait3A_125 = tpu.memref_squeeze %dma_wait3A_124 : memref<1x128x128xf32, #tpu.memory_space<hbm>> -> memref<128x128xf32, #tpu.memory_space<hbm>>
      %dma_wait3A_126 = arith.constant 0 : i32
      %dma_wait3A_127 = tpu.memref_slice %arg5[%arg0, %add3A_85, %dma_wait3A_126] : memref<2x10368x128xf32, #tpu.memory_space<hbm>> -> memref<1x128x128xf32, #tpu.memory_space<hbm>>
      %dma_wait3A_128 = tpu.memref_squeeze %dma_wait3A_127 : memref<1x128x128xf32, #tpu.memory_space<hbm>> -> memref<128x128xf32, #tpu.memory_space<hbm>>
      %dma_wait3A_129 = arith.constant 0 : i32
      %dma_wait3A_130 = arith.constant 0 : i32
      %dma_wait3A_131 = tpu.memref_slice %arg8[%run_scoped3A_87, %dma_wait3A_129, %dma_wait3A_130] : memref<2x128x128xf32, #tpu.memory_space<vmem>> -> memref<1x128x128xf32, #tpu.memory_space<vmem>>
      %dma_wait3A_132 = tpu.memref_squeeze %dma_wait3A_131 : memref<1x128x128xf32, #tpu.memory_space<vmem>> -> memref<128x128xf32, #tpu.memory_space<vmem>>
      tpu.wait_dma2 semaphore(%run_scoped3A_104 : memref<!tpu.dma_semaphore, #tpu.memory_space<semaphore_mem>>) src(%dma_wait3A_132 : memref<128x128xf32, #tpu.memory_space<vmem>>) dst(%dma_wait3A_128 : memref<128x128xf32, #tpu.memory_space<hbm>>)
      tpu.yield
    }) : () -> ()
    %add3A_88 = arith.constant 256 : i32
    %add3A_89 = arith.addi %mul3A_9, %add3A_88 : i32
    %run_scoped3A_90 = arith.constant 0 : i32
    "tpu.region"() ({
      %run_scoped3A_104 = tpu.sem_alloc : memref<!tpu.dma_semaphore, #tpu.memory_space<semaphore_mem>>
      %dma_start3A_105 = arith.constant 0 : i32
      %dma_start3A_106 = arith.constant 0 : i32
      %dma_start3A_107 = tpu.memref_slice %arg8[%run_scoped3A_90, %dma_start3A_105, %dma_start3A_106] : memref<2x128x128xf32, #tpu.memory_space<vmem>> -> memref<1x128x128xf32, #tpu.memory_space<vmem>>
      %dma_start3A_108 = tpu.memref_squeeze %dma_start3A_107 : memref<1x128x128xf32, #tpu.memory_space<vmem>> -> memref<128x128xf32, #tpu.memory_space<vmem>>
      %dma_start3A_109 = arith.constant 0 : i32
      %dma_start3A_110 = tpu.memref_slice %arg9[%add3A_89, %dma_start3A_109] : memref<10368x128xf32, #tpu.memory_space<vmem_shared>> -> memref<128x128xf32, #tpu.memory_space<vmem_shared>>
      %dma_start3A_111 = arith.constant 0 : i32
      %dma_start3A_112 = arith.constant 0 : i32
      %dma_start3A_113 = tpu.memref_slice %arg8[%run_scoped3A_90, %dma_start3A_111, %dma_start3A_112] : memref<2x128x128xf32, #tpu.memory_space<vmem>> -> memref<1x128x128xf32, #tpu.memory_space<vmem>>
      %dma_start3A_114 = tpu.memref_squeeze %dma_start3A_113 : memref<1x128x128xf32, #tpu.memory_space<vmem>> -> memref<128x128xf32, #tpu.memory_space<vmem>>
      %dma_start3A_115 = arith.constant 0 : i32
      %dma_start3A_116 = tpu.memref_slice %arg9[%add3A_89, %dma_start3A_115] : memref<10368x128xf32, #tpu.memory_space<vmem_shared>> -> memref<128x128xf32, #tpu.memory_space<vmem_shared>>
      tpu.enqueue_dma source(%dma_start3A_116 : memref<128x128xf32, #tpu.memory_space<vmem_shared>>) target(%dma_start3A_114 : memref<128x128xf32, #tpu.memory_space<vmem>>) target_semaphore(%run_scoped3A_104 : memref<!tpu.dma_semaphore, #tpu.memory_space<semaphore_mem>>)
      %dma_wait3A_117 = arith.constant 0 : i32
      %dma_wait3A_118 = arith.constant 0 : i32
      %dma_wait3A_119 = tpu.memref_slice %arg8[%run_scoped3A_90, %dma_wait3A_117, %dma_wait3A_118] : memref<2x128x128xf32, #tpu.memory_space<vmem>> -> memref<1x128x128xf32, #tpu.memory_space<vmem>>
      %dma_wait3A_120 = tpu.memref_squeeze %dma_wait3A_119 : memref<1x128x128xf32, #tpu.memory_space<vmem>> -> memref<128x128xf32, #tpu.memory_space<vmem>>
      %dma_wait3A_121 = arith.constant 0 : i32
      %dma_wait3A_122 = tpu.memref_slice %arg9[%add3A_89, %dma_wait3A_121] : memref<10368x128xf32, #tpu.memory_space<vmem_shared>> -> memref<128x128xf32, #tpu.memory_space<vmem_shared>>
      %dma_wait3A_123 = arith.constant 0 : i32
      %dma_wait3A_124 = arith.constant 0 : i32
      %dma_wait3A_125 = tpu.memref_slice %arg8[%run_scoped3A_90, %dma_wait3A_123, %dma_wait3A_124] : memref<2x128x128xf32, #tpu.memory_space<vmem>> -> memref<1x128x128xf32, #tpu.memory_space<vmem>>
      %dma_wait3A_126 = tpu.memref_squeeze %dma_wait3A_125 : memref<1x128x128xf32, #tpu.memory_space<vmem>> -> memref<128x128xf32, #tpu.memory_space<vmem>>
      %dma_wait3A_127 = arith.constant 0 : i32
      %dma_wait3A_128 = tpu.memref_slice %arg9[%add3A_89, %dma_wait3A_127] : memref<10368x128xf32, #tpu.memory_space<vmem_shared>> -> memref<128x128xf32, #tpu.memory_space<vmem_shared>>
      tpu.wait_dma2 semaphore(%run_scoped3A_104 : memref<!tpu.dma_semaphore, #tpu.memory_space<semaphore_mem>>) src(%dma_wait3A_128 : memref<128x128xf32, #tpu.memory_space<vmem_shared>>) dst(%dma_wait3A_126 : memref<128x128xf32, #tpu.memory_space<vmem>>)
      tpu.yield
    }) : () -> ()
    %run_scoped3A_91 = arith.constant 0 : i32
    "tpu.region"() ({
      %run_scoped3A_104 = tpu.sem_alloc : memref<!tpu.dma_semaphore, #tpu.memory_space<semaphore_mem>>
      %dma_start3A_105 = arith.constant 0 : i32
      %dma_start3A_106 = arith.constant 0 : i32
      %dma_start3A_107 = tpu.memref_slice %arg8[%run_scoped3A_91, %dma_start3A_105, %dma_start3A_106] : memref<2x128x128xf32, #tpu.memory_space<vmem>> -> memref<1x128x128xf32, #tpu.memory_space<vmem>>
      %dma_start3A_108 = tpu.memref_squeeze %dma_start3A_107 : memref<1x128x128xf32, #tpu.memory_space<vmem>> -> memref<128x128xf32, #tpu.memory_space<vmem>>
      %dma_start3A_109 = arith.constant 0 : i32
      %dma_start3A_110 = tpu.memref_slice %arg5[%arg0, %add3A_89, %dma_start3A_109] : memref<2x10368x128xf32, #tpu.memory_space<hbm>> -> memref<1x128x128xf32, #tpu.memory_space<hbm>>
      %dma_start3A_111 = tpu.memref_squeeze %dma_start3A_110 : memref<1x128x128xf32, #tpu.memory_space<hbm>> -> memref<128x128xf32, #tpu.memory_space<hbm>>
      %dma_start3A_112 = arith.constant 0 : i32
      %dma_start3A_113 = tpu.memref_slice %arg5[%arg0, %add3A_89, %dma_start3A_112] : memref<2x10368x128xf32, #tpu.memory_space<hbm>> -> memref<1x128x128xf32, #tpu.memory_space<hbm>>
      %dma_start3A_114 = tpu.memref_squeeze %dma_start3A_113 : memref<1x128x128xf32, #tpu.memory_space<hbm>> -> memref<128x128xf32, #tpu.memory_space<hbm>>
      %dma_start3A_115 = arith.constant 0 : i32
      %dma_start3A_116 = arith.constant 0 : i32
      %dma_start3A_117 = tpu.memref_slice %arg8[%run_scoped3A_91, %dma_start3A_115, %dma_start3A_116] : memref<2x128x128xf32, #tpu.memory_space<vmem>> -> memref<1x128x128xf32, #tpu.memory_space<vmem>>
      %dma_start3A_118 = tpu.memref_squeeze %dma_start3A_117 : memref<1x128x128xf32, #tpu.memory_space<vmem>> -> memref<128x128xf32, #tpu.memory_space<vmem>>
      tpu.enqueue_dma source(%dma_start3A_118 : memref<128x128xf32, #tpu.memory_space<vmem>>) target(%dma_start3A_114 : memref<128x128xf32, #tpu.memory_space<hbm>>) target_semaphore(%run_scoped3A_104 : memref<!tpu.dma_semaphore, #tpu.memory_space<semaphore_mem>>)
      %dma_wait3A_119 = arith.constant 0 : i32
      %dma_wait3A_120 = arith.constant 0 : i32
      %dma_wait3A_121 = tpu.memref_slice %arg8[%run_scoped3A_91, %dma_wait3A_119, %dma_wait3A_120] : memref<2x128x128xf32, #tpu.memory_space<vmem>> -> memref<1x128x128xf32, #tpu.memory_space<vmem>>
      %dma_wait3A_122 = tpu.memref_squeeze %dma_wait3A_121 : memref<1x128x128xf32, #tpu.memory_space<vmem>> -> memref<128x128xf32, #tpu.memory_space<vmem>>
      %dma_wait3A_123 = arith.constant 0 : i32
      %dma_wait3A_124 = tpu.memref_slice %arg5[%arg0, %add3A_89, %dma_wait3A_123] : memref<2x10368x128xf32, #tpu.memory_space<hbm>> -> memref<1x128x128xf32, #tpu.memory_space<hbm>>
      %dma_wait3A_125 = tpu.memref_squeeze %dma_wait3A_124 : memref<1x128x128xf32, #tpu.memory_space<hbm>> -> memref<128x128xf32, #tpu.memory_space<hbm>>
      %dma_wait3A_126 = arith.constant 0 : i32
      %dma_wait3A_127 = tpu.memref_slice %arg5[%arg0, %add3A_89, %dma_wait3A_126] : memref<2x10368x128xf32, #tpu.memory_space<hbm>> -> memref<1x128x128xf32, #tpu.memory_space<hbm>>
      %dma_wait3A_128 = tpu.memref_squeeze %dma_wait3A_127 : memref<1x128x128xf32, #tpu.memory_space<hbm>> -> memref<128x128xf32, #tpu.memory_space<hbm>>
      %dma_wait3A_129 = arith.constant 0 : i32
      %dma_wait3A_130 = arith.constant 0 : i32
      %dma_wait3A_131 = tpu.memref_slice %arg8[%run_scoped3A_91, %dma_wait3A_129, %dma_wait3A_130] : memref<2x128x128xf32, #tpu.memory_space<vmem>> -> memref<1x128x128xf32, #tpu.memory_space<vmem>>
      %dma_wait3A_132 = tpu.memref_squeeze %dma_wait3A_131 : memref<1x128x128xf32, #tpu.memory_space<vmem>> -> memref<128x128xf32, #tpu.memory_space<vmem>>
      tpu.wait_dma2 semaphore(%run_scoped3A_104 : memref<!tpu.dma_semaphore, #tpu.memory_space<semaphore_mem>>) src(%dma_wait3A_132 : memref<128x128xf32, #tpu.memory_space<vmem>>) dst(%dma_wait3A_128 : memref<128x128xf32, #tpu.memory_space<hbm>>)
      tpu.yield
    }) : () -> ()
    %add3A_92 = arith.constant 384 : i32
    %add3A_93 = arith.addi %mul3A_9, %add3A_92 : i32
    %run_scoped3A_94 = arith.constant 0 : i32
    "tpu.region"() ({
      %run_scoped3A_104 = tpu.sem_alloc : memref<!tpu.dma_semaphore, #tpu.memory_space<semaphore_mem>>
      %dma_start3A_105 = arith.constant 0 : i32
      %dma_start3A_106 = arith.constant 0 : i32
      %dma_start3A_107 = tpu.memref_slice %arg8[%run_scoped3A_94, %dma_start3A_105, %dma_start3A_106] : memref<2x128x128xf32, #tpu.memory_space<vmem>> -> memref<1x128x128xf32, #tpu.memory_space<vmem>>
      %dma_start3A_108 = tpu.memref_squeeze %dma_start3A_107 : memref<1x128x128xf32, #tpu.memory_space<vmem>> -> memref<128x128xf32, #tpu.memory_space<vmem>>
      %dma_start3A_109 = arith.constant 0 : i32
      %dma_start3A_110 = tpu.memref_slice %arg9[%add3A_93, %dma_start3A_109] : memref<10368x128xf32, #tpu.memory_space<vmem_shared>> -> memref<128x128xf32, #tpu.memory_space<vmem_shared>>
      %dma_start3A_111 = arith.constant 0 : i32
      %dma_start3A_112 = arith.constant 0 : i32
      %dma_start3A_113 = tpu.memref_slice %arg8[%run_scoped3A_94, %dma_start3A_111, %dma_start3A_112] : memref<2x128x128xf32, #tpu.memory_space<vmem>> -> memref<1x128x128xf32, #tpu.memory_space<vmem>>
      %dma_start3A_114 = tpu.memref_squeeze %dma_start3A_113 : memref<1x128x128xf32, #tpu.memory_space<vmem>> -> memref<128x128xf32, #tpu.memory_space<vmem>>
      %dma_start3A_115 = arith.constant 0 : i32
      %dma_start3A_116 = tpu.memref_slice %arg9[%add3A_93, %dma_start3A_115] : memref<10368x128xf32, #tpu.memory_space<vmem_shared>> -> memref<128x128xf32, #tpu.memory_space<vmem_shared>>
      tpu.enqueue_dma source(%dma_start3A_116 : memref<128x128xf32, #tpu.memory_space<vmem_shared>>) target(%dma_start3A_114 : memref<128x128xf32, #tpu.memory_space<vmem>>) target_semaphore(%run_scoped3A_104 : memref<!tpu.dma_semaphore, #tpu.memory_space<semaphore_mem>>)
      %dma_wait3A_117 = arith.constant 0 : i32
      %dma_wait3A_118 = arith.constant 0 : i32
      %dma_wait3A_119 = tpu.memref_slice %arg8[%run_scoped3A_94, %dma_wait3A_117, %dma_wait3A_118] : memref<2x128x128xf32, #tpu.memory_space<vmem>> -> memref<1x128x128xf32, #tpu.memory_space<vmem>>
      %dma_wait3A_120 = tpu.memref_squeeze %dma_wait3A_119 : memref<1x128x128xf32, #tpu.memory_space<vmem>> -> memref<128x128xf32, #tpu.memory_space<vmem>>
      %dma_wait3A_121 = arith.constant 0 : i32
      %dma_wait3A_122 = tpu.memref_slice %arg9[%add3A_93, %dma_wait3A_121] : memref<10368x128xf32, #tpu.memory_space<vmem_shared>> -> memref<128x128xf32, #tpu.memory_space<vmem_shared>>
      %dma_wait3A_123 = arith.constant 0 : i32
      %dma_wait3A_124 = arith.constant 0 : i32
      %dma_wait3A_125 = tpu.memref_slice %arg8[%run_scoped3A_94, %dma_wait3A_123, %dma_wait3A_124] : memref<2x128x128xf32, #tpu.memory_space<vmem>> -> memref<1x128x128xf32, #tpu.memory_space<vmem>>
      %dma_wait3A_126 = tpu.memref_squeeze %dma_wait3A_125 : memref<1x128x128xf32, #tpu.memory_space<vmem>> -> memref<128x128xf32, #tpu.memory_space<vmem>>
      %dma_wait3A_127 = arith.constant 0 : i32
      %dma_wait3A_128 = tpu.memref_slice %arg9[%add3A_93, %dma_wait3A_127] : memref<10368x128xf32, #tpu.memory_space<vmem_shared>> -> memref<128x128xf32, #tpu.memory_space<vmem_shared>>
      tpu.wait_dma2 semaphore(%run_scoped3A_104 : memref<!tpu.dma_semaphore, #tpu.memory_space<semaphore_mem>>) src(%dma_wait3A_128 : memref<128x128xf32, #tpu.memory_space<vmem_shared>>) dst(%dma_wait3A_126 : memref<128x128xf32, #tpu.memory_space<vmem>>)
      tpu.yield
    }) : () -> ()
    %run_scoped3A_95 = arith.constant 0 : i32
    "tpu.region"() ({
      %run_scoped3A_104 = tpu.sem_alloc : memref<!tpu.dma_semaphore, #tpu.memory_space<semaphore_mem>>
      %dma_start3A_105 = arith.constant 0 : i32
      %dma_start3A_106 = arith.constant 0 : i32
      %dma_start3A_107 = tpu.memref_slice %arg8[%run_scoped3A_95, %dma_start3A_105, %dma_start3A_106] : memref<2x128x128xf32, #tpu.memory_space<vmem>> -> memref<1x128x128xf32, #tpu.memory_space<vmem>>
      %dma_start3A_108 = tpu.memref_squeeze %dma_start3A_107 : memref<1x128x128xf32, #tpu.memory_space<vmem>> -> memref<128x128xf32, #tpu.memory_space<vmem>>
      %dma_start3A_109 = arith.constant 0 : i32
      %dma_start3A_110 = tpu.memref_slice %arg5[%arg0, %add3A_93, %dma_start3A_109] : memref<2x10368x128xf32, #tpu.memory_space<hbm>> -> memref<1x128x128xf32, #tpu.memory_space<hbm>>
      %dma_start3A_111 = tpu.memref_squeeze %dma_start3A_110 : memref<1x128x128xf32, #tpu.memory_space<hbm>> -> memref<128x128xf32, #tpu.memory_space<hbm>>
      %dma_start3A_112 = arith.constant 0 : i32
      %dma_start3A_113 = tpu.memref_slice %arg5[%arg0, %add3A_93, %dma_start3A_112] : memref<2x10368x128xf32, #tpu.memory_space<hbm>> -> memref<1x128x128xf32, #tpu.memory_space<hbm>>
      %dma_start3A_114 = tpu.memref_squeeze %dma_start3A_113 : memref<1x128x128xf32, #tpu.memory_space<hbm>> -> memref<128x128xf32, #tpu.memory_space<hbm>>
      %dma_start3A_115 = arith.constant 0 : i32
      %dma_start3A_116 = arith.constant 0 : i32
      %dma_start3A_117 = tpu.memref_slice %arg8[%run_scoped3A_95, %dma_start3A_115, %dma_start3A_116] : memref<2x128x128xf32, #tpu.memory_space<vmem>> -> memref<1x128x128xf32, #tpu.memory_space<vmem>>
      %dma_start3A_118 = tpu.memref_squeeze %dma_start3A_117 : memref<1x128x128xf32, #tpu.memory_space<vmem>> -> memref<128x128xf32, #tpu.memory_space<vmem>>
      tpu.enqueue_dma source(%dma_start3A_118 : memref<128x128xf32, #tpu.memory_space<vmem>>) target(%dma_start3A_114 : memref<128x128xf32, #tpu.memory_space<hbm>>) target_semaphore(%run_scoped3A_104 : memref<!tpu.dma_semaphore, #tpu.memory_space<semaphore_mem>>)
      %dma_wait3A_119 = arith.constant 0 : i32
      %dma_wait3A_120 = arith.constant 0 : i32
      %dma_wait3A_121 = tpu.memref_slice %arg8[%run_scoped3A_95, %dma_wait3A_119, %dma_wait3A_120] : memref<2x128x128xf32, #tpu.memory_space<vmem>> -> memref<1x128x128xf32, #tpu.memory_space<vmem>>
      %dma_wait3A_122 = tpu.memref_squeeze %dma_wait3A_121 : memref<1x128x128xf32, #tpu.memory_space<vmem>> -> memref<128x128xf32, #tpu.memory_space<vmem>>
      %dma_wait3A_123 = arith.constant 0 : i32
      %dma_wait3A_124 = tpu.memref_slice %arg5[%arg0, %add3A_93, %dma_wait3A_123] : memref<2x10368x128xf32, #tpu.memory_space<hbm>> -> memref<1x128x128xf32, #tpu.memory_space<hbm>>
      %dma_wait3A_125 = tpu.memref_squeeze %dma_wait3A_124 : memref<1x128x128xf32, #tpu.memory_space<hbm>> -> memref<128x128xf32, #tpu.memory_space<hbm>>
      %dma_wait3A_126 = arith.constant 0 : i32
      %dma_wait3A_127 = tpu.memref_slice %arg5[%arg0, %add3A_93, %dma_wait3A_126] : memref<2x10368x128xf32, #tpu.memory_space<hbm>> -> memref<1x128x128xf32, #tpu.memory_space<hbm>>
      %dma_wait3A_128 = tpu.memref_squeeze %dma_wait3A_127 : memref<1x128x128xf32, #tpu.memory_space<hbm>> -> memref<128x128xf32, #tpu.memory_space<hbm>>
      %dma_wait3A_129 = arith.constant 0 : i32
      %dma_wait3A_130 = arith.constant 0 : i32
      %dma_wait3A_131 = tpu.memref_slice %arg8[%run_scoped3A_95, %dma_wait3A_129, %dma_wait3A_130] : memref<2x128x128xf32, #tpu.memory_space<vmem>> -> memref<1x128x128xf32, #tpu.memory_space<vmem>>
      %dma_wait3A_132 = tpu.memref_squeeze %dma_wait3A_131 : memref<1x128x128xf32, #tpu.memory_space<vmem>> -> memref<128x128xf32, #tpu.memory_space<vmem>>
      tpu.wait_dma2 semaphore(%run_scoped3A_104 : memref<!tpu.dma_semaphore, #tpu.memory_space<semaphore_mem>>) src(%dma_wait3A_132 : memref<128x128xf32, #tpu.memory_space<vmem>>) dst(%dma_wait3A_128 : memref<128x128xf32, #tpu.memory_space<hbm>>)
      tpu.yield
    }) : () -> ()
    %add3A_96 = arith.constant 512 : i32
    %add3A_97 = arith.addi %mul3A_9, %add3A_96 : i32
    %run_scoped3A_98 = arith.constant 0 : i32
    "tpu.region"() ({
      %run_scoped3A_104 = tpu.sem_alloc : memref<!tpu.dma_semaphore, #tpu.memory_space<semaphore_mem>>
      %dma_start3A_105 = arith.constant 0 : i32
      %dma_start3A_106 = arith.constant 0 : i32
      %dma_start3A_107 = tpu.memref_slice %arg8[%run_scoped3A_98, %dma_start3A_105, %dma_start3A_106] : memref<2x128x128xf32, #tpu.memory_space<vmem>> -> memref<1x128x128xf32, #tpu.memory_space<vmem>>
      %dma_start3A_108 = tpu.memref_squeeze %dma_start3A_107 : memref<1x128x128xf32, #tpu.memory_space<vmem>> -> memref<128x128xf32, #tpu.memory_space<vmem>>
      %dma_start3A_109 = arith.constant 0 : i32
      %dma_start3A_110 = tpu.memref_slice %arg9[%add3A_97, %dma_start3A_109] : memref<10368x128xf32, #tpu.memory_space<vmem_shared>> -> memref<128x128xf32, #tpu.memory_space<vmem_shared>>
      %dma_start3A_111 = arith.constant 0 : i32
      %dma_start3A_112 = arith.constant 0 : i32
      %dma_start3A_113 = tpu.memref_slice %arg8[%run_scoped3A_98, %dma_start3A_111, %dma_start3A_112] : memref<2x128x128xf32, #tpu.memory_space<vmem>> -> memref<1x128x128xf32, #tpu.memory_space<vmem>>
      %dma_start3A_114 = tpu.memref_squeeze %dma_start3A_113 : memref<1x128x128xf32, #tpu.memory_space<vmem>> -> memref<128x128xf32, #tpu.memory_space<vmem>>
      %dma_start3A_115 = arith.constant 0 : i32
      %dma_start3A_116 = tpu.memref_slice %arg9[%add3A_97, %dma_start3A_115] : memref<10368x128xf32, #tpu.memory_space<vmem_shared>> -> memref<128x128xf32, #tpu.memory_space<vmem_shared>>
      tpu.enqueue_dma source(%dma_start3A_116 : memref<128x128xf32, #tpu.memory_space<vmem_shared>>) target(%dma_start3A_114 : memref<128x128xf32, #tpu.memory_space<vmem>>) target_semaphore(%run_scoped3A_104 : memref<!tpu.dma_semaphore, #tpu.memory_space<semaphore_mem>>)
      %dma_wait3A_117 = arith.constant 0 : i32
      %dma_wait3A_118 = arith.constant 0 : i32
      %dma_wait3A_119 = tpu.memref_slice %arg8[%run_scoped3A_98, %dma_wait3A_117, %dma_wait3A_118] : memref<2x128x128xf32, #tpu.memory_space<vmem>> -> memref<1x128x128xf32, #tpu.memory_space<vmem>>
      %dma_wait3A_120 = tpu.memref_squeeze %dma_wait3A_119 : memref<1x128x128xf32, #tpu.memory_space<vmem>> -> memref<128x128xf32, #tpu.memory_space<vmem>>
      %dma_wait3A_121 = arith.constant 0 : i32
      %dma_wait3A_122 = tpu.memref_slice %arg9[%add3A_97, %dma_wait3A_121] : memref<10368x128xf32, #tpu.memory_space<vmem_shared>> -> memref<128x128xf32, #tpu.memory_space<vmem_shared>>
      %dma_wait3A_123 = arith.constant 0 : i32
      %dma_wait3A_124 = arith.constant 0 : i32
      %dma_wait3A_125 = tpu.memref_slice %arg8[%run_scoped3A_98, %dma_wait3A_123, %dma_wait3A_124] : memref<2x128x128xf32, #tpu.memory_space<vmem>> -> memref<1x128x128xf32, #tpu.memory_space<vmem>>
      %dma_wait3A_126 = tpu.memref_squeeze %dma_wait3A_125 : memref<1x128x128xf32, #tpu.memory_space<vmem>> -> memref<128x128xf32, #tpu.memory_space<vmem>>
      %dma_wait3A_127 = arith.constant 0 : i32
      %dma_wait3A_128 = tpu.memref_slice %arg9[%add3A_97, %dma_wait3A_127] : memref<10368x128xf32, #tpu.memory_space<vmem_shared>> -> memref<128x128xf32, #tpu.memory_space<vmem_shared>>
      tpu.wait_dma2 semaphore(%run_scoped3A_104 : memref<!tpu.dma_semaphore, #tpu.memory_space<semaphore_mem>>) src(%dma_wait3A_128 : memref<128x128xf32, #tpu.memory_space<vmem_shared>>) dst(%dma_wait3A_126 : memref<128x128xf32, #tpu.memory_space<vmem>>)
      tpu.yield
    }) : () -> ()
    %run_scoped3A_99 = arith.constant 0 : i32
    "tpu.region"() ({
      %run_scoped3A_104 = tpu.sem_alloc : memref<!tpu.dma_semaphore, #tpu.memory_space<semaphore_mem>>
      %dma_start3A_105 = arith.constant 0 : i32
      %dma_start3A_106 = arith.constant 0 : i32
      %dma_start3A_107 = tpu.memref_slice %arg8[%run_scoped3A_99, %dma_start3A_105, %dma_start3A_106] : memref<2x128x128xf32, #tpu.memory_space<vmem>> -> memref<1x128x128xf32, #tpu.memory_space<vmem>>
      %dma_start3A_108 = tpu.memref_squeeze %dma_start3A_107 : memref<1x128x128xf32, #tpu.memory_space<vmem>> -> memref<128x128xf32, #tpu.memory_space<vmem>>
      %dma_start3A_109 = arith.constant 0 : i32
      %dma_start3A_110 = tpu.memref_slice %arg5[%arg0, %add3A_97, %dma_start3A_109] : memref<2x10368x128xf32, #tpu.memory_space<hbm>> -> memref<1x128x128xf32, #tpu.memory_space<hbm>>
      %dma_start3A_111 = tpu.memref_squeeze %dma_start3A_110 : memref<1x128x128xf32, #tpu.memory_space<hbm>> -> memref<128x128xf32, #tpu.memory_space<hbm>>
      %dma_start3A_112 = arith.constant 0 : i32
      %dma_start3A_113 = tpu.memref_slice %arg5[%arg0, %add3A_97, %dma_start3A_112] : memref<2x10368x128xf32, #tpu.memory_space<hbm>> -> memref<1x128x128xf32, #tpu.memory_space<hbm>>
      %dma_start3A_114 = tpu.memref_squeeze %dma_start3A_113 : memref<1x128x128xf32, #tpu.memory_space<hbm>> -> memref<128x128xf32, #tpu.memory_space<hbm>>
      %dma_start3A_115 = arith.constant 0 : i32
      %dma_start3A_116 = arith.constant 0 : i32
      %dma_start3A_117 = tpu.memref_slice %arg8[%run_scoped3A_99, %dma_start3A_115, %dma_start3A_116] : memref<2x128x128xf32, #tpu.memory_space<vmem>> -> memref<1x128x128xf32, #tpu.memory_space<vmem>>
      %dma_start3A_118 = tpu.memref_squeeze %dma_start3A_117 : memref<1x128x128xf32, #tpu.memory_space<vmem>> -> memref<128x128xf32, #tpu.memory_space<vmem>>
      tpu.enqueue_dma source(%dma_start3A_118 : memref<128x128xf32, #tpu.memory_space<vmem>>) target(%dma_start3A_114 : memref<128x128xf32, #tpu.memory_space<hbm>>) target_semaphore(%run_scoped3A_104 : memref<!tpu.dma_semaphore, #tpu.memory_space<semaphore_mem>>)
      %dma_wait3A_119 = arith.constant 0 : i32
      %dma_wait3A_120 = arith.constant 0 : i32
      %dma_wait3A_121 = tpu.memref_slice %arg8[%run_scoped3A_99, %dma_wait3A_119, %dma_wait3A_120] : memref<2x128x128xf32, #tpu.memory_space<vmem>> -> memref<1x128x128xf32, #tpu.memory_space<vmem>>
      %dma_wait3A_122 = tpu.memref_squeeze %dma_wait3A_121 : memref<1x128x128xf32, #tpu.memory_space<vmem>> -> memref<128x128xf32, #tpu.memory_space<vmem>>
      %dma_wait3A_123 = arith.constant 0 : i32
      %dma_wait3A_124 = tpu.memref_slice %arg5[%arg0, %add3A_97, %dma_wait3A_123] : memref<2x10368x128xf32, #tpu.memory_space<hbm>> -> memref<1x128x128xf32, #tpu.memory_space<hbm>>
      %dma_wait3A_125 = tpu.memref_squeeze %dma_wait3A_124 : memref<1x128x128xf32, #tpu.memory_space<hbm>> -> memref<128x128xf32, #tpu.memory_space<hbm>>
      %dma_wait3A_126 = arith.constant 0 : i32
      %dma_wait3A_127 = tpu.memref_slice %arg5[%arg0, %add3A_97, %dma_wait3A_126] : memref<2x10368x128xf32, #tpu.memory_space<hbm>> -> memref<1x128x128xf32, #tpu.memory_space<hbm>>
      %dma_wait3A_128 = tpu.memref_squeeze %dma_wait3A_127 : memref<1x128x128xf32, #tpu.memory_space<hbm>> -> memref<128x128xf32, #tpu.memory_space<hbm>>
      %dma_wait3A_129 = arith.constant 0 : i32
      %dma_wait3A_130 = arith.constant 0 : i32
      %dma_wait3A_131 = tpu.memref_slice %arg8[%run_scoped3A_99, %dma_wait3A_129, %dma_wait3A_130] : memref<2x128x128xf32, #tpu.memory_space<vmem>> -> memref<1x128x128xf32, #tpu.memory_space<vmem>>
      %dma_wait3A_132 = tpu.memref_squeeze %dma_wait3A_131 : memref<1x128x128xf32, #tpu.memory_space<vmem>> -> memref<128x128xf32, #tpu.memory_space<vmem>>
      tpu.wait_dma2 semaphore(%run_scoped3A_104 : memref<!tpu.dma_semaphore, #tpu.memory_space<semaphore_mem>>) src(%dma_wait3A_132 : memref<128x128xf32, #tpu.memory_space<vmem>>) dst(%dma_wait3A_128 : memref<128x128xf32, #tpu.memory_space<hbm>>)
      tpu.yield
    }) : () -> ()
    %add3A_100 = arith.constant 640 : i32
    %add3A_101 = arith.addi %mul3A_9, %add3A_100 : i32
    %run_scoped3A_102 = arith.constant 0 : i32
    "tpu.region"() ({
      %run_scoped3A_104 = tpu.sem_alloc : memref<!tpu.dma_semaphore, #tpu.memory_space<semaphore_mem>>
      %dma_start3A_105 = arith.constant 0 : i32
      %dma_start3A_106 = arith.constant 0 : i32
      %dma_start3A_107 = tpu.memref_slice %arg8[%run_scoped3A_102, %dma_start3A_105, %dma_start3A_106] : memref<2x128x128xf32, #tpu.memory_space<vmem>> -> memref<1x128x128xf32, #tpu.memory_space<vmem>>
      %dma_start3A_108 = tpu.memref_squeeze %dma_start3A_107 : memref<1x128x128xf32, #tpu.memory_space<vmem>> -> memref<128x128xf32, #tpu.memory_space<vmem>>
      %dma_start3A_109 = arith.constant 0 : i32
      %dma_start3A_110 = arith.constant 0 : i32
      %dma_start3A_111 = tpu.memref_slice %dma_start3A_108[%dma_start3A_109, %dma_start3A_110] : memref<128x128xf32, #tpu.memory_space<vmem>> -> memref<8x128xf32, #tpu.memory_space<vmem>>
      %dma_start3A_112 = arith.constant 0 : i32
      %dma_start3A_113 = tpu.memref_slice %arg9[%add3A_101, %dma_start3A_112] : memref<10368x128xf32, #tpu.memory_space<vmem_shared>> -> memref<8x128xf32, #tpu.memory_space<vmem_shared>>
      %dma_start3A_114 = arith.constant 0 : i32
      %dma_start3A_115 = arith.constant 0 : i32
      %dma_start3A_116 = tpu.memref_slice %arg8[%run_scoped3A_102, %dma_start3A_114, %dma_start3A_115] : memref<2x128x128xf32, #tpu.memory_space<vmem>> -> memref<1x128x128xf32, #tpu.memory_space<vmem>>
      %dma_start3A_117 = tpu.memref_squeeze %dma_start3A_116 : memref<1x128x128xf32, #tpu.memory_space<vmem>> -> memref<128x128xf32, #tpu.memory_space<vmem>>
      %dma_start3A_118 = arith.constant 0 : i32
      %dma_start3A_119 = arith.constant 0 : i32
      %dma_start3A_120 = tpu.memref_slice %dma_start3A_117[%dma_start3A_118, %dma_start3A_119] : memref<128x128xf32, #tpu.memory_space<vmem>> -> memref<8x128xf32, #tpu.memory_space<vmem>>
      %dma_start3A_121 = arith.constant 0 : i32
      %dma_start3A_122 = tpu.memref_slice %arg9[%add3A_101, %dma_start3A_121] : memref<10368x128xf32, #tpu.memory_space<vmem_shared>> -> memref<8x128xf32, #tpu.memory_space<vmem_shared>>
      tpu.enqueue_dma source(%dma_start3A_122 : memref<8x128xf32, #tpu.memory_space<vmem_shared>>) target(%dma_start3A_120 : memref<8x128xf32, #tpu.memory_space<vmem>>) target_semaphore(%run_scoped3A_104 : memref<!tpu.dma_semaphore, #tpu.memory_space<semaphore_mem>>)
      %dma_wait3A_123 = arith.constant 0 : i32
      %dma_wait3A_124 = arith.constant 0 : i32
      %dma_wait3A_125 = tpu.memref_slice %arg8[%run_scoped3A_102, %dma_wait3A_123, %dma_wait3A_124] : memref<2x128x128xf32, #tpu.memory_space<vmem>> -> memref<1x128x128xf32, #tpu.memory_space<vmem>>
      %dma_wait3A_126 = tpu.memref_squeeze %dma_wait3A_125 : memref<1x128x128xf32, #tpu.memory_space<vmem>> -> memref<128x128xf32, #tpu.memory_space<vmem>>
      %dma_wait3A_127 = arith.constant 0 : i32
      %dma_wait3A_128 = arith.constant 0 : i32
      %dma_wait3A_129 = tpu.memref_slice %dma_wait3A_126[%dma_wait3A_127, %dma_wait3A_128] : memref<128x128xf32, #tpu.memory_space<vmem>> -> memref<8x128xf32, #tpu.memory_space<vmem>>
      %dma_wait3A_130 = arith.constant 0 : i32
      %dma_wait3A_131 = tpu.memref_slice %arg9[%add3A_101, %dma_wait3A_130] : memref<10368x128xf32, #tpu.memory_space<vmem_shared>> -> memref<8x128xf32, #tpu.memory_space<vmem_shared>>
      %dma_wait3A_132 = arith.constant 0 : i32
      %dma_wait3A_133 = arith.constant 0 : i32
      %dma_wait3A_134 = tpu.memref_slice %arg8[%run_scoped3A_102, %dma_wait3A_132, %dma_wait3A_133] : memref<2x128x128xf32, #tpu.memory_space<vmem>> -> memref<1x128x128xf32, #tpu.memory_space<vmem>>
      %dma_wait3A_135 = tpu.memref_squeeze %dma_wait3A_134 : memref<1x128x128xf32, #tpu.memory_space<vmem>> -> memref<128x128xf32, #tpu.memory_space<vmem>>
      %dma_wait3A_136 = arith.constant 0 : i32
      %dma_wait3A_137 = arith.constant 0 : i32
      %dma_wait3A_138 = tpu.memref_slice %dma_wait3A_135[%dma_wait3A_136, %dma_wait3A_137] : memref<128x128xf32, #tpu.memory_space<vmem>> -> memref<8x128xf32, #tpu.memory_space<vmem>>
      %dma_wait3A_139 = arith.constant 0 : i32
      %dma_wait3A_140 = tpu.memref_slice %arg9[%add3A_101, %dma_wait3A_139] : memref<10368x128xf32, #tpu.memory_space<vmem_shared>> -> memref<8x128xf32, #tpu.memory_space<vmem_shared>>
      tpu.wait_dma2 semaphore(%run_scoped3A_104 : memref<!tpu.dma_semaphore, #tpu.memory_space<semaphore_mem>>) src(%dma_wait3A_140 : memref<8x128xf32, #tpu.memory_space<vmem_shared>>) dst(%dma_wait3A_138 : memref<8x128xf32, #tpu.memory_space<vmem>>)
      tpu.yield
    }) : () -> ()
    %run_scoped3A_103 = arith.constant 0 : i32
    "tpu.region"() ({
      %run_scoped3A_104 = tpu.sem_alloc : memref<!tpu.dma_semaphore, #tpu.memory_space<semaphore_mem>>
      %dma_start3A_105 = arith.constant 0 : i32
      %dma_start3A_106 = arith.constant 0 : i32
      %dma_start3A_107 = tpu.memref_slice %arg8[%run_scoped3A_103, %dma_start3A_105, %dma_start3A_106] : memref<2x128x128xf32, #tpu.memory_space<vmem>> -> memref<1x128x128xf32, #tpu.memory_space<vmem>>
      %dma_start3A_108 = tpu.memref_squeeze %dma_start3A_107 : memref<1x128x128xf32, #tpu.memory_space<vmem>> -> memref<128x128xf32, #tpu.memory_space<vmem>>
      %dma_start3A_109 = arith.constant 0 : i32
      %dma_start3A_110 = arith.constant 0 : i32
      %dma_start3A_111 = tpu.memref_slice %dma_start3A_108[%dma_start3A_109, %dma_start3A_110] : memref<128x128xf32, #tpu.memory_space<vmem>> -> memref<8x128xf32, #tpu.memory_space<vmem>>
      %dma_start3A_112 = arith.constant 0 : i32
      %dma_start3A_113 = tpu.memref_slice %arg5[%arg0, %add3A_101, %dma_start3A_112] : memref<2x10368x128xf32, #tpu.memory_space<hbm>> -> memref<1x8x128xf32, #tpu.memory_space<hbm>>
      %dma_start3A_114 = tpu.memref_squeeze %dma_start3A_113 : memref<1x8x128xf32, #tpu.memory_space<hbm>> -> memref<8x128xf32, #tpu.memory_space<hbm>>
      %dma_start3A_115 = arith.constant 0 : i32
      %dma_start3A_116 = tpu.memref_slice %arg5[%arg0, %add3A_101, %dma_start3A_115] : memref<2x10368x128xf32, #tpu.memory_space<hbm>> -> memref<1x8x128xf32, #tpu.memory_space<hbm>>
      %dma_start3A_117 = tpu.memref_squeeze %dma_start3A_116 : memref<1x8x128xf32, #tpu.memory_space<hbm>> -> memref<8x128xf32, #tpu.memory_space<hbm>>
      %dma_start3A_118 = arith.constant 0 : i32
      %dma_start3A_119 = arith.constant 0 : i32
      %dma_start3A_120 = tpu.memref_slice %arg8[%run_scoped3A_103, %dma_start3A_118, %dma_start3A_119] : memref<2x128x128xf32, #tpu.memory_space<vmem>> -> memref<1x128x128xf32, #tpu.memory_space<vmem>>
      %dma_start3A_121 = tpu.memref_squeeze %dma_start3A_120 : memref<1x128x128xf32, #tpu.memory_space<vmem>> -> memref<128x128xf32, #tpu.memory_space<vmem>>
      %dma_start3A_122 = arith.constant 0 : i32
      %dma_start3A_123 = arith.constant 0 : i32
      %dma_start3A_124 = tpu.memref_slice %dma_start3A_121[%dma_start3A_122, %dma_start3A_123] : memref<128x128xf32, #tpu.memory_space<vmem>> -> memref<8x128xf32, #tpu.memory_space<vmem>>
      tpu.enqueue_dma source(%dma_start3A_124 : memref<8x128xf32, #tpu.memory_space<vmem>>) target(%dma_start3A_117 : memref<8x128xf32, #tpu.memory_space<hbm>>) target_semaphore(%run_scoped3A_104 : memref<!tpu.dma_semaphore, #tpu.memory_space<semaphore_mem>>)
      %dma_wait3A_125 = arith.constant 0 : i32
      %dma_wait3A_126 = arith.constant 0 : i32
      %dma_wait3A_127 = tpu.memref_slice %arg8[%run_scoped3A_103, %dma_wait3A_125, %dma_wait3A_126] : memref<2x128x128xf32, #tpu.memory_space<vmem>> -> memref<1x128x128xf32, #tpu.memory_space<vmem>>
      %dma_wait3A_128 = tpu.memref_squeeze %dma_wait3A_127 : memref<1x128x128xf32, #tpu.memory_space<vmem>> -> memref<128x128xf32, #tpu.memory_space<vmem>>
      %dma_wait3A_129 = arith.constant 0 : i32
      %dma_wait3A_130 = arith.constant 0 : i32
      %dma_wait3A_131 = tpu.memref_slice %dma_wait3A_128[%dma_wait3A_129, %dma_wait3A_130] : memref<128x128xf32, #tpu.memory_space<vmem>> -> memref<8x128xf32, #tpu.memory_space<vmem>>
      %dma_wait3A_132 = arith.constant 0 : i32
      %dma_wait3A_133 = tpu.memref_slice %arg5[%arg0, %add3A_101, %dma_wait3A_132] : memref<2x10368x128xf32, #tpu.memory_space<hbm>> -> memref<1x8x128xf32, #tpu.memory_space<hbm>>
      %dma_wait3A_134 = tpu.memref_squeeze %dma_wait3A_133 : memref<1x8x128xf32, #tpu.memory_space<hbm>> -> memref<8x128xf32, #tpu.memory_space<hbm>>
      %dma_wait3A_135 = arith.constant 0 : i32
      %dma_wait3A_136 = tpu.memref_slice %arg5[%arg0, %add3A_101, %dma_wait3A_135] : memref<2x10368x128xf32, #tpu.memory_space<hbm>> -> memref<1x8x128xf32, #tpu.memory_space<hbm>>
      %dma_wait3A_137 = tpu.memref_squeeze %dma_wait3A_136 : memref<1x8x128xf32, #tpu.memory_space<hbm>> -> memref<8x128xf32, #tpu.memory_space<hbm>>
      %dma_wait3A_138 = arith.constant 0 : i32
      %dma_wait3A_139 = arith.constant 0 : i32
      %dma_wait3A_140 = tpu.memref_slice %arg8[%run_scoped3A_103, %dma_wait3A_138, %dma_wait3A_139] : memref<2x128x128xf32, #tpu.memory_space<vmem>> -> memref<1x128x128xf32, #tpu.memory_space<vmem>>
      %dma_wait3A_141 = tpu.memref_squeeze %dma_wait3A_140 : memref<1x128x128xf32, #tpu.memory_space<vmem>> -> memref<128x128xf32, #tpu.memory_space<vmem>>
      %dma_wait3A_142 = arith.constant 0 : i32
      %dma_wait3A_143 = arith.constant 0 : i32
      %dma_wait3A_144 = tpu.memref_slice %dma_wait3A_141[%dma_wait3A_142, %dma_wait3A_143] : memref<128x128xf32, #tpu.memory_space<vmem>> -> memref<8x128xf32, #tpu.memory_space<vmem>>
      tpu.wait_dma2 semaphore(%run_scoped3A_104 : memref<!tpu.dma_semaphore, #tpu.memory_space<semaphore_mem>>) src(%dma_wait3A_144 : memref<8x128xf32, #tpu.memory_space<vmem>>) dst(%dma_wait3A_137 : memref<8x128xf32, #tpu.memory_space<hbm>>)
      tpu.yield
    }) : () -> ()
    return
  }
}

#map = affine_map<(d0, d1) -> (0, 0)>
#map1 = affine_map<(d0, d1) -> (0, 0, 0)>
module attributes {stable_mosaic.version = 14 : i64} {
  func.func @_decode_gather(%arg0: i32, %arg1: i32, %arg2: memref<10000x128xf32, #tpu.memory_space<hbm>>, %arg3: memref<32x2x128xi32, #tpu.memory_space<hbm>>, %arg4: memref<32x2x128xi32, #tpu.memory_space<hbm>>, %arg5: memref<8192x128xf32, #tpu.memory_space<hbm>>, %arg6: memref<8192x128xf32, #tpu.memory_space<hbm>>, %arg7: memref<2x128xi32, #tpu.memory_space<vmem>>, %arg8: memref<2x128xi32, #tpu.memory_space<vmem>>, %arg9: memref<128x128xf32, #tpu.memory_space<vmem>>, %arg10: memref<!tpu.dma_semaphore, #tpu.memory_space<semaphore_mem>>) attributes {dimension_semantics = [#tpu.dimension_semantics<core_parallel>, #tpu.dimension_semantics<subcore_parallel>], iteration_bounds = array<i64: 2, 16>, scalar_prefetch = 0 : i64, scratch_operands = 4 : i64, tpu.core_type = #tpu.core_type<sc_vector_subcore>, window_params = [{transform_indices = #map}, {transform_indices = #map1}, {transform_indices = #map1}, {transform_indices = #map}, {transform_indices = #map}]} {
    %mul3A = arith.constant 2 : i32
    %mul3A_0 = arith.muli %arg1, %mul3A : i32
    %add3A = arith.addi %mul3A_0, %arg0 : i32
    "tpu.region"() ({
      %run_scoped3A = tpu.sem_alloc : memref<!tpu.dma_semaphore, #tpu.memory_space<semaphore_mem>>
      %dma_start3A_63 = arith.constant 0 : i32
      %dma_start3A_64 = arith.constant 0 : i32
      %dma_start3A_65 = tpu.memref_slice %arg3[%add3A, %dma_start3A_63, %dma_start3A_64] : memref<32x2x128xi32, #tpu.memory_space<hbm>> -> memref<1x2x128xi32, #tpu.memory_space<hbm>>
      %dma_start3A_66 = tpu.memref_squeeze %dma_start3A_65 : memref<1x2x128xi32, #tpu.memory_space<hbm>> -> memref<2x128xi32, #tpu.memory_space<hbm>>
      %dma_start3A_67 = arith.constant 0 : i32
      %dma_start3A_68 = arith.constant 0 : i32
      %dma_start3A_69 = tpu.memref_slice %arg3[%add3A, %dma_start3A_67, %dma_start3A_68] : memref<32x2x128xi32, #tpu.memory_space<hbm>> -> memref<1x2x128xi32, #tpu.memory_space<hbm>>
      %dma_start3A_70 = tpu.memref_squeeze %dma_start3A_69 : memref<1x2x128xi32, #tpu.memory_space<hbm>> -> memref<2x128xi32, #tpu.memory_space<hbm>>
      tpu.enqueue_dma source(%dma_start3A_70 : memref<2x128xi32, #tpu.memory_space<hbm>>) target(%arg7 : memref<2x128xi32, #tpu.memory_space<vmem>>) target_semaphore(%run_scoped3A : memref<!tpu.dma_semaphore, #tpu.memory_space<semaphore_mem>>)
      %dma_wait3A_71 = arith.constant 0 : i32
      %dma_wait3A_72 = arith.constant 0 : i32
      %dma_wait3A_73 = tpu.memref_slice %arg3[%add3A, %dma_wait3A_71, %dma_wait3A_72] : memref<32x2x128xi32, #tpu.memory_space<hbm>> -> memref<1x2x128xi32, #tpu.memory_space<hbm>>
      %dma_wait3A_74 = tpu.memref_squeeze %dma_wait3A_73 : memref<1x2x128xi32, #tpu.memory_space<hbm>> -> memref<2x128xi32, #tpu.memory_space<hbm>>
      %dma_wait3A_75 = arith.constant 0 : i32
      %dma_wait3A_76 = arith.constant 0 : i32
      %dma_wait3A_77 = tpu.memref_slice %arg3[%add3A, %dma_wait3A_75, %dma_wait3A_76] : memref<32x2x128xi32, #tpu.memory_space<hbm>> -> memref<1x2x128xi32, #tpu.memory_space<hbm>>
      %dma_wait3A_78 = tpu.memref_squeeze %dma_wait3A_77 : memref<1x2x128xi32, #tpu.memory_space<hbm>> -> memref<2x128xi32, #tpu.memory_space<hbm>>
      tpu.wait_dma2 semaphore(%run_scoped3A : memref<!tpu.dma_semaphore, #tpu.memory_space<semaphore_mem>>) src(%dma_wait3A_78 : memref<2x128xi32, #tpu.memory_space<hbm>>) dst(%arg7 : memref<2x128xi32, #tpu.memory_space<vmem>>)
      tpu.yield
    }) : () -> ()
    "tpu.region"() ({
      %run_scoped3A = tpu.sem_alloc : memref<!tpu.dma_semaphore, #tpu.memory_space<semaphore_mem>>
      %dma_start3A_63 = arith.constant 0 : i32
      %dma_start3A_64 = arith.constant 0 : i32
      %dma_start3A_65 = tpu.memref_slice %arg4[%add3A, %dma_start3A_63, %dma_start3A_64] : memref<32x2x128xi32, #tpu.memory_space<hbm>> -> memref<1x2x128xi32, #tpu.memory_space<hbm>>
      %dma_start3A_66 = tpu.memref_squeeze %dma_start3A_65 : memref<1x2x128xi32, #tpu.memory_space<hbm>> -> memref<2x128xi32, #tpu.memory_space<hbm>>
      %dma_start3A_67 = arith.constant 0 : i32
      %dma_start3A_68 = arith.constant 0 : i32
      %dma_start3A_69 = tpu.memref_slice %arg4[%add3A, %dma_start3A_67, %dma_start3A_68] : memref<32x2x128xi32, #tpu.memory_space<hbm>> -> memref<1x2x128xi32, #tpu.memory_space<hbm>>
      %dma_start3A_70 = tpu.memref_squeeze %dma_start3A_69 : memref<1x2x128xi32, #tpu.memory_space<hbm>> -> memref<2x128xi32, #tpu.memory_space<hbm>>
      tpu.enqueue_dma source(%dma_start3A_70 : memref<2x128xi32, #tpu.memory_space<hbm>>) target(%arg8 : memref<2x128xi32, #tpu.memory_space<vmem>>) target_semaphore(%run_scoped3A : memref<!tpu.dma_semaphore, #tpu.memory_space<semaphore_mem>>)
      %dma_wait3A_71 = arith.constant 0 : i32
      %dma_wait3A_72 = arith.constant 0 : i32
      %dma_wait3A_73 = tpu.memref_slice %arg4[%add3A, %dma_wait3A_71, %dma_wait3A_72] : memref<32x2x128xi32, #tpu.memory_space<hbm>> -> memref<1x2x128xi32, #tpu.memory_space<hbm>>
      %dma_wait3A_74 = tpu.memref_squeeze %dma_wait3A_73 : memref<1x2x128xi32, #tpu.memory_space<hbm>> -> memref<2x128xi32, #tpu.memory_space<hbm>>
      %dma_wait3A_75 = arith.constant 0 : i32
      %dma_wait3A_76 = arith.constant 0 : i32
      %dma_wait3A_77 = tpu.memref_slice %arg4[%add3A, %dma_wait3A_75, %dma_wait3A_76] : memref<32x2x128xi32, #tpu.memory_space<hbm>> -> memref<1x2x128xi32, #tpu.memory_space<hbm>>
      %dma_wait3A_78 = tpu.memref_squeeze %dma_wait3A_77 : memref<1x2x128xi32, #tpu.memory_space<hbm>> -> memref<2x128xi32, #tpu.memory_space<hbm>>
      tpu.wait_dma2 semaphore(%run_scoped3A : memref<!tpu.dma_semaphore, #tpu.memory_space<semaphore_mem>>) src(%dma_wait3A_78 : memref<2x128xi32, #tpu.memory_space<hbm>>) dst(%arg8 : memref<2x128xi32, #tpu.memory_space<vmem>>)
      tpu.yield
    }) : () -> ()
    %mul3A_1 = arith.constant 256 : i32
    %mul3A_2 = arith.muli %add3A, %mul3A_1 : i32
    %add3A_3 = arith.constant 0 : i32
    %add3A_4 = arith.addi %mul3A_2, %add3A_3 : i32
    %dma_start3A = arith.constant 0 : i32
    %dma_start3A_5 = arith.constant 0 : i32
    %dma_start3A_6 = tpu.memref_slice %arg7[%dma_start3A, %dma_start3A_5] : memref<2x128xi32, #tpu.memory_space<vmem>> -> memref<1x128xi32, #tpu.memory_space<vmem>>
    %dma_start3A_7 = tpu.memref_squeeze %dma_start3A_6 : memref<1x128xi32, #tpu.memory_space<vmem>> -> memref<128xi32, #tpu.memory_space<vmem>>
    %dma_start3A_8 = arith.constant 0 : i32
    %dma_start3A_9 = arith.constant 0 : i32
    %dma_start3A_10 = tpu.memref_slice %arg2[%dma_start3A_8, %dma_start3A_9] : memref<10000x128xf32, #tpu.memory_space<hbm>> -> memref<10000x128xf32, #tpu.memory_space<hbm>>
    tpu.enqueue_indirect_dma source(%dma_start3A_10 : memref<10000x128xf32, #tpu.memory_space<hbm>>) target(%arg9 : memref<128x128xf32, #tpu.memory_space<vmem>>) offsets(%dma_start3A_7 : memref<128xi32, #tpu.memory_space<vmem>>) semaphore(%arg10 : memref<!tpu.dma_semaphore, #tpu.memory_space<semaphore_mem>>)
    %dma_wait3A = arith.constant 0 : i32
    %dma_wait3A_11 = arith.constant 0 : i32
    %dma_wait3A_12 = tpu.memref_slice %arg7[%dma_wait3A, %dma_wait3A_11] : memref<2x128xi32, #tpu.memory_space<vmem>> -> memref<1x128xi32, #tpu.memory_space<vmem>>
    %dma_wait3A_13 = tpu.memref_squeeze %dma_wait3A_12 : memref<1x128xi32, #tpu.memory_space<vmem>> -> memref<128xi32, #tpu.memory_space<vmem>>
    %dma_wait3A_14 = arith.constant 0 : i32
    %dma_wait3A_15 = arith.constant 0 : i32
    %dma_wait3A_16 = tpu.memref_slice %arg2[%dma_wait3A_14, %dma_wait3A_15] : memref<10000x128xf32, #tpu.memory_space<hbm>> -> memref<10000x128xf32, #tpu.memory_space<hbm>>
    tpu.wait_indirect_dma semaphore(%arg10 : memref<!tpu.dma_semaphore, #tpu.memory_space<semaphore_mem>>) src(%dma_wait3A_16 : memref<10000x128xf32, #tpu.memory_space<hbm>>) dst(%arg9 : memref<128x128xf32, #tpu.memory_space<vmem>>)
    "tpu.region"() ({
      %run_scoped3A = tpu.sem_alloc : memref<!tpu.dma_semaphore, #tpu.memory_space<semaphore_mem>>
      %dma_start3A_63 = arith.constant 0 : i32
      %dma_start3A_64 = tpu.memref_slice %arg5[%add3A_4, %dma_start3A_63] : memref<8192x128xf32, #tpu.memory_space<hbm>> -> memref<128x128xf32, #tpu.memory_space<hbm>>
      %dma_start3A_65 = arith.constant 0 : i32
      %dma_start3A_66 = tpu.memref_slice %arg5[%add3A_4, %dma_start3A_65] : memref<8192x128xf32, #tpu.memory_space<hbm>> -> memref<128x128xf32, #tpu.memory_space<hbm>>
      tpu.enqueue_dma source(%arg9 : memref<128x128xf32, #tpu.memory_space<vmem>>) target(%dma_start3A_66 : memref<128x128xf32, #tpu.memory_space<hbm>>) target_semaphore(%run_scoped3A : memref<!tpu.dma_semaphore, #tpu.memory_space<semaphore_mem>>)
      %dma_wait3A_67 = arith.constant 0 : i32
      %dma_wait3A_68 = tpu.memref_slice %arg5[%add3A_4, %dma_wait3A_67] : memref<8192x128xf32, #tpu.memory_space<hbm>> -> memref<128x128xf32, #tpu.memory_space<hbm>>
      %dma_wait3A_69 = arith.constant 0 : i32
      %dma_wait3A_70 = tpu.memref_slice %arg5[%add3A_4, %dma_wait3A_69] : memref<8192x128xf32, #tpu.memory_space<hbm>> -> memref<128x128xf32, #tpu.memory_space<hbm>>
      tpu.wait_dma2 semaphore(%run_scoped3A : memref<!tpu.dma_semaphore, #tpu.memory_space<semaphore_mem>>) src(%arg9 : memref<128x128xf32, #tpu.memory_space<vmem>>) dst(%dma_wait3A_70 : memref<128x128xf32, #tpu.memory_space<hbm>>)
      tpu.yield
    }) : () -> ()
    %dma_start3A_17 = arith.constant 0 : i32
    %dma_start3A_18 = arith.constant 0 : i32
    %dma_start3A_19 = tpu.memref_slice %arg8[%dma_start3A_17, %dma_start3A_18] : memref<2x128xi32, #tpu.memory_space<vmem>> -> memref<1x128xi32, #tpu.memory_space<vmem>>
    %dma_start3A_20 = tpu.memref_squeeze %dma_start3A_19 : memref<1x128xi32, #tpu.memory_space<vmem>> -> memref<128xi32, #tpu.memory_space<vmem>>
    %dma_start3A_21 = arith.constant 0 : i32
    %dma_start3A_22 = arith.constant 0 : i32
    %dma_start3A_23 = tpu.memref_slice %arg2[%dma_start3A_21, %dma_start3A_22] : memref<10000x128xf32, #tpu.memory_space<hbm>> -> memref<10000x128xf32, #tpu.memory_space<hbm>>
    tpu.enqueue_indirect_dma source(%dma_start3A_23 : memref<10000x128xf32, #tpu.memory_space<hbm>>) target(%arg9 : memref<128x128xf32, #tpu.memory_space<vmem>>) offsets(%dma_start3A_20 : memref<128xi32, #tpu.memory_space<vmem>>) semaphore(%arg10 : memref<!tpu.dma_semaphore, #tpu.memory_space<semaphore_mem>>)
    %dma_wait3A_24 = arith.constant 0 : i32
    %dma_wait3A_25 = arith.constant 0 : i32
    %dma_wait3A_26 = tpu.memref_slice %arg8[%dma_wait3A_24, %dma_wait3A_25] : memref<2x128xi32, #tpu.memory_space<vmem>> -> memref<1x128xi32, #tpu.memory_space<vmem>>
    %dma_wait3A_27 = tpu.memref_squeeze %dma_wait3A_26 : memref<1x128xi32, #tpu.memory_space<vmem>> -> memref<128xi32, #tpu.memory_space<vmem>>
    %dma_wait3A_28 = arith.constant 0 : i32
    %dma_wait3A_29 = arith.constant 0 : i32
    %dma_wait3A_30 = tpu.memref_slice %arg2[%dma_wait3A_28, %dma_wait3A_29] : memref<10000x128xf32, #tpu.memory_space<hbm>> -> memref<10000x128xf32, #tpu.memory_space<hbm>>
    tpu.wait_indirect_dma semaphore(%arg10 : memref<!tpu.dma_semaphore, #tpu.memory_space<semaphore_mem>>) src(%dma_wait3A_30 : memref<10000x128xf32, #tpu.memory_space<hbm>>) dst(%arg9 : memref<128x128xf32, #tpu.memory_space<vmem>>)
    "tpu.region"() ({
      %run_scoped3A = tpu.sem_alloc : memref<!tpu.dma_semaphore, #tpu.memory_space<semaphore_mem>>
      %dma_start3A_63 = arith.constant 0 : i32
      %dma_start3A_64 = tpu.memref_slice %arg6[%add3A_4, %dma_start3A_63] : memref<8192x128xf32, #tpu.memory_space<hbm>> -> memref<128x128xf32, #tpu.memory_space<hbm>>
      %dma_start3A_65 = arith.constant 0 : i32
      %dma_start3A_66 = tpu.memref_slice %arg6[%add3A_4, %dma_start3A_65] : memref<8192x128xf32, #tpu.memory_space<hbm>> -> memref<128x128xf32, #tpu.memory_space<hbm>>
      tpu.enqueue_dma source(%arg9 : memref<128x128xf32, #tpu.memory_space<vmem>>) target(%dma_start3A_66 : memref<128x128xf32, #tpu.memory_space<hbm>>) target_semaphore(%run_scoped3A : memref<!tpu.dma_semaphore, #tpu.memory_space<semaphore_mem>>)
      %dma_wait3A_67 = arith.constant 0 : i32
      %dma_wait3A_68 = tpu.memref_slice %arg6[%add3A_4, %dma_wait3A_67] : memref<8192x128xf32, #tpu.memory_space<hbm>> -> memref<128x128xf32, #tpu.memory_space<hbm>>
      %dma_wait3A_69 = arith.constant 0 : i32
      %dma_wait3A_70 = tpu.memref_slice %arg6[%add3A_4, %dma_wait3A_69] : memref<8192x128xf32, #tpu.memory_space<hbm>> -> memref<128x128xf32, #tpu.memory_space<hbm>>
      tpu.wait_dma2 semaphore(%run_scoped3A : memref<!tpu.dma_semaphore, #tpu.memory_space<semaphore_mem>>) src(%arg9 : memref<128x128xf32, #tpu.memory_space<vmem>>) dst(%dma_wait3A_70 : memref<128x128xf32, #tpu.memory_space<hbm>>)
      tpu.yield
    }) : () -> ()
    %mul3A_31 = arith.constant 256 : i32
    %mul3A_32 = arith.muli %add3A, %mul3A_31 : i32
    %add3A_33 = arith.constant 128 : i32
    %add3A_34 = arith.addi %mul3A_32, %add3A_33 : i32
    %dma_start3A_35 = arith.constant 1 : i32
    %dma_start3A_36 = arith.constant 0 : i32
    %dma_start3A_37 = tpu.memref_slice %arg7[%dma_start3A_35, %dma_start3A_36] : memref<2x128xi32, #tpu.memory_space<vmem>> -> memref<1x128xi32, #tpu.memory_space<vmem>>
    %dma_start3A_38 = tpu.memref_squeeze %dma_start3A_37 : memref<1x128xi32, #tpu.memory_space<vmem>> -> memref<128xi32, #tpu.memory_space<vmem>>
    %dma_start3A_39 = arith.constant 0 : i32
    %dma_start3A_40 = arith.constant 0 : i32
    %dma_start3A_41 = tpu.memref_slice %arg2[%dma_start3A_39, %dma_start3A_40] : memref<10000x128xf32, #tpu.memory_space<hbm>> -> memref<10000x128xf32, #tpu.memory_space<hbm>>
    tpu.enqueue_indirect_dma source(%dma_start3A_41 : memref<10000x128xf32, #tpu.memory_space<hbm>>) target(%arg9 : memref<128x128xf32, #tpu.memory_space<vmem>>) offsets(%dma_start3A_38 : memref<128xi32, #tpu.memory_space<vmem>>) semaphore(%arg10 : memref<!tpu.dma_semaphore, #tpu.memory_space<semaphore_mem>>)
    %dma_wait3A_42 = arith.constant 1 : i32
    %dma_wait3A_43 = arith.constant 0 : i32
    %dma_wait3A_44 = tpu.memref_slice %arg7[%dma_wait3A_42, %dma_wait3A_43] : memref<2x128xi32, #tpu.memory_space<vmem>> -> memref<1x128xi32, #tpu.memory_space<vmem>>
    %dma_wait3A_45 = tpu.memref_squeeze %dma_wait3A_44 : memref<1x128xi32, #tpu.memory_space<vmem>> -> memref<128xi32, #tpu.memory_space<vmem>>
    %dma_wait3A_46 = arith.constant 0 : i32
    %dma_wait3A_47 = arith.constant 0 : i32
    %dma_wait3A_48 = tpu.memref_slice %arg2[%dma_wait3A_46, %dma_wait3A_47] : memref<10000x128xf32, #tpu.memory_space<hbm>> -> memref<10000x128xf32, #tpu.memory_space<hbm>>
    tpu.wait_indirect_dma semaphore(%arg10 : memref<!tpu.dma_semaphore, #tpu.memory_space<semaphore_mem>>) src(%dma_wait3A_48 : memref<10000x128xf32, #tpu.memory_space<hbm>>) dst(%arg9 : memref<128x128xf32, #tpu.memory_space<vmem>>)
    "tpu.region"() ({
      %run_scoped3A = tpu.sem_alloc : memref<!tpu.dma_semaphore, #tpu.memory_space<semaphore_mem>>
      %dma_start3A_63 = arith.constant 0 : i32
      %dma_start3A_64 = tpu.memref_slice %arg5[%add3A_34, %dma_start3A_63] : memref<8192x128xf32, #tpu.memory_space<hbm>> -> memref<128x128xf32, #tpu.memory_space<hbm>>
      %dma_start3A_65 = arith.constant 0 : i32
      %dma_start3A_66 = tpu.memref_slice %arg5[%add3A_34, %dma_start3A_65] : memref<8192x128xf32, #tpu.memory_space<hbm>> -> memref<128x128xf32, #tpu.memory_space<hbm>>
      tpu.enqueue_dma source(%arg9 : memref<128x128xf32, #tpu.memory_space<vmem>>) target(%dma_start3A_66 : memref<128x128xf32, #tpu.memory_space<hbm>>) target_semaphore(%run_scoped3A : memref<!tpu.dma_semaphore, #tpu.memory_space<semaphore_mem>>)
      %dma_wait3A_67 = arith.constant 0 : i32
      %dma_wait3A_68 = tpu.memref_slice %arg5[%add3A_34, %dma_wait3A_67] : memref<8192x128xf32, #tpu.memory_space<hbm>> -> memref<128x128xf32, #tpu.memory_space<hbm>>
      %dma_wait3A_69 = arith.constant 0 : i32
      %dma_wait3A_70 = tpu.memref_slice %arg5[%add3A_34, %dma_wait3A_69] : memref<8192x128xf32, #tpu.memory_space<hbm>> -> memref<128x128xf32, #tpu.memory_space<hbm>>
      tpu.wait_dma2 semaphore(%run_scoped3A : memref<!tpu.dma_semaphore, #tpu.memory_space<semaphore_mem>>) src(%arg9 : memref<128x128xf32, #tpu.memory_space<vmem>>) dst(%dma_wait3A_70 : memref<128x128xf32, #tpu.memory_space<hbm>>)
      tpu.yield
    }) : () -> ()
    %dma_start3A_49 = arith.constant 1 : i32
    %dma_start3A_50 = arith.constant 0 : i32
    %dma_start3A_51 = tpu.memref_slice %arg8[%dma_start3A_49, %dma_start3A_50] : memref<2x128xi32, #tpu.memory_space<vmem>> -> memref<1x128xi32, #tpu.memory_space<vmem>>
    %dma_start3A_52 = tpu.memref_squeeze %dma_start3A_51 : memref<1x128xi32, #tpu.memory_space<vmem>> -> memref<128xi32, #tpu.memory_space<vmem>>
    %dma_start3A_53 = arith.constant 0 : i32
    %dma_start3A_54 = arith.constant 0 : i32
    %dma_start3A_55 = tpu.memref_slice %arg2[%dma_start3A_53, %dma_start3A_54] : memref<10000x128xf32, #tpu.memory_space<hbm>> -> memref<10000x128xf32, #tpu.memory_space<hbm>>
    tpu.enqueue_indirect_dma source(%dma_start3A_55 : memref<10000x128xf32, #tpu.memory_space<hbm>>) target(%arg9 : memref<128x128xf32, #tpu.memory_space<vmem>>) offsets(%dma_start3A_52 : memref<128xi32, #tpu.memory_space<vmem>>) semaphore(%arg10 : memref<!tpu.dma_semaphore, #tpu.memory_space<semaphore_mem>>)
    %dma_wait3A_56 = arith.constant 1 : i32
    %dma_wait3A_57 = arith.constant 0 : i32
    %dma_wait3A_58 = tpu.memref_slice %arg8[%dma_wait3A_56, %dma_wait3A_57] : memref<2x128xi32, #tpu.memory_space<vmem>> -> memref<1x128xi32, #tpu.memory_space<vmem>>
    %dma_wait3A_59 = tpu.memref_squeeze %dma_wait3A_58 : memref<1x128xi32, #tpu.memory_space<vmem>> -> memref<128xi32, #tpu.memory_space<vmem>>
    %dma_wait3A_60 = arith.constant 0 : i32
    %dma_wait3A_61 = arith.constant 0 : i32
    %dma_wait3A_62 = tpu.memref_slice %arg2[%dma_wait3A_60, %dma_wait3A_61] : memref<10000x128xf32, #tpu.memory_space<hbm>> -> memref<10000x128xf32, #tpu.memory_space<hbm>>
    tpu.wait_indirect_dma semaphore(%arg10 : memref<!tpu.dma_semaphore, #tpu.memory_space<semaphore_mem>>) src(%dma_wait3A_62 : memref<10000x128xf32, #tpu.memory_space<hbm>>) dst(%arg9 : memref<128x128xf32, #tpu.memory_space<vmem>>)
    "tpu.region"() ({
      %run_scoped3A = tpu.sem_alloc : memref<!tpu.dma_semaphore, #tpu.memory_space<semaphore_mem>>
      %dma_start3A_63 = arith.constant 0 : i32
      %dma_start3A_64 = tpu.memref_slice %arg6[%add3A_34, %dma_start3A_63] : memref<8192x128xf32, #tpu.memory_space<hbm>> -> memref<128x128xf32, #tpu.memory_space<hbm>>
      %dma_start3A_65 = arith.constant 0 : i32
      %dma_start3A_66 = tpu.memref_slice %arg6[%add3A_34, %dma_start3A_65] : memref<8192x128xf32, #tpu.memory_space<hbm>> -> memref<128x128xf32, #tpu.memory_space<hbm>>
      tpu.enqueue_dma source(%arg9 : memref<128x128xf32, #tpu.memory_space<vmem>>) target(%dma_start3A_66 : memref<128x128xf32, #tpu.memory_space<hbm>>) target_semaphore(%run_scoped3A : memref<!tpu.dma_semaphore, #tpu.memory_space<semaphore_mem>>)
      %dma_wait3A_67 = arith.constant 0 : i32
      %dma_wait3A_68 = tpu.memref_slice %arg6[%add3A_34, %dma_wait3A_67] : memref<8192x128xf32, #tpu.memory_space<hbm>> -> memref<128x128xf32, #tpu.memory_space<hbm>>
      %dma_wait3A_69 = arith.constant 0 : i32
      %dma_wait3A_70 = tpu.memref_slice %arg6[%add3A_34, %dma_wait3A_69] : memref<8192x128xf32, #tpu.memory_space<hbm>> -> memref<128x128xf32, #tpu.memory_space<hbm>>
      tpu.wait_dma2 semaphore(%run_scoped3A : memref<!tpu.dma_semaphore, #tpu.memory_space<semaphore_mem>>) src(%arg9 : memref<128x128xf32, #tpu.memory_space<vmem>>) dst(%dma_wait3A_70 : memref<128x128xf32, #tpu.memory_space<hbm>>)
      tpu.yield
    }) : () -> ()
    return
  }
}

#map = affine_map<(d0, d1) -> (0, 0, 0)>
module attributes {stable_mosaic.version = 14 : i64} {
  func.func @_deg_kernel(%arg0: i32, %arg1: i32, %arg2: memref<32x79x128xi32, #tpu.memory_space<hbm>>, %arg3: memref<2x10368x128xf32, #tpu.memory_space<hbm>>, %arg4: memref<79x128xi32, #tpu.memory_space<vmem>>, %arg5: memref<128x128xf32, #tpu.memory_space<vmem>>, %arg6: memref<10368x128xf32, #tpu.memory_space<vmem_shared>>) attributes {dimension_semantics = [#tpu.dimension_semantics<core_parallel>, #tpu.dimension_semantics<subcore_parallel>], iteration_bounds = array<i64: 2, 16>, scalar_prefetch = 0 : i64, scratch_operands = 3 : i64, tpu.core_type = #tpu.core_type<sc_vector_subcore>, window_params = [{transform_indices = #map}, {transform_indices = #map}]} {
    %mul3A = arith.constant 2 : i32
    %mul3A_0 = arith.muli %arg1, %mul3A : i32
    %add3A = arith.addi %mul3A_0, %arg0 : i32
    "tpu.region"() ({
      %run_scoped3A = tpu.sem_alloc : memref<!tpu.dma_semaphore, #tpu.memory_space<semaphore_mem>>
      %dma_start3A = arith.constant 0 : i32
      %dma_start3A_51 = arith.constant 0 : i32
      %dma_start3A_52 = tpu.memref_slice %arg2[%add3A, %dma_start3A, %dma_start3A_51] : memref<32x79x128xi32, #tpu.memory_space<hbm>> -> memref<1x79x128xi32, #tpu.memory_space<hbm>>
      %dma_start3A_53 = tpu.memref_squeeze %dma_start3A_52 : memref<1x79x128xi32, #tpu.memory_space<hbm>> -> memref<79x128xi32, #tpu.memory_space<hbm>>
      %dma_start3A_54 = arith.constant 0 : i32
      %dma_start3A_55 = arith.constant 0 : i32
      %dma_start3A_56 = tpu.memref_slice %arg2[%add3A, %dma_start3A_54, %dma_start3A_55] : memref<32x79x128xi32, #tpu.memory_space<hbm>> -> memref<1x79x128xi32, #tpu.memory_space<hbm>>
      %dma_start3A_57 = tpu.memref_squeeze %dma_start3A_56 : memref<1x79x128xi32, #tpu.memory_space<hbm>> -> memref<79x128xi32, #tpu.memory_space<hbm>>
      tpu.enqueue_dma source(%dma_start3A_57 : memref<79x128xi32, #tpu.memory_space<hbm>>) target(%arg4 : memref<79x128xi32, #tpu.memory_space<vmem>>) target_semaphore(%run_scoped3A : memref<!tpu.dma_semaphore, #tpu.memory_space<semaphore_mem>>)
      %dma_wait3A = arith.constant 0 : i32
      %dma_wait3A_58 = arith.constant 0 : i32
      %dma_wait3A_59 = tpu.memref_slice %arg2[%add3A, %dma_wait3A, %dma_wait3A_58] : memref<32x79x128xi32, #tpu.memory_space<hbm>> -> memref<1x79x128xi32, #tpu.memory_space<hbm>>
      %dma_wait3A_60 = tpu.memref_squeeze %dma_wait3A_59 : memref<1x79x128xi32, #tpu.memory_space<hbm>> -> memref<79x128xi32, #tpu.memory_space<hbm>>
      %dma_wait3A_61 = arith.constant 0 : i32
      %dma_wait3A_62 = arith.constant 0 : i32
      %dma_wait3A_63 = tpu.memref_slice %arg2[%add3A, %dma_wait3A_61, %dma_wait3A_62] : memref<32x79x128xi32, #tpu.memory_space<hbm>> -> memref<1x79x128xi32, #tpu.memory_space<hbm>>
      %dma_wait3A_64 = tpu.memref_squeeze %dma_wait3A_63 : memref<1x79x128xi32, #tpu.memory_space<hbm>> -> memref<79x128xi32, #tpu.memory_space<hbm>>
      tpu.wait_dma2 semaphore(%run_scoped3A : memref<!tpu.dma_semaphore, #tpu.memory_space<semaphore_mem>>) src(%dma_wait3A_64 : memref<79x128xi32, #tpu.memory_space<hbm>>) dst(%arg4 : memref<79x128xi32, #tpu.memory_space<vmem>>)
      tpu.yield
    }) : () -> ()
    %broadcast_in_dim3A = arith.constant 0.000000e+00 : f32
    %broadcast_in_dim3A_1 = vector.broadcast %broadcast_in_dim3A : f32 to vector<16xf32>
    %scan3A = arith.constant 0 : i32
    %scan3A_2 = arith.constant 0 : i32
    %scan3A_3 = arith.constant 128 : i32
    %scan3A_4 = arith.addi %scan3A_2, %scan3A_3 : i32
    %scan3A_5 = arith.constant 1 : i32
    %scan3A_6 = scf.for %scan3A_51 = %scan3A_2 to %scan3A_4 step %scan3A_5 iter_args(%scan3A_52 = %scan3A) -> (i32)  : i32 {
      %swap3A = arith.index_cast %scan3A_51 : i32 to index
      %swap3A_53 = arith.constant 0 : index
      %swap3A_54 = tpu.vector_load %arg5[%swap3A, %swap3A_53] {strides = array<i32>} : memref<128x128xf32, #tpu.memory_space<vmem>>, vector<1x16xf32>,
      %swap3A_55 = vector.shape_cast %swap3A_54 : vector<1x16xf32> to vector<16xf32>
      %swap3A_56 = vector.shape_cast %broadcast_in_dim3A_1 : vector<16xf32> to vector<1x16xf32>
      tpu.vector_store %arg5[%swap3A, %swap3A_53], %swap3A_56 {strides = array<i32>} : memref<128x128xf32, #tpu.memory_space<vmem>>, vector<1x16xf32>,
      %swap3A_57 = arith.index_cast %scan3A_51 : i32 to index
      %swap3A_58 = arith.constant 16 : index
      %swap3A_59 = tpu.vector_load %arg5[%swap3A_57, %swap3A_58] {strides = array<i32>} : memref<128x128xf32, #tpu.memory_space<vmem>>, vector<1x16xf32>,
      %swap3A_60 = vector.shape_cast %swap3A_59 : vector<1x16xf32> to vector<16xf32>
      %swap3A_61 = vector.shape_cast %broadcast_in_dim3A_1 : vector<16xf32> to vector<1x16xf32>
      tpu.vector_store %arg5[%swap3A_57, %swap3A_58], %swap3A_61 {strides = array<i32>} : memref<128x128xf32, #tpu.memory_space<vmem>>, vector<1x16xf32>,
      %swap3A_62 = arith.index_cast %scan3A_51 : i32 to index
      %swap3A_63 = arith.constant 32 : index
      %swap3A_64 = tpu.vector_load %arg5[%swap3A_62, %swap3A_63] {strides = array<i32>} : memref<128x128xf32, #tpu.memory_space<vmem>>, vector<1x16xf32>,
      %swap3A_65 = vector.shape_cast %swap3A_64 : vector<1x16xf32> to vector<16xf32>
      %swap3A_66 = vector.shape_cast %broadcast_in_dim3A_1 : vector<16xf32> to vector<1x16xf32>
      tpu.vector_store %arg5[%swap3A_62, %swap3A_63], %swap3A_66 {strides = array<i32>} : memref<128x128xf32, #tpu.memory_space<vmem>>, vector<1x16xf32>,
      %swap3A_67 = arith.index_cast %scan3A_51 : i32 to index
      %swap3A_68 = arith.constant 48 : index
      %swap3A_69 = tpu.vector_load %arg5[%swap3A_67, %swap3A_68] {strides = array<i32>} : memref<128x128xf32, #tpu.memory_space<vmem>>, vector<1x16xf32>,
      %swap3A_70 = vector.shape_cast %swap3A_69 : vector<1x16xf32> to vector<16xf32>
      %swap3A_71 = vector.shape_cast %broadcast_in_dim3A_1 : vector<16xf32> to vector<1x16xf32>
      tpu.vector_store %arg5[%swap3A_67, %swap3A_68], %swap3A_71 {strides = array<i32>} : memref<128x128xf32, #tpu.memory_space<vmem>>, vector<1x16xf32>,
      %swap3A_72 = arith.index_cast %scan3A_51 : i32 to index
      %swap3A_73 = arith.constant 64 : index
      %swap3A_74 = tpu.vector_load %arg5[%swap3A_72, %swap3A_73] {strides = array<i32>} : memref<128x128xf32, #tpu.memory_space<vmem>>, vector<1x16xf32>,
      %swap3A_75 = vector.shape_cast %swap3A_74 : vector<1x16xf32> to vector<16xf32>
      %swap3A_76 = vector.shape_cast %broadcast_in_dim3A_1 : vector<16xf32> to vector<1x16xf32>
      tpu.vector_store %arg5[%swap3A_72, %swap3A_73], %swap3A_76 {strides = array<i32>} : memref<128x128xf32, #tpu.memory_space<vmem>>, vector<1x16xf32>,
      %swap3A_77 = arith.index_cast %scan3A_51 : i32 to index
      %swap3A_78 = arith.constant 80 : index
      %swap3A_79 = tpu.vector_load %arg5[%swap3A_77, %swap3A_78] {strides = array<i32>} : memref<128x128xf32, #tpu.memory_space<vmem>>, vector<1x16xf32>,
      %swap3A_80 = vector.shape_cast %swap3A_79 : vector<1x16xf32> to vector<16xf32>
      %swap3A_81 = vector.shape_cast %broadcast_in_dim3A_1 : vector<16xf32> to vector<1x16xf32>
      tpu.vector_store %arg5[%swap3A_77, %swap3A_78], %swap3A_81 {strides = array<i32>} : memref<128x128xf32, #tpu.memory_space<vmem>>, vector<1x16xf32>,
      %swap3A_82 = arith.index_cast %scan3A_51 : i32 to index
      %swap3A_83 = arith.constant 96 : index
      %swap3A_84 = tpu.vector_load %arg5[%swap3A_82, %swap3A_83] {strides = array<i32>} : memref<128x128xf32, #tpu.memory_space<vmem>>, vector<1x16xf32>,
      %swap3A_85 = vector.shape_cast %swap3A_84 : vector<1x16xf32> to vector<16xf32>
      %swap3A_86 = vector.shape_cast %broadcast_in_dim3A_1 : vector<16xf32> to vector<1x16xf32>
      tpu.vector_store %arg5[%swap3A_82, %swap3A_83], %swap3A_86 {strides = array<i32>} : memref<128x128xf32, #tpu.memory_space<vmem>>, vector<1x16xf32>,
      %swap3A_87 = arith.index_cast %scan3A_51 : i32 to index
      %swap3A_88 = arith.constant 112 : index
      %swap3A_89 = tpu.vector_load %arg5[%swap3A_87, %swap3A_88] {strides = array<i32>} : memref<128x128xf32, #tpu.memory_space<vmem>>, vector<1x16xf32>,
      %swap3A_90 = vector.shape_cast %swap3A_89 : vector<1x16xf32> to vector<16xf32>
      %swap3A_91 = vector.shape_cast %broadcast_in_dim3A_1 : vector<16xf32> to vector<1x16xf32>
      tpu.vector_store %arg5[%swap3A_87, %swap3A_88], %swap3A_91 {strides = array<i32>} : memref<128x128xf32, #tpu.memory_space<vmem>>, vector<1x16xf32>,
      %scan3A_92 = arith.constant 0 : i32
      scf.yield %scan3A_92 : i32
    }
    %scan3A_7 = arith.constant 128 : i32
    %mul3A_8 = arith.constant 648 : i32
    %mul3A_9 = arith.muli %arg1, %mul3A_8 : i32
    %add3A_10 = arith.constant 0 : i32
    %add3A_11 = arith.addi %mul3A_9, %add3A_10 : i32
    "tpu.region"() ({
      %run_scoped3A = tpu.sem_alloc : memref<!tpu.dma_semaphore, #tpu.memory_space<semaphore_mem>>
      %dma_start3A = arith.constant 0 : i32
      %dma_start3A_51 = tpu.memref_slice %arg6[%add3A_11, %dma_start3A] : memref<10368x128xf32, #tpu.memory_space<vmem_shared>> -> memref<128x128xf32, #tpu.memory_space<vmem_shared>>
      %dma_start3A_52 = arith.constant 0 : i32
      %dma_start3A_53 = tpu.memref_slice %arg6[%add3A_11, %dma_start3A_52] : memref<10368x128xf32, #tpu.memory_space<vmem_shared>> -> memref<128x128xf32, #tpu.memory_space<vmem_shared>>
      tpu.enqueue_dma source(%arg5 : memref<128x128xf32, #tpu.memory_space<vmem>>) target(%dma_start3A_53 : memref<128x128xf32, #tpu.memory_space<vmem_shared>>) target_semaphore(%run_scoped3A : memref<!tpu.dma_semaphore, #tpu.memory_space<semaphore_mem>>)
      %dma_wait3A = arith.constant 0 : i32
      %dma_wait3A_54 = tpu.memref_slice %arg6[%add3A_11, %dma_wait3A] : memref<10368x128xf32, #tpu.memory_space<vmem_shared>> -> memref<128x128xf32, #tpu.memory_space<vmem_shared>>
      %dma_wait3A_55 = arith.constant 0 : i32
      %dma_wait3A_56 = tpu.memref_slice %arg6[%add3A_11, %dma_wait3A_55] : memref<10368x128xf32, #tpu.memory_space<vmem_shared>> -> memref<128x128xf32, #tpu.memory_space<vmem_shared>>
      tpu.wait_dma2 semaphore(%run_scoped3A : memref<!tpu.dma_semaphore, #tpu.memory_space<semaphore_mem>>) src(%arg5 : memref<128x128xf32, #tpu.memory_space<vmem>>) dst(%dma_wait3A_56 : memref<128x128xf32, #tpu.memory_space<vmem_shared>>)
      tpu.yield
    }) : () -> ()
    %add3A_12 = arith.constant 128 : i32
    %add3A_13 = arith.addi %mul3A_9, %add3A_12 : i32
    "tpu.region"() ({
      %run_scoped3A = tpu.sem_alloc : memref<!tpu.dma_semaphore, #tpu.memory_space<semaphore_mem>>
      %dma_start3A = arith.constant 0 : i32
      %dma_start3A_51 = tpu.memref_slice %arg6[%add3A_13, %dma_start3A] : memref<10368x128xf32, #tpu.memory_space<vmem_shared>> -> memref<128x128xf32, #tpu.memory_space<vmem_shared>>
      %dma_start3A_52 = arith.constant 0 : i32
      %dma_start3A_53 = tpu.memref_slice %arg6[%add3A_13, %dma_start3A_52] : memref<10368x128xf32, #tpu.memory_space<vmem_shared>> -> memref<128x128xf32, #tpu.memory_space<vmem_shared>>
      tpu.enqueue_dma source(%arg5 : memref<128x128xf32, #tpu.memory_space<vmem>>) target(%dma_start3A_53 : memref<128x128xf32, #tpu.memory_space<vmem_shared>>) target_semaphore(%run_scoped3A : memref<!tpu.dma_semaphore, #tpu.memory_space<semaphore_mem>>)
      %dma_wait3A = arith.constant 0 : i32
      %dma_wait3A_54 = tpu.memref_slice %arg6[%add3A_13, %dma_wait3A] : memref<10368x128xf32, #tpu.memory_space<vmem_shared>> -> memref<128x128xf32, #tpu.memory_space<vmem_shared>>
      %dma_wait3A_55 = arith.constant 0 : i32
      %dma_wait3A_56 = tpu.memref_slice %arg6[%add3A_13, %dma_wait3A_55] : memref<10368x128xf32, #tpu.memory_space<vmem_shared>> -> memref<128x128xf32, #tpu.memory_space<vmem_shared>>
      tpu.wait_dma2 semaphore(%run_scoped3A : memref<!tpu.dma_semaphore, #tpu.memory_space<semaphore_mem>>) src(%arg5 : memref<128x128xf32, #tpu.memory_space<vmem>>) dst(%dma_wait3A_56 : memref<128x128xf32, #tpu.memory_space<vmem_shared>>)
      tpu.yield
    }) : () -> ()
    %add3A_14 = arith.constant 256 : i32
    %add3A_15 = arith.addi %mul3A_9, %add3A_14 : i32
    "tpu.region"() ({
      %run_scoped3A = tpu.sem_alloc : memref<!tpu.dma_semaphore, #tpu.memory_space<semaphore_mem>>
      %dma_start3A = arith.constant 0 : i32
      %dma_start3A_51 = tpu.memref_slice %arg6[%add3A_15, %dma_start3A] : memref<10368x128xf32, #tpu.memory_space<vmem_shared>> -> memref<128x128xf32, #tpu.memory_space<vmem_shared>>
      %dma_start3A_52 = arith.constant 0 : i32
      %dma_start3A_53 = tpu.memref_slice %arg6[%add3A_15, %dma_start3A_52] : memref<10368x128xf32, #tpu.memory_space<vmem_shared>> -> memref<128x128xf32, #tpu.memory_space<vmem_shared>>
      tpu.enqueue_dma source(%arg5 : memref<128x128xf32, #tpu.memory_space<vmem>>) target(%dma_start3A_53 : memref<128x128xf32, #tpu.memory_space<vmem_shared>>) target_semaphore(%run_scoped3A : memref<!tpu.dma_semaphore, #tpu.memory_space<semaphore_mem>>)
      %dma_wait3A = arith.constant 0 : i32
      %dma_wait3A_54 = tpu.memref_slice %arg6[%add3A_15, %dma_wait3A] : memref<10368x128xf32, #tpu.memory_space<vmem_shared>> -> memref<128x128xf32, #tpu.memory_space<vmem_shared>>
      %dma_wait3A_55 = arith.constant 0 : i32
      %dma_wait3A_56 = tpu.memref_slice %arg6[%add3A_15, %dma_wait3A_55] : memref<10368x128xf32, #tpu.memory_space<vmem_shared>> -> memref<128x128xf32, #tpu.memory_space<vmem_shared>>
      tpu.wait_dma2 semaphore(%run_scoped3A : memref<!tpu.dma_semaphore, #tpu.memory_space<semaphore_mem>>) src(%arg5 : memref<128x128xf32, #tpu.memory_space<vmem>>) dst(%dma_wait3A_56 : memref<128x128xf32, #tpu.memory_space<vmem_shared>>)
      tpu.yield
    }) : () -> ()
    %add3A_16 = arith.constant 384 : i32
    %add3A_17 = arith.addi %mul3A_9, %add3A_16 : i32
    "tpu.region"() ({
      %run_scoped3A = tpu.sem_alloc : memref<!tpu.dma_semaphore, #tpu.memory_space<semaphore_mem>>
      %dma_start3A = arith.constant 0 : i32
      %dma_start3A_51 = tpu.memref_slice %arg6[%add3A_17, %dma_start3A] : memref<10368x128xf32, #tpu.memory_space<vmem_shared>> -> memref<128x128xf32, #tpu.memory_space<vmem_shared>>
      %dma_start3A_52 = arith.constant 0 : i32
      %dma_start3A_53 = tpu.memref_slice %arg6[%add3A_17, %dma_start3A_52] : memref<10368x128xf32, #tpu.memory_space<vmem_shared>> -> memref<128x128xf32, #tpu.memory_space<vmem_shared>>
      tpu.enqueue_dma source(%arg5 : memref<128x128xf32, #tpu.memory_space<vmem>>) target(%dma_start3A_53 : memref<128x128xf32, #tpu.memory_space<vmem_shared>>) target_semaphore(%run_scoped3A : memref<!tpu.dma_semaphore, #tpu.memory_space<semaphore_mem>>)
      %dma_wait3A = arith.constant 0 : i32
      %dma_wait3A_54 = tpu.memref_slice %arg6[%add3A_17, %dma_wait3A] : memref<10368x128xf32, #tpu.memory_space<vmem_shared>> -> memref<128x128xf32, #tpu.memory_space<vmem_shared>>
      %dma_wait3A_55 = arith.constant 0 : i32
      %dma_wait3A_56 = tpu.memref_slice %arg6[%add3A_17, %dma_wait3A_55] : memref<10368x128xf32, #tpu.memory_space<vmem_shared>> -> memref<128x128xf32, #tpu.memory_space<vmem_shared>>
      tpu.wait_dma2 semaphore(%run_scoped3A : memref<!tpu.dma_semaphore, #tpu.memory_space<semaphore_mem>>) src(%arg5 : memref<128x128xf32, #tpu.memory_space<vmem>>) dst(%dma_wait3A_56 : memref<128x128xf32, #tpu.memory_space<vmem_shared>>)
      tpu.yield
    }) : () -> ()
    %add3A_18 = arith.constant 512 : i32
    %add3A_19 = arith.addi %mul3A_9, %add3A_18 : i32
    "tpu.region"() ({
      %run_scoped3A = tpu.sem_alloc : memref<!tpu.dma_semaphore, #tpu.memory_space<semaphore_mem>>
      %dma_start3A = arith.constant 0 : i32
      %dma_start3A_51 = tpu.memref_slice %arg6[%add3A_19, %dma_start3A] : memref<10368x128xf32, #tpu.memory_space<vmem_shared>> -> memref<128x128xf32, #tpu.memory_space<vmem_shared>>
      %dma_start3A_52 = arith.constant 0 : i32
      %dma_start3A_53 = tpu.memref_slice %arg6[%add3A_19, %dma_start3A_52] : memref<10368x128xf32, #tpu.memory_space<vmem_shared>> -> memref<128x128xf32, #tpu.memory_space<vmem_shared>>
      tpu.enqueue_dma source(%arg5 : memref<128x128xf32, #tpu.memory_space<vmem>>) target(%dma_start3A_53 : memref<128x128xf32, #tpu.memory_space<vmem_shared>>) target_semaphore(%run_scoped3A : memref<!tpu.dma_semaphore, #tpu.memory_space<semaphore_mem>>)
      %dma_wait3A = arith.constant 0 : i32
      %dma_wait3A_54 = tpu.memref_slice %arg6[%add3A_19, %dma_wait3A] : memref<10368x128xf32, #tpu.memory_space<vmem_shared>> -> memref<128x128xf32, #tpu.memory_space<vmem_shared>>
      %dma_wait3A_55 = arith.constant 0 : i32
      %dma_wait3A_56 = tpu.memref_slice %arg6[%add3A_19, %dma_wait3A_55] : memref<10368x128xf32, #tpu.memory_space<vmem_shared>> -> memref<128x128xf32, #tpu.memory_space<vmem_shared>>
      tpu.wait_dma2 semaphore(%run_scoped3A : memref<!tpu.dma_semaphore, #tpu.memory_space<semaphore_mem>>) src(%arg5 : memref<128x128xf32, #tpu.memory_space<vmem>>) dst(%dma_wait3A_56 : memref<128x128xf32, #tpu.memory_space<vmem_shared>>)
      tpu.yield
    }) : () -> ()
    %add3A_20 = arith.constant 640 : i32
    %add3A_21 = arith.addi %mul3A_9, %add3A_20 : i32
    "tpu.region"() ({
      %run_scoped3A = tpu.sem_alloc : memref<!tpu.dma_semaphore, #tpu.memory_space<semaphore_mem>>
      %dma_start3A = arith.constant 0 : i32
      %dma_start3A_51 = arith.constant 0 : i32
      %dma_start3A_52 = tpu.memref_slice %arg5[%dma_start3A, %dma_start3A_51] : memref<128x128xf32, #tpu.memory_space<vmem>> -> memref<8x128xf32, #tpu.memory_space<vmem>>
      %dma_start3A_53 = arith.constant 0 : i32
      %dma_start3A_54 = tpu.memref_slice %arg6[%add3A_21, %dma_start3A_53] : memref<10368x128xf32, #tpu.memory_space<vmem_shared>> -> memref<8x128xf32, #tpu.memory_space<vmem_shared>>
      %dma_start3A_55 = arith.constant 0 : i32
      %dma_start3A_56 = tpu.memref_slice %arg6[%add3A_21, %dma_start3A_55] : memref<10368x128xf32, #tpu.memory_space<vmem_shared>> -> memref<8x128xf32, #tpu.memory_space<vmem_shared>>
      %dma_start3A_57 = arith.constant 0 : i32
      %dma_start3A_58 = arith.constant 0 : i32
      %dma_start3A_59 = tpu.memref_slice %arg5[%dma_start3A_57, %dma_start3A_58] : memref<128x128xf32, #tpu.memory_space<vmem>> -> memref<8x128xf32, #tpu.memory_space<vmem>>
      tpu.enqueue_dma source(%dma_start3A_59 : memref<8x128xf32, #tpu.memory_space<vmem>>) target(%dma_start3A_56 : memref<8x128xf32, #tpu.memory_space<vmem_shared>>) target_semaphore(%run_scoped3A : memref<!tpu.dma_semaphore, #tpu.memory_space<semaphore_mem>>)
      %dma_wait3A = arith.constant 0 : i32
      %dma_wait3A_60 = arith.constant 0 : i32
      %dma_wait3A_61 = tpu.memref_slice %arg5[%dma_wait3A, %dma_wait3A_60] : memref<128x128xf32, #tpu.memory_space<vmem>> -> memref<8x128xf32, #tpu.memory_space<vmem>>
      %dma_wait3A_62 = arith.constant 0 : i32
      %dma_wait3A_63 = tpu.memref_slice %arg6[%add3A_21, %dma_wait3A_62] : memref<10368x128xf32, #tpu.memory_space<vmem_shared>> -> memref<8x128xf32, #tpu.memory_space<vmem_shared>>
      %dma_wait3A_64 = arith.constant 0 : i32
      %dma_wait3A_65 = tpu.memref_slice %arg6[%add3A_21, %dma_wait3A_64] : memref<10368x128xf32, #tpu.memory_space<vmem_shared>> -> memref<8x128xf32, #tpu.memory_space<vmem_shared>>
      %dma_wait3A_66 = arith.constant 0 : i32
      %dma_wait3A_67 = arith.constant 0 : i32
      %dma_wait3A_68 = tpu.memref_slice %arg5[%dma_wait3A_66, %dma_wait3A_67] : memref<128x128xf32, #tpu.memory_space<vmem>> -> memref<8x128xf32, #tpu.memory_space<vmem>>
      tpu.wait_dma2 semaphore(%run_scoped3A : memref<!tpu.dma_semaphore, #tpu.memory_space<semaphore_mem>>) src(%dma_wait3A_68 : memref<8x128xf32, #tpu.memory_space<vmem>>) dst(%dma_wait3A_65 : memref<8x128xf32, #tpu.memory_space<vmem_shared>>)
      tpu.yield
    }) : () -> ()
    %broadcast_in_dim3A_22 = arith.constant 1.000000e+00 : f32
    %broadcast_in_dim3A_23 = vector.broadcast %broadcast_in_dim3A_22 : f32 to vector<16xf32>
    %scan3A_24 = arith.constant 0 : i32
    %scan3A_25 = arith.constant 0 : i32
    %scan3A_26 = arith.constant 128 : i32
    %scan3A_27 = arith.addi %scan3A_25, %scan3A_26 : i32
    %scan3A_28 = arith.constant 1 : i32
    %scan3A_29 = scf.for %scan3A_51 = %scan3A_25 to %scan3A_27 step %scan3A_28 iter_args(%scan3A_52 = %scan3A_24) -> (i32)  : i32 {
      %swap3A = arith.index_cast %scan3A_51 : i32 to index
      %swap3A_53 = arith.constant 0 : index
      %swap3A_54 = tpu.vector_load %arg5[%swap3A, %swap3A_53] {strides = array<i32>} : memref<128x128xf32, #tpu.memory_space<vmem>>, vector<1x16xf32>,
      %swap3A_55 = vector.shape_cast %swap3A_54 : vector<1x16xf32> to vector<16xf32>
      %swap3A_56 = vector.shape_cast %broadcast_in_dim3A_23 : vector<16xf32> to vector<1x16xf32>
      tpu.vector_store %arg5[%swap3A, %swap3A_53], %swap3A_56 {strides = array<i32>} : memref<128x128xf32, #tpu.memory_space<vmem>>, vector<1x16xf32>,
      %swap3A_57 = arith.index_cast %scan3A_51 : i32 to index
      %swap3A_58 = arith.constant 16 : index
      %swap3A_59 = tpu.vector_load %arg5[%swap3A_57, %swap3A_58] {strides = array<i32>} : memref<128x128xf32, #tpu.memory_space<vmem>>, vector<1x16xf32>,
      %swap3A_60 = vector.shape_cast %swap3A_59 : vector<1x16xf32> to vector<16xf32>
      %swap3A_61 = vector.shape_cast %broadcast_in_dim3A_23 : vector<16xf32> to vector<1x16xf32>
      tpu.vector_store %arg5[%swap3A_57, %swap3A_58], %swap3A_61 {strides = array<i32>} : memref<128x128xf32, #tpu.memory_space<vmem>>, vector<1x16xf32>,
      %swap3A_62 = arith.index_cast %scan3A_51 : i32 to index
      %swap3A_63 = arith.constant 32 : index
      %swap3A_64 = tpu.vector_load %arg5[%swap3A_62, %swap3A_63] {strides = array<i32>} : memref<128x128xf32, #tpu.memory_space<vmem>>, vector<1x16xf32>,
      %swap3A_65 = vector.shape_cast %swap3A_64 : vector<1x16xf32> to vector<16xf32>
      %swap3A_66 = vector.shape_cast %broadcast_in_dim3A_23 : vector<16xf32> to vector<1x16xf32>
      tpu.vector_store %arg5[%swap3A_62, %swap3A_63], %swap3A_66 {strides = array<i32>} : memref<128x128xf32, #tpu.memory_space<vmem>>, vector<1x16xf32>,
      %swap3A_67 = arith.index_cast %scan3A_51 : i32 to index
      %swap3A_68 = arith.constant 48 : index
      %swap3A_69 = tpu.vector_load %arg5[%swap3A_67, %swap3A_68] {strides = array<i32>} : memref<128x128xf32, #tpu.memory_space<vmem>>, vector<1x16xf32>,
      %swap3A_70 = vector.shape_cast %swap3A_69 : vector<1x16xf32> to vector<16xf32>
      %swap3A_71 = vector.shape_cast %broadcast_in_dim3A_23 : vector<16xf32> to vector<1x16xf32>
      tpu.vector_store %arg5[%swap3A_67, %swap3A_68], %swap3A_71 {strides = array<i32>} : memref<128x128xf32, #tpu.memory_space<vmem>>, vector<1x16xf32>,
      %swap3A_72 = arith.index_cast %scan3A_51 : i32 to index
      %swap3A_73 = arith.constant 64 : index
      %swap3A_74 = tpu.vector_load %arg5[%swap3A_72, %swap3A_73] {strides = array<i32>} : memref<128x128xf32, #tpu.memory_space<vmem>>, vector<1x16xf32>,
      %swap3A_75 = vector.shape_cast %swap3A_74 : vector<1x16xf32> to vector<16xf32>
      %swap3A_76 = vector.shape_cast %broadcast_in_dim3A_23 : vector<16xf32> to vector<1x16xf32>
      tpu.vector_store %arg5[%swap3A_72, %swap3A_73], %swap3A_76 {strides = array<i32>} : memref<128x128xf32, #tpu.memory_space<vmem>>, vector<1x16xf32>,
      %swap3A_77 = arith.index_cast %scan3A_51 : i32 to index
      %swap3A_78 = arith.constant 80 : index
      %swap3A_79 = tpu.vector_load %arg5[%swap3A_77, %swap3A_78] {strides = array<i32>} : memref<128x128xf32, #tpu.memory_space<vmem>>, vector<1x16xf32>,
      %swap3A_80 = vector.shape_cast %swap3A_79 : vector<1x16xf32> to vector<16xf32>
      %swap3A_81 = vector.shape_cast %broadcast_in_dim3A_23 : vector<16xf32> to vector<1x16xf32>
      tpu.vector_store %arg5[%swap3A_77, %swap3A_78], %swap3A_81 {strides = array<i32>} : memref<128x128xf32, #tpu.memory_space<vmem>>, vector<1x16xf32>,
      %swap3A_82 = arith.index_cast %scan3A_51 : i32 to index
      %swap3A_83 = arith.constant 96 : index
      %swap3A_84 = tpu.vector_load %arg5[%swap3A_82, %swap3A_83] {strides = array<i32>} : memref<128x128xf32, #tpu.memory_space<vmem>>, vector<1x16xf32>,
      %swap3A_85 = vector.shape_cast %swap3A_84 : vector<1x16xf32> to vector<16xf32>
      %swap3A_86 = vector.shape_cast %broadcast_in_dim3A_23 : vector<16xf32> to vector<1x16xf32>
      tpu.vector_store %arg5[%swap3A_82, %swap3A_83], %swap3A_86 {strides = array<i32>} : memref<128x128xf32, #tpu.memory_space<vmem>>, vector<1x16xf32>,
      %swap3A_87 = arith.index_cast %scan3A_51 : i32 to index
      %swap3A_88 = arith.constant 112 : index
      %swap3A_89 = tpu.vector_load %arg5[%swap3A_87, %swap3A_88] {strides = array<i32>} : memref<128x128xf32, #tpu.memory_space<vmem>>, vector<1x16xf32>,
      %swap3A_90 = vector.shape_cast %swap3A_89 : vector<1x16xf32> to vector<16xf32>
      %swap3A_91 = vector.shape_cast %broadcast_in_dim3A_23 : vector<16xf32> to vector<1x16xf32>
      tpu.vector_store %arg5[%swap3A_87, %swap3A_88], %swap3A_91 {strides = array<i32>} : memref<128x128xf32, #tpu.memory_space<vmem>>, vector<1x16xf32>,
      %scan3A_92 = arith.constant 0 : i32
      scf.yield %scan3A_92 : i32
    }
    %scan3A_30 = arith.constant 128 : i32
    %barrier3A = arith.constant 0 : index
    tpu.barrier barrier_id(%barrier3A)
    %scan3A_31 = arith.constant 0 : i32
    %scan3A_32 = arith.constant 0 : i32
    %scan3A_33 = arith.constant 79 : i32
    %scan3A_34 = arith.addi %scan3A_32, %scan3A_33 : i32
    %scan3A_35 = arith.constant 1 : i32
    %scan3A_36 = scf.for %scan3A_51 = %scan3A_32 to %scan3A_34 step %scan3A_35 iter_args(%scan3A_52 = %scan3A_31) -> (i32)  : i32 {
      "tpu.region"() ({
        %run_scoped3A = tpu.sem_alloc : memref<!tpu.dma_semaphore, #tpu.memory_space<semaphore_mem>>
        %dma_start3A = arith.constant 0 : i32
        %dma_start3A_54 = tpu.memref_slice %arg4[%scan3A_51, %dma_start3A] : memref<79x128xi32, #tpu.memory_space<vmem>> -> memref<1x128xi32, #tpu.memory_space<vmem>>
        %dma_start3A_55 = tpu.memref_squeeze %dma_start3A_54 : memref<1x128xi32, #tpu.memory_space<vmem>> -> memref<128xi32, #tpu.memory_space<vmem>>
        %dma_start3A_56 = arith.constant 0 : i32
        %dma_start3A_57 = arith.constant 0 : i32
        %dma_start3A_58 = tpu.memref_slice %arg6[%dma_start3A_56, %dma_start3A_57] : memref<10368x128xf32, #tpu.memory_space<vmem_shared>> -> memref<10368x128xf32, #tpu.memory_space<vmem_shared>>
        tpu.enqueue_indirect_dma source(%arg5 : memref<128x128xf32, #tpu.memory_space<vmem>>) target(%dma_start3A_58 : memref<10368x128xf32, #tpu.memory_space<vmem_shared>>) offsets(%dma_start3A_55 : memref<128xi32, #tpu.memory_space<vmem>>) semaphore(%run_scoped3A : memref<!tpu.dma_semaphore, #tpu.memory_space<semaphore_mem>>) {add = true}
        %dma_wait3A = arith.constant 0 : i32
        %dma_wait3A_59 = tpu.memref_slice %arg4[%scan3A_51, %dma_wait3A] : memref<79x128xi32, #tpu.memory_space<vmem>> -> memref<1x128xi32, #tpu.memory_space<vmem>>
        %dma_wait3A_60 = tpu.memref_squeeze %dma_wait3A_59 : memref<1x128xi32, #tpu.memory_space<vmem>> -> memref<128xi32, #tpu.memory_space<vmem>>
        %dma_wait3A_61 = arith.constant 0 : i32
        %dma_wait3A_62 = arith.constant 0 : i32
        %dma_wait3A_63 = tpu.memref_slice %arg6[%dma_wait3A_61, %dma_wait3A_62] : memref<10368x128xf32, #tpu.memory_space<vmem_shared>> -> memref<10368x128xf32, #tpu.memory_space<vmem_shared>>
        tpu.wait_indirect_dma semaphore(%run_scoped3A : memref<!tpu.dma_semaphore, #tpu.memory_space<semaphore_mem>>) src(%arg5 : memref<128x128xf32, #tpu.memory_space<vmem>>) dst(%dma_wait3A_63 : memref<10368x128xf32, #tpu.memory_space<vmem_shared>>)
        tpu.yield
      }) : () -> ()
      %scan3A_53 = arith.constant 0 : i32
      scf.yield %scan3A_53 : i32
    }
    %scan3A_37 = arith.constant 79 : i32
    %barrier3A_38 = arith.constant 0 : index
    tpu.barrier barrier_id(%barrier3A_38)
    %add3A_39 = arith.constant 0 : i32
    %add3A_40 = arith.addi %mul3A_9, %add3A_39 : i32
    "tpu.region"() ({
      %run_scoped3A = tpu.sem_alloc : memref<!tpu.dma_semaphore, #tpu.memory_space<semaphore_mem>>
      %dma_start3A = arith.constant 0 : i32
      %dma_start3A_51 = tpu.memref_slice %arg6[%add3A_40, %dma_start3A] : memref<10368x128xf32, #tpu.memory_space<vmem_shared>> -> memref<128x128xf32, #tpu.memory_space<vmem_shared>>
      %dma_start3A_52 = arith.constant 0 : i32
      %dma_start3A_53 = tpu.memref_slice %arg6[%add3A_40, %dma_start3A_52] : memref<10368x128xf32, #tpu.memory_space<vmem_shared>> -> memref<128x128xf32, #tpu.memory_space<vmem_shared>>
      tpu.enqueue_dma source(%dma_start3A_53 : memref<128x128xf32, #tpu.memory_space<vmem_shared>>) target(%arg5 : memref<128x128xf32, #tpu.memory_space<vmem>>) target_semaphore(%run_scoped3A : memref<!tpu.dma_semaphore, #tpu.memory_space<semaphore_mem>>)
      %dma_wait3A = arith.constant 0 : i32
      %dma_wait3A_54 = tpu.memref_slice %arg6[%add3A_40, %dma_wait3A] : memref<10368x128xf32, #tpu.memory_space<vmem_shared>> -> memref<128x128xf32, #tpu.memory_space<vmem_shared>>
      %dma_wait3A_55 = arith.constant 0 : i32
      %dma_wait3A_56 = tpu.memref_slice %arg6[%add3A_40, %dma_wait3A_55] : memref<10368x128xf32, #tpu.memory_space<vmem_shared>> -> memref<128x128xf32, #tpu.memory_space<vmem_shared>>
      tpu.wait_dma2 semaphore(%run_scoped3A : memref<!tpu.dma_semaphore, #tpu.memory_space<semaphore_mem>>) src(%dma_wait3A_56 : memref<128x128xf32, #tpu.memory_space<vmem_shared>>) dst(%arg5 : memref<128x128xf32, #tpu.memory_space<vmem>>)
      tpu.yield
    }) : () -> ()
    "tpu.region"() ({
      %run_scoped3A = tpu.sem_alloc : memref<!tpu.dma_semaphore, #tpu.memory_space<semaphore_mem>>
      %dma_start3A = arith.constant 0 : i32
      %dma_start3A_51 = tpu.memref_slice %arg3[%arg0, %add3A_40, %dma_start3A] : memref<2x10368x128xf32, #tpu.memory_space<hbm>> -> memref<1x128x128xf32, #tpu.memory_space<hbm>>
      %dma_start3A_52 = tpu.memref_squeeze %dma_start3A_51 : memref<1x128x128xf32, #tpu.memory_space<hbm>> -> memref<128x128xf32, #tpu.memory_space<hbm>>
      %dma_start3A_53 = arith.constant 0 : i32
      %dma_start3A_54 = tpu.memref_slice %arg3[%arg0, %add3A_40, %dma_start3A_53] : memref<2x10368x128xf32, #tpu.memory_space<hbm>> -> memref<1x128x128xf32, #tpu.memory_space<hbm>>
      %dma_start3A_55 = tpu.memref_squeeze %dma_start3A_54 : memref<1x128x128xf32, #tpu.memory_space<hbm>> -> memref<128x128xf32, #tpu.memory_space<hbm>>
      tpu.enqueue_dma source(%arg5 : memref<128x128xf32, #tpu.memory_space<vmem>>) target(%dma_start3A_55 : memref<128x128xf32, #tpu.memory_space<hbm>>) target_semaphore(%run_scoped3A : memref<!tpu.dma_semaphore, #tpu.memory_space<semaphore_mem>>)
      %dma_wait3A = arith.constant 0 : i32
      %dma_wait3A_56 = tpu.memref_slice %arg3[%arg0, %add3A_40, %dma_wait3A] : memref<2x10368x128xf32, #tpu.memory_space<hbm>> -> memref<1x128x128xf32, #tpu.memory_space<hbm>>
      %dma_wait3A_57 = tpu.memref_squeeze %dma_wait3A_56 : memref<1x128x128xf32, #tpu.memory_space<hbm>> -> memref<128x128xf32, #tpu.memory_space<hbm>>
      %dma_wait3A_58 = arith.constant 0 : i32
      %dma_wait3A_59 = tpu.memref_slice %arg3[%arg0, %add3A_40, %dma_wait3A_58] : memref<2x10368x128xf32, #tpu.memory_space<hbm>> -> memref<1x128x128xf32, #tpu.memory_space<hbm>>
      %dma_wait3A_60 = tpu.memref_squeeze %dma_wait3A_59 : memref<1x128x128xf32, #tpu.memory_space<hbm>> -> memref<128x128xf32, #tpu.memory_space<hbm>>
      tpu.wait_dma2 semaphore(%run_scoped3A : memref<!tpu.dma_semaphore, #tpu.memory_space<semaphore_mem>>) src(%arg5 : memref<128x128xf32, #tpu.memory_space<vmem>>) dst(%dma_wait3A_60 : memref<128x128xf32, #tpu.memory_space<hbm>>)
      tpu.yield
    }) : () -> ()
    %add3A_41 = arith.constant 128 : i32
    %add3A_42 = arith.addi %mul3A_9, %add3A_41 : i32
    "tpu.region"() ({
      %run_scoped3A = tpu.sem_alloc : memref<!tpu.dma_semaphore, #tpu.memory_space<semaphore_mem>>
      %dma_start3A = arith.constant 0 : i32
      %dma_start3A_51 = tpu.memref_slice %arg6[%add3A_42, %dma_start3A] : memref<10368x128xf32, #tpu.memory_space<vmem_shared>> -> memref<128x128xf32, #tpu.memory_space<vmem_shared>>
      %dma_start3A_52 = arith.constant 0 : i32
      %dma_start3A_53 = tpu.memref_slice %arg6[%add3A_42, %dma_start3A_52] : memref<10368x128xf32, #tpu.memory_space<vmem_shared>> -> memref<128x128xf32, #tpu.memory_space<vmem_shared>>
      tpu.enqueue_dma source(%dma_start3A_53 : memref<128x128xf32, #tpu.memory_space<vmem_shared>>) target(%arg5 : memref<128x128xf32, #tpu.memory_space<vmem>>) target_semaphore(%run_scoped3A : memref<!tpu.dma_semaphore, #tpu.memory_space<semaphore_mem>>)
      %dma_wait3A = arith.constant 0 : i32
      %dma_wait3A_54 = tpu.memref_slice %arg6[%add3A_42, %dma_wait3A] : memref<10368x128xf32, #tpu.memory_space<vmem_shared>> -> memref<128x128xf32, #tpu.memory_space<vmem_shared>>
      %dma_wait3A_55 = arith.constant 0 : i32
      %dma_wait3A_56 = tpu.memref_slice %arg6[%add3A_42, %dma_wait3A_55] : memref<10368x128xf32, #tpu.memory_space<vmem_shared>> -> memref<128x128xf32, #tpu.memory_space<vmem_shared>>
      tpu.wait_dma2 semaphore(%run_scoped3A : memref<!tpu.dma_semaphore, #tpu.memory_space<semaphore_mem>>) src(%dma_wait3A_56 : memref<128x128xf32, #tpu.memory_space<vmem_shared>>) dst(%arg5 : memref<128x128xf32, #tpu.memory_space<vmem>>)
      tpu.yield
    }) : () -> ()
    "tpu.region"() ({
      %run_scoped3A = tpu.sem_alloc : memref<!tpu.dma_semaphore, #tpu.memory_space<semaphore_mem>>
      %dma_start3A = arith.constant 0 : i32
      %dma_start3A_51 = tpu.memref_slice %arg3[%arg0, %add3A_42, %dma_start3A] : memref<2x10368x128xf32, #tpu.memory_space<hbm>> -> memref<1x128x128xf32, #tpu.memory_space<hbm>>
      %dma_start3A_52 = tpu.memref_squeeze %dma_start3A_51 : memref<1x128x128xf32, #tpu.memory_space<hbm>> -> memref<128x128xf32, #tpu.memory_space<hbm>>
      %dma_start3A_53 = arith.constant 0 : i32
      %dma_start3A_54 = tpu.memref_slice %arg3[%arg0, %add3A_42, %dma_start3A_53] : memref<2x10368x128xf32, #tpu.memory_space<hbm>> -> memref<1x128x128xf32, #tpu.memory_space<hbm>>
      %dma_start3A_55 = tpu.memref_squeeze %dma_start3A_54 : memref<1x128x128xf32, #tpu.memory_space<hbm>> -> memref<128x128xf32, #tpu.memory_space<hbm>>
      tpu.enqueue_dma source(%arg5 : memref<128x128xf32, #tpu.memory_space<vmem>>) target(%dma_start3A_55 : memref<128x128xf32, #tpu.memory_space<hbm>>) target_semaphore(%run_scoped3A : memref<!tpu.dma_semaphore, #tpu.memory_space<semaphore_mem>>)
      %dma_wait3A = arith.constant 0 : i32
      %dma_wait3A_56 = tpu.memref_slice %arg3[%arg0, %add3A_42, %dma_wait3A] : memref<2x10368x128xf32, #tpu.memory_space<hbm>> -> memref<1x128x128xf32, #tpu.memory_space<hbm>>
      %dma_wait3A_57 = tpu.memref_squeeze %dma_wait3A_56 : memref<1x128x128xf32, #tpu.memory_space<hbm>> -> memref<128x128xf32, #tpu.memory_space<hbm>>
      %dma_wait3A_58 = arith.constant 0 : i32
      %dma_wait3A_59 = tpu.memref_slice %arg3[%arg0, %add3A_42, %dma_wait3A_58] : memref<2x10368x128xf32, #tpu.memory_space<hbm>> -> memref<1x128x128xf32, #tpu.memory_space<hbm>>
      %dma_wait3A_60 = tpu.memref_squeeze %dma_wait3A_59 : memref<1x128x128xf32, #tpu.memory_space<hbm>> -> memref<128x128xf32, #tpu.memory_space<hbm>>
      tpu.wait_dma2 semaphore(%run_scoped3A : memref<!tpu.dma_semaphore, #tpu.memory_space<semaphore_mem>>) src(%arg5 : memref<128x128xf32, #tpu.memory_space<vmem>>) dst(%dma_wait3A_60 : memref<128x128xf32, #tpu.memory_space<hbm>>)
      tpu.yield
    }) : () -> ()
    %add3A_43 = arith.constant 256 : i32
    %add3A_44 = arith.addi %mul3A_9, %add3A_43 : i32
    "tpu.region"() ({
      %run_scoped3A = tpu.sem_alloc : memref<!tpu.dma_semaphore, #tpu.memory_space<semaphore_mem>>
      %dma_start3A = arith.constant 0 : i32
      %dma_start3A_51 = tpu.memref_slice %arg6[%add3A_44, %dma_start3A] : memref<10368x128xf32, #tpu.memory_space<vmem_shared>> -> memref<128x128xf32, #tpu.memory_space<vmem_shared>>
      %dma_start3A_52 = arith.constant 0 : i32
      %dma_start3A_53 = tpu.memref_slice %arg6[%add3A_44, %dma_start3A_52] : memref<10368x128xf32, #tpu.memory_space<vmem_shared>> -> memref<128x128xf32, #tpu.memory_space<vmem_shared>>
      tpu.enqueue_dma source(%dma_start3A_53 : memref<128x128xf32, #tpu.memory_space<vmem_shared>>) target(%arg5 : memref<128x128xf32, #tpu.memory_space<vmem>>) target_semaphore(%run_scoped3A : memref<!tpu.dma_semaphore, #tpu.memory_space<semaphore_mem>>)
      %dma_wait3A = arith.constant 0 : i32
      %dma_wait3A_54 = tpu.memref_slice %arg6[%add3A_44, %dma_wait3A] : memref<10368x128xf32, #tpu.memory_space<vmem_shared>> -> memref<128x128xf32, #tpu.memory_space<vmem_shared>>
      %dma_wait3A_55 = arith.constant 0 : i32
      %dma_wait3A_56 = tpu.memref_slice %arg6[%add3A_44, %dma_wait3A_55] : memref<10368x128xf32, #tpu.memory_space<vmem_shared>> -> memref<128x128xf32, #tpu.memory_space<vmem_shared>>
      tpu.wait_dma2 semaphore(%run_scoped3A : memref<!tpu.dma_semaphore, #tpu.memory_space<semaphore_mem>>) src(%dma_wait3A_56 : memref<128x128xf32, #tpu.memory_space<vmem_shared>>) dst(%arg5 : memref<128x128xf32, #tpu.memory_space<vmem>>)
      tpu.yield
    }) : () -> ()
    "tpu.region"() ({
      %run_scoped3A = tpu.sem_alloc : memref<!tpu.dma_semaphore, #tpu.memory_space<semaphore_mem>>
      %dma_start3A = arith.constant 0 : i32
      %dma_start3A_51 = tpu.memref_slice %arg3[%arg0, %add3A_44, %dma_start3A] : memref<2x10368x128xf32, #tpu.memory_space<hbm>> -> memref<1x128x128xf32, #tpu.memory_space<hbm>>
      %dma_start3A_52 = tpu.memref_squeeze %dma_start3A_51 : memref<1x128x128xf32, #tpu.memory_space<hbm>> -> memref<128x128xf32, #tpu.memory_space<hbm>>
      %dma_start3A_53 = arith.constant 0 : i32
      %dma_start3A_54 = tpu.memref_slice %arg3[%arg0, %add3A_44, %dma_start3A_53] : memref<2x10368x128xf32, #tpu.memory_space<hbm>> -> memref<1x128x128xf32, #tpu.memory_space<hbm>>
      %dma_start3A_55 = tpu.memref_squeeze %dma_start3A_54 : memref<1x128x128xf32, #tpu.memory_space<hbm>> -> memref<128x128xf32, #tpu.memory_space<hbm>>
      tpu.enqueue_dma source(%arg5 : memref<128x128xf32, #tpu.memory_space<vmem>>) target(%dma_start3A_55 : memref<128x128xf32, #tpu.memory_space<hbm>>) target_semaphore(%run_scoped3A : memref<!tpu.dma_semaphore, #tpu.memory_space<semaphore_mem>>)
      %dma_wait3A = arith.constant 0 : i32
      %dma_wait3A_56 = tpu.memref_slice %arg3[%arg0, %add3A_44, %dma_wait3A] : memref<2x10368x128xf32, #tpu.memory_space<hbm>> -> memref<1x128x128xf32, #tpu.memory_space<hbm>>
      %dma_wait3A_57 = tpu.memref_squeeze %dma_wait3A_56 : memref<1x128x128xf32, #tpu.memory_space<hbm>> -> memref<128x128xf32, #tpu.memory_space<hbm>>
      %dma_wait3A_58 = arith.constant 0 : i32
      %dma_wait3A_59 = tpu.memref_slice %arg3[%arg0, %add3A_44, %dma_wait3A_58] : memref<2x10368x128xf32, #tpu.memory_space<hbm>> -> memref<1x128x128xf32, #tpu.memory_space<hbm>>
      %dma_wait3A_60 = tpu.memref_squeeze %dma_wait3A_59 : memref<1x128x128xf32, #tpu.memory_space<hbm>> -> memref<128x128xf32, #tpu.memory_space<hbm>>
      tpu.wait_dma2 semaphore(%run_scoped3A : memref<!tpu.dma_semaphore, #tpu.memory_space<semaphore_mem>>) src(%arg5 : memref<128x128xf32, #tpu.memory_space<vmem>>) dst(%dma_wait3A_60 : memref<128x128xf32, #tpu.memory_space<hbm>>)
      tpu.yield
    }) : () -> ()
    %add3A_45 = arith.constant 384 : i32
    %add3A_46 = arith.addi %mul3A_9, %add3A_45 : i32
    "tpu.region"() ({
      %run_scoped3A = tpu.sem_alloc : memref<!tpu.dma_semaphore, #tpu.memory_space<semaphore_mem>>
      %dma_start3A = arith.constant 0 : i32
      %dma_start3A_51 = tpu.memref_slice %arg6[%add3A_46, %dma_start3A] : memref<10368x128xf32, #tpu.memory_space<vmem_shared>> -> memref<128x128xf32, #tpu.memory_space<vmem_shared>>
      %dma_start3A_52 = arith.constant 0 : i32
      %dma_start3A_53 = tpu.memref_slice %arg6[%add3A_46, %dma_start3A_52] : memref<10368x128xf32, #tpu.memory_space<vmem_shared>> -> memref<128x128xf32, #tpu.memory_space<vmem_shared>>
      tpu.enqueue_dma source(%dma_start3A_53 : memref<128x128xf32, #tpu.memory_space<vmem_shared>>) target(%arg5 : memref<128x128xf32, #tpu.memory_space<vmem>>) target_semaphore(%run_scoped3A : memref<!tpu.dma_semaphore, #tpu.memory_space<semaphore_mem>>)
      %dma_wait3A = arith.constant 0 : i32
      %dma_wait3A_54 = tpu.memref_slice %arg6[%add3A_46, %dma_wait3A] : memref<10368x128xf32, #tpu.memory_space<vmem_shared>> -> memref<128x128xf32, #tpu.memory_space<vmem_shared>>
      %dma_wait3A_55 = arith.constant 0 : i32
      %dma_wait3A_56 = tpu.memref_slice %arg6[%add3A_46, %dma_wait3A_55] : memref<10368x128xf32, #tpu.memory_space<vmem_shared>> -> memref<128x128xf32, #tpu.memory_space<vmem_shared>>
      tpu.wait_dma2 semaphore(%run_scoped3A : memref<!tpu.dma_semaphore, #tpu.memory_space<semaphore_mem>>) src(%dma_wait3A_56 : memref<128x128xf32, #tpu.memory_space<vmem_shared>>) dst(%arg5 : memref<128x128xf32, #tpu.memory_space<vmem>>)
      tpu.yield
    }) : () -> ()
    "tpu.region"() ({
      %run_scoped3A = tpu.sem_alloc : memref<!tpu.dma_semaphore, #tpu.memory_space<semaphore_mem>>
      %dma_start3A = arith.constant 0 : i32
      %dma_start3A_51 = tpu.memref_slice %arg3[%arg0, %add3A_46, %dma_start3A] : memref<2x10368x128xf32, #tpu.memory_space<hbm>> -> memref<1x128x128xf32, #tpu.memory_space<hbm>>
      %dma_start3A_52 = tpu.memref_squeeze %dma_start3A_51 : memref<1x128x128xf32, #tpu.memory_space<hbm>> -> memref<128x128xf32, #tpu.memory_space<hbm>>
      %dma_start3A_53 = arith.constant 0 : i32
      %dma_start3A_54 = tpu.memref_slice %arg3[%arg0, %add3A_46, %dma_start3A_53] : memref<2x10368x128xf32, #tpu.memory_space<hbm>> -> memref<1x128x128xf32, #tpu.memory_space<hbm>>
      %dma_start3A_55 = tpu.memref_squeeze %dma_start3A_54 : memref<1x128x128xf32, #tpu.memory_space<hbm>> -> memref<128x128xf32, #tpu.memory_space<hbm>>
      tpu.enqueue_dma source(%arg5 : memref<128x128xf32, #tpu.memory_space<vmem>>) target(%dma_start3A_55 : memref<128x128xf32, #tpu.memory_space<hbm>>) target_semaphore(%run_scoped3A : memref<!tpu.dma_semaphore, #tpu.memory_space<semaphore_mem>>)
      %dma_wait3A = arith.constant 0 : i32
      %dma_wait3A_56 = tpu.memref_slice %arg3[%arg0, %add3A_46, %dma_wait3A] : memref<2x10368x128xf32, #tpu.memory_space<hbm>> -> memref<1x128x128xf32, #tpu.memory_space<hbm>>
      %dma_wait3A_57 = tpu.memref_squeeze %dma_wait3A_56 : memref<1x128x128xf32, #tpu.memory_space<hbm>> -> memref<128x128xf32, #tpu.memory_space<hbm>>
      %dma_wait3A_58 = arith.constant 0 : i32
      %dma_wait3A_59 = tpu.memref_slice %arg3[%arg0, %add3A_46, %dma_wait3A_58] : memref<2x10368x128xf32, #tpu.memory_space<hbm>> -> memref<1x128x128xf32, #tpu.memory_space<hbm>>
      %dma_wait3A_60 = tpu.memref_squeeze %dma_wait3A_59 : memref<1x128x128xf32, #tpu.memory_space<hbm>> -> memref<128x128xf32, #tpu.memory_space<hbm>>
      tpu.wait_dma2 semaphore(%run_scoped3A : memref<!tpu.dma_semaphore, #tpu.memory_space<semaphore_mem>>) src(%arg5 : memref<128x128xf32, #tpu.memory_space<vmem>>) dst(%dma_wait3A_60 : memref<128x128xf32, #tpu.memory_space<hbm>>)
      tpu.yield
    }) : () -> ()
    %add3A_47 = arith.constant 512 : i32
    %add3A_48 = arith.addi %mul3A_9, %add3A_47 : i32
    "tpu.region"() ({
      %run_scoped3A = tpu.sem_alloc : memref<!tpu.dma_semaphore, #tpu.memory_space<semaphore_mem>>
      %dma_start3A = arith.constant 0 : i32
      %dma_start3A_51 = tpu.memref_slice %arg6[%add3A_48, %dma_start3A] : memref<10368x128xf32, #tpu.memory_space<vmem_shared>> -> memref<128x128xf32, #tpu.memory_space<vmem_shared>>
      %dma_start3A_52 = arith.constant 0 : i32
      %dma_start3A_53 = tpu.memref_slice %arg6[%add3A_48, %dma_start3A_52] : memref<10368x128xf32, #tpu.memory_space<vmem_shared>> -> memref<128x128xf32, #tpu.memory_space<vmem_shared>>
      tpu.enqueue_dma source(%dma_start3A_53 : memref<128x128xf32, #tpu.memory_space<vmem_shared>>) target(%arg5 : memref<128x128xf32, #tpu.memory_space<vmem>>) target_semaphore(%run_scoped3A : memref<!tpu.dma_semaphore, #tpu.memory_space<semaphore_mem>>)
      %dma_wait3A = arith.constant 0 : i32
      %dma_wait3A_54 = tpu.memref_slice %arg6[%add3A_48, %dma_wait3A] : memref<10368x128xf32, #tpu.memory_space<vmem_shared>> -> memref<128x128xf32, #tpu.memory_space<vmem_shared>>
      %dma_wait3A_55 = arith.constant 0 : i32
      %dma_wait3A_56 = tpu.memref_slice %arg6[%add3A_48, %dma_wait3A_55] : memref<10368x128xf32, #tpu.memory_space<vmem_shared>> -> memref<128x128xf32, #tpu.memory_space<vmem_shared>>
      tpu.wait_dma2 semaphore(%run_scoped3A : memref<!tpu.dma_semaphore, #tpu.memory_space<semaphore_mem>>) src(%dma_wait3A_56 : memref<128x128xf32, #tpu.memory_space<vmem_shared>>) dst(%arg5 : memref<128x128xf32, #tpu.memory_space<vmem>>)
      tpu.yield
    }) : () -> ()
    "tpu.region"() ({
      %run_scoped3A = tpu.sem_alloc : memref<!tpu.dma_semaphore, #tpu.memory_space<semaphore_mem>>
      %dma_start3A = arith.constant 0 : i32
      %dma_start3A_51 = tpu.memref_slice %arg3[%arg0, %add3A_48, %dma_start3A] : memref<2x10368x128xf32, #tpu.memory_space<hbm>> -> memref<1x128x128xf32, #tpu.memory_space<hbm>>
      %dma_start3A_52 = tpu.memref_squeeze %dma_start3A_51 : memref<1x128x128xf32, #tpu.memory_space<hbm>> -> memref<128x128xf32, #tpu.memory_space<hbm>>
      %dma_start3A_53 = arith.constant 0 : i32
      %dma_start3A_54 = tpu.memref_slice %arg3[%arg0, %add3A_48, %dma_start3A_53] : memref<2x10368x128xf32, #tpu.memory_space<hbm>> -> memref<1x128x128xf32, #tpu.memory_space<hbm>>
      %dma_start3A_55 = tpu.memref_squeeze %dma_start3A_54 : memref<1x128x128xf32, #tpu.memory_space<hbm>> -> memref<128x128xf32, #tpu.memory_space<hbm>>
      tpu.enqueue_dma source(%arg5 : memref<128x128xf32, #tpu.memory_space<vmem>>) target(%dma_start3A_55 : memref<128x128xf32, #tpu.memory_space<hbm>>) target_semaphore(%run_scoped3A : memref<!tpu.dma_semaphore, #tpu.memory_space<semaphore_mem>>)
      %dma_wait3A = arith.constant 0 : i32
      %dma_wait3A_56 = tpu.memref_slice %arg3[%arg0, %add3A_48, %dma_wait3A] : memref<2x10368x128xf32, #tpu.memory_space<hbm>> -> memref<1x128x128xf32, #tpu.memory_space<hbm>>
      %dma_wait3A_57 = tpu.memref_squeeze %dma_wait3A_56 : memref<1x128x128xf32, #tpu.memory_space<hbm>> -> memref<128x128xf32, #tpu.memory_space<hbm>>
      %dma_wait3A_58 = arith.constant 0 : i32
      %dma_wait3A_59 = tpu.memref_slice %arg3[%arg0, %add3A_48, %dma_wait3A_58] : memref<2x10368x128xf32, #tpu.memory_space<hbm>> -> memref<1x128x128xf32, #tpu.memory_space<hbm>>
      %dma_wait3A_60 = tpu.memref_squeeze %dma_wait3A_59 : memref<1x128x128xf32, #tpu.memory_space<hbm>> -> memref<128x128xf32, #tpu.memory_space<hbm>>
      tpu.wait_dma2 semaphore(%run_scoped3A : memref<!tpu.dma_semaphore, #tpu.memory_space<semaphore_mem>>) src(%arg5 : memref<128x128xf32, #tpu.memory_space<vmem>>) dst(%dma_wait3A_60 : memref<128x128xf32, #tpu.memory_space<hbm>>)
      tpu.yield
    }) : () -> ()
    %add3A_49 = arith.constant 640 : i32
    %add3A_50 = arith.addi %mul3A_9, %add3A_49 : i32
    "tpu.region"() ({
      %run_scoped3A = tpu.sem_alloc : memref<!tpu.dma_semaphore, #tpu.memory_space<semaphore_mem>>
      %dma_start3A = arith.constant 0 : i32
      %dma_start3A_51 = arith.constant 0 : i32
      %dma_start3A_52 = tpu.memref_slice %arg5[%dma_start3A, %dma_start3A_51] : memref<128x128xf32, #tpu.memory_space<vmem>> -> memref<8x128xf32, #tpu.memory_space<vmem>>
      %dma_start3A_53 = arith.constant 0 : i32
      %dma_start3A_54 = tpu.memref_slice %arg6[%add3A_50, %dma_start3A_53] : memref<10368x128xf32, #tpu.memory_space<vmem_shared>> -> memref<8x128xf32, #tpu.memory_space<vmem_shared>>
      %dma_start3A_55 = arith.constant 0 : i32
      %dma_start3A_56 = arith.constant 0 : i32
      %dma_start3A_57 = tpu.memref_slice %arg5[%dma_start3A_55, %dma_start3A_56] : memref<128x128xf32, #tpu.memory_space<vmem>> -> memref<8x128xf32, #tpu.memory_space<vmem>>
      %dma_start3A_58 = arith.constant 0 : i32
      %dma_start3A_59 = tpu.memref_slice %arg6[%add3A_50, %dma_start3A_58] : memref<10368x128xf32, #tpu.memory_space<vmem_shared>> -> memref<8x128xf32, #tpu.memory_space<vmem_shared>>
      tpu.enqueue_dma source(%dma_start3A_59 : memref<8x128xf32, #tpu.memory_space<vmem_shared>>) target(%dma_start3A_57 : memref<8x128xf32, #tpu.memory_space<vmem>>) target_semaphore(%run_scoped3A : memref<!tpu.dma_semaphore, #tpu.memory_space<semaphore_mem>>)
      %dma_wait3A = arith.constant 0 : i32
      %dma_wait3A_60 = arith.constant 0 : i32
      %dma_wait3A_61 = tpu.memref_slice %arg5[%dma_wait3A, %dma_wait3A_60] : memref<128x128xf32, #tpu.memory_space<vmem>> -> memref<8x128xf32, #tpu.memory_space<vmem>>
      %dma_wait3A_62 = arith.constant 0 : i32
      %dma_wait3A_63 = tpu.memref_slice %arg6[%add3A_50, %dma_wait3A_62] : memref<10368x128xf32, #tpu.memory_space<vmem_shared>> -> memref<8x128xf32, #tpu.memory_space<vmem_shared>>
      %dma_wait3A_64 = arith.constant 0 : i32
      %dma_wait3A_65 = arith.constant 0 : i32
      %dma_wait3A_66 = tpu.memref_slice %arg5[%dma_wait3A_64, %dma_wait3A_65] : memref<128x128xf32, #tpu.memory_space<vmem>> -> memref<8x128xf32, #tpu.memory_space<vmem>>
      %dma_wait3A_67 = arith.constant 0 : i32
      %dma_wait3A_68 = tpu.memref_slice %arg6[%add3A_50, %dma_wait3A_67] : memref<10368x128xf32, #tpu.memory_space<vmem_shared>> -> memref<8x128xf32, #tpu.memory_space<vmem_shared>>
      tpu.wait_dma2 semaphore(%run_scoped3A : memref<!tpu.dma_semaphore, #tpu.memory_space<semaphore_mem>>) src(%dma_wait3A_68 : memref<8x128xf32, #tpu.memory_space<vmem_shared>>) dst(%dma_wait3A_66 : memref<8x128xf32, #tpu.memory_space<vmem>>)
      tpu.yield
    }) : () -> ()
    "tpu.region"() ({
      %run_scoped3A = tpu.sem_alloc : memref<!tpu.dma_semaphore, #tpu.memory_space<semaphore_mem>>
      %dma_start3A = arith.constant 0 : i32
      %dma_start3A_51 = arith.constant 0 : i32
      %dma_start3A_52 = tpu.memref_slice %arg5[%dma_start3A, %dma_start3A_51] : memref<128x128xf32, #tpu.memory_space<vmem>> -> memref<8x128xf32, #tpu.memory_space<vmem>>
      %dma_start3A_53 = arith.constant 0 : i32
      %dma_start3A_54 = tpu.memref_slice %arg3[%arg0, %add3A_50, %dma_start3A_53] : memref<2x10368x128xf32, #tpu.memory_space<hbm>> -> memref<1x8x128xf32, #tpu.memory_space<hbm>>
      %dma_start3A_55 = tpu.memref_squeeze %dma_start3A_54 : memref<1x8x128xf32, #tpu.memory_space<hbm>> -> memref<8x128xf32, #tpu.memory_space<hbm>>
      %dma_start3A_56 = arith.constant 0 : i32
      %dma_start3A_57 = tpu.memref_slice %arg3[%arg0, %add3A_50, %dma_start3A_56] : memref<2x10368x128xf32, #tpu.memory_space<hbm>> -> memref<1x8x128xf32, #tpu.memory_space<hbm>>
      %dma_start3A_58 = tpu.memref_squeeze %dma_start3A_57 : memref<1x8x128xf32, #tpu.memory_space<hbm>> -> memref<8x128xf32, #tpu.memory_space<hbm>>
      %dma_start3A_59 = arith.constant 0 : i32
      %dma_start3A_60 = arith.constant 0 : i32
      %dma_start3A_61 = tpu.memref_slice %arg5[%dma_start3A_59, %dma_start3A_60] : memref<128x128xf32, #tpu.memory_space<vmem>> -> memref<8x128xf32, #tpu.memory_space<vmem>>
      tpu.enqueue_dma source(%dma_start3A_61 : memref<8x128xf32, #tpu.memory_space<vmem>>) target(%dma_start3A_58 : memref<8x128xf32, #tpu.memory_space<hbm>>) target_semaphore(%run_scoped3A : memref<!tpu.dma_semaphore, #tpu.memory_space<semaphore_mem>>)
      %dma_wait3A = arith.constant 0 : i32
      %dma_wait3A_62 = arith.constant 0 : i32
      %dma_wait3A_63 = tpu.memref_slice %arg5[%dma_wait3A, %dma_wait3A_62] : memref<128x128xf32, #tpu.memory_space<vmem>> -> memref<8x128xf32, #tpu.memory_space<vmem>>
      %dma_wait3A_64 = arith.constant 0 : i32
      %dma_wait3A_65 = tpu.memref_slice %arg3[%arg0, %add3A_50, %dma_wait3A_64] : memref<2x10368x128xf32, #tpu.memory_space<hbm>> -> memref<1x8x128xf32, #tpu.memory_space<hbm>>
      %dma_wait3A_66 = tpu.memref_squeeze %dma_wait3A_65 : memref<1x8x128xf32, #tpu.memory_space<hbm>> -> memref<8x128xf32, #tpu.memory_space<hbm>>
      %dma_wait3A_67 = arith.constant 0 : i32
      %dma_wait3A_68 = tpu.memref_slice %arg3[%arg0, %add3A_50, %dma_wait3A_67] : memref<2x10368x128xf32, #tpu.memory_space<hbm>> -> memref<1x8x128xf32, #tpu.memory_space<hbm>>
      %dma_wait3A_69 = tpu.memref_squeeze %dma_wait3A_68 : memref<1x8x128xf32, #tpu.memory_space<hbm>> -> memref<8x128xf32, #tpu.memory_space<hbm>>
      %dma_wait3A_70 = arith.constant 0 : i32
      %dma_wait3A_71 = arith.constant 0 : i32
      %dma_wait3A_72 = tpu.memref_slice %arg5[%dma_wait3A_70, %dma_wait3A_71] : memref<128x128xf32, #tpu.memory_space<vmem>> -> memref<8x128xf32, #tpu.memory_space<vmem>>
      tpu.wait_dma2 semaphore(%run_scoped3A : memref<!tpu.dma_semaphore, #tpu.memory_space<semaphore_mem>>) src(%dma_wait3A_72 : memref<8x128xf32, #tpu.memory_space<vmem>>) dst(%dma_wait3A_69 : memref<8x128xf32, #tpu.memory_space<hbm>>)
      tpu.yield
    }) : () -> ()
    return
  }
}

#map = affine_map<(d0, d1) -> (0, 0)>
#map1 = affine_map<(d0, d1) -> (0, 0, 0)>
module attributes {stable_mosaic.version = 14 : i64} {
  func.func @_edge_kernel(%arg0: i32, %arg1: i32, %arg2: memref<10000x128xf32, #tpu.memory_space<hbm>>, %arg3: memref<32x79x128xi32, #tpu.memory_space<hbm>>, %arg4: memref<32x79x128xi32, #tpu.memory_space<hbm>>, %arg5: memref<2x10368x128xf32, #tpu.memory_space<hbm>>, %arg6: memref<79x128xi32, #tpu.memory_space<vmem>>, %arg7: memref<2x128xi32, #tpu.memory_space<vmem>>, %arg8: memref<2x128x128xf32, #tpu.memory_space<vmem>>, %arg9: memref<10368x128xf32, #tpu.memory_space<vmem_shared>>, %arg10: memref<2x!tpu.dma_semaphore, #tpu.memory_space<semaphore_mem>>, %arg11: memref<2x!tpu.dma_semaphore, #tpu.memory_space<semaphore_mem>>, %arg12: memref<2x!tpu.dma_semaphore, #tpu.memory_space<semaphore_mem>>) attributes {dimension_semantics = [#tpu.dimension_semantics<core_parallel>, #tpu.dimension_semantics<subcore_parallel>], iteration_bounds = array<i64: 2, 16>, scalar_prefetch = 0 : i64, scratch_operands = 7 : i64, tpu.core_type = #tpu.core_type<sc_vector_subcore>, window_params = [{transform_indices = #map}, {transform_indices = #map1}, {transform_indices = #map1}, {transform_indices = #map1}]} {
    %mul3A = arith.constant 2 : i32
    %mul3A_0 = arith.muli %arg1, %mul3A : i32
    %add3A = arith.addi %mul3A_0, %arg0 : i32
    "tpu.region"() ({
      %run_scoped3A_104 = tpu.sem_alloc : memref<!tpu.dma_semaphore, #tpu.memory_space<semaphore_mem>>
      %dma_start3A_105 = arith.constant 0 : i32
      %dma_start3A_106 = arith.constant 0 : i32
      %dma_start3A_107 = tpu.memref_slice %arg3[%add3A, %dma_start3A_105, %dma_start3A_106] : memref<32x79x128xi32, #tpu.memory_space<hbm>> -> memref<1x79x128xi32, #tpu.memory_space<hbm>>
      %dma_start3A_108 = tpu.memref_squeeze %dma_start3A_107 : memref<1x79x128xi32, #tpu.memory_space<hbm>> -> memref<79x128xi32, #tpu.memory_space<hbm>>
      %dma_start3A_109 = arith.constant 0 : i32
      %dma_start3A_110 = arith.constant 0 : i32
      %dma_start3A_111 = tpu.memref_slice %arg3[%add3A, %dma_start3A_109, %dma_start3A_110] : memref<32x79x128xi32, #tpu.memory_space<hbm>> -> memref<1x79x128xi32, #tpu.memory_space<hbm>>
      %dma_start3A_112 = tpu.memref_squeeze %dma_start3A_111 : memref<1x79x128xi32, #tpu.memory_space<hbm>> -> memref<79x128xi32, #tpu.memory_space<hbm>>
      tpu.enqueue_dma source(%dma_start3A_112 : memref<79x128xi32, #tpu.memory_space<hbm>>) target(%arg6 : memref<79x128xi32, #tpu.memory_space<vmem>>) target_semaphore(%run_scoped3A_104 : memref<!tpu.dma_semaphore, #tpu.memory_space<semaphore_mem>>)
      %dma_wait3A_113 = arith.constant 0 : i32
      %dma_wait3A_114 = arith.constant 0 : i32
      %dma_wait3A_115 = tpu.memref_slice %arg3[%add3A, %dma_wait3A_113, %dma_wait3A_114] : memref<32x79x128xi32, #tpu.memory_space<hbm>> -> memref<1x79x128xi32, #tpu.memory_space<hbm>>
      %dma_wait3A_116 = tpu.memref_squeeze %dma_wait3A_115 : memref<1x79x128xi32, #tpu.memory_space<hbm>> -> memref<79x128xi32, #tpu.memory_space<hbm>>
      %dma_wait3A_117 = arith.constant 0 : i32
      %dma_wait3A_118 = arith.constant 0 : i32
      %dma_wait3A_119 = tpu.memref_slice %arg3[%add3A, %dma_wait3A_117, %dma_wait3A_118] : memref<32x79x128xi32, #tpu.memory_space<hbm>> -> memref<1x79x128xi32, #tpu.memory_space<hbm>>
      %dma_wait3A_120 = tpu.memref_squeeze %dma_wait3A_119 : memref<1x79x128xi32, #tpu.memory_space<hbm>> -> memref<79x128xi32, #tpu.memory_space<hbm>>
      tpu.wait_dma2 semaphore(%run_scoped3A_104 : memref<!tpu.dma_semaphore, #tpu.memory_space<semaphore_mem>>) src(%dma_wait3A_120 : memref<79x128xi32, #tpu.memory_space<hbm>>) dst(%arg6 : memref<79x128xi32, #tpu.memory_space<vmem>>)
      tpu.yield
    }) : () -> ()
    %broadcast_in_dim3A = arith.constant 0.000000e+00 : f32
    %broadcast_in_dim3A_1 = vector.broadcast %broadcast_in_dim3A : f32 to vector<16xf32>
    %scan3A = arith.constant 0 : i32
    %scan3A_2 = arith.constant 0 : i32
    %scan3A_3 = arith.constant 128 : i32
    %scan3A_4 = arith.addi %scan3A_2, %scan3A_3 : i32
    %scan3A_5 = arith.constant 1 : i32
    %scan3A_6 = scf.for %scan3A_104 = %scan3A_2 to %scan3A_4 step %scan3A_5 iter_args(%scan3A_105 = %scan3A) -> (i32)  : i32 {
      %swap3A = arith.constant 0 : i32
      %swap3A_106 = arith.index_cast %swap3A : i32 to index
      %swap3A_107 = arith.index_cast %scan3A_104 : i32 to index
      %swap3A_108 = arith.constant 0 : index
      %swap3A_109 = tpu.vector_load %arg8[%swap3A_106, %swap3A_107, %swap3A_108] {strides = array<i32>} : memref<2x128x128xf32, #tpu.memory_space<vmem>>, vector<1x1x16xf32>,
      %swap3A_110 = vector.shape_cast %swap3A_109 : vector<1x1x16xf32> to vector<16xf32>
      %swap3A_111 = vector.shape_cast %broadcast_in_dim3A_1 : vector<16xf32> to vector<1x1x16xf32>
      tpu.vector_store %arg8[%swap3A_106, %swap3A_107, %swap3A_108], %swap3A_111 {strides = array<i32>} : memref<2x128x128xf32, #tpu.memory_space<vmem>>, vector<1x1x16xf32>,
      %swap3A_112 = arith.constant 0 : i32
      %swap3A_113 = arith.index_cast %swap3A_112 : i32 to index
      %swap3A_114 = arith.index_cast %scan3A_104 : i32 to index
      %swap3A_115 = arith.constant 16 : index
      %swap3A_116 = tpu.vector_load %arg8[%swap3A_113, %swap3A_114, %swap3A_115] {strides = array<i32>} : memref<2x128x128xf32, #tpu.memory_space<vmem>>, vector<1x1x16xf32>,
      %swap3A_117 = vector.shape_cast %swap3A_116 : vector<1x1x16xf32> to vector<16xf32>
      %swap3A_118 = vector.shape_cast %broadcast_in_dim3A_1 : vector<16xf32> to vector<1x1x16xf32>
      tpu.vector_store %arg8[%swap3A_113, %swap3A_114, %swap3A_115], %swap3A_118 {strides = array<i32>} : memref<2x128x128xf32, #tpu.memory_space<vmem>>, vector<1x1x16xf32>,
      %swap3A_119 = arith.constant 0 : i32
      %swap3A_120 = arith.index_cast %swap3A_119 : i32 to index
      %swap3A_121 = arith.index_cast %scan3A_104 : i32 to index
      %swap3A_122 = arith.constant 32 : index
      %swap3A_123 = tpu.vector_load %arg8[%swap3A_120, %swap3A_121, %swap3A_122] {strides = array<i32>} : memref<2x128x128xf32, #tpu.memory_space<vmem>>, vector<1x1x16xf32>,
      %swap3A_124 = vector.shape_cast %swap3A_123 : vector<1x1x16xf32> to vector<16xf32>
      %swap3A_125 = vector.shape_cast %broadcast_in_dim3A_1 : vector<16xf32> to vector<1x1x16xf32>
      tpu.vector_store %arg8[%swap3A_120, %swap3A_121, %swap3A_122], %swap3A_125 {strides = array<i32>} : memref<2x128x128xf32, #tpu.memory_space<vmem>>, vector<1x1x16xf32>,
      %swap3A_126 = arith.constant 0 : i32
      %swap3A_127 = arith.index_cast %swap3A_126 : i32 to index
      %swap3A_128 = arith.index_cast %scan3A_104 : i32 to index
      %swap3A_129 = arith.constant 48 : index
      %swap3A_130 = tpu.vector_load %arg8[%swap3A_127, %swap3A_128, %swap3A_129] {strides = array<i32>} : memref<2x128x128xf32, #tpu.memory_space<vmem>>, vector<1x1x16xf32>,
      %swap3A_131 = vector.shape_cast %swap3A_130 : vector<1x1x16xf32> to vector<16xf32>
      %swap3A_132 = vector.shape_cast %broadcast_in_dim3A_1 : vector<16xf32> to vector<1x1x16xf32>
      tpu.vector_store %arg8[%swap3A_127, %swap3A_128, %swap3A_129], %swap3A_132 {strides = array<i32>} : memref<2x128x128xf32, #tpu.memory_space<vmem>>, vector<1x1x16xf32>,
      %swap3A_133 = arith.constant 0 : i32
      %swap3A_134 = arith.index_cast %swap3A_133 : i32 to index
      %swap3A_135 = arith.index_cast %scan3A_104 : i32 to index
      %swap3A_136 = arith.constant 64 : index
      %swap3A_137 = tpu.vector_load %arg8[%swap3A_134, %swap3A_135, %swap3A_136] {strides = array<i32>} : memref<2x128x128xf32, #tpu.memory_space<vmem>>, vector<1x1x16xf32>,
      %swap3A_138 = vector.shape_cast %swap3A_137 : vector<1x1x16xf32> to vector<16xf32>
      %swap3A_139 = vector.shape_cast %broadcast_in_dim3A_1 : vector<16xf32> to vector<1x1x16xf32>
      tpu.vector_store %arg8[%swap3A_134, %swap3A_135, %swap3A_136], %swap3A_139 {strides = array<i32>} : memref<2x128x128xf32, #tpu.memory_space<vmem>>, vector<1x1x16xf32>,
      %swap3A_140 = arith.constant 0 : i32
      %swap3A_141 = arith.index_cast %swap3A_140 : i32 to index
      %swap3A_142 = arith.index_cast %scan3A_104 : i32 to index
      %swap3A_143 = arith.constant 80 : index
      %swap3A_144 = tpu.vector_load %arg8[%swap3A_141, %swap3A_142, %swap3A_143] {strides = array<i32>} : memref<2x128x128xf32, #tpu.memory_space<vmem>>, vector<1x1x16xf32>,
      %swap3A_145 = vector.shape_cast %swap3A_144 : vector<1x1x16xf32> to vector<16xf32>
      %swap3A_146 = vector.shape_cast %broadcast_in_dim3A_1 : vector<16xf32> to vector<1x1x16xf32>
      tpu.vector_store %arg8[%swap3A_141, %swap3A_142, %swap3A_143], %swap3A_146 {strides = array<i32>} : memref<2x128x128xf32, #tpu.memory_space<vmem>>, vector<1x1x16xf32>,
      %swap3A_147 = arith.constant 0 : i32
      %swap3A_148 = arith.index_cast %swap3A_147 : i32 to index
      %swap3A_149 = arith.index_cast %scan3A_104 : i32 to index
      %swap3A_150 = arith.constant 96 : index
      %swap3A_151 = tpu.vector_load %arg8[%swap3A_148, %swap3A_149, %swap3A_150] {strides = array<i32>} : memref<2x128x128xf32, #tpu.memory_space<vmem>>, vector<1x1x16xf32>,
      %swap3A_152 = vector.shape_cast %swap3A_151 : vector<1x1x16xf32> to vector<16xf32>
      %swap3A_153 = vector.shape_cast %broadcast_in_dim3A_1 : vector<16xf32> to vector<1x1x16xf32>
      tpu.vector_store %arg8[%swap3A_148, %swap3A_149, %swap3A_150], %swap3A_153 {strides = array<i32>} : memref<2x128x128xf32, #tpu.memory_space<vmem>>, vector<1x1x16xf32>,
      %swap3A_154 = arith.constant 0 : i32
      %swap3A_155 = arith.index_cast %swap3A_154 : i32 to index
      %swap3A_156 = arith.index_cast %scan3A_104 : i32 to index
      %swap3A_157 = arith.constant 112 : index
      %swap3A_158 = tpu.vector_load %arg8[%swap3A_155, %swap3A_156, %swap3A_157] {strides = array<i32>} : memref<2x128x128xf32, #tpu.memory_space<vmem>>, vector<1x1x16xf32>,
      %swap3A_159 = vector.shape_cast %swap3A_158 : vector<1x1x16xf32> to vector<16xf32>
      %swap3A_160 = vector.shape_cast %broadcast_in_dim3A_1 : vector<16xf32> to vector<1x1x16xf32>
      tpu.vector_store %arg8[%swap3A_155, %swap3A_156, %swap3A_157], %swap3A_160 {strides = array<i32>} : memref<2x128x128xf32, #tpu.memory_space<vmem>>, vector<1x1x16xf32>,
      %scan3A_161 = arith.constant 0 : i32
      scf.yield %scan3A_161 : i32
    }
    %scan3A_7 = arith.constant 128 : i32
    %mul3A_8 = arith.constant 648 : i32
    %mul3A_9 = arith.muli %arg1, %mul3A_8 : i32
    %add3A_10 = arith.constant 0 : i32
    %add3A_11 = arith.addi %mul3A_9, %add3A_10 : i32
    %run_scoped3A = arith.constant 0 : i32
    "tpu.region"() ({
      %run_scoped3A_104 = tpu.sem_alloc : memref<!tpu.dma_semaphore, #tpu.memory_space<semaphore_mem>>
      %dma_start3A_105 = arith.constant 0 : i32
      %dma_start3A_106 = arith.constant 0 : i32
      %dma_start3A_107 = tpu.memref_slice %arg8[%run_scoped3A, %dma_start3A_105, %dma_start3A_106] : memref<2x128x128xf32, #tpu.memory_space<vmem>> -> memref<1x128x128xf32, #tpu.memory_space<vmem>>
      %dma_start3A_108 = tpu.memref_squeeze %dma_start3A_107 : memref<1x128x128xf32, #tpu.memory_space<vmem>> -> memref<128x128xf32, #tpu.memory_space<vmem>>
      %dma_start3A_109 = arith.constant 0 : i32
      %dma_start3A_110 = tpu.memref_slice %arg9[%add3A_11, %dma_start3A_109] : memref<10368x128xf32, #tpu.memory_space<vmem_shared>> -> memref<128x128xf32, #tpu.memory_space<vmem_shared>>
      %dma_start3A_111 = arith.constant 0 : i32
      %dma_start3A_112 = tpu.memref_slice %arg9[%add3A_11, %dma_start3A_111] : memref<10368x128xf32, #tpu.memory_space<vmem_shared>> -> memref<128x128xf32, #tpu.memory_space<vmem_shared>>
      %dma_start3A_113 = arith.constant 0 : i32
      %dma_start3A_114 = arith.constant 0 : i32
      %dma_start3A_115 = tpu.memref_slice %arg8[%run_scoped3A, %dma_start3A_113, %dma_start3A_114] : memref<2x128x128xf32, #tpu.memory_space<vmem>> -> memref<1x128x128xf32, #tpu.memory_space<vmem>>
      %dma_start3A_116 = tpu.memref_squeeze %dma_start3A_115 : memref<1x128x128xf32, #tpu.memory_space<vmem>> -> memref<128x128xf32, #tpu.memory_space<vmem>>
      tpu.enqueue_dma source(%dma_start3A_116 : memref<128x128xf32, #tpu.memory_space<vmem>>) target(%dma_start3A_112 : memref<128x128xf32, #tpu.memory_space<vmem_shared>>) target_semaphore(%run_scoped3A_104 : memref<!tpu.dma_semaphore, #tpu.memory_space<semaphore_mem>>)
      %dma_wait3A_117 = arith.constant 0 : i32
      %dma_wait3A_118 = arith.constant 0 : i32
      %dma_wait3A_119 = tpu.memref_slice %arg8[%run_scoped3A, %dma_wait3A_117, %dma_wait3A_118] : memref<2x128x128xf32, #tpu.memory_space<vmem>> -> memref<1x128x128xf32, #tpu.memory_space<vmem>>
      %dma_wait3A_120 = tpu.memref_squeeze %dma_wait3A_119 : memref<1x128x128xf32, #tpu.memory_space<vmem>> -> memref<128x128xf32, #tpu.memory_space<vmem>>
      %dma_wait3A_121 = arith.constant 0 : i32
      %dma_wait3A_122 = tpu.memref_slice %arg9[%add3A_11, %dma_wait3A_121] : memref<10368x128xf32, #tpu.memory_space<vmem_shared>> -> memref<128x128xf32, #tpu.memory_space<vmem_shared>>
      %dma_wait3A_123 = arith.constant 0 : i32
      %dma_wait3A_124 = tpu.memref_slice %arg9[%add3A_11, %dma_wait3A_123] : memref<10368x128xf32, #tpu.memory_space<vmem_shared>> -> memref<128x128xf32, #tpu.memory_space<vmem_shared>>
      %dma_wait3A_125 = arith.constant 0 : i32
      %dma_wait3A_126 = arith.constant 0 : i32
      %dma_wait3A_127 = tpu.memref_slice %arg8[%run_scoped3A, %dma_wait3A_125, %dma_wait3A_126] : memref<2x128x128xf32, #tpu.memory_space<vmem>> -> memref<1x128x128xf32, #tpu.memory_space<vmem>>
      %dma_wait3A_128 = tpu.memref_squeeze %dma_wait3A_127 : memref<1x128x128xf32, #tpu.memory_space<vmem>> -> memref<128x128xf32, #tpu.memory_space<vmem>>
      tpu.wait_dma2 semaphore(%run_scoped3A_104 : memref<!tpu.dma_semaphore, #tpu.memory_space<semaphore_mem>>) src(%dma_wait3A_128 : memref<128x128xf32, #tpu.memory_space<vmem>>) dst(%dma_wait3A_124 : memref<128x128xf32, #tpu.memory_space<vmem_shared>>)
      tpu.yield
    }) : () -> ()
    %add3A_12 = arith.constant 128 : i32
    %add3A_13 = arith.addi %mul3A_9, %add3A_12 : i32
    %run_scoped3A_14 = arith.constant 0 : i32
    "tpu.region"() ({
      %run_scoped3A_104 = tpu.sem_alloc : memref<!tpu.dma_semaphore, #tpu.memory_space<semaphore_mem>>
      %dma_start3A_105 = arith.constant 0 : i32
      %dma_start3A_106 = arith.constant 0 : i32
      %dma_start3A_107 = tpu.memref_slice %arg8[%run_scoped3A_14, %dma_start3A_105, %dma_start3A_106] : memref<2x128x128xf32, #tpu.memory_space<vmem>> -> memref<1x128x128xf32, #tpu.memory_space<vmem>>
      %dma_start3A_108 = tpu.memref_squeeze %dma_start3A_107 : memref<1x128x128xf32, #tpu.memory_space<vmem>> -> memref<128x128xf32, #tpu.memory_space<vmem>>
      %dma_start3A_109 = arith.constant 0 : i32
      %dma_start3A_110 = tpu.memref_slice %arg9[%add3A_13, %dma_start3A_109] : memref<10368x128xf32, #tpu.memory_space<vmem_shared>> -> memref<128x128xf32, #tpu.memory_space<vmem_shared>>
      %dma_start3A_111 = arith.constant 0 : i32
      %dma_start3A_112 = tpu.memref_slice %arg9[%add3A_13, %dma_start3A_111] : memref<10368x128xf32, #tpu.memory_space<vmem_shared>> -> memref<128x128xf32, #tpu.memory_space<vmem_shared>>
      %dma_start3A_113 = arith.constant 0 : i32
      %dma_start3A_114 = arith.constant 0 : i32
      %dma_start3A_115 = tpu.memref_slice %arg8[%run_scoped3A_14, %dma_start3A_113, %dma_start3A_114] : memref<2x128x128xf32, #tpu.memory_space<vmem>> -> memref<1x128x128xf32, #tpu.memory_space<vmem>>
      %dma_start3A_116 = tpu.memref_squeeze %dma_start3A_115 : memref<1x128x128xf32, #tpu.memory_space<vmem>> -> memref<128x128xf32, #tpu.memory_space<vmem>>
      tpu.enqueue_dma source(%dma_start3A_116 : memref<128x128xf32, #tpu.memory_space<vmem>>) target(%dma_start3A_112 : memref<128x128xf32, #tpu.memory_space<vmem_shared>>) target_semaphore(%run_scoped3A_104 : memref<!tpu.dma_semaphore, #tpu.memory_space<semaphore_mem>>)
      %dma_wait3A_117 = arith.constant 0 : i32
      %dma_wait3A_118 = arith.constant 0 : i32
      %dma_wait3A_119 = tpu.memref_slice %arg8[%run_scoped3A_14, %dma_wait3A_117, %dma_wait3A_118] : memref<2x128x128xf32, #tpu.memory_space<vmem>> -> memref<1x128x128xf32, #tpu.memory_space<vmem>>
      %dma_wait3A_120 = tpu.memref_squeeze %dma_wait3A_119 : memref<1x128x128xf32, #tpu.memory_space<vmem>> -> memref<128x128xf32, #tpu.memory_space<vmem>>
      %dma_wait3A_121 = arith.constant 0 : i32
      %dma_wait3A_122 = tpu.memref_slice %arg9[%add3A_13, %dma_wait3A_121] : memref<10368x128xf32, #tpu.memory_space<vmem_shared>> -> memref<128x128xf32, #tpu.memory_space<vmem_shared>>
      %dma_wait3A_123 = arith.constant 0 : i32
      %dma_wait3A_124 = tpu.memref_slice %arg9[%add3A_13, %dma_wait3A_123] : memref<10368x128xf32, #tpu.memory_space<vmem_shared>> -> memref<128x128xf32, #tpu.memory_space<vmem_shared>>
      %dma_wait3A_125 = arith.constant 0 : i32
      %dma_wait3A_126 = arith.constant 0 : i32
      %dma_wait3A_127 = tpu.memref_slice %arg8[%run_scoped3A_14, %dma_wait3A_125, %dma_wait3A_126] : memref<2x128x128xf32, #tpu.memory_space<vmem>> -> memref<1x128x128xf32, #tpu.memory_space<vmem>>
      %dma_wait3A_128 = tpu.memref_squeeze %dma_wait3A_127 : memref<1x128x128xf32, #tpu.memory_space<vmem>> -> memref<128x128xf32, #tpu.memory_space<vmem>>
      tpu.wait_dma2 semaphore(%run_scoped3A_104 : memref<!tpu.dma_semaphore, #tpu.memory_space<semaphore_mem>>) src(%dma_wait3A_128 : memref<128x128xf32, #tpu.memory_space<vmem>>) dst(%dma_wait3A_124 : memref<128x128xf32, #tpu.memory_space<vmem_shared>>)
      tpu.yield
    }) : () -> ()
    %add3A_15 = arith.constant 256 : i32
    %add3A_16 = arith.addi %mul3A_9, %add3A_15 : i32
    %run_scoped3A_17 = arith.constant 0 : i32
    "tpu.region"() ({
      %run_scoped3A_104 = tpu.sem_alloc : memref<!tpu.dma_semaphore, #tpu.memory_space<semaphore_mem>>
      %dma_start3A_105 = arith.constant 0 : i32
      %dma_start3A_106 = arith.constant 0 : i32
      %dma_start3A_107 = tpu.memref_slice %arg8[%run_scoped3A_17, %dma_start3A_105, %dma_start3A_106] : memref<2x128x128xf32, #tpu.memory_space<vmem>> -> memref<1x128x128xf32, #tpu.memory_space<vmem>>
      %dma_start3A_108 = tpu.memref_squeeze %dma_start3A_107 : memref<1x128x128xf32, #tpu.memory_space<vmem>> -> memref<128x128xf32, #tpu.memory_space<vmem>>
      %dma_start3A_109 = arith.constant 0 : i32
      %dma_start3A_110 = tpu.memref_slice %arg9[%add3A_16, %dma_start3A_109] : memref<10368x128xf32, #tpu.memory_space<vmem_shared>> -> memref<128x128xf32, #tpu.memory_space<vmem_shared>>
      %dma_start3A_111 = arith.constant 0 : i32
      %dma_start3A_112 = tpu.memref_slice %arg9[%add3A_16, %dma_start3A_111] : memref<10368x128xf32, #tpu.memory_space<vmem_shared>> -> memref<128x128xf32, #tpu.memory_space<vmem_shared>>
      %dma_start3A_113 = arith.constant 0 : i32
      %dma_start3A_114 = arith.constant 0 : i32
      %dma_start3A_115 = tpu.memref_slice %arg8[%run_scoped3A_17, %dma_start3A_113, %dma_start3A_114] : memref<2x128x128xf32, #tpu.memory_space<vmem>> -> memref<1x128x128xf32, #tpu.memory_space<vmem>>
      %dma_start3A_116 = tpu.memref_squeeze %dma_start3A_115 : memref<1x128x128xf32, #tpu.memory_space<vmem>> -> memref<128x128xf32, #tpu.memory_space<vmem>>
      tpu.enqueue_dma source(%dma_start3A_116 : memref<128x128xf32, #tpu.memory_space<vmem>>) target(%dma_start3A_112 : memref<128x128xf32, #tpu.memory_space<vmem_shared>>) target_semaphore(%run_scoped3A_104 : memref<!tpu.dma_semaphore, #tpu.memory_space<semaphore_mem>>)
      %dma_wait3A_117 = arith.constant 0 : i32
      %dma_wait3A_118 = arith.constant 0 : i32
      %dma_wait3A_119 = tpu.memref_slice %arg8[%run_scoped3A_17, %dma_wait3A_117, %dma_wait3A_118] : memref<2x128x128xf32, #tpu.memory_space<vmem>> -> memref<1x128x128xf32, #tpu.memory_space<vmem>>
      %dma_wait3A_120 = tpu.memref_squeeze %dma_wait3A_119 : memref<1x128x128xf32, #tpu.memory_space<vmem>> -> memref<128x128xf32, #tpu.memory_space<vmem>>
      %dma_wait3A_121 = arith.constant 0 : i32
      %dma_wait3A_122 = tpu.memref_slice %arg9[%add3A_16, %dma_wait3A_121] : memref<10368x128xf32, #tpu.memory_space<vmem_shared>> -> memref<128x128xf32, #tpu.memory_space<vmem_shared>>
      %dma_wait3A_123 = arith.constant 0 : i32
      %dma_wait3A_124 = tpu.memref_slice %arg9[%add3A_16, %dma_wait3A_123] : memref<10368x128xf32, #tpu.memory_space<vmem_shared>> -> memref<128x128xf32, #tpu.memory_space<vmem_shared>>
      %dma_wait3A_125 = arith.constant 0 : i32
      %dma_wait3A_126 = arith.constant 0 : i32
      %dma_wait3A_127 = tpu.memref_slice %arg8[%run_scoped3A_17, %dma_wait3A_125, %dma_wait3A_126] : memref<2x128x128xf32, #tpu.memory_space<vmem>> -> memref<1x128x128xf32, #tpu.memory_space<vmem>>
      %dma_wait3A_128 = tpu.memref_squeeze %dma_wait3A_127 : memref<1x128x128xf32, #tpu.memory_space<vmem>> -> memref<128x128xf32, #tpu.memory_space<vmem>>
      tpu.wait_dma2 semaphore(%run_scoped3A_104 : memref<!tpu.dma_semaphore, #tpu.memory_space<semaphore_mem>>) src(%dma_wait3A_128 : memref<128x128xf32, #tpu.memory_space<vmem>>) dst(%dma_wait3A_124 : memref<128x128xf32, #tpu.memory_space<vmem_shared>>)
      tpu.yield
    }) : () -> ()
    %add3A_18 = arith.constant 384 : i32
    %add3A_19 = arith.addi %mul3A_9, %add3A_18 : i32
    %run_scoped3A_20 = arith.constant 0 : i32
    "tpu.region"() ({
      %run_scoped3A_104 = tpu.sem_alloc : memref<!tpu.dma_semaphore, #tpu.memory_space<semaphore_mem>>
      %dma_start3A_105 = arith.constant 0 : i32
      %dma_start3A_106 = arith.constant 0 : i32
      %dma_start3A_107 = tpu.memref_slice %arg8[%run_scoped3A_20, %dma_start3A_105, %dma_start3A_106] : memref<2x128x128xf32, #tpu.memory_space<vmem>> -> memref<1x128x128xf32, #tpu.memory_space<vmem>>
      %dma_start3A_108 = tpu.memref_squeeze %dma_start3A_107 : memref<1x128x128xf32, #tpu.memory_space<vmem>> -> memref<128x128xf32, #tpu.memory_space<vmem>>
      %dma_start3A_109 = arith.constant 0 : i32
      %dma_start3A_110 = tpu.memref_slice %arg9[%add3A_19, %dma_start3A_109] : memref<10368x128xf32, #tpu.memory_space<vmem_shared>> -> memref<128x128xf32, #tpu.memory_space<vmem_shared>>
      %dma_start3A_111 = arith.constant 0 : i32
      %dma_start3A_112 = tpu.memref_slice %arg9[%add3A_19, %dma_start3A_111] : memref<10368x128xf32, #tpu.memory_space<vmem_shared>> -> memref<128x128xf32, #tpu.memory_space<vmem_shared>>
      %dma_start3A_113 = arith.constant 0 : i32
      %dma_start3A_114 = arith.constant 0 : i32
      %dma_start3A_115 = tpu.memref_slice %arg8[%run_scoped3A_20, %dma_start3A_113, %dma_start3A_114] : memref<2x128x128xf32, #tpu.memory_space<vmem>> -> memref<1x128x128xf32, #tpu.memory_space<vmem>>
      %dma_start3A_116 = tpu.memref_squeeze %dma_start3A_115 : memref<1x128x128xf32, #tpu.memory_space<vmem>> -> memref<128x128xf32, #tpu.memory_space<vmem>>
      tpu.enqueue_dma source(%dma_start3A_116 : memref<128x128xf32, #tpu.memory_space<vmem>>) target(%dma_start3A_112 : memref<128x128xf32, #tpu.memory_space<vmem_shared>>) target_semaphore(%run_scoped3A_104 : memref<!tpu.dma_semaphore, #tpu.memory_space<semaphore_mem>>)
      %dma_wait3A_117 = arith.constant 0 : i32
      %dma_wait3A_118 = arith.constant 0 : i32
      %dma_wait3A_119 = tpu.memref_slice %arg8[%run_scoped3A_20, %dma_wait3A_117, %dma_wait3A_118] : memref<2x128x128xf32, #tpu.memory_space<vmem>> -> memref<1x128x128xf32, #tpu.memory_space<vmem>>
      %dma_wait3A_120 = tpu.memref_squeeze %dma_wait3A_119 : memref<1x128x128xf32, #tpu.memory_space<vmem>> -> memref<128x128xf32, #tpu.memory_space<vmem>>
      %dma_wait3A_121 = arith.constant 0 : i32
      %dma_wait3A_122 = tpu.memref_slice %arg9[%add3A_19, %dma_wait3A_121] : memref<10368x128xf32, #tpu.memory_space<vmem_shared>> -> memref<128x128xf32, #tpu.memory_space<vmem_shared>>
      %dma_wait3A_123 = arith.constant 0 : i32
      %dma_wait3A_124 = tpu.memref_slice %arg9[%add3A_19, %dma_wait3A_123] : memref<10368x128xf32, #tpu.memory_space<vmem_shared>> -> memref<128x128xf32, #tpu.memory_space<vmem_shared>>
      %dma_wait3A_125 = arith.constant 0 : i32
      %dma_wait3A_126 = arith.constant 0 : i32
      %dma_wait3A_127 = tpu.memref_slice %arg8[%run_scoped3A_20, %dma_wait3A_125, %dma_wait3A_126] : memref<2x128x128xf32, #tpu.memory_space<vmem>> -> memref<1x128x128xf32, #tpu.memory_space<vmem>>
      %dma_wait3A_128 = tpu.memref_squeeze %dma_wait3A_127 : memref<1x128x128xf32, #tpu.memory_space<vmem>> -> memref<128x128xf32, #tpu.memory_space<vmem>>
      tpu.wait_dma2 semaphore(%run_scoped3A_104 : memref<!tpu.dma_semaphore, #tpu.memory_space<semaphore_mem>>) src(%dma_wait3A_128 : memref<128x128xf32, #tpu.memory_space<vmem>>) dst(%dma_wait3A_124 : memref<128x128xf32, #tpu.memory_space<vmem_shared>>)
      tpu.yield
    }) : () -> ()
    %add3A_21 = arith.constant 512 : i32
    %add3A_22 = arith.addi %mul3A_9, %add3A_21 : i32
    %run_scoped3A_23 = arith.constant 0 : i32
    "tpu.region"() ({
      %run_scoped3A_104 = tpu.sem_alloc : memref<!tpu.dma_semaphore, #tpu.memory_space<semaphore_mem>>
      %dma_start3A_105 = arith.constant 0 : i32
      %dma_start3A_106 = arith.constant 0 : i32
      %dma_start3A_107 = tpu.memref_slice %arg8[%run_scoped3A_23, %dma_start3A_105, %dma_start3A_106] : memref<2x128x128xf32, #tpu.memory_space<vmem>> -> memref<1x128x128xf32, #tpu.memory_space<vmem>>
      %dma_start3A_108 = tpu.memref_squeeze %dma_start3A_107 : memref<1x128x128xf32, #tpu.memory_space<vmem>> -> memref<128x128xf32, #tpu.memory_space<vmem>>
      %dma_start3A_109 = arith.constant 0 : i32
      %dma_start3A_110 = tpu.memref_slice %arg9[%add3A_22, %dma_start3A_109] : memref<10368x128xf32, #tpu.memory_space<vmem_shared>> -> memref<128x128xf32, #tpu.memory_space<vmem_shared>>
      %dma_start3A_111 = arith.constant 0 : i32
      %dma_start3A_112 = tpu.memref_slice %arg9[%add3A_22, %dma_start3A_111] : memref<10368x128xf32, #tpu.memory_space<vmem_shared>> -> memref<128x128xf32, #tpu.memory_space<vmem_shared>>
      %dma_start3A_113 = arith.constant 0 : i32
      %dma_start3A_114 = arith.constant 0 : i32
      %dma_start3A_115 = tpu.memref_slice %arg8[%run_scoped3A_23, %dma_start3A_113, %dma_start3A_114] : memref<2x128x128xf32, #tpu.memory_space<vmem>> -> memref<1x128x128xf32, #tpu.memory_space<vmem>>
      %dma_start3A_116 = tpu.memref_squeeze %dma_start3A_115 : memref<1x128x128xf32, #tpu.memory_space<vmem>> -> memref<128x128xf32, #tpu.memory_space<vmem>>
      tpu.enqueue_dma source(%dma_start3A_116 : memref<128x128xf32, #tpu.memory_space<vmem>>) target(%dma_start3A_112 : memref<128x128xf32, #tpu.memory_space<vmem_shared>>) target_semaphore(%run_scoped3A_104 : memref<!tpu.dma_semaphore, #tpu.memory_space<semaphore_mem>>)
      %dma_wait3A_117 = arith.constant 0 : i32
      %dma_wait3A_118 = arith.constant 0 : i32
      %dma_wait3A_119 = tpu.memref_slice %arg8[%run_scoped3A_23, %dma_wait3A_117, %dma_wait3A_118] : memref<2x128x128xf32, #tpu.memory_space<vmem>> -> memref<1x128x128xf32, #tpu.memory_space<vmem>>
      %dma_wait3A_120 = tpu.memref_squeeze %dma_wait3A_119 : memref<1x128x128xf32, #tpu.memory_space<vmem>> -> memref<128x128xf32, #tpu.memory_space<vmem>>
      %dma_wait3A_121 = arith.constant 0 : i32
      %dma_wait3A_122 = tpu.memref_slice %arg9[%add3A_22, %dma_wait3A_121] : memref<10368x128xf32, #tpu.memory_space<vmem_shared>> -> memref<128x128xf32, #tpu.memory_space<vmem_shared>>
      %dma_wait3A_123 = arith.constant 0 : i32
      %dma_wait3A_124 = tpu.memref_slice %arg9[%add3A_22, %dma_wait3A_123] : memref<10368x128xf32, #tpu.memory_space<vmem_shared>> -> memref<128x128xf32, #tpu.memory_space<vmem_shared>>
      %dma_wait3A_125 = arith.constant 0 : i32
      %dma_wait3A_126 = arith.constant 0 : i32
      %dma_wait3A_127 = tpu.memref_slice %arg8[%run_scoped3A_23, %dma_wait3A_125, %dma_wait3A_126] : memref<2x128x128xf32, #tpu.memory_space<vmem>> -> memref<1x128x128xf32, #tpu.memory_space<vmem>>
      %dma_wait3A_128 = tpu.memref_squeeze %dma_wait3A_127 : memref<1x128x128xf32, #tpu.memory_space<vmem>> -> memref<128x128xf32, #tpu.memory_space<vmem>>
      tpu.wait_dma2 semaphore(%run_scoped3A_104 : memref<!tpu.dma_semaphore, #tpu.memory_space<semaphore_mem>>) src(%dma_wait3A_128 : memref<128x128xf32, #tpu.memory_space<vmem>>) dst(%dma_wait3A_124 : memref<128x128xf32, #tpu.memory_space<vmem_shared>>)
      tpu.yield
    }) : () -> ()
    %add3A_24 = arith.constant 640 : i32
    %add3A_25 = arith.addi %mul3A_9, %add3A_24 : i32
    %run_scoped3A_26 = arith.constant 0 : i32
    "tpu.region"() ({
      %run_scoped3A_104 = tpu.sem_alloc : memref<!tpu.dma_semaphore, #tpu.memory_space<semaphore_mem>>
      %dma_start3A_105 = arith.constant 0 : i32
      %dma_start3A_106 = arith.constant 0 : i32
      %dma_start3A_107 = tpu.memref_slice %arg8[%run_scoped3A_26, %dma_start3A_105, %dma_start3A_106] : memref<2x128x128xf32, #tpu.memory_space<vmem>> -> memref<1x128x128xf32, #tpu.memory_space<vmem>>
      %dma_start3A_108 = tpu.memref_squeeze %dma_start3A_107 : memref<1x128x128xf32, #tpu.memory_space<vmem>> -> memref<128x128xf32, #tpu.memory_space<vmem>>
      %dma_start3A_109 = arith.constant 0 : i32
      %dma_start3A_110 = arith.constant 0 : i32
      %dma_start3A_111 = tpu.memref_slice %dma_start3A_108[%dma_start3A_109, %dma_start3A_110] : memref<128x128xf32, #tpu.memory_space<vmem>> -> memref<8x128xf32, #tpu.memory_space<vmem>>
      %dma_start3A_112 = arith.constant 0 : i32
      %dma_start3A_113 = tpu.memref_slice %arg9[%add3A_25, %dma_start3A_112] : memref<10368x128xf32, #tpu.memory_space<vmem_shared>> -> memref<8x128xf32, #tpu.memory_space<vmem_shared>>
      %dma_start3A_114 = arith.constant 0 : i32
      %dma_start3A_115 = tpu.memref_slice %arg9[%add3A_25, %dma_start3A_114] : memref<10368x128xf32, #tpu.memory_space<vmem_shared>> -> memref<8x128xf32, #tpu.memory_space<vmem_shared>>
      %dma_start3A_116 = arith.constant 0 : i32
      %dma_start3A_117 = arith.constant 0 : i32
      %dma_start3A_118 = tpu.memref_slice %arg8[%run_scoped3A_26, %dma_start3A_116, %dma_start3A_117] : memref<2x128x128xf32, #tpu.memory_space<vmem>> -> memref<1x128x128xf32, #tpu.memory_space<vmem>>
      %dma_start3A_119 = tpu.memref_squeeze %dma_start3A_118 : memref<1x128x128xf32, #tpu.memory_space<vmem>> -> memref<128x128xf32, #tpu.memory_space<vmem>>
      %dma_start3A_120 = arith.constant 0 : i32
      %dma_start3A_121 = arith.constant 0 : i32
      %dma_start3A_122 = tpu.memref_slice %dma_start3A_119[%dma_start3A_120, %dma_start3A_121] : memref<128x128xf32, #tpu.memory_space<vmem>> -> memref<8x128xf32, #tpu.memory_space<vmem>>
      tpu.enqueue_dma source(%dma_start3A_122 : memref<8x128xf32, #tpu.memory_space<vmem>>) target(%dma_start3A_115 : memref<8x128xf32, #tpu.memory_space<vmem_shared>>) target_semaphore(%run_scoped3A_104 : memref<!tpu.dma_semaphore, #tpu.memory_space<semaphore_mem>>)
      %dma_wait3A_123 = arith.constant 0 : i32
      %dma_wait3A_124 = arith.constant 0 : i32
      %dma_wait3A_125 = tpu.memref_slice %arg8[%run_scoped3A_26, %dma_wait3A_123, %dma_wait3A_124] : memref<2x128x128xf32, #tpu.memory_space<vmem>> -> memref<1x128x128xf32, #tpu.memory_space<vmem>>
      %dma_wait3A_126 = tpu.memref_squeeze %dma_wait3A_125 : memref<1x128x128xf32, #tpu.memory_space<vmem>> -> memref<128x128xf32, #tpu.memory_space<vmem>>
      %dma_wait3A_127 = arith.constant 0 : i32
      %dma_wait3A_128 = arith.constant 0 : i32
      %dma_wait3A_129 = tpu.memref_slice %dma_wait3A_126[%dma_wait3A_127, %dma_wait3A_128] : memref<128x128xf32, #tpu.memory_space<vmem>> -> memref<8x128xf32, #tpu.memory_space<vmem>>
      %dma_wait3A_130 = arith.constant 0 : i32
      %dma_wait3A_131 = tpu.memref_slice %arg9[%add3A_25, %dma_wait3A_130] : memref<10368x128xf32, #tpu.memory_space<vmem_shared>> -> memref<8x128xf32, #tpu.memory_space<vmem_shared>>
      %dma_wait3A_132 = arith.constant 0 : i32
      %dma_wait3A_133 = tpu.memref_slice %arg9[%add3A_25, %dma_wait3A_132] : memref<10368x128xf32, #tpu.memory_space<vmem_shared>> -> memref<8x128xf32, #tpu.memory_space<vmem_shared>>
      %dma_wait3A_134 = arith.constant 0 : i32
      %dma_wait3A_135 = arith.constant 0 : i32
      %dma_wait3A_136 = tpu.memref_slice %arg8[%run_scoped3A_26, %dma_wait3A_134, %dma_wait3A_135] : memref<2x128x128xf32, #tpu.memory_space<vmem>> -> memref<1x128x128xf32, #tpu.memory_space<vmem>>
      %dma_wait3A_137 = tpu.memref_squeeze %dma_wait3A_136 : memref<1x128x128xf32, #tpu.memory_space<vmem>> -> memref<128x128xf32, #tpu.memory_space<vmem>>
      %dma_wait3A_138 = arith.constant 0 : i32
      %dma_wait3A_139 = arith.constant 0 : i32
      %dma_wait3A_140 = tpu.memref_slice %dma_wait3A_137[%dma_wait3A_138, %dma_wait3A_139] : memref<128x128xf32, #tpu.memory_space<vmem>> -> memref<8x128xf32, #tpu.memory_space<vmem>>
      tpu.wait_dma2 semaphore(%run_scoped3A_104 : memref<!tpu.dma_semaphore, #tpu.memory_space<semaphore_mem>>) src(%dma_wait3A_140 : memref<8x128xf32, #tpu.memory_space<vmem>>) dst(%dma_wait3A_133 : memref<8x128xf32, #tpu.memory_space<vmem_shared>>)
      tpu.yield
    }) : () -> ()
    %barrier3A = arith.constant 0 : index
    tpu.barrier barrier_id(%barrier3A)
    %dma_start3A = arith.constant 0 : i32
    %dma_start3A_27 = arith.constant 0 : i32
    %dma_start3A_28 = arith.constant 0 : i32
    %dma_start3A_29 = arith.constant 0 : i32
    %dma_start3A_30 = arith.constant 0 : i32
    %dma_start3A_31 = tpu.memref_slice %arg8[%dma_start3A_27, %dma_start3A_29, %dma_start3A_30] : memref<2x128x128xf32, #tpu.memory_space<vmem>> -> memref<1x128x128xf32, #tpu.memory_space<vmem>>
    %dma_start3A_32 = tpu.memref_squeeze %dma_start3A_31 : memref<1x128x128xf32, #tpu.memory_space<vmem>> -> memref<128x128xf32, #tpu.memory_space<vmem>>
    %dma_start3A_33 = arith.constant 0 : i32
    %dma_start3A_34 = tpu.memref_slice %arg6[%dma_start3A, %dma_start3A_33] : memref<79x128xi32, #tpu.memory_space<vmem>> -> memref<1x128xi32, #tpu.memory_space<vmem>>
    %dma_start3A_35 = tpu.memref_squeeze %dma_start3A_34 : memref<1x128xi32, #tpu.memory_space<vmem>> -> memref<128xi32, #tpu.memory_space<vmem>>
    %dma_start3A_36 = arith.constant 0 : i32
    %dma_start3A_37 = arith.constant 0 : i32
    %dma_start3A_38 = tpu.memref_slice %arg2[%dma_start3A_36, %dma_start3A_37] : memref<10000x128xf32, #tpu.memory_space<hbm>> -> memref<10000x128xf32, #tpu.memory_space<hbm>>
    %dma_start3A_39 = tpu.memref_slice %arg10[%dma_start3A_28] : memref<2x!tpu.dma_semaphore, #tpu.memory_space<semaphore_mem>> -> memref<1x!tpu.dma_semaphore, #tpu.memory_space<semaphore_mem>>
    %dma_start3A_40 = tpu.memref_squeeze %dma_start3A_39 : memref<1x!tpu.dma_semaphore, #tpu.memory_space<semaphore_mem>> -> memref<!tpu.dma_semaphore, #tpu.memory_space<semaphore_mem>>
    tpu.enqueue_indirect_dma source(%dma_start3A_38 : memref<10000x128xf32, #tpu.memory_space<hbm>>) target(%dma_start3A_32 : memref<128x128xf32, #tpu.memory_space<vmem>>) offsets(%dma_start3A_35 : memref<128xi32, #tpu.memory_space<vmem>>) semaphore(%dma_start3A_40 : memref<!tpu.dma_semaphore, #tpu.memory_space<semaphore_mem>>)
    %dma_start3A_41 = arith.constant 0 : i32
    %dma_start3A_42 = arith.constant 0 : i32
    %dma_start3A_43 = arith.constant 0 : i32
    %dma_start3A_44 = arith.constant 0 : i32
    %dma_start3A_45 = tpu.memref_slice %arg7[%dma_start3A_42, %dma_start3A_44] : memref<2x128xi32, #tpu.memory_space<vmem>> -> memref<1x128xi32, #tpu.memory_space<vmem>>
    %dma_start3A_46 = tpu.memref_squeeze %dma_start3A_45 : memref<1x128xi32, #tpu.memory_space<vmem>> -> memref<128xi32, #tpu.memory_space<vmem>>
    %dma_start3A_47 = arith.constant 0 : i32
    %dma_start3A_48 = tpu.memref_slice %arg4[%add3A, %dma_start3A_41, %dma_start3A_47] : memref<32x79x128xi32, #tpu.memory_space<hbm>> -> memref<1x1x128xi32, #tpu.memory_space<hbm>>
    %dma_start3A_49 = tpu.memref_squeeze %dma_start3A_48 : memref<1x1x128xi32, #tpu.memory_space<hbm>> -> memref<128xi32, #tpu.memory_space<hbm>>
    %dma_start3A_50 = tpu.memref_slice %arg12[%dma_start3A_43] : memref<2x!tpu.dma_semaphore, #tpu.memory_space<semaphore_mem>> -> memref<1x!tpu.dma_semaphore, #tpu.memory_space<semaphore_mem>>
    %dma_start3A_51 = tpu.memref_squeeze %dma_start3A_50 : memref<1x!tpu.dma_semaphore, #tpu.memory_space<semaphore_mem>> -> memref<!tpu.dma_semaphore, #tpu.memory_space<semaphore_mem>>
    %dma_start3A_52 = arith.constant 0 : i32
    %dma_start3A_53 = tpu.memref_slice %arg7[%dma_start3A_42, %dma_start3A_52] : memref<2x128xi32, #tpu.memory_space<vmem>> -> memref<1x128xi32, #tpu.memory_space<vmem>>
    %dma_start3A_54 = tpu.memref_squeeze %dma_start3A_53 : memref<1x128xi32, #tpu.memory_space<vmem>> -> memref<128xi32, #tpu.memory_space<vmem>>
    %dma_start3A_55 = arith.constant 0 : i32
    %dma_start3A_56 = tpu.memref_slice %arg4[%add3A, %dma_start3A_41, %dma_start3A_55] : memref<32x79x128xi32, #tpu.memory_space<hbm>> -> memref<1x1x128xi32, #tpu.memory_space<hbm>>
    %dma_start3A_57 = tpu.memref_squeeze %dma_start3A_56 : memref<1x1x128xi32, #tpu.memory_space<hbm>> -> memref<128xi32, #tpu.memory_space<hbm>>
    tpu.enqueue_dma source(%dma_start3A_57 : memref<128xi32, #tpu.memory_space<hbm>>) target(%dma_start3A_54 : memref<128xi32, #tpu.memory_space<vmem>>) target_semaphore(%dma_start3A_51 : memref<!tpu.dma_semaphore, #tpu.memory_space<semaphore_mem>>)
    %scan3A_58 = arith.constant 0 : i32
    %scan3A_59 = arith.constant 0 : i32
    %scan3A_60 = arith.constant 79 : i32
    %scan3A_61 = arith.addi %scan3A_59, %scan3A_60 : i32
    %scan3A_62 = arith.constant 1 : i32
    %scan3A_63 = scf.for %scan3A_104 = %scan3A_59 to %scan3A_61 step %scan3A_62 iter_args(%scan3A_105 = %scan3A_58) -> (i32)  : i32 {
      %and3A = arith.constant 1 : i32
      %and3A_106 = arith.andi %scan3A_104, %and3A : i32
      %dma_wait3A_107 = arith.constant 0 : i32
      %dma_wait3A_108 = tpu.memref_slice %arg7[%and3A_106, %dma_wait3A_107] : memref<2x128xi32, #tpu.memory_space<vmem>> -> memref<1x128xi32, #tpu.memory_space<vmem>>
      %dma_wait3A_109 = tpu.memref_squeeze %dma_wait3A_108 : memref<1x128xi32, #tpu.memory_space<vmem>> -> memref<128xi32, #tpu.memory_space<vmem>>
      %dma_wait3A_110 = arith.constant 0 : i32
      %dma_wait3A_111 = tpu.memref_slice %arg4[%add3A, %scan3A_104, %dma_wait3A_110] : memref<32x79x128xi32, #tpu.memory_space<hbm>> -> memref<1x1x128xi32, #tpu.memory_space<hbm>>
      %dma_wait3A_112 = tpu.memref_squeeze %dma_wait3A_111 : memref<1x1x128xi32, #tpu.memory_space<hbm>> -> memref<128xi32, #tpu.memory_space<hbm>>
      %dma_wait3A_113 = tpu.memref_slice %arg12[%and3A_106] : memref<2x!tpu.dma_semaphore, #tpu.memory_space<semaphore_mem>> -> memref<1x!tpu.dma_semaphore, #tpu.memory_space<semaphore_mem>>
      %dma_wait3A_114 = tpu.memref_squeeze %dma_wait3A_113 : memref<1x!tpu.dma_semaphore, #tpu.memory_space<semaphore_mem>> -> memref<!tpu.dma_semaphore, #tpu.memory_space<semaphore_mem>>
      %dma_wait3A_115 = arith.constant 0 : i32
      %dma_wait3A_116 = tpu.memref_slice %arg7[%and3A_106, %dma_wait3A_115] : memref<2x128xi32, #tpu.memory_space<vmem>> -> memref<1x128xi32, #tpu.memory_space<vmem>>
      %dma_wait3A_117 = tpu.memref_squeeze %dma_wait3A_116 : memref<1x128xi32, #tpu.memory_space<vmem>> -> memref<128xi32, #tpu.memory_space<vmem>>
      %dma_wait3A_118 = arith.constant 0 : i32
      %dma_wait3A_119 = tpu.memref_slice %arg4[%add3A, %scan3A_104, %dma_wait3A_118] : memref<32x79x128xi32, #tpu.memory_space<hbm>> -> memref<1x1x128xi32, #tpu.memory_space<hbm>>
      %dma_wait3A_120 = tpu.memref_squeeze %dma_wait3A_119 : memref<1x1x128xi32, #tpu.memory_space<hbm>> -> memref<128xi32, #tpu.memory_space<hbm>>
      tpu.wait_dma2 semaphore(%dma_wait3A_114 : memref<!tpu.dma_semaphore, #tpu.memory_space<semaphore_mem>>) src(%dma_wait3A_120 : memref<128xi32, #tpu.memory_space<hbm>>) dst(%dma_wait3A_117 : memref<128xi32, #tpu.memory_space<vmem>>)
      %dma_wait3A_121 = arith.constant 0 : i32
      %dma_wait3A_122 = arith.constant 0 : i32
      %dma_wait3A_123 = tpu.memref_slice %arg8[%and3A_106, %dma_wait3A_121, %dma_wait3A_122] : memref<2x128x128xf32, #tpu.memory_space<vmem>> -> memref<1x128x128xf32, #tpu.memory_space<vmem>>
      %dma_wait3A_124 = tpu.memref_squeeze %dma_wait3A_123 : memref<1x128x128xf32, #tpu.memory_space<vmem>> -> memref<128x128xf32, #tpu.memory_space<vmem>>
      %dma_wait3A_125 = arith.constant 0 : i32
      %dma_wait3A_126 = tpu.memref_slice %arg6[%scan3A_104, %dma_wait3A_125] : memref<79x128xi32, #tpu.memory_space<vmem>> -> memref<1x128xi32, #tpu.memory_space<vmem>>
      %dma_wait3A_127 = tpu.memref_squeeze %dma_wait3A_126 : memref<1x128xi32, #tpu.memory_space<vmem>> -> memref<128xi32, #tpu.memory_space<vmem>>
      %dma_wait3A_128 = arith.constant 0 : i32
      %dma_wait3A_129 = arith.constant 0 : i32
      %dma_wait3A_130 = tpu.memref_slice %arg2[%dma_wait3A_128, %dma_wait3A_129] : memref<10000x128xf32, #tpu.memory_space<hbm>> -> memref<10000x128xf32, #tpu.memory_space<hbm>>
      %dma_wait3A_131 = tpu.memref_slice %arg10[%and3A_106] : memref<2x!tpu.dma_semaphore, #tpu.memory_space<semaphore_mem>> -> memref<1x!tpu.dma_semaphore, #tpu.memory_space<semaphore_mem>>
      %dma_wait3A_132 = tpu.memref_squeeze %dma_wait3A_131 : memref<1x!tpu.dma_semaphore, #tpu.memory_space<semaphore_mem>> -> memref<!tpu.dma_semaphore, #tpu.memory_space<semaphore_mem>>
      tpu.wait_indirect_dma semaphore(%dma_wait3A_132 : memref<!tpu.dma_semaphore, #tpu.memory_space<semaphore_mem>>) src(%dma_wait3A_130 : memref<10000x128xf32, #tpu.memory_space<hbm>>) dst(%dma_wait3A_124 : memref<128x128xf32, #tpu.memory_space<vmem>>)
      %dma_start3A_133 = arith.constant 0 : i32
      %dma_start3A_134 = arith.constant 0 : i32
      %dma_start3A_135 = tpu.memref_slice %arg8[%and3A_106, %dma_start3A_133, %dma_start3A_134] : memref<2x128x128xf32, #tpu.memory_space<vmem>> -> memref<1x128x128xf32, #tpu.memory_space<vmem>>
      %dma_start3A_136 = tpu.memref_squeeze %dma_start3A_135 : memref<1x128x128xf32, #tpu.memory_space<vmem>> -> memref<128x128xf32, #tpu.memory_space<vmem>>
      %dma_start3A_137 = arith.constant 0 : i32
      %dma_start3A_138 = tpu.memref_slice %arg7[%and3A_106, %dma_start3A_137] : memref<2x128xi32, #tpu.memory_space<vmem>> -> memref<1x128xi32, #tpu.memory_space<vmem>>
      %dma_start3A_139 = tpu.memref_squeeze %dma_start3A_138 : memref<1x128xi32, #tpu.memory_space<vmem>> -> memref<128xi32, #tpu.memory_space<vmem>>
      %dma_start3A_140 = arith.constant 0 : i32
      %dma_start3A_141 = arith.constant 0 : i32
      %dma_start3A_142 = tpu.memref_slice %arg9[%dma_start3A_140, %dma_start3A_141] : memref<10368x128xf32, #tpu.memory_space<vmem_shared>> -> memref<10368x128xf32, #tpu.memory_space<vmem_shared>>
      %dma_start3A_143 = tpu.memref_slice %arg11[%and3A_106] : memref<2x!tpu.dma_semaphore, #tpu.memory_space<semaphore_mem>> -> memref<1x!tpu.dma_semaphore, #tpu.memory_space<semaphore_mem>>
      %dma_start3A_144 = tpu.memref_squeeze %dma_start3A_143 : memref<1x!tpu.dma_semaphore, #tpu.memory_space<semaphore_mem>> -> memref<!tpu.dma_semaphore, #tpu.memory_space<semaphore_mem>>
      tpu.enqueue_indirect_dma source(%dma_start3A_136 : memref<128x128xf32, #tpu.memory_space<vmem>>) target(%dma_start3A_142 : memref<10368x128xf32, #tpu.memory_space<vmem_shared>>) offsets(%dma_start3A_139 : memref<128xi32, #tpu.memory_space<vmem>>) semaphore(%dma_start3A_144 : memref<!tpu.dma_semaphore, #tpu.memory_space<semaphore_mem>>) {add = true}
      %ge3A = arith.constant 1 : i32
      %ge3A_145 = arith.cmpi sge, %scan3A_104, %ge3A : i32
      %convert_element_type3A = arith.extui %ge3A_145 : i1 to i32
      %cond3A = arith.constant 0 : i32
      %cond3A_146 = arith.cmpi ne, %convert_element_type3A, %cond3A : i32
      scf.if %cond3A_146 {
        %sub3A = arith.constant 1 : i32
        %sub3A_154 = arith.subi %sub3A, %and3A_106 : i32
        %sub3A_155 = arith.constant 1 : i32
        %sub3A_156 = arith.subi %sub3A_155, %and3A_106 : i32
        %sub3A_157 = arith.constant 1 : i32
        %sub3A_158 = arith.subi %sub3A_157, %and3A_106 : i32
        %dma_wait3A_159 = arith.constant 0 : i32
        %dma_wait3A_160 = arith.constant 0 : i32
        %dma_wait3A_161 = tpu.memref_slice %arg8[%sub3A_154, %dma_wait3A_159, %dma_wait3A_160] : memref<2x128x128xf32, #tpu.memory_space<vmem>> -> memref<1x128x128xf32, #tpu.memory_space<vmem>>
        %dma_wait3A_162 = tpu.memref_squeeze %dma_wait3A_161 : memref<1x128x128xf32, #tpu.memory_space<vmem>> -> memref<128x128xf32, #tpu.memory_space<vmem>>
        %dma_wait3A_163 = arith.constant 0 : i32
        %dma_wait3A_164 = tpu.memref_slice %arg7[%sub3A_156, %dma_wait3A_163] : memref<2x128xi32, #tpu.memory_space<vmem>> -> memref<1x128xi32, #tpu.memory_space<vmem>>
        %dma_wait3A_165 = tpu.memref_squeeze %dma_wait3A_164 : memref<1x128xi32, #tpu.memory_space<vmem>> -> memref<128xi32, #tpu.memory_space<vmem>>
        %dma_wait3A_166 = arith.constant 0 : i32
        %dma_wait3A_167 = arith.constant 0 : i32
        %dma_wait3A_168 = tpu.memref_slice %arg9[%dma_wait3A_166, %dma_wait3A_167] : memref<10368x128xf32, #tpu.memory_space<vmem_shared>> -> memref<10368x128xf32, #tpu.memory_space<vmem_shared>>
        %dma_wait3A_169 = tpu.memref_slice %arg11[%sub3A_158] : memref<2x!tpu.dma_semaphore, #tpu.memory_space<semaphore_mem>> -> memref<1x!tpu.dma_semaphore, #tpu.memory_space<semaphore_mem>>
        %dma_wait3A_170 = tpu.memref_squeeze %dma_wait3A_169 : memref<1x!tpu.dma_semaphore, #tpu.memory_space<semaphore_mem>> -> memref<!tpu.dma_semaphore, #tpu.memory_space<semaphore_mem>>
        tpu.wait_indirect_dma semaphore(%dma_wait3A_170 : memref<!tpu.dma_semaphore, #tpu.memory_space<semaphore_mem>>) src(%dma_wait3A_162 : memref<128x128xf32, #tpu.memory_space<vmem>>) dst(%dma_wait3A_168 : memref<10368x128xf32, #tpu.memory_space<vmem_shared>>)
      } else {
      }
      %add3A_147 = arith.constant 1 : i32
      %add3A_148 = arith.addi %scan3A_104, %add3A_147 : i32
      %lt3A = arith.constant 79 : i32
      %lt3A_149 = arith.cmpi slt, %add3A_148, %lt3A : i32
      %convert_element_type3A_150 = arith.extui %lt3A_149 : i1 to i32
      %cond3A_151 = arith.constant 0 : i32
      %cond3A_152 = arith.cmpi ne, %convert_element_type3A_150, %cond3A_151 : i32
      scf.if %cond3A_152 {
        %add3A_154 = arith.constant 1 : i32
        %add3A_155 = arith.addi %scan3A_104, %add3A_154 : i32
        %sub3A = arith.constant 1 : i32
        %sub3A_156 = arith.subi %sub3A, %and3A_106 : i32
        %dma_start3A_157 = arith.constant 0 : i32
        %dma_start3A_158 = arith.constant 0 : i32
        %dma_start3A_159 = tpu.memref_slice %arg8[%sub3A_156, %dma_start3A_157, %dma_start3A_158] : memref<2x128x128xf32, #tpu.memory_space<vmem>> -> memref<1x128x128xf32, #tpu.memory_space<vmem>>
        %dma_start3A_160 = tpu.memref_squeeze %dma_start3A_159 : memref<1x128x128xf32, #tpu.memory_space<vmem>> -> memref<128x128xf32, #tpu.memory_space<vmem>>
        %dma_start3A_161 = arith.constant 0 : i32
        %dma_start3A_162 = tpu.memref_slice %arg6[%add3A_155, %dma_start3A_161] : memref<79x128xi32, #tpu.memory_space<vmem>> -> memref<1x128xi32, #tpu.memory_space<vmem>>
        %dma_start3A_163 = tpu.memref_squeeze %dma_start3A_162 : memref<1x128xi32, #tpu.memory_space<vmem>> -> memref<128xi32, #tpu.memory_space<vmem>>
        %dma_start3A_164 = arith.constant 0 : i32
        %dma_start3A_165 = arith.constant 0 : i32
        %dma_start3A_166 = tpu.memref_slice %arg2[%dma_start3A_164, %dma_start3A_165] : memref<10000x128xf32, #tpu.memory_space<hbm>> -> memref<10000x128xf32, #tpu.memory_space<hbm>>
        %dma_start3A_167 = tpu.memref_slice %arg10[%sub3A_156] : memref<2x!tpu.dma_semaphore, #tpu.memory_space<semaphore_mem>> -> memref<1x!tpu.dma_semaphore, #tpu.memory_space<semaphore_mem>>
        %dma_start3A_168 = tpu.memref_squeeze %dma_start3A_167 : memref<1x!tpu.dma_semaphore, #tpu.memory_space<semaphore_mem>> -> memref<!tpu.dma_semaphore, #tpu.memory_space<semaphore_mem>>
        tpu.enqueue_indirect_dma source(%dma_start3A_166 : memref<10000x128xf32, #tpu.memory_space<hbm>>) target(%dma_start3A_160 : memref<128x128xf32, #tpu.memory_space<vmem>>) offsets(%dma_start3A_163 : memref<128xi32, #tpu.memory_space<vmem>>) semaphore(%dma_start3A_168 : memref<!tpu.dma_semaphore, #tpu.memory_space<semaphore_mem>>)
        %add3A_169 = arith.constant 1 : i32
        %add3A_170 = arith.addi %scan3A_104, %add3A_169 : i32
        %sub3A_171 = arith.constant 1 : i32
        %sub3A_172 = arith.subi %sub3A_171, %and3A_106 : i32
        %dma_start3A_173 = arith.constant 0 : i32
        %dma_start3A_174 = tpu.memref_slice %arg7[%sub3A_172, %dma_start3A_173] : memref<2x128xi32, #tpu.memory_space<vmem>> -> memref<1x128xi32, #tpu.memory_space<vmem>>
        %dma_start3A_175 = tpu.memref_squeeze %dma_start3A_174 : memref<1x128xi32, #tpu.memory_space<vmem>> -> memref<128xi32, #tpu.memory_space<vmem>>
        %dma_start3A_176 = arith.constant 0 : i32
        %dma_start3A_177 = tpu.memref_slice %arg4[%add3A, %add3A_170, %dma_start3A_176] : memref<32x79x128xi32, #tpu.memory_space<hbm>> -> memref<1x1x128xi32, #tpu.memory_space<hbm>>
        %dma_start3A_178 = tpu.memref_squeeze %dma_start3A_177 : memref<1x1x128xi32, #tpu.memory_space<hbm>> -> memref<128xi32, #tpu.memory_space<hbm>>
        %dma_start3A_179 = tpu.memref_slice %arg12[%sub3A_172] : memref<2x!tpu.dma_semaphore, #tpu.memory_space<semaphore_mem>> -> memref<1x!tpu.dma_semaphore, #tpu.memory_space<semaphore_mem>>
        %dma_start3A_180 = tpu.memref_squeeze %dma_start3A_179 : memref<1x!tpu.dma_semaphore, #tpu.memory_space<semaphore_mem>> -> memref<!tpu.dma_semaphore, #tpu.memory_space<semaphore_mem>>
        %dma_start3A_181 = arith.constant 0 : i32
        %dma_start3A_182 = tpu.memref_slice %arg7[%sub3A_172, %dma_start3A_181] : memref<2x128xi32, #tpu.memory_space<vmem>> -> memref<1x128xi32, #tpu.memory_space<vmem>>
        %dma_start3A_183 = tpu.memref_squeeze %dma_start3A_182 : memref<1x128xi32, #tpu.memory_space<vmem>> -> memref<128xi32, #tpu.memory_space<vmem>>
        %dma_start3A_184 = arith.constant 0 : i32
        %dma_start3A_185 = tpu.memref_slice %arg4[%add3A, %add3A_170, %dma_start3A_184] : memref<32x79x128xi32, #tpu.memory_space<hbm>> -> memref<1x1x128xi32, #tpu.memory_space<hbm>>
        %dma_start3A_186 = tpu.memref_squeeze %dma_start3A_185 : memref<1x1x128xi32, #tpu.memory_space<hbm>> -> memref<128xi32, #tpu.memory_space<hbm>>
        tpu.enqueue_dma source(%dma_start3A_186 : memref<128xi32, #tpu.memory_space<hbm>>) target(%dma_start3A_183 : memref<128xi32, #tpu.memory_space<vmem>>) target_semaphore(%dma_start3A_180 : memref<!tpu.dma_semaphore, #tpu.memory_space<semaphore_mem>>)
      } else {
      }
      %scan3A_153 = arith.constant 0 : i32
      scf.yield %scan3A_153 : i32
    }
    %scan3A_64 = arith.constant 79 : i32
    %dma_wait3A = arith.constant 0 : i32
    %dma_wait3A_65 = arith.constant 0 : i32
    %dma_wait3A_66 = arith.constant 0 : i32
    %dma_wait3A_67 = arith.constant 0 : i32
    %dma_wait3A_68 = arith.constant 0 : i32
    %dma_wait3A_69 = tpu.memref_slice %arg8[%dma_wait3A, %dma_wait3A_67, %dma_wait3A_68] : memref<2x128x128xf32, #tpu.memory_space<vmem>> -> memref<1x128x128xf32, #tpu.memory_space<vmem>>
    %dma_wait3A_70 = tpu.memref_squeeze %dma_wait3A_69 : memref<1x128x128xf32, #tpu.memory_space<vmem>> -> memref<128x128xf32, #tpu.memory_space<vmem>>
    %dma_wait3A_71 = arith.constant 0 : i32
    %dma_wait3A_72 = tpu.memref_slice %arg7[%dma_wait3A_65, %dma_wait3A_71] : memref<2x128xi32, #tpu.memory_space<vmem>> -> memref<1x128xi32, #tpu.memory_space<vmem>>
    %dma_wait3A_73 = tpu.memref_squeeze %dma_wait3A_72 : memref<1x128xi32, #tpu.memory_space<vmem>> -> memref<128xi32, #tpu.memory_space<vmem>>
    %dma_wait3A_74 = arith.constant 0 : i32
    %dma_wait3A_75 = arith.constant 0 : i32
    %dma_wait3A_76 = tpu.memref_slice %arg9[%dma_wait3A_74, %dma_wait3A_75] : memref<10368x128xf32, #tpu.memory_space<vmem_shared>> -> memref<10368x128xf32, #tpu.memory_space<vmem_shared>>
    %dma_wait3A_77 = tpu.memref_slice %arg11[%dma_wait3A_66] : memref<2x!tpu.dma_semaphore, #tpu.memory_space<semaphore_mem>> -> memref<1x!tpu.dma_semaphore, #tpu.memory_space<semaphore_mem>>
    %dma_wait3A_78 = tpu.memref_squeeze %dma_wait3A_77 : memref<1x!tpu.dma_semaphore, #tpu.memory_space<semaphore_mem>> -> memref<!tpu.dma_semaphore, #tpu.memory_space<semaphore_mem>>
    tpu.wait_indirect_dma semaphore(%dma_wait3A_78 : memref<!tpu.dma_semaphore, #tpu.memory_space<semaphore_mem>>) src(%dma_wait3A_70 : memref<128x128xf32, #tpu.memory_space<vmem>>) dst(%dma_wait3A_76 : memref<10368x128xf32, #tpu.memory_space<vmem_shared>>)
    %barrier3A_79 = arith.constant 0 : index
    tpu.barrier barrier_id(%barrier3A_79)
    %add3A_80 = arith.constant 0 : i32
    %add3A_81 = arith.addi %mul3A_9, %add3A_80 : i32
    %run_scoped3A_82 = arith.constant 0 : i32
    "tpu.region"() ({
      %run_scoped3A_104 = tpu.sem_alloc : memref<!tpu.dma_semaphore, #tpu.memory_space<semaphore_mem>>
      %dma_start3A_105 = arith.constant 0 : i32
      %dma_start3A_106 = arith.constant 0 : i32
      %dma_start3A_107 = tpu.memref_slice %arg8[%run_scoped3A_82, %dma_start3A_105, %dma_start3A_106] : memref<2x128x128xf32, #tpu.memory_space<vmem>> -> memref<1x128x128xf32, #tpu.memory_space<vmem>>
      %dma_start3A_108 = tpu.memref_squeeze %dma_start3A_107 : memref<1x128x128xf32, #tpu.memory_space<vmem>> -> memref<128x128xf32, #tpu.memory_space<vmem>>
      %dma_start3A_109 = arith.constant 0 : i32
      %dma_start3A_110 = tpu.memref_slice %arg9[%add3A_81, %dma_start3A_109] : memref<10368x128xf32, #tpu.memory_space<vmem_shared>> -> memref<128x128xf32, #tpu.memory_space<vmem_shared>>
      %dma_start3A_111 = arith.constant 0 : i32
      %dma_start3A_112 = arith.constant 0 : i32
      %dma_start3A_113 = tpu.memref_slice %arg8[%run_scoped3A_82, %dma_start3A_111, %dma_start3A_112] : memref<2x128x128xf32, #tpu.memory_space<vmem>> -> memref<1x128x128xf32, #tpu.memory_space<vmem>>
      %dma_start3A_114 = tpu.memref_squeeze %dma_start3A_113 : memref<1x128x128xf32, #tpu.memory_space<vmem>> -> memref<128x128xf32, #tpu.memory_space<vmem>>
      %dma_start3A_115 = arith.constant 0 : i32
      %dma_start3A_116 = tpu.memref_slice %arg9[%add3A_81, %dma_start3A_115] : memref<10368x128xf32, #tpu.memory_space<vmem_shared>> -> memref<128x128xf32, #tpu.memory_space<vmem_shared>>
      tpu.enqueue_dma source(%dma_start3A_116 : memref<128x128xf32, #tpu.memory_space<vmem_shared>>) target(%dma_start3A_114 : memref<128x128xf32, #tpu.memory_space<vmem>>) target_semaphore(%run_scoped3A_104 : memref<!tpu.dma_semaphore, #tpu.memory_space<semaphore_mem>>)
      %dma_wait3A_117 = arith.constant 0 : i32
      %dma_wait3A_118 = arith.constant 0 : i32
      %dma_wait3A_119 = tpu.memref_slice %arg8[%run_scoped3A_82, %dma_wait3A_117, %dma_wait3A_118] : memref<2x128x128xf32, #tpu.memory_space<vmem>> -> memref<1x128x128xf32, #tpu.memory_space<vmem>>
      %dma_wait3A_120 = tpu.memref_squeeze %dma_wait3A_119 : memref<1x128x128xf32, #tpu.memory_space<vmem>> -> memref<128x128xf32, #tpu.memory_space<vmem>>
      %dma_wait3A_121 = arith.constant 0 : i32
      %dma_wait3A_122 = tpu.memref_slice %arg9[%add3A_81, %dma_wait3A_121] : memref<10368x128xf32, #tpu.memory_space<vmem_shared>> -> memref<128x128xf32, #tpu.memory_space<vmem_shared>>
      %dma_wait3A_123 = arith.constant 0 : i32
      %dma_wait3A_124 = arith.constant 0 : i32
      %dma_wait3A_125 = tpu.memref_slice %arg8[%run_scoped3A_82, %dma_wait3A_123, %dma_wait3A_124] : memref<2x128x128xf32, #tpu.memory_space<vmem>> -> memref<1x128x128xf32, #tpu.memory_space<vmem>>
      %dma_wait3A_126 = tpu.memref_squeeze %dma_wait3A_125 : memref<1x128x128xf32, #tpu.memory_space<vmem>> -> memref<128x128xf32, #tpu.memory_space<vmem>>
      %dma_wait3A_127 = arith.constant 0 : i32
      %dma_wait3A_128 = tpu.memref_slice %arg9[%add3A_81, %dma_wait3A_127] : memref<10368x128xf32, #tpu.memory_space<vmem_shared>> -> memref<128x128xf32, #tpu.memory_space<vmem_shared>>
      tpu.wait_dma2 semaphore(%run_scoped3A_104 : memref<!tpu.dma_semaphore, #tpu.memory_space<semaphore_mem>>) src(%dma_wait3A_128 : memref<128x128xf32, #tpu.memory_space<vmem_shared>>) dst(%dma_wait3A_126 : memref<128x128xf32, #tpu.memory_space<vmem>>)
      tpu.yield
    }) : () -> ()
    %run_scoped3A_83 = arith.constant 0 : i32
    "tpu.region"() ({
      %run_scoped3A_104 = tpu.sem_alloc : memref<!tpu.dma_semaphore, #tpu.memory_space<semaphore_mem>>
      %dma_start3A_105 = arith.constant 0 : i32
      %dma_start3A_106 = arith.constant 0 : i32
      %dma_start3A_107 = tpu.memref_slice %arg8[%run_scoped3A_83, %dma_start3A_105, %dma_start3A_106] : memref<2x128x128xf32, #tpu.memory_space<vmem>> -> memref<1x128x128xf32, #tpu.memory_space<vmem>>
      %dma_start3A_108 = tpu.memref_squeeze %dma_start3A_107 : memref<1x128x128xf32, #tpu.memory_space<vmem>> -> memref<128x128xf32, #tpu.memory_space<vmem>>
      %dma_start3A_109 = arith.constant 0 : i32
      %dma_start3A_110 = tpu.memref_slice %arg5[%arg0, %add3A_81, %dma_start3A_109] : memref<2x10368x128xf32, #tpu.memory_space<hbm>> -> memref<1x128x128xf32, #tpu.memory_space<hbm>>
      %dma_start3A_111 = tpu.memref_squeeze %dma_start3A_110 : memref<1x128x128xf32, #tpu.memory_space<hbm>> -> memref<128x128xf32, #tpu.memory_space<hbm>>
      %dma_start3A_112 = arith.constant 0 : i32
      %dma_start3A_113 = tpu.memref_slice %arg5[%arg0, %add3A_81, %dma_start3A_112] : memref<2x10368x128xf32, #tpu.memory_space<hbm>> -> memref<1x128x128xf32, #tpu.memory_space<hbm>>
      %dma_start3A_114 = tpu.memref_squeeze %dma_start3A_113 : memref<1x128x128xf32, #tpu.memory_space<hbm>> -> memref<128x128xf32, #tpu.memory_space<hbm>>
      %dma_start3A_115 = arith.constant 0 : i32
      %dma_start3A_116 = arith.constant 0 : i32
      %dma_start3A_117 = tpu.memref_slice %arg8[%run_scoped3A_83, %dma_start3A_115, %dma_start3A_116] : memref<2x128x128xf32, #tpu.memory_space<vmem>> -> memref<1x128x128xf32, #tpu.memory_space<vmem>>
      %dma_start3A_118 = tpu.memref_squeeze %dma_start3A_117 : memref<1x128x128xf32, #tpu.memory_space<vmem>> -> memref<128x128xf32, #tpu.memory_space<vmem>>
      tpu.enqueue_dma source(%dma_start3A_118 : memref<128x128xf32, #tpu.memory_space<vmem>>) target(%dma_start3A_114 : memref<128x128xf32, #tpu.memory_space<hbm>>) target_semaphore(%run_scoped3A_104 : memref<!tpu.dma_semaphore, #tpu.memory_space<semaphore_mem>>)
      %dma_wait3A_119 = arith.constant 0 : i32
      %dma_wait3A_120 = arith.constant 0 : i32
      %dma_wait3A_121 = tpu.memref_slice %arg8[%run_scoped3A_83, %dma_wait3A_119, %dma_wait3A_120] : memref<2x128x128xf32, #tpu.memory_space<vmem>> -> memref<1x128x128xf32, #tpu.memory_space<vmem>>
      %dma_wait3A_122 = tpu.memref_squeeze %dma_wait3A_121 : memref<1x128x128xf32, #tpu.memory_space<vmem>> -> memref<128x128xf32, #tpu.memory_space<vmem>>
      %dma_wait3A_123 = arith.constant 0 : i32
      %dma_wait3A_124 = tpu.memref_slice %arg5[%arg0, %add3A_81, %dma_wait3A_123] : memref<2x10368x128xf32, #tpu.memory_space<hbm>> -> memref<1x128x128xf32, #tpu.memory_space<hbm>>
      %dma_wait3A_125 = tpu.memref_squeeze %dma_wait3A_124 : memref<1x128x128xf32, #tpu.memory_space<hbm>> -> memref<128x128xf32, #tpu.memory_space<hbm>>
      %dma_wait3A_126 = arith.constant 0 : i32
      %dma_wait3A_127 = tpu.memref_slice %arg5[%arg0, %add3A_81, %dma_wait3A_126] : memref<2x10368x128xf32, #tpu.memory_space<hbm>> -> memref<1x128x128xf32, #tpu.memory_space<hbm>>
      %dma_wait3A_128 = tpu.memref_squeeze %dma_wait3A_127 : memref<1x128x128xf32, #tpu.memory_space<hbm>> -> memref<128x128xf32, #tpu.memory_space<hbm>>
      %dma_wait3A_129 = arith.constant 0 : i32
      %dma_wait3A_130 = arith.constant 0 : i32
      %dma_wait3A_131 = tpu.memref_slice %arg8[%run_scoped3A_83, %dma_wait3A_129, %dma_wait3A_130] : memref<2x128x128xf32, #tpu.memory_space<vmem>> -> memref<1x128x128xf32, #tpu.memory_space<vmem>>
      %dma_wait3A_132 = tpu.memref_squeeze %dma_wait3A_131 : memref<1x128x128xf32, #tpu.memory_space<vmem>> -> memref<128x128xf32, #tpu.memory_space<vmem>>
      tpu.wait_dma2 semaphore(%run_scoped3A_104 : memref<!tpu.dma_semaphore, #tpu.memory_space<semaphore_mem>>) src(%dma_wait3A_132 : memref<128x128xf32, #tpu.memory_space<vmem>>) dst(%dma_wait3A_128 : memref<128x128xf32, #tpu.memory_space<hbm>>)
      tpu.yield
    }) : () -> ()
    %add3A_84 = arith.constant 128 : i32
    %add3A_85 = arith.addi %mul3A_9, %add3A_84 : i32
    %run_scoped3A_86 = arith.constant 0 : i32
    "tpu.region"() ({
      %run_scoped3A_104 = tpu.sem_alloc : memref<!tpu.dma_semaphore, #tpu.memory_space<semaphore_mem>>
      %dma_start3A_105 = arith.constant 0 : i32
      %dma_start3A_106 = arith.constant 0 : i32
      %dma_start3A_107 = tpu.memref_slice %arg8[%run_scoped3A_86, %dma_start3A_105, %dma_start3A_106] : memref<2x128x128xf32, #tpu.memory_space<vmem>> -> memref<1x128x128xf32, #tpu.memory_space<vmem>>
      %dma_start3A_108 = tpu.memref_squeeze %dma_start3A_107 : memref<1x128x128xf32, #tpu.memory_space<vmem>> -> memref<128x128xf32, #tpu.memory_space<vmem>>
      %dma_start3A_109 = arith.constant 0 : i32
      %dma_start3A_110 = tpu.memref_slice %arg9[%add3A_85, %dma_start3A_109] : memref<10368x128xf32, #tpu.memory_space<vmem_shared>> -> memref<128x128xf32, #tpu.memory_space<vmem_shared>>
      %dma_start3A_111 = arith.constant 0 : i32
      %dma_start3A_112 = arith.constant 0 : i32
      %dma_start3A_113 = tpu.memref_slice %arg8[%run_scoped3A_86, %dma_start3A_111, %dma_start3A_112] : memref<2x128x128xf32, #tpu.memory_space<vmem>> -> memref<1x128x128xf32, #tpu.memory_space<vmem>>
      %dma_start3A_114 = tpu.memref_squeeze %dma_start3A_113 : memref<1x128x128xf32, #tpu.memory_space<vmem>> -> memref<128x128xf32, #tpu.memory_space<vmem>>
      %dma_start3A_115 = arith.constant 0 : i32
      %dma_start3A_116 = tpu.memref_slice %arg9[%add3A_85, %dma_start3A_115] : memref<10368x128xf32, #tpu.memory_space<vmem_shared>> -> memref<128x128xf32, #tpu.memory_space<vmem_shared>>
      tpu.enqueue_dma source(%dma_start3A_116 : memref<128x128xf32, #tpu.memory_space<vmem_shared>>) target(%dma_start3A_114 : memref<128x128xf32, #tpu.memory_space<vmem>>) target_semaphore(%run_scoped3A_104 : memref<!tpu.dma_semaphore, #tpu.memory_space<semaphore_mem>>)
      %dma_wait3A_117 = arith.constant 0 : i32
      %dma_wait3A_118 = arith.constant 0 : i32
      %dma_wait3A_119 = tpu.memref_slice %arg8[%run_scoped3A_86, %dma_wait3A_117, %dma_wait3A_118] : memref<2x128x128xf32, #tpu.memory_space<vmem>> -> memref<1x128x128xf32, #tpu.memory_space<vmem>>
      %dma_wait3A_120 = tpu.memref_squeeze %dma_wait3A_119 : memref<1x128x128xf32, #tpu.memory_space<vmem>> -> memref<128x128xf32, #tpu.memory_space<vmem>>
      %dma_wait3A_121 = arith.constant 0 : i32
      %dma_wait3A_122 = tpu.memref_slice %arg9[%add3A_85, %dma_wait3A_121] : memref<10368x128xf32, #tpu.memory_space<vmem_shared>> -> memref<128x128xf32, #tpu.memory_space<vmem_shared>>
      %dma_wait3A_123 = arith.constant 0 : i32
      %dma_wait3A_124 = arith.constant 0 : i32
      %dma_wait3A_125 = tpu.memref_slice %arg8[%run_scoped3A_86, %dma_wait3A_123, %dma_wait3A_124] : memref<2x128x128xf32, #tpu.memory_space<vmem>> -> memref<1x128x128xf32, #tpu.memory_space<vmem>>
      %dma_wait3A_126 = tpu.memref_squeeze %dma_wait3A_125 : memref<1x128x128xf32, #tpu.memory_space<vmem>> -> memref<128x128xf32, #tpu.memory_space<vmem>>
      %dma_wait3A_127 = arith.constant 0 : i32
      %dma_wait3A_128 = tpu.memref_slice %arg9[%add3A_85, %dma_wait3A_127] : memref<10368x128xf32, #tpu.memory_space<vmem_shared>> -> memref<128x128xf32, #tpu.memory_space<vmem_shared>>
      tpu.wait_dma2 semaphore(%run_scoped3A_104 : memref<!tpu.dma_semaphore, #tpu.memory_space<semaphore_mem>>) src(%dma_wait3A_128 : memref<128x128xf32, #tpu.memory_space<vmem_shared>>) dst(%dma_wait3A_126 : memref<128x128xf32, #tpu.memory_space<vmem>>)
      tpu.yield
    }) : () -> ()
    %run_scoped3A_87 = arith.constant 0 : i32
    "tpu.region"() ({
      %run_scoped3A_104 = tpu.sem_alloc : memref<!tpu.dma_semaphore, #tpu.memory_space<semaphore_mem>>
      %dma_start3A_105 = arith.constant 0 : i32
      %dma_start3A_106 = arith.constant 0 : i32
      %dma_start3A_107 = tpu.memref_slice %arg8[%run_scoped3A_87, %dma_start3A_105, %dma_start3A_106] : memref<2x128x128xf32, #tpu.memory_space<vmem>> -> memref<1x128x128xf32, #tpu.memory_space<vmem>>
      %dma_start3A_108 = tpu.memref_squeeze %dma_start3A_107 : memref<1x128x128xf32, #tpu.memory_space<vmem>> -> memref<128x128xf32, #tpu.memory_space<vmem>>
      %dma_start3A_109 = arith.constant 0 : i32
      %dma_start3A_110 = tpu.memref_slice %arg5[%arg0, %add3A_85, %dma_start3A_109] : memref<2x10368x128xf32, #tpu.memory_space<hbm>> -> memref<1x128x128xf32, #tpu.memory_space<hbm>>
      %dma_start3A_111 = tpu.memref_squeeze %dma_start3A_110 : memref<1x128x128xf32, #tpu.memory_space<hbm>> -> memref<128x128xf32, #tpu.memory_space<hbm>>
      %dma_start3A_112 = arith.constant 0 : i32
      %dma_start3A_113 = tpu.memref_slice %arg5[%arg0, %add3A_85, %dma_start3A_112] : memref<2x10368x128xf32, #tpu.memory_space<hbm>> -> memref<1x128x128xf32, #tpu.memory_space<hbm>>
      %dma_start3A_114 = tpu.memref_squeeze %dma_start3A_113 : memref<1x128x128xf32, #tpu.memory_space<hbm>> -> memref<128x128xf32, #tpu.memory_space<hbm>>
      %dma_start3A_115 = arith.constant 0 : i32
      %dma_start3A_116 = arith.constant 0 : i32
      %dma_start3A_117 = tpu.memref_slice %arg8[%run_scoped3A_87, %dma_start3A_115, %dma_start3A_116] : memref<2x128x128xf32, #tpu.memory_space<vmem>> -> memref<1x128x128xf32, #tpu.memory_space<vmem>>
      %dma_start3A_118 = tpu.memref_squeeze %dma_start3A_117 : memref<1x128x128xf32, #tpu.memory_space<vmem>> -> memref<128x128xf32, #tpu.memory_space<vmem>>
      tpu.enqueue_dma source(%dma_start3A_118 : memref<128x128xf32, #tpu.memory_space<vmem>>) target(%dma_start3A_114 : memref<128x128xf32, #tpu.memory_space<hbm>>) target_semaphore(%run_scoped3A_104 : memref<!tpu.dma_semaphore, #tpu.memory_space<semaphore_mem>>)
      %dma_wait3A_119 = arith.constant 0 : i32
      %dma_wait3A_120 = arith.constant 0 : i32
      %dma_wait3A_121 = tpu.memref_slice %arg8[%run_scoped3A_87, %dma_wait3A_119, %dma_wait3A_120] : memref<2x128x128xf32, #tpu.memory_space<vmem>> -> memref<1x128x128xf32, #tpu.memory_space<vmem>>
      %dma_wait3A_122 = tpu.memref_squeeze %dma_wait3A_121 : memref<1x128x128xf32, #tpu.memory_space<vmem>> -> memref<128x128xf32, #tpu.memory_space<vmem>>
      %dma_wait3A_123 = arith.constant 0 : i32
      %dma_wait3A_124 = tpu.memref_slice %arg5[%arg0, %add3A_85, %dma_wait3A_123] : memref<2x10368x128xf32, #tpu.memory_space<hbm>> -> memref<1x128x128xf32, #tpu.memory_space<hbm>>
      %dma_wait3A_125 = tpu.memref_squeeze %dma_wait3A_124 : memref<1x128x128xf32, #tpu.memory_space<hbm>> -> memref<128x128xf32, #tpu.memory_space<hbm>>
      %dma_wait3A_126 = arith.constant 0 : i32
      %dma_wait3A_127 = tpu.memref_slice %arg5[%arg0, %add3A_85, %dma_wait3A_126] : memref<2x10368x128xf32, #tpu.memory_space<hbm>> -> memref<1x128x128xf32, #tpu.memory_space<hbm>>
      %dma_wait3A_128 = tpu.memref_squeeze %dma_wait3A_127 : memref<1x128x128xf32, #tpu.memory_space<hbm>> -> memref<128x128xf32, #tpu.memory_space<hbm>>
      %dma_wait3A_129 = arith.constant 0 : i32
      %dma_wait3A_130 = arith.constant 0 : i32
      %dma_wait3A_131 = tpu.memref_slice %arg8[%run_scoped3A_87, %dma_wait3A_129, %dma_wait3A_130] : memref<2x128x128xf32, #tpu.memory_space<vmem>> -> memref<1x128x128xf32, #tpu.memory_space<vmem>>
      %dma_wait3A_132 = tpu.memref_squeeze %dma_wait3A_131 : memref<1x128x128xf32, #tpu.memory_space<vmem>> -> memref<128x128xf32, #tpu.memory_space<vmem>>
      tpu.wait_dma2 semaphore(%run_scoped3A_104 : memref<!tpu.dma_semaphore, #tpu.memory_space<semaphore_mem>>) src(%dma_wait3A_132 : memref<128x128xf32, #tpu.memory_space<vmem>>) dst(%dma_wait3A_128 : memref<128x128xf32, #tpu.memory_space<hbm>>)
      tpu.yield
    }) : () -> ()
    %add3A_88 = arith.constant 256 : i32
    %add3A_89 = arith.addi %mul3A_9, %add3A_88 : i32
    %run_scoped3A_90 = arith.constant 0 : i32
    "tpu.region"() ({
      %run_scoped3A_104 = tpu.sem_alloc : memref<!tpu.dma_semaphore, #tpu.memory_space<semaphore_mem>>
      %dma_start3A_105 = arith.constant 0 : i32
      %dma_start3A_106 = arith.constant 0 : i32
      %dma_start3A_107 = tpu.memref_slice %arg8[%run_scoped3A_90, %dma_start3A_105, %dma_start3A_106] : memref<2x128x128xf32, #tpu.memory_space<vmem>> -> memref<1x128x128xf32, #tpu.memory_space<vmem>>
      %dma_start3A_108 = tpu.memref_squeeze %dma_start3A_107 : memref<1x128x128xf32, #tpu.memory_space<vmem>> -> memref<128x128xf32, #tpu.memory_space<vmem>>
      %dma_start3A_109 = arith.constant 0 : i32
      %dma_start3A_110 = tpu.memref_slice %arg9[%add3A_89, %dma_start3A_109] : memref<10368x128xf32, #tpu.memory_space<vmem_shared>> -> memref<128x128xf32, #tpu.memory_space<vmem_shared>>
      %dma_start3A_111 = arith.constant 0 : i32
      %dma_start3A_112 = arith.constant 0 : i32
      %dma_start3A_113 = tpu.memref_slice %arg8[%run_scoped3A_90, %dma_start3A_111, %dma_start3A_112] : memref<2x128x128xf32, #tpu.memory_space<vmem>> -> memref<1x128x128xf32, #tpu.memory_space<vmem>>
      %dma_start3A_114 = tpu.memref_squeeze %dma_start3A_113 : memref<1x128x128xf32, #tpu.memory_space<vmem>> -> memref<128x128xf32, #tpu.memory_space<vmem>>
      %dma_start3A_115 = arith.constant 0 : i32
      %dma_start3A_116 = tpu.memref_slice %arg9[%add3A_89, %dma_start3A_115] : memref<10368x128xf32, #tpu.memory_space<vmem_shared>> -> memref<128x128xf32, #tpu.memory_space<vmem_shared>>
      tpu.enqueue_dma source(%dma_start3A_116 : memref<128x128xf32, #tpu.memory_space<vmem_shared>>) target(%dma_start3A_114 : memref<128x128xf32, #tpu.memory_space<vmem>>) target_semaphore(%run_scoped3A_104 : memref<!tpu.dma_semaphore, #tpu.memory_space<semaphore_mem>>)
      %dma_wait3A_117 = arith.constant 0 : i32
      %dma_wait3A_118 = arith.constant 0 : i32
      %dma_wait3A_119 = tpu.memref_slice %arg8[%run_scoped3A_90, %dma_wait3A_117, %dma_wait3A_118] : memref<2x128x128xf32, #tpu.memory_space<vmem>> -> memref<1x128x128xf32, #tpu.memory_space<vmem>>
      %dma_wait3A_120 = tpu.memref_squeeze %dma_wait3A_119 : memref<1x128x128xf32, #tpu.memory_space<vmem>> -> memref<128x128xf32, #tpu.memory_space<vmem>>
      %dma_wait3A_121 = arith.constant 0 : i32
      %dma_wait3A_122 = tpu.memref_slice %arg9[%add3A_89, %dma_wait3A_121] : memref<10368x128xf32, #tpu.memory_space<vmem_shared>> -> memref<128x128xf32, #tpu.memory_space<vmem_shared>>
      %dma_wait3A_123 = arith.constant 0 : i32
      %dma_wait3A_124 = arith.constant 0 : i32
      %dma_wait3A_125 = tpu.memref_slice %arg8[%run_scoped3A_90, %dma_wait3A_123, %dma_wait3A_124] : memref<2x128x128xf32, #tpu.memory_space<vmem>> -> memref<1x128x128xf32, #tpu.memory_space<vmem>>
      %dma_wait3A_126 = tpu.memref_squeeze %dma_wait3A_125 : memref<1x128x128xf32, #tpu.memory_space<vmem>> -> memref<128x128xf32, #tpu.memory_space<vmem>>
      %dma_wait3A_127 = arith.constant 0 : i32
      %dma_wait3A_128 = tpu.memref_slice %arg9[%add3A_89, %dma_wait3A_127] : memref<10368x128xf32, #tpu.memory_space<vmem_shared>> -> memref<128x128xf32, #tpu.memory_space<vmem_shared>>
      tpu.wait_dma2 semaphore(%run_scoped3A_104 : memref<!tpu.dma_semaphore, #tpu.memory_space<semaphore_mem>>) src(%dma_wait3A_128 : memref<128x128xf32, #tpu.memory_space<vmem_shared>>) dst(%dma_wait3A_126 : memref<128x128xf32, #tpu.memory_space<vmem>>)
      tpu.yield
    }) : () -> ()
    %run_scoped3A_91 = arith.constant 0 : i32
    "tpu.region"() ({
      %run_scoped3A_104 = tpu.sem_alloc : memref<!tpu.dma_semaphore, #tpu.memory_space<semaphore_mem>>
      %dma_start3A_105 = arith.constant 0 : i32
      %dma_start3A_106 = arith.constant 0 : i32
      %dma_start3A_107 = tpu.memref_slice %arg8[%run_scoped3A_91, %dma_start3A_105, %dma_start3A_106] : memref<2x128x128xf32, #tpu.memory_space<vmem>> -> memref<1x128x128xf32, #tpu.memory_space<vmem>>
      %dma_start3A_108 = tpu.memref_squeeze %dma_start3A_107 : memref<1x128x128xf32, #tpu.memory_space<vmem>> -> memref<128x128xf32, #tpu.memory_space<vmem>>
      %dma_start3A_109 = arith.constant 0 : i32
      %dma_start3A_110 = tpu.memref_slice %arg5[%arg0, %add3A_89, %dma_start3A_109] : memref<2x10368x128xf32, #tpu.memory_space<hbm>> -> memref<1x128x128xf32, #tpu.memory_space<hbm>>
      %dma_start3A_111 = tpu.memref_squeeze %dma_start3A_110 : memref<1x128x128xf32, #tpu.memory_space<hbm>> -> memref<128x128xf32, #tpu.memory_space<hbm>>
      %dma_start3A_112 = arith.constant 0 : i32
      %dma_start3A_113 = tpu.memref_slice %arg5[%arg0, %add3A_89, %dma_start3A_112] : memref<2x10368x128xf32, #tpu.memory_space<hbm>> -> memref<1x128x128xf32, #tpu.memory_space<hbm>>
      %dma_start3A_114 = tpu.memref_squeeze %dma_start3A_113 : memref<1x128x128xf32, #tpu.memory_space<hbm>> -> memref<128x128xf32, #tpu.memory_space<hbm>>
      %dma_start3A_115 = arith.constant 0 : i32
      %dma_start3A_116 = arith.constant 0 : i32
      %dma_start3A_117 = tpu.memref_slice %arg8[%run_scoped3A_91, %dma_start3A_115, %dma_start3A_116] : memref<2x128x128xf32, #tpu.memory_space<vmem>> -> memref<1x128x128xf32, #tpu.memory_space<vmem>>
      %dma_start3A_118 = tpu.memref_squeeze %dma_start3A_117 : memref<1x128x128xf32, #tpu.memory_space<vmem>> -> memref<128x128xf32, #tpu.memory_space<vmem>>
      tpu.enqueue_dma source(%dma_start3A_118 : memref<128x128xf32, #tpu.memory_space<vmem>>) target(%dma_start3A_114 : memref<128x128xf32, #tpu.memory_space<hbm>>) target_semaphore(%run_scoped3A_104 : memref<!tpu.dma_semaphore, #tpu.memory_space<semaphore_mem>>)
      %dma_wait3A_119 = arith.constant 0 : i32
      %dma_wait3A_120 = arith.constant 0 : i32
      %dma_wait3A_121 = tpu.memref_slice %arg8[%run_scoped3A_91, %dma_wait3A_119, %dma_wait3A_120] : memref<2x128x128xf32, #tpu.memory_space<vmem>> -> memref<1x128x128xf32, #tpu.memory_space<vmem>>
      %dma_wait3A_122 = tpu.memref_squeeze %dma_wait3A_121 : memref<1x128x128xf32, #tpu.memory_space<vmem>> -> memref<128x128xf32, #tpu.memory_space<vmem>>
      %dma_wait3A_123 = arith.constant 0 : i32
      %dma_wait3A_124 = tpu.memref_slice %arg5[%arg0, %add3A_89, %dma_wait3A_123] : memref<2x10368x128xf32, #tpu.memory_space<hbm>> -> memref<1x128x128xf32, #tpu.memory_space<hbm>>
      %dma_wait3A_125 = tpu.memref_squeeze %dma_wait3A_124 : memref<1x128x128xf32, #tpu.memory_space<hbm>> -> memref<128x128xf32, #tpu.memory_space<hbm>>
      %dma_wait3A_126 = arith.constant 0 : i32
      %dma_wait3A_127 = tpu.memref_slice %arg5[%arg0, %add3A_89, %dma_wait3A_126] : memref<2x10368x128xf32, #tpu.memory_space<hbm>> -> memref<1x128x128xf32, #tpu.memory_space<hbm>>
      %dma_wait3A_128 = tpu.memref_squeeze %dma_wait3A_127 : memref<1x128x128xf32, #tpu.memory_space<hbm>> -> memref<128x128xf32, #tpu.memory_space<hbm>>
      %dma_wait3A_129 = arith.constant 0 : i32
      %dma_wait3A_130 = arith.constant 0 : i32
      %dma_wait3A_131 = tpu.memref_slice %arg8[%run_scoped3A_91, %dma_wait3A_129, %dma_wait3A_130] : memref<2x128x128xf32, #tpu.memory_space<vmem>> -> memref<1x128x128xf32, #tpu.memory_space<vmem>>
      %dma_wait3A_132 = tpu.memref_squeeze %dma_wait3A_131 : memref<1x128x128xf32, #tpu.memory_space<vmem>> -> memref<128x128xf32, #tpu.memory_space<vmem>>
      tpu.wait_dma2 semaphore(%run_scoped3A_104 : memref<!tpu.dma_semaphore, #tpu.memory_space<semaphore_mem>>) src(%dma_wait3A_132 : memref<128x128xf32, #tpu.memory_space<vmem>>) dst(%dma_wait3A_128 : memref<128x128xf32, #tpu.memory_space<hbm>>)
      tpu.yield
    }) : () -> ()
    %add3A_92 = arith.constant 384 : i32
    %add3A_93 = arith.addi %mul3A_9, %add3A_92 : i32
    %run_scoped3A_94 = arith.constant 0 : i32
    "tpu.region"() ({
      %run_scoped3A_104 = tpu.sem_alloc : memref<!tpu.dma_semaphore, #tpu.memory_space<semaphore_mem>>
      %dma_start3A_105 = arith.constant 0 : i32
      %dma_start3A_106 = arith.constant 0 : i32
      %dma_start3A_107 = tpu.memref_slice %arg8[%run_scoped3A_94, %dma_start3A_105, %dma_start3A_106] : memref<2x128x128xf32, #tpu.memory_space<vmem>> -> memref<1x128x128xf32, #tpu.memory_space<vmem>>
      %dma_start3A_108 = tpu.memref_squeeze %dma_start3A_107 : memref<1x128x128xf32, #tpu.memory_space<vmem>> -> memref<128x128xf32, #tpu.memory_space<vmem>>
      %dma_start3A_109 = arith.constant 0 : i32
      %dma_start3A_110 = tpu.memref_slice %arg9[%add3A_93, %dma_start3A_109] : memref<10368x128xf32, #tpu.memory_space<vmem_shared>> -> memref<128x128xf32, #tpu.memory_space<vmem_shared>>
      %dma_start3A_111 = arith.constant 0 : i32
      %dma_start3A_112 = arith.constant 0 : i32
      %dma_start3A_113 = tpu.memref_slice %arg8[%run_scoped3A_94, %dma_start3A_111, %dma_start3A_112] : memref<2x128x128xf32, #tpu.memory_space<vmem>> -> memref<1x128x128xf32, #tpu.memory_space<vmem>>
      %dma_start3A_114 = tpu.memref_squeeze %dma_start3A_113 : memref<1x128x128xf32, #tpu.memory_space<vmem>> -> memref<128x128xf32, #tpu.memory_space<vmem>>
      %dma_start3A_115 = arith.constant 0 : i32
      %dma_start3A_116 = tpu.memref_slice %arg9[%add3A_93, %dma_start3A_115] : memref<10368x128xf32, #tpu.memory_space<vmem_shared>> -> memref<128x128xf32, #tpu.memory_space<vmem_shared>>
      tpu.enqueue_dma source(%dma_start3A_116 : memref<128x128xf32, #tpu.memory_space<vmem_shared>>) target(%dma_start3A_114 : memref<128x128xf32, #tpu.memory_space<vmem>>) target_semaphore(%run_scoped3A_104 : memref<!tpu.dma_semaphore, #tpu.memory_space<semaphore_mem>>)
      %dma_wait3A_117 = arith.constant 0 : i32
      %dma_wait3A_118 = arith.constant 0 : i32
      %dma_wait3A_119 = tpu.memref_slice %arg8[%run_scoped3A_94, %dma_wait3A_117, %dma_wait3A_118] : memref<2x128x128xf32, #tpu.memory_space<vmem>> -> memref<1x128x128xf32, #tpu.memory_space<vmem>>
      %dma_wait3A_120 = tpu.memref_squeeze %dma_wait3A_119 : memref<1x128x128xf32, #tpu.memory_space<vmem>> -> memref<128x128xf32, #tpu.memory_space<vmem>>
      %dma_wait3A_121 = arith.constant 0 : i32
      %dma_wait3A_122 = tpu.memref_slice %arg9[%add3A_93, %dma_wait3A_121] : memref<10368x128xf32, #tpu.memory_space<vmem_shared>> -> memref<128x128xf32, #tpu.memory_space<vmem_shared>>
      %dma_wait3A_123 = arith.constant 0 : i32
      %dma_wait3A_124 = arith.constant 0 : i32
      %dma_wait3A_125 = tpu.memref_slice %arg8[%run_scoped3A_94, %dma_wait3A_123, %dma_wait3A_124] : memref<2x128x128xf32, #tpu.memory_space<vmem>> -> memref<1x128x128xf32, #tpu.memory_space<vmem>>
      %dma_wait3A_126 = tpu.memref_squeeze %dma_wait3A_125 : memref<1x128x128xf32, #tpu.memory_space<vmem>> -> memref<128x128xf32, #tpu.memory_space<vmem>>
      %dma_wait3A_127 = arith.constant 0 : i32
      %dma_wait3A_128 = tpu.memref_slice %arg9[%add3A_93, %dma_wait3A_127] : memref<10368x128xf32, #tpu.memory_space<vmem_shared>> -> memref<128x128xf32, #tpu.memory_space<vmem_shared>>
      tpu.wait_dma2 semaphore(%run_scoped3A_104 : memref<!tpu.dma_semaphore, #tpu.memory_space<semaphore_mem>>) src(%dma_wait3A_128 : memref<128x128xf32, #tpu.memory_space<vmem_shared>>) dst(%dma_wait3A_126 : memref<128x128xf32, #tpu.memory_space<vmem>>)
      tpu.yield
    }) : () -> ()
    %run_scoped3A_95 = arith.constant 0 : i32
    "tpu.region"() ({
      %run_scoped3A_104 = tpu.sem_alloc : memref<!tpu.dma_semaphore, #tpu.memory_space<semaphore_mem>>
      %dma_start3A_105 = arith.constant 0 : i32
      %dma_start3A_106 = arith.constant 0 : i32
      %dma_start3A_107 = tpu.memref_slice %arg8[%run_scoped3A_95, %dma_start3A_105, %dma_start3A_106] : memref<2x128x128xf32, #tpu.memory_space<vmem>> -> memref<1x128x128xf32, #tpu.memory_space<vmem>>
      %dma_start3A_108 = tpu.memref_squeeze %dma_start3A_107 : memref<1x128x128xf32, #tpu.memory_space<vmem>> -> memref<128x128xf32, #tpu.memory_space<vmem>>
      %dma_start3A_109 = arith.constant 0 : i32
      %dma_start3A_110 = tpu.memref_slice %arg5[%arg0, %add3A_93, %dma_start3A_109] : memref<2x10368x128xf32, #tpu.memory_space<hbm>> -> memref<1x128x128xf32, #tpu.memory_space<hbm>>
      %dma_start3A_111 = tpu.memref_squeeze %dma_start3A_110 : memref<1x128x128xf32, #tpu.memory_space<hbm>> -> memref<128x128xf32, #tpu.memory_space<hbm>>
      %dma_start3A_112 = arith.constant 0 : i32
      %dma_start3A_113 = tpu.memref_slice %arg5[%arg0, %add3A_93, %dma_start3A_112] : memref<2x10368x128xf32, #tpu.memory_space<hbm>> -> memref<1x128x128xf32, #tpu.memory_space<hbm>>
      %dma_start3A_114 = tpu.memref_squeeze %dma_start3A_113 : memref<1x128x128xf32, #tpu.memory_space<hbm>> -> memref<128x128xf32, #tpu.memory_space<hbm>>
      %dma_start3A_115 = arith.constant 0 : i32
      %dma_start3A_116 = arith.constant 0 : i32
      %dma_start3A_117 = tpu.memref_slice %arg8[%run_scoped3A_95, %dma_start3A_115, %dma_start3A_116] : memref<2x128x128xf32, #tpu.memory_space<vmem>> -> memref<1x128x128xf32, #tpu.memory_space<vmem>>
      %dma_start3A_118 = tpu.memref_squeeze %dma_start3A_117 : memref<1x128x128xf32, #tpu.memory_space<vmem>> -> memref<128x128xf32, #tpu.memory_space<vmem>>
      tpu.enqueue_dma source(%dma_start3A_118 : memref<128x128xf32, #tpu.memory_space<vmem>>) target(%dma_start3A_114 : memref<128x128xf32, #tpu.memory_space<hbm>>) target_semaphore(%run_scoped3A_104 : memref<!tpu.dma_semaphore, #tpu.memory_space<semaphore_mem>>)
      %dma_wait3A_119 = arith.constant 0 : i32
      %dma_wait3A_120 = arith.constant 0 : i32
      %dma_wait3A_121 = tpu.memref_slice %arg8[%run_scoped3A_95, %dma_wait3A_119, %dma_wait3A_120] : memref<2x128x128xf32, #tpu.memory_space<vmem>> -> memref<1x128x128xf32, #tpu.memory_space<vmem>>
      %dma_wait3A_122 = tpu.memref_squeeze %dma_wait3A_121 : memref<1x128x128xf32, #tpu.memory_space<vmem>> -> memref<128x128xf32, #tpu.memory_space<vmem>>
      %dma_wait3A_123 = arith.constant 0 : i32
      %dma_wait3A_124 = tpu.memref_slice %arg5[%arg0, %add3A_93, %dma_wait3A_123] : memref<2x10368x128xf32, #tpu.memory_space<hbm>> -> memref<1x128x128xf32, #tpu.memory_space<hbm>>
      %dma_wait3A_125 = tpu.memref_squeeze %dma_wait3A_124 : memref<1x128x128xf32, #tpu.memory_space<hbm>> -> memref<128x128xf32, #tpu.memory_space<hbm>>
      %dma_wait3A_126 = arith.constant 0 : i32
      %dma_wait3A_127 = tpu.memref_slice %arg5[%arg0, %add3A_93, %dma_wait3A_126] : memref<2x10368x128xf32, #tpu.memory_space<hbm>> -> memref<1x128x128xf32, #tpu.memory_space<hbm>>
      %dma_wait3A_128 = tpu.memref_squeeze %dma_wait3A_127 : memref<1x128x128xf32, #tpu.memory_space<hbm>> -> memref<128x128xf32, #tpu.memory_space<hbm>>
      %dma_wait3A_129 = arith.constant 0 : i32
      %dma_wait3A_130 = arith.constant 0 : i32
      %dma_wait3A_131 = tpu.memref_slice %arg8[%run_scoped3A_95, %dma_wait3A_129, %dma_wait3A_130] : memref<2x128x128xf32, #tpu.memory_space<vmem>> -> memref<1x128x128xf32, #tpu.memory_space<vmem>>
      %dma_wait3A_132 = tpu.memref_squeeze %dma_wait3A_131 : memref<1x128x128xf32, #tpu.memory_space<vmem>> -> memref<128x128xf32, #tpu.memory_space<vmem>>
      tpu.wait_dma2 semaphore(%run_scoped3A_104 : memref<!tpu.dma_semaphore, #tpu.memory_space<semaphore_mem>>) src(%dma_wait3A_132 : memref<128x128xf32, #tpu.memory_space<vmem>>) dst(%dma_wait3A_128 : memref<128x128xf32, #tpu.memory_space<hbm>>)
      tpu.yield
    }) : () -> ()
    %add3A_96 = arith.constant 512 : i32
    %add3A_97 = arith.addi %mul3A_9, %add3A_96 : i32
    %run_scoped3A_98 = arith.constant 0 : i32
    "tpu.region"() ({
      %run_scoped3A_104 = tpu.sem_alloc : memref<!tpu.dma_semaphore, #tpu.memory_space<semaphore_mem>>
      %dma_start3A_105 = arith.constant 0 : i32
      %dma_start3A_106 = arith.constant 0 : i32
      %dma_start3A_107 = tpu.memref_slice %arg8[%run_scoped3A_98, %dma_start3A_105, %dma_start3A_106] : memref<2x128x128xf32, #tpu.memory_space<vmem>> -> memref<1x128x128xf32, #tpu.memory_space<vmem>>
      %dma_start3A_108 = tpu.memref_squeeze %dma_start3A_107 : memref<1x128x128xf32, #tpu.memory_space<vmem>> -> memref<128x128xf32, #tpu.memory_space<vmem>>
      %dma_start3A_109 = arith.constant 0 : i32
      %dma_start3A_110 = tpu.memref_slice %arg9[%add3A_97, %dma_start3A_109] : memref<10368x128xf32, #tpu.memory_space<vmem_shared>> -> memref<128x128xf32, #tpu.memory_space<vmem_shared>>
      %dma_start3A_111 = arith.constant 0 : i32
      %dma_start3A_112 = arith.constant 0 : i32
      %dma_start3A_113 = tpu.memref_slice %arg8[%run_scoped3A_98, %dma_start3A_111, %dma_start3A_112] : memref<2x128x128xf32, #tpu.memory_space<vmem>> -> memref<1x128x128xf32, #tpu.memory_space<vmem>>
      %dma_start3A_114 = tpu.memref_squeeze %dma_start3A_113 : memref<1x128x128xf32, #tpu.memory_space<vmem>> -> memref<128x128xf32, #tpu.memory_space<vmem>>
      %dma_start3A_115 = arith.constant 0 : i32
      %dma_start3A_116 = tpu.memref_slice %arg9[%add3A_97, %dma_start3A_115] : memref<10368x128xf32, #tpu.memory_space<vmem_shared>> -> memref<128x128xf32, #tpu.memory_space<vmem_shared>>
      tpu.enqueue_dma source(%dma_start3A_116 : memref<128x128xf32, #tpu.memory_space<vmem_shared>>) target(%dma_start3A_114 : memref<128x128xf32, #tpu.memory_space<vmem>>) target_semaphore(%run_scoped3A_104 : memref<!tpu.dma_semaphore, #tpu.memory_space<semaphore_mem>>)
      %dma_wait3A_117 = arith.constant 0 : i32
      %dma_wait3A_118 = arith.constant 0 : i32
      %dma_wait3A_119 = tpu.memref_slice %arg8[%run_scoped3A_98, %dma_wait3A_117, %dma_wait3A_118] : memref<2x128x128xf32, #tpu.memory_space<vmem>> -> memref<1x128x128xf32, #tpu.memory_space<vmem>>
      %dma_wait3A_120 = tpu.memref_squeeze %dma_wait3A_119 : memref<1x128x128xf32, #tpu.memory_space<vmem>> -> memref<128x128xf32, #tpu.memory_space<vmem>>
      %dma_wait3A_121 = arith.constant 0 : i32
      %dma_wait3A_122 = tpu.memref_slice %arg9[%add3A_97, %dma_wait3A_121] : memref<10368x128xf32, #tpu.memory_space<vmem_shared>> -> memref<128x128xf32, #tpu.memory_space<vmem_shared>>
      %dma_wait3A_123 = arith.constant 0 : i32
      %dma_wait3A_124 = arith.constant 0 : i32
      %dma_wait3A_125 = tpu.memref_slice %arg8[%run_scoped3A_98, %dma_wait3A_123, %dma_wait3A_124] : memref<2x128x128xf32, #tpu.memory_space<vmem>> -> memref<1x128x128xf32, #tpu.memory_space<vmem>>
      %dma_wait3A_126 = tpu.memref_squeeze %dma_wait3A_125 : memref<1x128x128xf32, #tpu.memory_space<vmem>> -> memref<128x128xf32, #tpu.memory_space<vmem>>
      %dma_wait3A_127 = arith.constant 0 : i32
      %dma_wait3A_128 = tpu.memref_slice %arg9[%add3A_97, %dma_wait3A_127] : memref<10368x128xf32, #tpu.memory_space<vmem_shared>> -> memref<128x128xf32, #tpu.memory_space<vmem_shared>>
      tpu.wait_dma2 semaphore(%run_scoped3A_104 : memref<!tpu.dma_semaphore, #tpu.memory_space<semaphore_mem>>) src(%dma_wait3A_128 : memref<128x128xf32, #tpu.memory_space<vmem_shared>>) dst(%dma_wait3A_126 : memref<128x128xf32, #tpu.memory_space<vmem>>)
      tpu.yield
    }) : () -> ()
    %run_scoped3A_99 = arith.constant 0 : i32
    "tpu.region"() ({
      %run_scoped3A_104 = tpu.sem_alloc : memref<!tpu.dma_semaphore, #tpu.memory_space<semaphore_mem>>
      %dma_start3A_105 = arith.constant 0 : i32
      %dma_start3A_106 = arith.constant 0 : i32
      %dma_start3A_107 = tpu.memref_slice %arg8[%run_scoped3A_99, %dma_start3A_105, %dma_start3A_106] : memref<2x128x128xf32, #tpu.memory_space<vmem>> -> memref<1x128x128xf32, #tpu.memory_space<vmem>>
      %dma_start3A_108 = tpu.memref_squeeze %dma_start3A_107 : memref<1x128x128xf32, #tpu.memory_space<vmem>> -> memref<128x128xf32, #tpu.memory_space<vmem>>
      %dma_start3A_109 = arith.constant 0 : i32
      %dma_start3A_110 = tpu.memref_slice %arg5[%arg0, %add3A_97, %dma_start3A_109] : memref<2x10368x128xf32, #tpu.memory_space<hbm>> -> memref<1x128x128xf32, #tpu.memory_space<hbm>>
      %dma_start3A_111 = tpu.memref_squeeze %dma_start3A_110 : memref<1x128x128xf32, #tpu.memory_space<hbm>> -> memref<128x128xf32, #tpu.memory_space<hbm>>
      %dma_start3A_112 = arith.constant 0 : i32
      %dma_start3A_113 = tpu.memref_slice %arg5[%arg0, %add3A_97, %dma_start3A_112] : memref<2x10368x128xf32, #tpu.memory_space<hbm>> -> memref<1x128x128xf32, #tpu.memory_space<hbm>>
      %dma_start3A_114 = tpu.memref_squeeze %dma_start3A_113 : memref<1x128x128xf32, #tpu.memory_space<hbm>> -> memref<128x128xf32, #tpu.memory_space<hbm>>
      %dma_start3A_115 = arith.constant 0 : i32
      %dma_start3A_116 = arith.constant 0 : i32
      %dma_start3A_117 = tpu.memref_slice %arg8[%run_scoped3A_99, %dma_start3A_115, %dma_start3A_116] : memref<2x128x128xf32, #tpu.memory_space<vmem>> -> memref<1x128x128xf32, #tpu.memory_space<vmem>>
      %dma_start3A_118 = tpu.memref_squeeze %dma_start3A_117 : memref<1x128x128xf32, #tpu.memory_space<vmem>> -> memref<128x128xf32, #tpu.memory_space<vmem>>
      tpu.enqueue_dma source(%dma_start3A_118 : memref<128x128xf32, #tpu.memory_space<vmem>>) target(%dma_start3A_114 : memref<128x128xf32, #tpu.memory_space<hbm>>) target_semaphore(%run_scoped3A_104 : memref<!tpu.dma_semaphore, #tpu.memory_space<semaphore_mem>>)
      %dma_wait3A_119 = arith.constant 0 : i32
      %dma_wait3A_120 = arith.constant 0 : i32
      %dma_wait3A_121 = tpu.memref_slice %arg8[%run_scoped3A_99, %dma_wait3A_119, %dma_wait3A_120] : memref<2x128x128xf32, #tpu.memory_space<vmem>> -> memref<1x128x128xf32, #tpu.memory_space<vmem>>
      %dma_wait3A_122 = tpu.memref_squeeze %dma_wait3A_121 : memref<1x128x128xf32, #tpu.memory_space<vmem>> -> memref<128x128xf32, #tpu.memory_space<vmem>>
      %dma_wait3A_123 = arith.constant 0 : i32
      %dma_wait3A_124 = tpu.memref_slice %arg5[%arg0, %add3A_97, %dma_wait3A_123] : memref<2x10368x128xf32, #tpu.memory_space<hbm>> -> memref<1x128x128xf32, #tpu.memory_space<hbm>>
      %dma_wait3A_125 = tpu.memref_squeeze %dma_wait3A_124 : memref<1x128x128xf32, #tpu.memory_space<hbm>> -> memref<128x128xf32, #tpu.memory_space<hbm>>
      %dma_wait3A_126 = arith.constant 0 : i32
      %dma_wait3A_127 = tpu.memref_slice %arg5[%arg0, %add3A_97, %dma_wait3A_126] : memref<2x10368x128xf32, #tpu.memory_space<hbm>> -> memref<1x128x128xf32, #tpu.memory_space<hbm>>
      %dma_wait3A_128 = tpu.memref_squeeze %dma_wait3A_127 : memref<1x128x128xf32, #tpu.memory_space<hbm>> -> memref<128x128xf32, #tpu.memory_space<hbm>>
      %dma_wait3A_129 = arith.constant 0 : i32
      %dma_wait3A_130 = arith.constant 0 : i32
      %dma_wait3A_131 = tpu.memref_slice %arg8[%run_scoped3A_99, %dma_wait3A_129, %dma_wait3A_130] : memref<2x128x128xf32, #tpu.memory_space<vmem>> -> memref<1x128x128xf32, #tpu.memory_space<vmem>>
      %dma_wait3A_132 = tpu.memref_squeeze %dma_wait3A_131 : memref<1x128x128xf32, #tpu.memory_space<vmem>> -> memref<128x128xf32, #tpu.memory_space<vmem>>
      tpu.wait_dma2 semaphore(%run_scoped3A_104 : memref<!tpu.dma_semaphore, #tpu.memory_space<semaphore_mem>>) src(%dma_wait3A_132 : memref<128x128xf32, #tpu.memory_space<vmem>>) dst(%dma_wait3A_128 : memref<128x128xf32, #tpu.memory_space<hbm>>)
      tpu.yield
    }) : () -> ()
    %add3A_100 = arith.constant 640 : i32
    %add3A_101 = arith.addi %mul3A_9, %add3A_100 : i32
    %run_scoped3A_102 = arith.constant 0 : i32
    "tpu.region"() ({
      %run_scoped3A_104 = tpu.sem_alloc : memref<!tpu.dma_semaphore, #tpu.memory_space<semaphore_mem>>
      %dma_start3A_105 = arith.constant 0 : i32
      %dma_start3A_106 = arith.constant 0 : i32
      %dma_start3A_107 = tpu.memref_slice %arg8[%run_scoped3A_102, %dma_start3A_105, %dma_start3A_106] : memref<2x128x128xf32, #tpu.memory_space<vmem>> -> memref<1x128x128xf32, #tpu.memory_space<vmem>>
      %dma_start3A_108 = tpu.memref_squeeze %dma_start3A_107 : memref<1x128x128xf32, #tpu.memory_space<vmem>> -> memref<128x128xf32, #tpu.memory_space<vmem>>
      %dma_start3A_109 = arith.constant 0 : i32
      %dma_start3A_110 = arith.constant 0 : i32
      %dma_start3A_111 = tpu.memref_slice %dma_start3A_108[%dma_start3A_109, %dma_start3A_110] : memref<128x128xf32, #tpu.memory_space<vmem>> -> memref<8x128xf32, #tpu.memory_space<vmem>>
      %dma_start3A_112 = arith.constant 0 : i32
      %dma_start3A_113 = tpu.memref_slice %arg9[%add3A_101, %dma_start3A_112] : memref<10368x128xf32, #tpu.memory_space<vmem_shared>> -> memref<8x128xf32, #tpu.memory_space<vmem_shared>>
      %dma_start3A_114 = arith.constant 0 : i32
      %dma_start3A_115 = arith.constant 0 : i32
      %dma_start3A_116 = tpu.memref_slice %arg8[%run_scoped3A_102, %dma_start3A_114, %dma_start3A_115] : memref<2x128x128xf32, #tpu.memory_space<vmem>> -> memref<1x128x128xf32, #tpu.memory_space<vmem>>
      %dma_start3A_117 = tpu.memref_squeeze %dma_start3A_116 : memref<1x128x128xf32, #tpu.memory_space<vmem>> -> memref<128x128xf32, #tpu.memory_space<vmem>>
      %dma_start3A_118 = arith.constant 0 : i32
      %dma_start3A_119 = arith.constant 0 : i32
      %dma_start3A_120 = tpu.memref_slice %dma_start3A_117[%dma_start3A_118, %dma_start3A_119] : memref<128x128xf32, #tpu.memory_space<vmem>> -> memref<8x128xf32, #tpu.memory_space<vmem>>
      %dma_start3A_121 = arith.constant 0 : i32
      %dma_start3A_122 = tpu.memref_slice %arg9[%add3A_101, %dma_start3A_121] : memref<10368x128xf32, #tpu.memory_space<vmem_shared>> -> memref<8x128xf32, #tpu.memory_space<vmem_shared>>
      tpu.enqueue_dma source(%dma_start3A_122 : memref<8x128xf32, #tpu.memory_space<vmem_shared>>) target(%dma_start3A_120 : memref<8x128xf32, #tpu.memory_space<vmem>>) target_semaphore(%run_scoped3A_104 : memref<!tpu.dma_semaphore, #tpu.memory_space<semaphore_mem>>)
      %dma_wait3A_123 = arith.constant 0 : i32
      %dma_wait3A_124 = arith.constant 0 : i32
      %dma_wait3A_125 = tpu.memref_slice %arg8[%run_scoped3A_102, %dma_wait3A_123, %dma_wait3A_124] : memref<2x128x128xf32, #tpu.memory_space<vmem>> -> memref<1x128x128xf32, #tpu.memory_space<vmem>>
      %dma_wait3A_126 = tpu.memref_squeeze %dma_wait3A_125 : memref<1x128x128xf32, #tpu.memory_space<vmem>> -> memref<128x128xf32, #tpu.memory_space<vmem>>
      %dma_wait3A_127 = arith.constant 0 : i32
      %dma_wait3A_128 = arith.constant 0 : i32
      %dma_wait3A_129 = tpu.memref_slice %dma_wait3A_126[%dma_wait3A_127, %dma_wait3A_128] : memref<128x128xf32, #tpu.memory_space<vmem>> -> memref<8x128xf32, #tpu.memory_space<vmem>>
      %dma_wait3A_130 = arith.constant 0 : i32
      %dma_wait3A_131 = tpu.memref_slice %arg9[%add3A_101, %dma_wait3A_130] : memref<10368x128xf32, #tpu.memory_space<vmem_shared>> -> memref<8x128xf32, #tpu.memory_space<vmem_shared>>
      %dma_wait3A_132 = arith.constant 0 : i32
      %dma_wait3A_133 = arith.constant 0 : i32
      %dma_wait3A_134 = tpu.memref_slice %arg8[%run_scoped3A_102, %dma_wait3A_132, %dma_wait3A_133] : memref<2x128x128xf32, #tpu.memory_space<vmem>> -> memref<1x128x128xf32, #tpu.memory_space<vmem>>
      %dma_wait3A_135 = tpu.memref_squeeze %dma_wait3A_134 : memref<1x128x128xf32, #tpu.memory_space<vmem>> -> memref<128x128xf32, #tpu.memory_space<vmem>>
      %dma_wait3A_136 = arith.constant 0 : i32
      %dma_wait3A_137 = arith.constant 0 : i32
      %dma_wait3A_138 = tpu.memref_slice %dma_wait3A_135[%dma_wait3A_136, %dma_wait3A_137] : memref<128x128xf32, #tpu.memory_space<vmem>> -> memref<8x128xf32, #tpu.memory_space<vmem>>
      %dma_wait3A_139 = arith.constant 0 : i32
      %dma_wait3A_140 = tpu.memref_slice %arg9[%add3A_101, %dma_wait3A_139] : memref<10368x128xf32, #tpu.memory_space<vmem_shared>> -> memref<8x128xf32, #tpu.memory_space<vmem_shared>>
      tpu.wait_dma2 semaphore(%run_scoped3A_104 : memref<!tpu.dma_semaphore, #tpu.memory_space<semaphore_mem>>) src(%dma_wait3A_140 : memref<8x128xf32, #tpu.memory_space<vmem_shared>>) dst(%dma_wait3A_138 : memref<8x128xf32, #tpu.memory_space<vmem>>)
      tpu.yield
    }) : () -> ()
    %run_scoped3A_103 = arith.constant 0 : i32
    "tpu.region"() ({
      %run_scoped3A_104 = tpu.sem_alloc : memref<!tpu.dma_semaphore, #tpu.memory_space<semaphore_mem>>
      %dma_start3A_105 = arith.constant 0 : i32
      %dma_start3A_106 = arith.constant 0 : i32
      %dma_start3A_107 = tpu.memref_slice %arg8[%run_scoped3A_103, %dma_start3A_105, %dma_start3A_106] : memref<2x128x128xf32, #tpu.memory_space<vmem>> -> memref<1x128x128xf32, #tpu.memory_space<vmem>>
      %dma_start3A_108 = tpu.memref_squeeze %dma_start3A_107 : memref<1x128x128xf32, #tpu.memory_space<vmem>> -> memref<128x128xf32, #tpu.memory_space<vmem>>
      %dma_start3A_109 = arith.constant 0 : i32
      %dma_start3A_110 = arith.constant 0 : i32
      %dma_start3A_111 = tpu.memref_slice %dma_start3A_108[%dma_start3A_109, %dma_start3A_110] : memref<128x128xf32, #tpu.memory_space<vmem>> -> memref<8x128xf32, #tpu.memory_space<vmem>>
      %dma_start3A_112 = arith.constant 0 : i32
      %dma_start3A_113 = tpu.memref_slice %arg5[%arg0, %add3A_101, %dma_start3A_112] : memref<2x10368x128xf32, #tpu.memory_space<hbm>> -> memref<1x8x128xf32, #tpu.memory_space<hbm>>
      %dma_start3A_114 = tpu.memref_squeeze %dma_start3A_113 : memref<1x8x128xf32, #tpu.memory_space<hbm>> -> memref<8x128xf32, #tpu.memory_space<hbm>>
      %dma_start3A_115 = arith.constant 0 : i32
      %dma_start3A_116 = tpu.memref_slice %arg5[%arg0, %add3A_101, %dma_start3A_115] : memref<2x10368x128xf32, #tpu.memory_space<hbm>> -> memref<1x8x128xf32, #tpu.memory_space<hbm>>
      %dma_start3A_117 = tpu.memref_squeeze %dma_start3A_116 : memref<1x8x128xf32, #tpu.memory_space<hbm>> -> memref<8x128xf32, #tpu.memory_space<hbm>>
      %dma_start3A_118 = arith.constant 0 : i32
      %dma_start3A_119 = arith.constant 0 : i32
      %dma_start3A_120 = tpu.memref_slice %arg8[%run_scoped3A_103, %dma_start3A_118, %dma_start3A_119] : memref<2x128x128xf32, #tpu.memory_space<vmem>> -> memref<1x128x128xf32, #tpu.memory_space<vmem>>
      %dma_start3A_121 = tpu.memref_squeeze %dma_start3A_120 : memref<1x128x128xf32, #tpu.memory_space<vmem>> -> memref<128x128xf32, #tpu.memory_space<vmem>>
      %dma_start3A_122 = arith.constant 0 : i32
      %dma_start3A_123 = arith.constant 0 : i32
      %dma_start3A_124 = tpu.memref_slice %dma_start3A_121[%dma_start3A_122, %dma_start3A_123] : memref<128x128xf32, #tpu.memory_space<vmem>> -> memref<8x128xf32, #tpu.memory_space<vmem>>
      tpu.enqueue_dma source(%dma_start3A_124 : memref<8x128xf32, #tpu.memory_space<vmem>>) target(%dma_start3A_117 : memref<8x128xf32, #tpu.memory_space<hbm>>) target_semaphore(%run_scoped3A_104 : memref<!tpu.dma_semaphore, #tpu.memory_space<semaphore_mem>>)
      %dma_wait3A_125 = arith.constant 0 : i32
      %dma_wait3A_126 = arith.constant 0 : i32
      %dma_wait3A_127 = tpu.memref_slice %arg8[%run_scoped3A_103, %dma_wait3A_125, %dma_wait3A_126] : memref<2x128x128xf32, #tpu.memory_space<vmem>> -> memref<1x128x128xf32, #tpu.memory_space<vmem>>
      %dma_wait3A_128 = tpu.memref_squeeze %dma_wait3A_127 : memref<1x128x128xf32, #tpu.memory_space<vmem>> -> memref<128x128xf32, #tpu.memory_space<vmem>>
      %dma_wait3A_129 = arith.constant 0 : i32
      %dma_wait3A_130 = arith.constant 0 : i32
      %dma_wait3A_131 = tpu.memref_slice %dma_wait3A_128[%dma_wait3A_129, %dma_wait3A_130] : memref<128x128xf32, #tpu.memory_space<vmem>> -> memref<8x128xf32, #tpu.memory_space<vmem>>
      %dma_wait3A_132 = arith.constant 0 : i32
      %dma_wait3A_133 = tpu.memref_slice %arg5[%arg0, %add3A_101, %dma_wait3A_132] : memref<2x10368x128xf32, #tpu.memory_space<hbm>> -> memref<1x8x128xf32, #tpu.memory_space<hbm>>
      %dma_wait3A_134 = tpu.memref_squeeze %dma_wait3A_133 : memref<1x8x128xf32, #tpu.memory_space<hbm>> -> memref<8x128xf32, #tpu.memory_space<hbm>>
      %dma_wait3A_135 = arith.constant 0 : i32
      %dma_wait3A_136 = tpu.memref_slice %arg5[%arg0, %add3A_101, %dma_wait3A_135] : memref<2x10368x128xf32, #tpu.memory_space<hbm>> -> memref<1x8x128xf32, #tpu.memory_space<hbm>>
      %dma_wait3A_137 = tpu.memref_squeeze %dma_wait3A_136 : memref<1x8x128xf32, #tpu.memory_space<hbm>> -> memref<8x128xf32, #tpu.memory_space<hbm>>
      %dma_wait3A_138 = arith.constant 0 : i32
      %dma_wait3A_139 = arith.constant 0 : i32
      %dma_wait3A_140 = tpu.memref_slice %arg8[%run_scoped3A_103, %dma_wait3A_138, %dma_wait3A_139] : memref<2x128x128xf32, #tpu.memory_space<vmem>> -> memref<1x128x128xf32, #tpu.memory_space<vmem>>
      %dma_wait3A_141 = tpu.memref_squeeze %dma_wait3A_140 : memref<1x128x128xf32, #tpu.memory_space<vmem>> -> memref<128x128xf32, #tpu.memory_space<vmem>>
      %dma_wait3A_142 = arith.constant 0 : i32
      %dma_wait3A_143 = arith.constant 0 : i32
      %dma_wait3A_144 = tpu.memref_slice %dma_wait3A_141[%dma_wait3A_142, %dma_wait3A_143] : memref<128x128xf32, #tpu.memory_space<vmem>> -> memref<8x128xf32, #tpu.memory_space<vmem>>
      tpu.wait_dma2 semaphore(%run_scoped3A_104 : memref<!tpu.dma_semaphore, #tpu.memory_space<semaphore_mem>>) src(%dma_wait3A_144 : memref<8x128xf32, #tpu.memory_space<vmem>>) dst(%dma_wait3A_137 : memref<8x128xf32, #tpu.memory_space<hbm>>)
      tpu.yield
    }) : () -> ()
    return
  }
}

module attributes {stable_mosaic.version = 14 : i64} {
  func.func @_dense1_body(%arg0: i32, %arg1: memref<1000x128xf32, #tpu.memory_space<vmem>>, %arg2: memref<2x1000x128xf32, #tpu.memory_space<vmem>>, %arg3: memref<1000x128xf32, #tpu.memory_space<vmem>>) attributes {dimension_semantics = [#tpu.dimension_semantics<arbitrary>], iteration_bounds = array<i64: 10>, scalar_prefetch = 0 : i64, scratch_operands = 0 : i64, tpu.core_type = #tpu.core_type<tc>, window_params = [{transform_indices = @transform_0, window_bounds = array<i64: 1000, 128>}, {transform_indices = @transform_1, window_bounds = array<i64: 2, 1000, 128>}, {transform_indices = @transform_2, window_bounds = array<i64: 1000, 128>}]} {
    %get3A = arith.constant 0 : index
    %get3A_0 = arith.constant 0 : index
    %get3A_1 = arith.constant 0 : index
    %get3A_2 = vector.load %arg2[%get3A, %get3A_0, %get3A_1] : memref<2x1000x128xf32, #tpu.memory_space<vmem>>, vector<2x1000x128xf32>
    %slice3A = vector.extract_strided_slice %get3A_2 {offsets = [0, 0, 0], sizes = [1, 1000, 1], strides = [1, 1, 1]} : vector<2x1000x128xf32> to vector<1x1000x1xf32>
    %squeeze3A = vector.shape_cast %slice3A : vector<1x1000x1xf32> to vector<1000x1xf32>
    %slice3A_3 = vector.extract_strided_slice %get3A_2 {offsets = [1, 0, 0], sizes = [1, 1000, 1], strides = [1, 1, 1]} : vector<2x1000x128xf32> to vector<1x1000x1xf32>
    %squeeze3A_4 = vector.shape_cast %slice3A_3 : vector<1x1000x1xf32> to vector<1000x1xf32>
    %add3A = arith.addf %squeeze3A, %squeeze3A_4 : vector<1000x1xf32>
    %max3A = arith.constant 1.000000e+00 : f32
    %max3A_5 = vector.broadcast %max3A : f32 to vector<1000x1xf32>
    %max3A_6 = arith.maximumf %add3A, %max3A_5 : vector<1000x1xf32>
    %rsqrt3A = math.rsqrt %max3A_6 : vector<1000x1xf32>
    %get3A_7 = arith.constant 0 : index
    %get3A_8 = arith.constant 0 : index
    %get3A_9 = vector.load %arg1[%get3A_7, %get3A_8] : memref<1000x128xf32, #tpu.memory_space<vmem>>, vector<1000x128xf32>
    %iota3A = tpu.iota {dimensions = array<i32: 1>} : vector<1000x128xi32>
    %eq3A = arith.constant 0 : i32
    %eq3A_10 = vector.broadcast %eq3A : i32 to vector<1000x128xi32>
    %eq3A_11 = arith.cmpi eq, %iota3A, %eq3A_10 : vector<1000x128xi32>
    %jit3A = arith.constant 0.000000e+00 : f32
    %broadcast_in_dim3A = vector.broadcast %jit3A : f32 to vector<1000x128xf32>
    %select_n3A = arith.select %eq3A_11, %broadcast_in_dim3A, %get3A_9 : vector<1000x128xi1>, vector<1000x128xf32>
    %mul3A = arith.mulf %select_n3A, %select_n3A : vector<1000x128xf32>
    %reduce_sum3A = arith.constant dense<0.000000e+00> : vector<1000xf32>
    %reduce_sum3A_12 = vector.multi_reduction <add>, %mul3A, %reduce_sum3A [1] : vector<1000x128xf32> to vector<1000xf32>
    %broadcast_in_dim3A_13 = vector.shape_cast %reduce_sum3A_12 : vector<1000xf32> to vector<1000x1xf32>
    %jit3A_14 = arith.constant 1.000000e-07 : f32
    %max3A_15 = vector.broadcast %jit3A_14 : f32 to vector<1000x1xf32>
    %max3A_16 = arith.maximumf %max3A_15, %broadcast_in_dim3A_13 : vector<1000x1xf32>
    %sqrt3A = math.sqrt %max3A_16 : vector<1000x1xf32>
    %exp3A = math.exp %sqrt3A : vector<1000x1xf32>
    %div3A = arith.constant 1.000000e+00 : f32
    %div3A_17 = vector.broadcast %div3A : f32 to vector<1000x1xf32>
    %div3A_18 = arith.divf %div3A_17, %exp3A : vector<1000x1xf32>
    %add3A_19 = arith.addf %exp3A, %div3A_18 : vector<1000x1xf32>
    %mul3A_20 = arith.constant 5.000000e-01 : f32
    %mul3A_21 = vector.broadcast %mul3A_20 : f32 to vector<1000x1xf32>
    %mul3A_22 = arith.mulf %mul3A_21, %add3A_19 : vector<1000x1xf32>
    %sub3A = arith.subf %exp3A, %div3A_18 : vector<1000x1xf32>
    %mul3A_23 = arith.constant 5.000000e-01 : f32
    %mul3A_24 = vector.broadcast %mul3A_23 : f32 to vector<1000x1xf32>
    %mul3A_25 = arith.mulf %mul3A_24, %sub3A : vector<1000x1xf32>
    %div3A_26 = arith.divf %mul3A_25, %sqrt3A : vector<1000x1xf32>
    %mul3A_27 = vector.broadcast %div3A_26 : vector<1000x1xf32> to vector<1000x128xf32>
    %mul3A_28 = arith.mulf %mul3A_27, %select_n3A : vector<1000x128xf32>
    %broadcast_in_dim3A_29 = vector.shape_cast %mul3A_22 : vector<1000x1xf32> to vector<1000x1xf32>
    %broadcast_in_dim3A_30 = vector.broadcast %broadcast_in_dim3A_29 : vector<1000x1xf32> to vector<1000x128xf32>
    %select_n3A_31 = arith.select %eq3A_11, %broadcast_in_dim3A_30, %mul3A_28 : vector<1000x128xi1>, vector<1000x128xf32>
    %iota3A_32 = tpu.iota {dimensions = array<i32: 1>} : vector<1000x128xi32>
    %eq3A_33 = arith.constant 0 : i32
    %eq3A_34 = vector.broadcast %eq3A_33 : i32 to vector<1000x128xi32>
    %eq3A_35 = arith.cmpi eq, %iota3A_32, %eq3A_34 : vector<1000x128xi32>
    %jit3A_36 = arith.constant 0.000000e+00 : f32
    %broadcast_in_dim3A_37 = vector.broadcast %jit3A_36 : f32 to vector<1000x128xf32>
    %select_n3A_38 = arith.select %eq3A_35, %select_n3A_31, %broadcast_in_dim3A_37 : vector<1000x128xi1>, vector<1000x128xf32>
    %reduce_sum3A_39 = arith.constant dense<0.000000e+00> : vector<1000xf32>
    %reduce_sum3A_40 = vector.multi_reduction <add>, %select_n3A_38, %reduce_sum3A_39 [1] : vector<1000x128xf32> to vector<1000xf32>
    %broadcast_in_dim3A_41 = vector.shape_cast %reduce_sum3A_40 : vector<1000xf32> to vector<1000x1xf32>
    %jit3A_42 = arith.constant 1.00000012 : f32
    %max3A_43 = vector.broadcast %jit3A_42 : f32 to vector<1000x1xf32>
    %max3A_44 = arith.maximumf %max3A_43, %broadcast_in_dim3A_41 : vector<1000x1xf32>
    %mul3A_45 = arith.mulf %max3A_44, %max3A_44 : vector<1000x1xf32>
    %sub3A_46 = arith.constant 1.000000e+00 : f32
    %sub3A_47 = vector.broadcast %sub3A_46 : f32 to vector<1000x1xf32>
    %sub3A_48 = arith.subf %mul3A_45, %sub3A_47 : vector<1000x1xf32>
    %sqrt3A_49 = math.sqrt %sub3A_48 : vector<1000x1xf32>
    %add3A_50 = arith.addf %max3A_44, %sqrt3A_49 : vector<1000x1xf32>
    %log3A = math.log %add3A_50 : vector<1000x1xf32>
    %jit3A_51 = arith.constant 0.000000e+00 : f32
    %broadcast_in_dim3A_52 = vector.broadcast %jit3A_51 : f32 to vector<1000x128xf32>
    %select_n3A_53 = arith.select %eq3A_35, %broadcast_in_dim3A_52, %select_n3A_31 : vector<1000x128xi1>, vector<1000x128xf32>
    %mul3A_54 = arith.mulf %select_n3A_53, %select_n3A_53 : vector<1000x128xf32>
    %reduce_sum3A_55 = arith.constant dense<0.000000e+00> : vector<1000xf32>
    %reduce_sum3A_56 = vector.multi_reduction <add>, %mul3A_54, %reduce_sum3A_55 [1] : vector<1000x128xf32> to vector<1000xf32>
    %broadcast_in_dim3A_57 = vector.shape_cast %reduce_sum3A_56 : vector<1000xf32> to vector<1000x1xf32>
    %jit3A_58 = arith.constant 1.000000e-07 : f32
    %max3A_59 = vector.broadcast %jit3A_58 : f32 to vector<1000x1xf32>
    %max3A_60 = arith.maximumf %max3A_59, %broadcast_in_dim3A_57 : vector<1000x1xf32>
    %sqrt3A_61 = math.sqrt %max3A_60 : vector<1000x1xf32>
    %div3A_62 = arith.divf %log3A, %sqrt3A_61 : vector<1000x1xf32>
    %mul3A_63 = vector.broadcast %div3A_62 : vector<1000x1xf32> to vector<1000x128xf32>
    %mul3A_64 = arith.mulf %mul3A_63, %select_n3A_53 : vector<1000x128xf32>
    %jit3A_65 = arith.constant 0.000000e+00 : f32
    %broadcast_in_dim3A_66 = vector.broadcast %jit3A_65 : f32 to vector<1000x128xf32>
    %select_n3A_67 = arith.select %eq3A_35, %broadcast_in_dim3A_66, %mul3A_64 : vector<1000x128xi1>, vector<1000x128xf32>
    %mul3A_68 = vector.broadcast %rsqrt3A : vector<1000x1xf32> to vector<1000x128xf32>
    %mul3A_69 = arith.mulf %select_n3A_67, %mul3A_68 : vector<1000x128xf32>
    %swap3A = arith.constant 0 : index
    %swap3A_70 = arith.constant 0 : index
    %swap3A_71 = vector.load %arg3[%swap3A, %swap3A_70] : memref<1000x128xf32, #tpu.memory_space<vmem>>, vector<1000x128xf32>
    tpu.vector_store %arg3[%swap3A, %swap3A_70], %mul3A_69 {strides = array<i32>} : memref<1000x128xf32, #tpu.memory_space<vmem>>, vector<1000x128xf32>,
    return
  }
  func.func @transform_0(%arg0: i32) -> (i32, i32) {
    %c0_i32 = arith.constant 0 : i32
    %c0_i32_0 = arith.constant 0 : i32
    return %arg0, %c0_i32 : i32, i32
  }
  func.func @transform_1(%arg0: i32) -> (i32, i32, i32) {
    %c0_i32 = arith.constant 0 : i32
    %c0_i32_0 = arith.constant 0 : i32
    %c0_i32_1 = arith.constant 0 : i32
    return %c0_i32, %arg0, %c0_i32_0 : i32, i32, i32
  }
  func.func @transform_2(%arg0: i32) -> (i32, i32) {
    %c0_i32 = arith.constant 0 : i32
    %c0_i32_0 = arith.constant 0 : i32
    return %arg0, %c0_i32 : i32, i32
  }
}

module attributes {stable_mosaic.version = 14 : i64} {
  func.func @_dense2_body(%arg0: i32, %arg1: memref<2x1000x128xf32, #tpu.memory_space<vmem>>, %arg2: memref<2x1000x128xf32, #tpu.memory_space<vmem>>, %arg3: memref<1000x128xf32, #tpu.memory_space<vmem>>) attributes {dimension_semantics = [#tpu.dimension_semantics<arbitrary>], iteration_bounds = array<i64: 10>, scalar_prefetch = 0 : i64, scratch_operands = 0 : i64, tpu.core_type = #tpu.core_type<tc>, window_params = [{transform_indices = @transform_0, window_bounds = array<i64: 2, 1000, 128>}, {transform_indices = @transform_1, window_bounds = array<i64: 2, 1000, 128>}, {transform_indices = @transform_2, window_bounds = array<i64: 1000, 128>}]} {
    %get3A = arith.constant 0 : index
    %get3A_0 = arith.constant 0 : index
    %get3A_1 = arith.constant 0 : index
    %get3A_2 = vector.load %arg2[%get3A, %get3A_0, %get3A_1] : memref<2x1000x128xf32, #tpu.memory_space<vmem>>, vector<2x1000x128xf32>
    %slice3A = vector.extract_strided_slice %get3A_2 {offsets = [0, 0, 0], sizes = [1, 1000, 1], strides = [1, 1, 1]} : vector<2x1000x128xf32> to vector<1x1000x1xf32>
    %squeeze3A = vector.shape_cast %slice3A : vector<1x1000x1xf32> to vector<1000x1xf32>
    %slice3A_3 = vector.extract_strided_slice %get3A_2 {offsets = [1, 0, 0], sizes = [1, 1000, 1], strides = [1, 1, 1]} : vector<2x1000x128xf32> to vector<1x1000x1xf32>
    %squeeze3A_4 = vector.shape_cast %slice3A_3 : vector<1x1000x1xf32> to vector<1000x1xf32>
    %add3A = arith.addf %squeeze3A, %squeeze3A_4 : vector<1000x1xf32>
    %max3A = arith.constant 1.000000e+00 : f32
    %max3A_5 = vector.broadcast %max3A : f32 to vector<1000x1xf32>
    %max3A_6 = arith.maximumf %add3A, %max3A_5 : vector<1000x1xf32>
    %rsqrt3A = math.rsqrt %max3A_6 : vector<1000x1xf32>
    %get3A_7 = arith.constant 0 : index
    %get3A_8 = arith.constant 0 : index
    %get3A_9 = arith.constant 0 : index
    %get3A_10 = vector.load %arg1[%get3A_7, %get3A_8, %get3A_9] : memref<2x1000x128xf32, #tpu.memory_space<vmem>>, vector<1x1000x128xf32>
    %get3A_11 = vector.shape_cast %get3A_10 : vector<1x1000x128xf32> to vector<1000x128xf32>
    %get3A_12 = arith.constant 1 : index
    %get3A_13 = arith.constant 0 : index
    %get3A_14 = arith.constant 0 : index
    %get3A_15 = vector.load %arg1[%get3A_12, %get3A_13, %get3A_14] : memref<2x1000x128xf32, #tpu.memory_space<vmem>>, vector<1x1000x128xf32>
    %get3A_16 = vector.shape_cast %get3A_15 : vector<1x1000x128xf32> to vector<1000x128xf32>
    %add3A_17 = arith.addf %get3A_11, %get3A_16 : vector<1000x128xf32>
    %mul3A = vector.broadcast %rsqrt3A : vector<1000x1xf32> to vector<1000x128xf32>
    %mul3A_18 = arith.mulf %add3A_17, %mul3A : vector<1000x128xf32>
    %iota3A = tpu.iota {dimensions = array<i32: 1>} : vector<1000x128xi32>
    %eq3A = arith.constant 0 : i32
    %eq3A_19 = vector.broadcast %eq3A : i32 to vector<1000x128xi32>
    %eq3A_20 = arith.cmpi eq, %iota3A, %eq3A_19 : vector<1000x128xi32>
    %jit3A = arith.constant 0.000000e+00 : f32
    %broadcast_in_dim3A = vector.broadcast %jit3A : f32 to vector<1000x128xf32>
    %select_n3A = arith.select %eq3A_20, %broadcast_in_dim3A, %mul3A_18 : vector<1000x128xi1>, vector<1000x128xf32>
    %mul3A_21 = arith.mulf %select_n3A, %select_n3A : vector<1000x128xf32>
    %reduce_sum3A = arith.constant dense<0.000000e+00> : vector<1000xf32>
    %reduce_sum3A_22 = vector.multi_reduction <add>, %mul3A_21, %reduce_sum3A [1] : vector<1000x128xf32> to vector<1000xf32>
    %broadcast_in_dim3A_23 = vector.shape_cast %reduce_sum3A_22 : vector<1000xf32> to vector<1000x1xf32>
    %jit3A_24 = arith.constant 1.000000e-07 : f32
    %max3A_25 = vector.broadcast %jit3A_24 : f32 to vector<1000x1xf32>
    %max3A_26 = arith.maximumf %max3A_25, %broadcast_in_dim3A_23 : vector<1000x1xf32>
    %sqrt3A = math.sqrt %max3A_26 : vector<1000x1xf32>
    %exp3A = math.exp %sqrt3A : vector<1000x1xf32>
    %div3A = arith.constant 1.000000e+00 : f32
    %div3A_27 = vector.broadcast %div3A : f32 to vector<1000x1xf32>
    %div3A_28 = arith.divf %div3A_27, %exp3A : vector<1000x1xf32>
    %add3A_29 = arith.addf %exp3A, %div3A_28 : vector<1000x1xf32>
    %mul3A_30 = arith.constant 5.000000e-01 : f32
    %mul3A_31 = vector.broadcast %mul3A_30 : f32 to vector<1000x1xf32>
    %mul3A_32 = arith.mulf %mul3A_31, %add3A_29 : vector<1000x1xf32>
    %sub3A = arith.subf %exp3A, %div3A_28 : vector<1000x1xf32>
    %mul3A_33 = arith.constant 5.000000e-01 : f32
    %mul3A_34 = vector.broadcast %mul3A_33 : f32 to vector<1000x1xf32>
    %mul3A_35 = arith.mulf %mul3A_34, %sub3A : vector<1000x1xf32>
    %div3A_36 = arith.divf %mul3A_35, %sqrt3A : vector<1000x1xf32>
    %mul3A_37 = vector.broadcast %div3A_36 : vector<1000x1xf32> to vector<1000x128xf32>
    %mul3A_38 = arith.mulf %mul3A_37, %select_n3A : vector<1000x128xf32>
    %broadcast_in_dim3A_39 = vector.shape_cast %mul3A_32 : vector<1000x1xf32> to vector<1000x1xf32>
    %broadcast_in_dim3A_40 = vector.broadcast %broadcast_in_dim3A_39 : vector<1000x1xf32> to vector<1000x128xf32>
    %select_n3A_41 = arith.select %eq3A_20, %broadcast_in_dim3A_40, %mul3A_38 : vector<1000x128xi1>, vector<1000x128xf32>
    %iota3A_42 = tpu.iota {dimensions = array<i32: 1>} : vector<1000x128xi32>
    %eq3A_43 = arith.constant 0 : i32
    %eq3A_44 = vector.broadcast %eq3A_43 : i32 to vector<1000x128xi32>
    %eq3A_45 = arith.cmpi eq, %iota3A_42, %eq3A_44 : vector<1000x128xi32>
    %jit3A_46 = arith.constant 0.000000e+00 : f32
    %broadcast_in_dim3A_47 = vector.broadcast %jit3A_46 : f32 to vector<1000x128xf32>
    %select_n3A_48 = arith.select %eq3A_45, %select_n3A_41, %broadcast_in_dim3A_47 : vector<1000x128xi1>, vector<1000x128xf32>
    %reduce_sum3A_49 = arith.constant dense<0.000000e+00> : vector<1000xf32>
    %reduce_sum3A_50 = vector.multi_reduction <add>, %select_n3A_48, %reduce_sum3A_49 [1] : vector<1000x128xf32> to vector<1000xf32>
    %broadcast_in_dim3A_51 = vector.shape_cast %reduce_sum3A_50 : vector<1000xf32> to vector<1000x1xf32>
    %jit3A_52 = arith.constant 1.00000012 : f32
    %max3A_53 = vector.broadcast %jit3A_52 : f32 to vector<1000x1xf32>
    %max3A_54 = arith.maximumf %max3A_53, %broadcast_in_dim3A_51 : vector<1000x1xf32>
    %mul3A_55 = arith.mulf %max3A_54, %max3A_54 : vector<1000x1xf32>
    %sub3A_56 = arith.constant 1.000000e+00 : f32
    %sub3A_57 = vector.broadcast %sub3A_56 : f32 to vector<1000x1xf32>
    %sub3A_58 = arith.subf %mul3A_55, %sub3A_57 : vector<1000x1xf32>
    %sqrt3A_59 = math.sqrt %sub3A_58 : vector<1000x1xf32>
    %add3A_60 = arith.addf %max3A_54, %sqrt3A_59 : vector<1000x1xf32>
    %log3A = math.log %add3A_60 : vector<1000x1xf32>
    %jit3A_61 = arith.constant 0.000000e+00 : f32
    %broadcast_in_dim3A_62 = vector.broadcast %jit3A_61 : f32 to vector<1000x128xf32>
    %select_n3A_63 = arith.select %eq3A_45, %broadcast_in_dim3A_62, %select_n3A_41 : vector<1000x128xi1>, vector<1000x128xf32>
    %mul3A_64 = arith.mulf %select_n3A_63, %select_n3A_63 : vector<1000x128xf32>
    %reduce_sum3A_65 = arith.constant dense<0.000000e+00> : vector<1000xf32>
    %reduce_sum3A_66 = vector.multi_reduction <add>, %mul3A_64, %reduce_sum3A_65 [1] : vector<1000x128xf32> to vector<1000xf32>
    %broadcast_in_dim3A_67 = vector.shape_cast %reduce_sum3A_66 : vector<1000xf32> to vector<1000x1xf32>
    %jit3A_68 = arith.constant 1.000000e-07 : f32
    %max3A_69 = vector.broadcast %jit3A_68 : f32 to vector<1000x1xf32>
    %max3A_70 = arith.maximumf %max3A_69, %broadcast_in_dim3A_67 : vector<1000x1xf32>
    %sqrt3A_71 = math.sqrt %max3A_70 : vector<1000x1xf32>
    %div3A_72 = arith.divf %log3A, %sqrt3A_71 : vector<1000x1xf32>
    %mul3A_73 = vector.broadcast %div3A_72 : vector<1000x1xf32> to vector<1000x128xf32>
    %mul3A_74 = arith.mulf %mul3A_73, %select_n3A_63 : vector<1000x128xf32>
    %jit3A_75 = arith.constant 0.000000e+00 : f32
    %broadcast_in_dim3A_76 = vector.broadcast %jit3A_75 : f32 to vector<1000x128xf32>
    %select_n3A_77 = arith.select %eq3A_45, %broadcast_in_dim3A_76, %mul3A_74 : vector<1000x128xi1>, vector<1000x128xf32>
    %mul3A_78 = vector.broadcast %rsqrt3A : vector<1000x1xf32> to vector<1000x128xf32>
    %mul3A_79 = arith.mulf %select_n3A_77, %mul3A_78 : vector<1000x128xf32>
    %swap3A = arith.constant 0 : index
    %swap3A_80 = arith.constant 0 : index
    %swap3A_81 = vector.load %arg3[%swap3A, %swap3A_80] : memref<1000x128xf32, #tpu.memory_space<vmem>>, vector<1000x128xf32>
    tpu.vector_store %arg3[%swap3A, %swap3A_80], %mul3A_79 {strides = array<i32>} : memref<1000x128xf32, #tpu.memory_space<vmem>>, vector<1000x128xf32>,
    return
  }
  func.func @transform_0(%arg0: i32) -> (i32, i32, i32) {
    %c0_i32 = arith.constant 0 : i32
    %c0_i32_0 = arith.constant 0 : i32
    %c0_i32_1 = arith.constant 0 : i32
    return %c0_i32, %arg0, %c0_i32_0 : i32, i32, i32
  }
  func.func @transform_1(%arg0: i32) -> (i32, i32, i32) {
    %c0_i32 = arith.constant 0 : i32
    %c0_i32_0 = arith.constant 0 : i32
    %c0_i32_1 = arith.constant 0 : i32
    return %c0_i32, %arg0, %c0_i32_0 : i32, i32, i32
  }
  func.func @transform_2(%arg0: i32) -> (i32, i32) {
    %c0_i32 = arith.constant 0 : i32
    %c0_i32_0 = arith.constant 0 : i32
    return %arg0, %c0_i32 : i32, i32
  }
}

module attributes {stable_mosaic.version = 14 : i64} {
  func.func @_dense3_body(%arg0: i32, %arg1: memref<2x1000x128xf32, #tpu.memory_space<vmem>>, %arg2: memref<2x1000x128xf32, #tpu.memory_space<vmem>>, %arg3: memref<1000x128xf32, #tpu.memory_space<vmem>>) attributes {dimension_semantics = [#tpu.dimension_semantics<arbitrary>], iteration_bounds = array<i64: 10>, scalar_prefetch = 0 : i64, scratch_operands = 0 : i64, tpu.core_type = #tpu.core_type<tc>, window_params = [{transform_indices = @transform_0, window_bounds = array<i64: 2, 1000, 128>}, {transform_indices = @transform_1, window_bounds = array<i64: 2, 1000, 128>}, {transform_indices = @transform_2, window_bounds = array<i64: 1000, 128>}]} {
    %get3A = arith.constant 0 : index
    %get3A_0 = arith.constant 0 : index
    %get3A_1 = arith.constant 0 : index
    %get3A_2 = vector.load %arg2[%get3A, %get3A_0, %get3A_1] : memref<2x1000x128xf32, #tpu.memory_space<vmem>>, vector<2x1000x128xf32>
    %slice3A = vector.extract_strided_slice %get3A_2 {offsets = [0, 0, 0], sizes = [1, 1000, 1], strides = [1, 1, 1]} : vector<2x1000x128xf32> to vector<1x1000x1xf32>
    %squeeze3A = vector.shape_cast %slice3A : vector<1x1000x1xf32> to vector<1000x1xf32>
    %slice3A_3 = vector.extract_strided_slice %get3A_2 {offsets = [1, 0, 0], sizes = [1, 1000, 1], strides = [1, 1, 1]} : vector<2x1000x128xf32> to vector<1x1000x1xf32>
    %squeeze3A_4 = vector.shape_cast %slice3A_3 : vector<1x1000x1xf32> to vector<1000x1xf32>
    %add3A = arith.addf %squeeze3A, %squeeze3A_4 : vector<1000x1xf32>
    %max3A = arith.constant 1.000000e+00 : f32
    %max3A_5 = vector.broadcast %max3A : f32 to vector<1000x1xf32>
    %max3A_6 = arith.maximumf %add3A, %max3A_5 : vector<1000x1xf32>
    %rsqrt3A = math.rsqrt %max3A_6 : vector<1000x1xf32>
    %get3A_7 = arith.constant 0 : index
    %get3A_8 = arith.constant 0 : index
    %get3A_9 = arith.constant 0 : index
    %get3A_10 = vector.load %arg1[%get3A_7, %get3A_8, %get3A_9] : memref<2x1000x128xf32, #tpu.memory_space<vmem>>, vector<1x1000x128xf32>
    %get3A_11 = vector.shape_cast %get3A_10 : vector<1x1000x128xf32> to vector<1000x128xf32>
    %get3A_12 = arith.constant 1 : index
    %get3A_13 = arith.constant 0 : index
    %get3A_14 = arith.constant 0 : index
    %get3A_15 = vector.load %arg1[%get3A_12, %get3A_13, %get3A_14] : memref<2x1000x128xf32, #tpu.memory_space<vmem>>, vector<1x1000x128xf32>
    %get3A_16 = vector.shape_cast %get3A_15 : vector<1x1000x128xf32> to vector<1000x128xf32>
    %add3A_17 = arith.addf %get3A_11, %get3A_16 : vector<1000x128xf32>
    %mul3A = vector.broadcast %rsqrt3A : vector<1000x1xf32> to vector<1000x128xf32>
    %mul3A_18 = arith.mulf %add3A_17, %mul3A : vector<1000x128xf32>
    %iota3A = tpu.iota {dimensions = array<i32: 1>} : vector<1000x128xi32>
    %eq3A = arith.constant 0 : i32
    %eq3A_19 = vector.broadcast %eq3A : i32 to vector<1000x128xi32>
    %eq3A_20 = arith.cmpi eq, %iota3A, %eq3A_19 : vector<1000x128xi32>
    %jit3A = arith.constant 0.000000e+00 : f32
    %broadcast_in_dim3A = vector.broadcast %jit3A : f32 to vector<1000x128xf32>
    %select_n3A = arith.select %eq3A_20, %broadcast_in_dim3A, %mul3A_18 : vector<1000x128xi1>, vector<1000x128xf32>
    %mul3A_21 = arith.mulf %select_n3A, %select_n3A : vector<1000x128xf32>
    %reduce_sum3A = arith.constant dense<0.000000e+00> : vector<1000xf32>
    %reduce_sum3A_22 = vector.multi_reduction <add>, %mul3A_21, %reduce_sum3A [1] : vector<1000x128xf32> to vector<1000xf32>
    %broadcast_in_dim3A_23 = vector.shape_cast %reduce_sum3A_22 : vector<1000xf32> to vector<1000x1xf32>
    %jit3A_24 = arith.constant 1.000000e-07 : f32
    %max3A_25 = vector.broadcast %jit3A_24 : f32 to vector<1000x1xf32>
    %max3A_26 = arith.maximumf %max3A_25, %broadcast_in_dim3A_23 : vector<1000x1xf32>
    %sqrt3A = math.sqrt %max3A_26 : vector<1000x1xf32>
    %exp3A = math.exp %sqrt3A : vector<1000x1xf32>
    %div3A = arith.constant 1.000000e+00 : f32
    %div3A_27 = vector.broadcast %div3A : f32 to vector<1000x1xf32>
    %div3A_28 = arith.divf %div3A_27, %exp3A : vector<1000x1xf32>
    %add3A_29 = arith.addf %exp3A, %div3A_28 : vector<1000x1xf32>
    %mul3A_30 = arith.constant 5.000000e-01 : f32
    %mul3A_31 = vector.broadcast %mul3A_30 : f32 to vector<1000x1xf32>
    %mul3A_32 = arith.mulf %mul3A_31, %add3A_29 : vector<1000x1xf32>
    %sub3A = arith.subf %exp3A, %div3A_28 : vector<1000x1xf32>
    %mul3A_33 = arith.constant 5.000000e-01 : f32
    %mul3A_34 = vector.broadcast %mul3A_33 : f32 to vector<1000x1xf32>
    %mul3A_35 = arith.mulf %mul3A_34, %sub3A : vector<1000x1xf32>
    %div3A_36 = arith.divf %mul3A_35, %sqrt3A : vector<1000x1xf32>
    %mul3A_37 = vector.broadcast %div3A_36 : vector<1000x1xf32> to vector<1000x128xf32>
    %mul3A_38 = arith.mulf %mul3A_37, %select_n3A : vector<1000x128xf32>
    %broadcast_in_dim3A_39 = vector.shape_cast %mul3A_32 : vector<1000x1xf32> to vector<1000x1xf32>
    %broadcast_in_dim3A_40 = vector.broadcast %broadcast_in_dim3A_39 : vector<1000x1xf32> to vector<1000x128xf32>
    %select_n3A_41 = arith.select %eq3A_20, %broadcast_in_dim3A_40, %mul3A_38 : vector<1000x128xi1>, vector<1000x128xf32>
    %swap3A = arith.constant 0 : index
    %swap3A_42 = arith.constant 0 : index
    %swap3A_43 = vector.load %arg3[%swap3A, %swap3A_42] : memref<1000x128xf32, #tpu.memory_space<vmem>>, vector<1000x128xf32>
    tpu.vector_store %arg3[%swap3A, %swap3A_42], %select_n3A_41 {strides = array<i32>} : memref<1000x128xf32, #tpu.memory_space<vmem>>, vector<1000x128xf32>,
    return
  }
  func.func @transform_0(%arg0: i32) -> (i32, i32, i32) {
    %c0_i32 = arith.constant 0 : i32
    %c0_i32_0 = arith.constant 0 : i32
    %c0_i32_1 = arith.constant 0 : i32
    return %c0_i32, %arg0, %c0_i32_0 : i32, i32, i32
  }
  func.func @transform_1(%arg0: i32) -> (i32, i32, i32) {
    %c0_i32 = arith.constant 0 : i32
    %c0_i32_0 = arith.constant 0 : i32
    %c0_i32_1 = arith.constant 0 : i32
    return %c0_i32, %arg0, %c0_i32_0 : i32, i32, i32
  }
  func.func @transform_2(%arg0: i32) -> (i32, i32) {
    %c0_i32 = arith.constant 0 : i32
    %c0_i32_0 = arith.constant 0 : i32
    return %arg0, %c0_i32 : i32, i32
  }
}

module attributes {stable_mosaic.version = 14 : i64} {
  func.func @_dmath_body(%arg0: i32, %arg1: memref<1024x128xf32, #tpu.memory_space<vmem>>, %arg2: memref<1024x128xf32, #tpu.memory_space<vmem>>, %arg3: memref<1024x1xf32, #tpu.memory_space<vmem>>) attributes {dimension_semantics = [#tpu.dimension_semantics<arbitrary>], iteration_bounds = array<i64: 8>, scalar_prefetch = 0 : i64, scratch_operands = 0 : i64, tpu.core_type = #tpu.core_type<tc>, window_params = [{transform_indices = @transform_0, window_bounds = array<i64: 1024, 128>}, {transform_indices = @transform_1, window_bounds = array<i64: 1024, 128>}, {transform_indices = @transform_2, window_bounds = array<i64: 1024, 1>}]} {
    %get3A = arith.constant 0 : index
    %get3A_0 = arith.constant 0 : index
    %get3A_1 = vector.load %arg1[%get3A, %get3A_0] : memref<1024x128xf32, #tpu.memory_space<vmem>>, vector<1024x128xf32>
    %get3A_2 = arith.constant 0 : index
    %get3A_3 = arith.constant 0 : index
    %get3A_4 = vector.load %arg2[%get3A_2, %get3A_3] : memref<1024x128xf32, #tpu.memory_space<vmem>>, vector<1024x128xf32>
    %mul3A = arith.mulf %get3A_1, %get3A_4 : vector<1024x128xf32>
    %iota3A = tpu.iota {dimensions = array<i32: 1>} : vector<1024x128xi32>
    %eq3A = arith.constant 0 : i32
    %eq3A_5 = vector.broadcast %eq3A : i32 to vector<1024x128xi32>
    %eq3A_6 = arith.cmpi eq, %iota3A, %eq3A_5 : vector<1024x128xi32>
    %reduce_sum3A = arith.constant dense<0.000000e+00> : vector<1024xf32>
    %reduce_sum3A_7 = vector.multi_reduction <add>, %mul3A, %reduce_sum3A [1] : vector<1024x128xf32> to vector<1024xf32>
    %broadcast_in_dim3A = vector.shape_cast %reduce_sum3A_7 : vector<1024xf32> to vector<1024x1xf32>
    %jit3A = arith.constant 0.000000e+00 : f32
    %broadcast_in_dim3A_8 = vector.broadcast %jit3A : f32 to vector<1024x128xf32>
    %select_n3A = arith.select %eq3A_6, %mul3A, %broadcast_in_dim3A_8 : vector<1024x128xi1>, vector<1024x128xf32>
    %reduce_sum3A_9 = arith.constant dense<0.000000e+00> : vector<1024xf32>
    %reduce_sum3A_10 = vector.multi_reduction <add>, %select_n3A, %reduce_sum3A_9 [1] : vector<1024x128xf32> to vector<1024xf32>
    %broadcast_in_dim3A_11 = vector.shape_cast %reduce_sum3A_10 : vector<1024xf32> to vector<1024x1xf32>
    %mul3A_12 = arith.constant 2.000000e+00 : f32
    %mul3A_13 = vector.broadcast %mul3A_12 : f32 to vector<1024x1xf32>
    %mul3A_14 = arith.mulf %mul3A_13, %broadcast_in_dim3A_11 : vector<1024x1xf32>
    %sub3A = arith.subf %broadcast_in_dim3A, %mul3A_14 : vector<1024x1xf32>
    %neg3A = arith.constant 0.000000e+00 : f32
    %neg3A_15 = vector.broadcast %neg3A : f32 to vector<1024x1xf32>
    %neg3A_16 = arith.subf %neg3A_15, %sub3A : vector<1024x1xf32>
    %mul3A_17 = arith.constant 1.000000e+00 : f32
    %mul3A_18 = vector.broadcast %mul3A_17 : f32 to vector<1024x1xf32>
    %mul3A_19 = arith.mulf %neg3A_16, %mul3A_18 : vector<1024x1xf32>
    %jit3A_20 = arith.constant 1.00000012 : f32
    %max3A = vector.broadcast %jit3A_20 : f32 to vector<1024x1xf32>
    %max3A_21 = arith.maximumf %max3A, %mul3A_19 : vector<1024x1xf32>
    %mul3A_22 = arith.mulf %max3A_21, %max3A_21 : vector<1024x1xf32>
    %sub3A_23 = arith.constant 1.000000e+00 : f32
    %sub3A_24 = vector.broadcast %sub3A_23 : f32 to vector<1024x1xf32>
    %sub3A_25 = arith.subf %mul3A_22, %sub3A_24 : vector<1024x1xf32>
    %sqrt3A = math.sqrt %sub3A_25 : vector<1024x1xf32>
    %add3A = arith.addf %max3A_21, %sqrt3A : vector<1024x1xf32>
    %log3A = math.log %add3A : vector<1024x1xf32>
    %integer_pow3A = arith.mulf %log3A, %log3A : vector<1024x1xf32>
    %mul3A_26 = arith.constant 1.000000e+00 : f32
    %mul3A_27 = vector.broadcast %mul3A_26 : f32 to vector<1024x1xf32>
    %mul3A_28 = arith.mulf %mul3A_27, %integer_pow3A : vector<1024x1xf32>
    %jit3A_29 = arith.constant 5.000000e+01 : f32
    %min3A = vector.broadcast %jit3A_29 : f32 to vector<1024x1xf32>
    %min3A_30 = arith.minimumf %min3A, %mul3A_28 : vector<1024x1xf32>
    %swap3A = arith.constant 0 : index
    %swap3A_31 = arith.constant 0 : index
    %swap3A_32 = vector.load %arg3[%swap3A, %swap3A_31] : memref<1024x1xf32, #tpu.memory_space<vmem>>, vector<1024x1xf32>
    tpu.vector_store %arg3[%swap3A, %swap3A_31], %min3A_30 {strides = array<i32>} : memref<1024x1xf32, #tpu.memory_space<vmem>>, vector<1024x1xf32>,
    return
  }
  func.func @transform_0(%arg0: i32) -> (i32, i32) {
    %c0_i32 = arith.constant 0 : i32
    %c0_i32_0 = arith.constant 0 : i32
    return %arg0, %c0_i32 : i32, i32
  }
  func.func @transform_1(%arg0: i32) -> (i32, i32) {
    %c0_i32 = arith.constant 0 : i32
    %c0_i32_0 = arith.constant 0 : i32
    return %arg0, %c0_i32 : i32, i32
  }
  func.func @transform_2(%arg0: i32) -> (i32, i32) {
    %c0_i32 = arith.constant 0 : i32
    %c0_i32_0 = arith.constant 0 : i32
    return %arg0, %c0_i32 : i32, i32
  }
}

</mosaic_0001>

<sc_bundles>
// kernel: kernel.10.cloned.1.call-start
scs
__scs_entry_jumppad:
0x0: {  	(pc) =	sbr.rel $0x88, $3  }
0x1: {  	(tag) =	ssettag $0x0;
	lr =	simm.s32 $0x1  }
0x2: {  	[smem:$0x3F9E] =	sst lr;
	_ =	strace $0xD0000000  }
0x3: {  	_ = 	snop  }
0x4: {  	_ = 	snop  }
0x5: {  	_ = 	snop  }
0x6: {  	_ = 	snop  }
0x7: {  	_ = 	snop  }
__scs_overlays_trampoline_lowered:
0x8: {  	[smem:$0x3FAD] =	sst s0  }
0x9: {  	[smem:$0x3FAE] =	sst s1  }
0xa: {  	[smem:$0x3FAF] =	sst s2  }
0xb: {  	[smem:$0x3FB0] =	sst s3  }
0xc: {  	[smem:$0x3FB1] =	sst s4  }
0xd: {  	[smem:$0x3FB2] =	sst s5  }
0xe: {  	[smem:$0x3FB3] =	sst s6  }
0xf: {  	[smem:$0x3FB4] =	sst s7  }
0x10: {  	[smem:$0x3FB5] =	sst s8  }
0x11: {  	[smem:$0x3FB6] =	sst s9;
	s0 =	simm.s32 @!p0 $0x0  }
0x12: {  	s1 =	sld [smem:$0x3F9C];
	s0 =	simm.s32 @p0 $0x1  }
0x13: {  	[smem:$0x3FB7] =	sst s0;
	s0 =	simm.s32 @!p1 $0x0  }
0x14: {  	s2 =	sld [smem:$0x3F9B];
	s0 =	simm.s32 @p1 $0x1  }
0x15: {  	[smem:$0x3FB8] =	sst s0;
	s0 =	simm.s32 @!p2 $0x0  }
0x16: {  	s3 =	sld [smem:$0x3FDB];
	s0 =	simm.s32 @p2 $0x1  }
0x17: {  	s4 =	simm.s32 $0x1BF5;
	[smem:$0x3FBA] =	sst s0  }
0x18: {  	s0 =	sld [smem:$0x3F9D];
	_ =	swait.ge [sflag:s4], $0x0  }
0x19: {  	s7 =	sld [smem:$0x3F9E]  }
0x1a: {  	s8 =	sadd.s32 $0xFFFFE003, lr  }
0x1b: {  	s9 =	sadd.s32 $0xFFFFFEF7, lr;
	s5 =	simm.s32 $0xFFFFFFFF;
	p2 =	slt.u32 s8, $0xFFFFF086  }
0x1c: {  	p1 =	slt.u32 s9, $0xF7A;
	s5 =	simm.s32 @!p2 $0x0  }
0x1d: {  	s5 =	simm.s32 @p1 $0x1;
	p0 =	seq.s32 s7, s2  }
0x1e: {  	s7 =	smul.u32 @!p0 $0xF7A, s2;
	p2 =	seq.s32 @!p0 s5, $0x0  }
0x1f: {  	s9 =	smul.u32 $0xF7A, s1;
	s8 =	simm.s32 @!p0 $0x1BF5;
	p2 =	por !p2, p0  }
0x20: {  	[sflag:s8] =	ssyncset.s32 @!p0 $0xFFFFF086;
	s6 =	sadd.s32 @!p0 s3, s7;
	s7 =	simm.s32 @!p0 $0x108  }
0x21: {  	s3 =	sadd.s32 s3, s9;
	s6 =	sadd.s32 @!p0 $0x88, s6;
	s7 =	simm.s32 @p2 $0x1082  }
0x22: {  	[simem:s7], [sflag:s8] =	dma.local @!p0 [hbm:s6], $0xF7A  }
0x23: {  	s9 =	sor.u32 $0xD0000000, s2;
	s6 =	simm.s32 $0x108;
	_ =	swait.ge @!p0 [sflag:s8], $0x0  }
0x24: {  	s3 =	sadd.s32 $0x88, s3;
	s6 =	simm.s32 @!p1 $0x1082;
	[sflag:s4] =	ssyncset.s32 $0xFFFFF086  }
0x25: {  	[simem:s6], [sflag:s4] =	dma.local [hbm:s3], $0xF7A  }
0x26: {  	[smem:$0x3F9E] =	sst s1;
	(tag) =	ssettag s2;
	_ =	strace s9  }
0x27: {  	s1 =	sld [smem:$0x3FAE]  }
0x28: {  	s2 =	sld [smem:$0x3FAF]  }
0x29: {  	s4 =	sld [smem:$0x3FB1]  }
0x2a: {  	p0 =	seq.s32 s5, $0x0;
	s5 =	sld [smem:$0x3FB2]  }
0x2b: {  	s6 =	sld [smem:$0x3FB3]  }
0x2c: {  	s7 =	sld [smem:$0x3FB4]  }
0x2d: {  	s3 =	simm.s32 $0x108;
	s8 =	sld [smem:$0x3FB5]  }
0x2e: {  	s3 =	simm.s32 @!p0 $0x1082;
	s9 =	sld [smem:$0x3FB6]  }
0x2f: {  	lr =	sadd.s32 s0, s3;
	s0 =	sld [smem:$0x3FAD]  }
0x30: {  	s3 =	sld [smem:$0x3FB0]  }
0x31: {  	[smem:$0x3FB9] =	sst s10  }
0x32: {  	s10 =	sld [smem:$0x3FB7];
	_ =	sdelay $0x3  }
0x33: {  	p0 =	seq.s32 s10, $0x1;
	s10 =	sld [smem:$0x3FB9];
	_ =	sdelay $0x3  }
0x34: {  	[smem:$0x3FB9] =	sst s10  }
0x35: {  	s10 =	sld [smem:$0x3FB8];
	_ =	sdelay $0x3  }
0x36: {  	p1 =	seq.s32 s10, $0x1;
	s10 =	sld [smem:$0x3FB9];
	_ =	sdelay $0x3  }
0x37: {  	[smem:$0x3FB9] =	sst s10  }
0x38: {  	s10 =	sld [smem:$0x3FBA]  }
0x39: {  	_ = 	snop;
	(pc) =	sbr.ind lr, $3  }
0x3a: {  	_ = 	snop  }
0x3b: {  	_ = 	snop  }
0x3c: {  	p2 =	seq.s32 s10, $0x1;
	s10 =	sld [smem:$0x3FB9]  }
0x3d: {  	_ =	shalt  }
0x3e: {  	_ =	shalt  }
0x3f: {  	_ =	shalt  }
0x40: {  	_ =	shalt  }
0x41: {  	_ =	shalt  }
0x42: {  	_ =	shalt  }
0x43: {  	_ =	shalt  }
0x44: {  	_ =	shalt  }
0x45: {  	_ =	shalt  }
0x46: {  	_ =	shalt  }
0x47: {  	_ =	shalt  }
0x48: {  	_ =	shalt  }
0x49: {  	_ =	shalt  }
0x4a: {  	_ =	shalt  }
0x4b: {  	_ =	shalt  }
0x4c: {  	_ =	shalt  }
0x4d: {  	_ =	shalt  }
0x4e: {  	_ =	shalt  }
0x4f: {  	_ =	shalt  }
0x50: {  	_ =	shalt  }
0x51: {  	_ =	shalt  }
0x52: {  	_ =	shalt  }
0x53: {  	_ =	shalt  }
0x54: {  	_ =	shalt  }
0x55: {  	_ =	shalt  }
0x56: {  	_ =	shalt  }
0x57: {  	_ =	shalt  }
0x58: {  	_ =	shalt  }
0x59: {  	_ =	shalt  }
0x5a: {  	_ =	shalt  }
0x5b: {  	_ =	shalt  }
0x5c: {  	_ =	shalt  }
0x5d: {  	_ =	shalt  }
0x5e: {  	_ =	shalt  }
0x5f: {  	_ =	shalt  }
0x60: {  	_ =	shalt  }
0x61: {  	_ =	shalt  }
0x62: {  	_ =	shalt  }
0x63: {  	_ =	shalt  }
0x64: {  	_ =	shalt  }
0x65: {  	_ =	shalt  }
0x66: {  	_ =	shalt  }
0x67: {  	_ =	shalt  }
0x68: {  	_ =	shalt  }
0x69: {  	_ =	shalt  }
0x6a: {  	_ =	shalt  }
0x6b: {  	_ =	shalt  }
0x6c: {  	_ =	shalt  }
0x6d: {  	_ =	shalt  }
0x6e: {  	_ =	shalt  }
0x6f: {  	_ =	shalt  }
0x70: {  	_ =	shalt  }
0x71: {  	_ =	shalt  }
0x72: {  	_ =	shalt  }
0x73: {  	_ =	shalt  }
0x74: {  	_ =	shalt  }
0x75: {  	_ =	shalt  }
0x76: {  	_ =	shalt  }
0x77: {  	_ =	shalt  }
0x78: {  	_ =	shalt  }
0x79: {  	_ =	shalt  }
0x7a: {  	_ =	shalt  }
0x7b: {  	_ =	shalt  }
0x7c: {  	_ =	shalt  }
0x7d: {  	_ =	shalt  }
0x7e: {  	_ =	shalt  }
0x7f: {  	_ =	shalt  }
0x80: {  	_ =	shalt  }
0x81: {  	_ =	shalt  }
0x82: {  	_ =	shalt  }
0x83: {  	_ =	shalt  }
0x84: {  	_ =	shalt  }
0x85: {  	_ =	shalt  }
0x86: {  	_ =	shalt  }
0x87: {  	_ =	shalt  }
.Lfunc_end0:
.L_simem_size_0:
called_computation_lowered:
.L_overlay_start_0:
0x88: {  	s2 =	sld [smem:$0x3FD9]  }
0x89: {  	s3 =	sld [smem:$0x3FFE];
	_ =	sdelay $0x1  }
0x8a: {  	s1 =	srdreg.scid  }
0x8b: {  	s0 =	sand.u32 $0x1, s1  }
0x8c: {  	s16 =	sshll.u32 s0, $0xA;
	s2 =	sadd.s32 s3, s2  }
0x8d: {  	s2 =	sadd.s32 s2, s16  }
0x8e: {  	[smem:$0x3FC5] =	sst s2  }
0x8f: {  	_ = 	snop  }
0x90: {  	(tm) =	ssettm $0x1  }
0x91: {  	s17 =	sld [smem:$0x3FFB];
	_ =	sdelay $0x3  }
0x92: {  	_ =	strace s17  }
0x93: {  	s2 =	sld [smem:$0x3FFC];
	_ =	sdelay $0x3  }
0x94: {  	_ =	strace s2  }
0x95: {  	s2 =	sld [smem:$0x3FFD];
	_ =	sdelay $0x3  }
0x96: {  	_ =	strace s2  }
0x97: {  	_ =	strace $0x8FFFFFFF  }
0x98: {  	s18 =	sld [smem:$0x3FDB];
	_ =	sdelay $0x1  }
0x99: {  	s19 =	simm.s32 $_scs_section_size  }
0x9a: {  	s4 =	simm.s32 $_size__tile_overlayer_lowered;
	s5 =	simm.s32 $_tile_overlayer_lowered  }
0x9b: {  	s22 =	simm.s32 $0x1BFF;
	s21 =	sshll.u32 s5, $0x1;
	s2 =	sadd.s32 s19, s18  }
0x9c: {  	s6 =	simm.s32 $0x0;
	s20 =	sshll.u32 s4, $0x1;
	s4 =	sadd.s32 s21, s2  }
0x9d: {  	[timem:s6], [sflag:s22] =	dma.local [hbm:s4], s20  }
0x9e: {  	_ =	swait.ge [sflag:s22], s20  }
0x9f: {  	s3 =	ssub.s32 $0x0, s20;
	[sflag:s22] =	ssyncset.done $0x0  }
0xa0: {  	[sflag:s22] =	ssyncadd.s32 s3;
	_ =	sdelay $0x1  }
0xa1: {  	s23 =	simm.s32 $0x1B8B  }
0xa2: {  	_ =	swait.ge [sflag:s23], $0x1  }
0xa3: {  	[sflag:s23] =	ssyncset.done $0x0  }
0xa4: {  	s25 =	simm.s32 $0x1B8E;
	s24 =	sld [smem:$0x3FFE];
	[sflag:s23] =	ssyncadd.s32 $0xFFFFFFFF  }
0xa5: {  	s26 =	simm.s32 $execute0_lowered;
	[smem:$0x3FD2] =	sst s25  }
0xa6: {  	s4 =	sshll.u32 s26, $0x1;
	_ =	strace $0x80000046;
	[dreg:$0x1] =	wrdreg $0xFFFFFFFF  }
0xa7: {  	s28 =	simm.s32 $_size_execute0_lowered;
	s2 =	sadd.s32 s2, s4;
	[dreg:$0x0] =	wrdreg $0x0  }
0xa8: {  	s4 =	sshll.u32 s28, $0x1;
	[dreg:$0x2] =	wrdreg s2  }
0xa9: {  	[dreg:$0x3] =	wrdreg s4  }
0xaa: {  	[dreg:$0x4] =	wrdreg $0xC0  }
0xab: {  	_ =	task [dreg:s6], $0x5FFFF  }
0xac: {  	[dreg:$0x1] =	wrdreg $0xFFFFFFFF  }
0xad: {  	[dreg:$0x0] =	wrdreg $0x60  }
0xae: {  	[dreg:$0x2] =	wrdreg s24  }
0xaf: {  	[dreg:$0x3] =	wrdreg $0x68000  }
0xb0: {  	[dreg:$0x4] =	wrdreg $0x9  }
0xb1: {  	_ =	task.clear_ibuf [dreg:s6], $0x5FFFF;
	_ =	strace $0x90000046  }
0xb2: {  	s29 =	simm.s32 $0x9;
	_ =	strace $0x80000048  }
0xb3: {  	_ =	swait.ge [sflag:s29], $0x1  }
0xb4: {  	[sflag:s29] =	ssyncadd.s32 $0xFFFFFFFF  }
0xb5: {  	_ =	strace $0x90000048  }
0xb6: {  	_ =	sfence  }
0xb7: {  	s30 =	sld [smem:$0x0];
	_ =	sdelay $0x2  }
0xb8: {  	s31 =	sshll.u32 s1, $0xD;
	s1 =	sshrl.u32 s1, $0x2  }
0xb9: {  	s3 =	sand.u32 $0x4000, s31;
	s1 =	sadd.s32 s1, s30  }
0xba: {  	s0 =	sor.u32 s3, s0;
	s1 =	sshll.u32 s1, $0x11  }
0xbb: {  	s0 =	sor.u32 s1, s0  }
0xbc: {  	s0 =	sadd.s32 $0x8F2B, s0  }
0xbd: {  	[sflag:s0] =	ssyncadd.remote.s32 $0x1  }
0xbe: {  	_ =	sfence.sel $0xFFFF  }
0xbf: {  	[dreg:$0x0] =	wrdreg $0xFFFFFFFF;
	(pc) =	sbr.abs _section_cstart, $3  }
0xc0: {  	[dreg:$0x1] =	wrdreg $0xFFFFFFFF  }
0xc1: {  	_ =	task.clear_ibuf [dreg:s6], $0x2FFFF;
	_ =	strace $0x9FFFFFFF  }
0xc2: {  	(tm) =	ssettm $0x7FFFFFFF  }
0xc3: {  	_ =	shalt  }
tec
execute0_lowered:
.L_overlay_start_1:
0x0: {  	(tag) =	ssettag $0x1  }
0x1: {  	s4 =	rddreg [dreg:$0x0];
	s1 =	srdreg.scid  }
0x2: {  	s0 =	stileid.u32;
	s2 =	rddreg [dreg:$0x1];
	s3 =	simm.s32 $0x0  }
0x3: {  	s20 =	simm.s32 $0x80;
	s21 =	simm.s32 $0x0;
	s8 =	sand.u32 $0x1, s1  }
0x4: {  	s5 =	sshll.u32 s0, $0x1;
	s1 =	rddreg [dreg:$0x2];
	s7 =	smul.u32 $0x51000, s0  }
0x5: {  	[smem:$0x7FF] =	sst s3;
	s11 =	smul.u32 $0x14400, s0;
	s16 =	sadd.s32 $0xC400, s4  }
0x6: {  	s5 =	sor.u32 s8, s5;
	s6 =	ssub.s32 $0x2, s8;
	s18 =	smul.u32 $0x144000, s8  }
0x7: {  	_ =	strace $0x80000047;
	s5 =	smul.u32 $0x500, s5;
	s9 =	sshrl.u32 s6, $0x1  }
0x8: {  	s31 =	sshrl.u32 s7, $0x2;
	s12 =	sadd.s32 $0x4000, s11;
	s13 =	sadd.s32 $0x8000, s11  }
0x9: {  	s14 =	sadd.s32 $0xC000, s11;
	s15 =	sadd.s32 $0x10000, s11;
	s19 =	sadd.s32 $0x14000, s11  }
0xa: {  	s17 =	ssub.s32 s6, s9;
	s6 =	sadd.s32 s12, s2;
	s7 =	sadd.s32 s13, s2  }
0xb: {  	s8 =	sadd.s32 s14, s2;
	s9 =	sadd.s32 s15, s2;
	s10 =	sadd.s32 s19, s2  }
0xc: {  	s11 =	sadd.s32 s11, s18;
	s12 =	sadd.s32 s18, s12;
	s13 =	sadd.s32 s18, s13  }
0xd: {  	s14 =	sadd.s32 s18, s14;
	s15 =	sadd.s32 s18, s15;
	s18 =	sadd.s32 s18, s19  }
0xe: {  	s19 =	simm.s32 $0x2800;
	s5 =	sadd.s32 s5, s4;
	s11 =	sshrl.u32 s11, $0x3  }
0xf: {  	s12 =	sshrl.u32 s12, $0x3;
	s13 =	sshrl.u32 s13, $0x3;
	s14 =	sshrl.u32 s14, $0x3  }
0x10: {  	s15 =	sshrl.u32 s15, $0x3;
	s18 =	sshrl.u32 s18, $0x3;
	s17 =	smax.u32 s17, $0x1  }
0x11: {  	s4 =	sadd.s32 $0x2400, s5;
	s5 =	sadd.s32 s31, s2;
	s11 =	sadd.s32 s16, s11  }
0x12: {  	s12 =	sadd.s32 s16, s12;
	s13 =	sadd.s32 s16, s13;
	s14 =	sadd.s32 s16, s14  }
0x13: {  	v0 =	vimm.f32 $0.0e+00;
	v1 =	vimm.f32 $1.000000000e+00;
	s15 =	sadd.s32 s16, s15;
	s16 =	sadd.s32 s16, s18;
	s18 =	simm.s32 $0x1  }
.LBB2_1:
0x14: {  	[tilespmem:s3], [sflag:$0x1] =	stream.linear.gather [hbm4b:s4+s3], $0x2780, $0x38;
	[tilespmem:$0x1AC00] =	vst v63  }
0x15: {  	_ =	swait.ge [sflag:s18], $0x2780  }
0x16: {  	[sflag:s18] =	ssyncset.done $0x0  }
0x17: {  	s22 =	simm.s32 $0x0;
	s23 =	simm.s32 $0x200;
	[sflag:s18] =	ssyncadd.s32 $0xFFFFD880  }
.LBB2_2:
0x18: {  	p0 =	sne.s32 s23, $0xFE00;
	[tilespmem:s22+$0x2870] =	vst v0  }
0x19: {  	[tilespmem:s22+$0x2800] =	vst v0  }
0x1a: {  	[tilespmem:s22+$0x2810] =	vst v0  }
.Ltmp0:
0x1b: {  	[tilespmem:s22+$0x2820] =	vst v0;
	(pc) =	sbr.rel @p0 .LBB2_2-.Ltmp0, $4  }
0x1c: {  	[tilespmem:s22+$0x2830] =	vst v0  }
0x1d: {  	[tilespmem:s22+$0x2840] =	vst v0  }
0x1e: {  	[tilespmem:s22+$0x2850] =	vst v0  }
0x1f: {  	[tilespmem:s22+$0x2860] =	vst v0;
	s22 =	sshra.s32 s23, $0x2;
	s23 =	sadd.s32 $0x200, s23  }
0x20: {  	[tilespmem:s22+$0x2870] =	vst v0  }
0x21: {  	[tilespmem:s22+$0x2800] =	vst v0  }
0x22: {  	[tilespmem:s22+$0x2810] =	vst v0  }
0x23: {  	[tilespmem:s22+$0x2820] =	vst v0  }
0x24: {  	[tilespmem:s22+$0x2830] =	vst v0  }
0x25: {  	[tilespmem:s22+$0x2840] =	vst v0  }
0x26: {  	[tilespmem:s22+$0x2850] =	vst v0  }
0x27: {  	[tilespmem:s22+$0x2860] =	vst v0  }
0x28: {  	[spmem:s5] =	stream.linear.scatter [tilespmem:s19], [sflag:$0x1], $0x4000, $0x38;
	[tilespmem:$0x1AC00] =	vst v63  }
0x29: {  	_ =	swait.ge [sflag:s18], $0x4000  }
0x2a: {  	[sflag:s18] =	ssyncset.done $0x0  }
0x2b: {  	[sflag:s18] =	ssyncadd.s32 $0xFFFFC000  }
0x2c: {  	[spmem:s6] =	stream.linear.scatter [tilespmem:s19], [sflag:$0x1], $0x4000, $0x38;
	[tilespmem:$0x1AC00] =	vst v63  }
0x2d: {  	_ =	swait.ge [sflag:s18], $0x4000  }
0x2e: {  	[sflag:s18] =	ssyncset.done $0x0  }
0x2f: {  	[sflag:s18] =	ssyncadd.s32 $0xFFFFC000  }
0x30: {  	[spmem:s7] =	stream.linear.scatter [tilespmem:s19], [sflag:$0x1], $0x4000, $0x38;
	[tilespmem:$0x1AC00] =	vst v63  }
0x31: {  	_ =	swait.ge [sflag:s18], $0x4000  }
0x32: {  	[sflag:s18] =	ssyncset.done $0x0  }
0x33: {  	[sflag:s18] =	ssyncadd.s32 $0xFFFFC000  }
0x34: {  	[spmem:s8] =	stream.linear.scatter [tilespmem:s19], [sflag:$0x1], $0x4000, $0x38;
	[tilespmem:$0x1AC00] =	vst v63  }
0x35: {  	_ =	swait.ge [sflag:s18], $0x4000  }
0x36: {  	[sflag:s18] =	ssyncset.done $0x0  }
0x37: {  	[sflag:s18] =	ssyncadd.s32 $0xFFFFC000  }
0x38: {  	[spmem:s9] =	stream.linear.scatter [tilespmem:s19], [sflag:$0x1], $0x4000, $0x38;
	[tilespmem:$0x1AC00] =	vst v63  }
0x39: {  	_ =	swait.ge [sflag:s18], $0x4000  }
0x3a: {  	[sflag:s18] =	ssyncset.done $0x0  }
0x3b: {  	[sflag:s18] =	ssyncadd.s32 $0xFFFFC000  }
0x3c: {  	[spmem:s10] =	stream.linear.scatter [tilespmem:s19], [sflag:$0x1], $0x400, $0x38;
	[tilespmem:$0x1AC00] =	vst v63  }
0x3d: {  	_ =	swait.ge [sflag:s18], $0x400  }
0x3e: {  	[sflag:s18] =	ssyncset.done $0x0  }
0x3f: {  	s22 =	simm.s32 $0x0;
	s23 =	simm.s32 $0x200;
	[sflag:s18] =	ssyncadd.s32 $0xFFFFFC00  }
.LBB2_4:
0x40: {  	p0 =	sne.s32 s23, $0xFE00;
	[tilespmem:s22+$0x2870] =	vst v1  }
0x41: {  	[tilespmem:s22+$0x2800] =	vst v1  }
0x42: {  	[tilespmem:s22+$0x2810] =	vst v1  }
.Ltmp1:
0x43: {  	[tilespmem:s22+$0x2820] =	vst v1;
	(pc) =	sbr.rel @p0 .LBB2_4-.Ltmp1, $4  }
0x44: {  	[tilespmem:s22+$0x2830] =	vst v1  }
0x45: {  	[tilespmem:s22+$0x2840] =	vst v1  }
0x46: {  	[tilespmem:s22+$0x2850] =	vst v1  }
0x47: {  	[tilespmem:s22+$0x2860] =	vst v1;
	s22 =	sshra.s32 s23, $0x2;
	s23 =	sadd.s32 $0x200, s23  }
0x48: {  	[tilespmem:s22+$0x2870] =	vst v1  }
0x49: {  	[tilespmem:s22+$0x2800] =	vst v1  }
0x4a: {  	[tilespmem:s22+$0x2810] =	vst v1  }
0x4b: {  	[tilespmem:s22+$0x2820] =	vst v1  }
0x4c: {  	[tilespmem:s22+$0x2830] =	vst v1  }
0x4d: {  	[tilespmem:s22+$0x2840] =	vst v1  }
0x4e: {  	[tilespmem:s22+$0x2850] =	vst v1  }
0x4f: {  	[tilespmem:s22+$0x2860] =	vst v1  }
0x50: {  	s31 =	simm.s32 $0x0;
	[bflag:$0x0] =	sbarrier.arrive $0xFFFF  }
0x51: {  	[spmem:s2] =	stream.indirect.scatter.add.f32 [tilespmem:s19], [sflag:$0x1], $0x80, s31, s20, $0xb8;
	[tilespmem:$0x1AC00] =	vst v63  }
0x52: {  	_ =	swait.ge [sflag:s18], $0x4000  }
0x53: {  	s22 =	simm.s32 $0x200;
	[sflag:s18] =	ssyncset.done $0x0  }
.LBB2_6:
0x54: {  	s23 =	sshra.s32 s22, $0x2;
	[sflag:s18] =	ssyncadd.s32 $0xFFFFC000;
	p0 =	sne.s32 s22, $0x9C00  }
0x55: {  	[spmem:s2] =	stream.indirect.scatter.add.f32 [tilespmem:s19], [sflag:$0x1], $0x80, s23, s20, $0xb8;
	[tilespmem:$0x1AC00] =	vst v63  }
.Ltmp2:
0x56: {  	_ = 	snop;
	(pc) =	sbr.rel @p0 .LBB2_6-.Ltmp2, $4  }
0x57: {  	_ = 	snop  }
0x58: {  	s22 =	sadd.s32 $0x200, s22  }
0x59: {  	_ =	swait.ge [sflag:s18], $0x4000  }
0x5a: {  	[sflag:s18] =	ssyncset.done $0x0  }
0x5b: {  	[sflag:s18] =	ssyncadd.s32 $0xFFFFC000  }
0x5c: {  	[bflag:$0x0] =	sbarrier.arrive $0xFFFF  }
0x5d: {  	[tilespmem:s19], [sflag:$0x1] =	stream.linear.gather [spmem:s5], $0x4000, $0x38;
	[tilespmem:$0x1AC00] =	vst v63  }
0x5e: {  	_ =	swait.ge [sflag:s18], $0x4000  }
0x5f: {  	[sflag:s18] =	ssyncset.done $0x0  }
0x60: {  	[sflag:s18] =	ssyncadd.s32 $0xFFFFC000  }
0x61: {  	[hbm4b:s11+s3] =	stream.linear.scatter [tilespmem:s19], [sflag:$0x1], $0x4000, $0x38;
	[tilespmem:$0x1AC00] =	vst v63  }
0x62: {  	_ =	swait.ge [sflag:s18], $0x4000  }
0x63: {  	[sflag:s18] =	ssyncset.done $0x0  }
0x64: {  	[sflag:s18] =	ssyncadd.s32 $0xFFFFC000  }
0x65: {  	[tilespmem:s19], [sflag:$0x1] =	stream.linear.gather [spmem:s6], $0x4000, $0x38;
	[tilespmem:$0x1AC00] =	vst v63  }
0x66: {  	_ =	swait.ge [sflag:s18], $0x4000  }
0x67: {  	[sflag:s18] =	ssyncset.done $0x0  }
0x68: {  	[sflag:s18] =	ssyncadd.s32 $0xFFFFC000  }
0x69: {  	[hbm4b:s12+s3] =	stream.linear.scatter [tilespmem:s19], [sflag:$0x1], $0x4000, $0x38;
	[tilespmem:$0x1AC00] =	vst v63  }
0x6a: {  	_ =	swait.ge [sflag:s18], $0x4000  }
0x6b: {  	[sflag:s18] =	ssyncset.done $0x0  }
0x6c: {  	[sflag:s18] =	ssyncadd.s32 $0xFFFFC000  }
0x6d: {  	[tilespmem:s19], [sflag:$0x1] =	stream.linear.gather [spmem:s7], $0x4000, $0x38;
	[tilespmem:$0x1AC00] =	vst v63  }
0x6e: {  	_ =	swait.ge [sflag:s18], $0x4000  }
0x6f: {  	[sflag:s18] =	ssyncset.done $0x0  }
0x70: {  	[sflag:s18] =	ssyncadd.s32 $0xFFFFC000  }
0x71: {  	[hbm4b:s13+s3] =	stream.linear.scatter [tilespmem:s19], [sflag:$0x1], $0x4000, $0x38;
	[tilespmem:$0x1AC00] =	vst v63  }
0x72: {  	_ =	swait.ge [sflag:s18], $0x4000  }
0x73: {  	[sflag:s18] =	ssyncset.done $0x0  }
0x74: {  	[sflag:s18] =	ssyncadd.s32 $0xFFFFC000  }
0x75: {  	[tilespmem:s19], [sflag:$0x1] =	stream.linear.gather [spmem:s8], $0x4000, $0x38;
	[tilespmem:$0x1AC00] =	vst v63  }
0x76: {  	_ =	swait.ge [sflag:s18], $0x4000  }
0x77: {  	[sflag:s18] =	ssyncset.done $0x0  }
0x78: {  	[sflag:s18] =	ssyncadd.s32 $0xFFFFC000  }
0x79: {  	[hbm4b:s14+s3] =	stream.linear.scatter [tilespmem:s19], [sflag:$0x1], $0x4000, $0x38;
	[tilespmem:$0x1AC00] =	vst v63  }
0x7a: {  	_ =	swait.ge [sflag:s18], $0x4000  }
0x7b: {  	[sflag:s18] =	ssyncset.done $0x0  }
0x7c: {  	[sflag:s18] =	ssyncadd.s32 $0xFFFFC000  }
0x7d: {  	[tilespmem:s19], [sflag:$0x1] =	stream.linear.gather [spmem:s9], $0x4000, $0x38;
	[tilespmem:$0x1AC00] =	vst v63  }
0x7e: {  	_ =	swait.ge [sflag:s18], $0x4000  }
0x7f: {  	[sflag:s18] =	ssyncset.done $0x0  }
0x80: {  	[sflag:s18] =	ssyncadd.s32 $0xFFFFC000  }
0x81: {  	[hbm4b:s15+s3] =	stream.linear.scatter [tilespmem:s19], [sflag:$0x1], $0x4000, $0x38;
	[tilespmem:$0x1AC00] =	vst v63  }
0x82: {  	_ =	swait.ge [sflag:s18], $0x4000  }
0x83: {  	[sflag:s18] =	ssyncset.done $0x0  }
0x84: {  	[sflag:s18] =	ssyncadd.s32 $0xFFFFC000  }
0x85: {  	[tilespmem:s19], [sflag:$0x1] =	stream.linear.gather [spmem:s10], $0x400, $0x38;
	[tilespmem:$0x1AC00] =	vst v63  }
0x86: {  	s21 =	sadd.s32 $0x1, s21;
	_ =	swait.ge [sflag:s18], $0x400  }
0x87: {  	p0 =	sne.s32 s21, s17;
	[sflag:s18] =	ssyncset.done $0x0  }
.Ltmp3:
0x88: {  	[sflag:s18] =	ssyncadd.s32 $0xFFFFFC00;
	(pc) =	sbr.rel @p0 .LBB2_1-.Ltmp3, $4  }
0x89: {  	[hbm4b:s16+s3] =	stream.linear.scatter [tilespmem:s19], [sflag:$0x1], $0x400, $0x38;
	[tilespmem:$0x1AC00] =	vst v63  }
0x8a: {  	_ =	swait.ge [sflag:s18], $0x400  }
0x8b: {  	[sflag:s18] =	ssyncset.done $0x0  }
0x8c: {  	[sflag:s18] =	ssyncadd.s32 $0xFFFFFC00  }
0x8d: {  	_ =	sfence.sel $0x180000  }
0x8e: {  	[bflag:$0x0] =	sbarrier.arrive $0xFFFF  }
0x8f: {  	p0 =	sne.s32 s0, $0x0;
	_ =	strace $0x90000047  }
0x90: {  	s0 =	sadd.s32 @!p0 $0x100000, s1;
	[bflag:$0x2] =	sbarrier.arrive $0xFFFF  }
0x91: {  	[sflag:s0] =	ssyncadd.tile.s32 @!p0 $0x1;
	_ =	shalt  }
.Lfunc_end2:
_tile_overlayer_lowered:
.L_overlay_start_2:
0x92: {  	(tag) =	ssettag $0x2  }
0x93: {  	s0 =	rddreg [dreg:$0x0];
	s2 =	stileid.u32  }
0x94: {  	s1 =	rddreg [dreg:$0x1];
	p0 =	sne.s32 s2, $0x0  }
0x95: {  	s3 =	rddreg [dreg:$0x2];
	[bflag:$0x3] =	sbarrier.arrive $0xFFFF;
	s2 =	simm.s32 @!p0 $0x1C01  }
0x96: {  	[timem:s3], [sflag:s2] =	dma.local @!p0 [hbm:s0], s1  }
0x97: {  	s0 =	simm.s32 @!p0 $0x1  }
0x98: {  	_ =	swait.ge @!p0 [sflag:s0], s1  }
0x99: {  	s1 =	ssub.s32 @!p0 $0x0, s1;
	[sflag:s0] =	ssyncset.done @!p0 $0x0  }
0x9a: {  	[sflag:s0] =	ssyncadd.s32 @!p0 s1  }
0x9b: {  	[bflag:$0x3] =	sbarrier.arrive $0xFFFF  }
0x9c: {  	_ =	shalt  }

// kernel: kernel.13.cloned.1.call-start
scs
__scs_entry_jumppad:
0x0: {  	(pc) =	sbr.rel $0x88, $3  }
0x1: {  	(tag) =	ssettag $0x0;
	lr =	simm.s32 $0x1  }
0x2: {  	[smem:$0x3F9E] =	sst lr;
	_ =	strace $0xD0000000  }
0x3: {  	_ = 	snop  }
0x4: {  	_ = 	snop  }
0x5: {  	_ = 	snop  }
0x6: {  	_ = 	snop  }
0x7: {  	_ = 	snop  }
__scs_overlays_trampoline_lowered:
0x8: {  	[smem:$0x3FAD] =	sst s0  }
0x9: {  	[smem:$0x3FAE] =	sst s1  }
0xa: {  	[smem:$0x3FAF] =	sst s2  }
0xb: {  	[smem:$0x3FB0] =	sst s3  }
0xc: {  	[smem:$0x3FB1] =	sst s4  }
0xd: {  	[smem:$0x3FB2] =	sst s5  }
0xe: {  	[smem:$0x3FB3] =	sst s6  }
0xf: {  	[smem:$0x3FB4] =	sst s7  }
0x10: {  	[smem:$0x3FB5] =	sst s8  }
0x11: {  	[smem:$0x3FB6] =	sst s9;
	s0 =	simm.s32 @!p0 $0x0  }
0x12: {  	s1 =	sld [smem:$0x3F9C];
	s0 =	simm.s32 @p0 $0x1  }
0x13: {  	[smem:$0x3FB7] =	sst s0;
	s0 =	simm.s32 @!p1 $0x0  }
0x14: {  	s2 =	sld [smem:$0x3F9B];
	s0 =	simm.s32 @p1 $0x1  }
0x15: {  	[smem:$0x3FB8] =	sst s0;
	s0 =	simm.s32 @!p2 $0x0  }
0x16: {  	s3 =	sld [smem:$0x3FDB];
	s0 =	simm.s32 @p2 $0x1  }
0x17: {  	s4 =	simm.s32 $0x1BF5;
	[smem:$0x3FBA] =	sst s0  }
0x18: {  	s0 =	sld [smem:$0x3F9D];
	_ =	swait.ge [sflag:s4], $0x0  }
0x19: {  	s7 =	sld [smem:$0x3F9E]  }
0x1a: {  	s8 =	sadd.s32 $0xFFFFE003, lr  }
0x1b: {  	s9 =	sadd.s32 $0xFFFFFEF7, lr;
	s5 =	simm.s32 $0xFFFFFFFF;
	p2 =	slt.u32 s8, $0xFFFFF086  }
0x1c: {  	p1 =	slt.u32 s9, $0xF7A;
	s5 =	simm.s32 @!p2 $0x0  }
0x1d: {  	s5 =	simm.s32 @p1 $0x1;
	p0 =	seq.s32 s7, s2  }
0x1e: {  	s7 =	smul.u32 @!p0 $0xF7A, s2;
	p2 =	seq.s32 @!p0 s5, $0x0  }
0x1f: {  	s9 =	smul.u32 $0xF7A, s1;
	s8 =	simm.s32 @!p0 $0x1BF5;
	p2 =	por !p2, p0  }
0x20: {  	[sflag:s8] =	ssyncset.s32 @!p0 $0xFFFFF086;
	s6 =	sadd.s32 @!p0 s3, s7;
	s7 =	simm.s32 @!p0 $0x108  }
0x21: {  	s3 =	sadd.s32 s3, s9;
	s6 =	sadd.s32 @!p0 $0x88, s6;
	s7 =	simm.s32 @p2 $0x1082  }
0x22: {  	[simem:s7], [sflag:s8] =	dma.local @!p0 [hbm:s6], $0xF7A  }
0x23: {  	s9 =	sor.u32 $0xD0000000, s2;
	s6 =	simm.s32 $0x108;
	_ =	swait.ge @!p0 [sflag:s8], $0x0  }
0x24: {  	s3 =	sadd.s32 $0x88, s3;
	s6 =	simm.s32 @!p1 $0x1082;
	[sflag:s4] =	ssyncset.s32 $0xFFFFF086  }
0x25: {  	[simem:s6], [sflag:s4] =	dma.local [hbm:s3], $0xF7A  }
0x26: {  	[smem:$0x3F9E] =	sst s1;
	(tag) =	ssettag s2;
	_ =	strace s9  }
0x27: {  	s1 =	sld [smem:$0x3FAE]  }
0x28: {  	s2 =	sld [smem:$0x3FAF]  }
0x29: {  	s4 =	sld [smem:$0x3FB1]  }
0x2a: {  	p0 =	seq.s32 s5, $0x0;
	s5 =	sld [smem:$0x3FB2]  }
0x2b: {  	s6 =	sld [smem:$0x3FB3]  }
0x2c: {  	s7 =	sld [smem:$0x3FB4]  }
0x2d: {  	s3 =	simm.s32 $0x108;
	s8 =	sld [smem:$0x3FB5]  }
0x2e: {  	s3 =	simm.s32 @!p0 $0x1082;
	s9 =	sld [smem:$0x3FB6]  }
0x2f: {  	lr =	sadd.s32 s0, s3;
	s0 =	sld [smem:$0x3FAD]  }
0x30: {  	s3 =	sld [smem:$0x3FB0]  }
0x31: {  	[smem:$0x3FB9] =	sst s10  }
0x32: {  	s10 =	sld [smem:$0x3FB7];
	_ =	sdelay $0x3  }
0x33: {  	p0 =	seq.s32 s10, $0x1;
	s10 =	sld [smem:$0x3FB9];
	_ =	sdelay $0x3  }
0x34: {  	[smem:$0x3FB9] =	sst s10  }
0x35: {  	s10 =	sld [smem:$0x3FB8];
	_ =	sdelay $0x3  }
0x36: {  	p1 =	seq.s32 s10, $0x1;
	s10 =	sld [smem:$0x3FB9];
	_ =	sdelay $0x3  }
0x37: {  	[smem:$0x3FB9] =	sst s10  }
0x38: {  	s10 =	sld [smem:$0x3FBA]  }
0x39: {  	_ = 	snop;
	(pc) =	sbr.ind lr, $3  }
0x3a: {  	_ = 	snop  }
0x3b: {  	_ = 	snop  }
0x3c: {  	p2 =	seq.s32 s10, $0x1;
	s10 =	sld [smem:$0x3FB9]  }
0x3d: {  	_ =	shalt  }
0x3e: {  	_ =	shalt  }
0x3f: {  	_ =	shalt  }
0x40: {  	_ =	shalt  }
0x41: {  	_ =	shalt  }
0x42: {  	_ =	shalt  }
0x43: {  	_ =	shalt  }
0x44: {  	_ =	shalt  }
0x45: {  	_ =	shalt  }
0x46: {  	_ =	shalt  }
0x47: {  	_ =	shalt  }
0x48: {  	_ =	shalt  }
0x49: {  	_ =	shalt  }
0x4a: {  	_ =	shalt  }
0x4b: {  	_ =	shalt  }
0x4c: {  	_ =	shalt  }
0x4d: {  	_ =	shalt  }
0x4e: {  	_ =	shalt  }
0x4f: {  	_ =	shalt  }
0x50: {  	_ =	shalt  }
0x51: {  	_ =	shalt  }
0x52: {  	_ =	shalt  }
0x53: {  	_ =	shalt  }
0x54: {  	_ =	shalt  }
0x55: {  	_ =	shalt  }
0x56: {  	_ =	shalt  }
0x57: {  	_ =	shalt  }
0x58: {  	_ =	shalt  }
0x59: {  	_ =	shalt  }
0x5a: {  	_ =	shalt  }
0x5b: {  	_ =	shalt  }
0x5c: {  	_ =	shalt  }
0x5d: {  	_ =	shalt  }
0x5e: {  	_ =	shalt  }
0x5f: {  	_ =	shalt  }
0x60: {  	_ =	shalt  }
0x61: {  	_ =	shalt  }
0x62: {  	_ =	shalt  }
0x63: {  	_ =	shalt  }
0x64: {  	_ =	shalt  }
0x65: {  	_ =	shalt  }
0x66: {  	_ =	shalt  }
0x67: {  	_ =	shalt  }
0x68: {  	_ =	shalt  }
0x69: {  	_ =	shalt  }
0x6a: {  	_ =	shalt  }
0x6b: {  	_ =	shalt  }
0x6c: {  	_ =	shalt  }
0x6d: {  	_ =	shalt  }
0x6e: {  	_ =	shalt  }
0x6f: {  	_ =	shalt  }
0x70: {  	_ =	shalt  }
0x71: {  	_ =	shalt  }
0x72: {  	_ =	shalt  }
0x73: {  	_ =	shalt  }
0x74: {  	_ =	shalt  }
0x75: {  	_ =	shalt  }
0x76: {  	_ =	shalt  }
0x77: {  	_ =	shalt  }
0x78: {  	_ =	shalt  }
0x79: {  	_ =	shalt  }
0x7a: {  	_ =	shalt  }
0x7b: {  	_ =	shalt  }
0x7c: {  	_ =	shalt  }
0x7d: {  	_ =	shalt  }
0x7e: {  	_ =	shalt  }
0x7f: {  	_ =	shalt  }
0x80: {  	_ =	shalt  }
0x81: {  	_ =	shalt  }
0x82: {  	_ =	shalt  }
0x83: {  	_ =	shalt  }
0x84: {  	_ =	shalt  }
0x85: {  	_ =	shalt  }
0x86: {  	_ =	shalt  }
0x87: {  	_ =	shalt  }
.Lfunc_end0:
.L_simem_size_0:
called_computation.1_lowered:
.L_overlay_start_0:
0x88: {  	s2 =	sld [smem:$0x3FD9]  }
0x89: {  	s3 =	sld [smem:$0x3FFE];
	_ =	sdelay $0x1  }
0x8a: {  	s1 =	srdreg.scid  }
0x8b: {  	s0 =	sand.u32 $0x1, s1  }
0x8c: {  	s16 =	sshll.u32 s0, $0xA;
	s2 =	sadd.s32 s3, s2  }
0x8d: {  	s2 =	sadd.s32 s2, s16  }
0x8e: {  	[smem:$0x3FC5] =	sst s2  }
0x8f: {  	_ = 	snop  }
0x90: {  	(tm) =	ssettm $0x1  }
0x91: {  	s17 =	sld [smem:$0x3FFB];
	_ =	sdelay $0x3  }
0x92: {  	_ =	strace s17  }
0x93: {  	s2 =	sld [smem:$0x3FFC];
	_ =	sdelay $0x3  }
0x94: {  	_ =	strace s2  }
0x95: {  	s2 =	sld [smem:$0x3FFD];
	_ =	sdelay $0x3  }
0x96: {  	_ =	strace s2  }
0x97: {  	_ =	strace $0x8FFFFFFF  }
0x98: {  	s18 =	sld [smem:$0x3FDB];
	_ =	sdelay $0x1  }
0x99: {  	s19 =	simm.s32 $_scs_section_size  }
0x9a: {  	s4 =	simm.s32 $_size__tile_overlayer_lowered;
	s5 =	simm.s32 $_tile_overlayer_lowered  }
0x9b: {  	s22 =	simm.s32 $0x1BFF;
	s21 =	sshll.u32 s5, $0x1;
	s2 =	sadd.s32 s19, s18  }
0x9c: {  	s6 =	simm.s32 $0x0;
	s20 =	sshll.u32 s4, $0x1;
	s4 =	sadd.s32 s21, s2  }
0x9d: {  	[timem:s6], [sflag:s22] =	dma.local [hbm:s4], s20  }
0x9e: {  	_ =	swait.ge [sflag:s22], s20  }
0x9f: {  	s3 =	ssub.s32 $0x0, s20;
	[sflag:s22] =	ssyncset.done $0x0  }
0xa0: {  	[sflag:s22] =	ssyncadd.s32 s3;
	_ =	sdelay $0x1  }
0xa1: {  	s23 =	simm.s32 $0x1B8B  }
0xa2: {  	_ =	swait.ge [sflag:s23], $0x1  }
0xa3: {  	[sflag:s23] =	ssyncset.done $0x0  }
0xa4: {  	s25 =	simm.s32 $0x1B8E;
	s24 =	sld [smem:$0x3FFE];
	[sflag:s23] =	ssyncadd.s32 $0xFFFFFFFF  }
0xa5: {  	s26 =	simm.s32 $execute0_lowered;
	[smem:$0x3FD2] =	sst s25  }
0xa6: {  	s4 =	sshll.u32 s26, $0x1;
	_ =	strace $0x80000049;
	[dreg:$0x1] =	wrdreg $0xFFFFFFFF  }
0xa7: {  	s28 =	simm.s32 $_size_execute0_lowered;
	s2 =	sadd.s32 s2, s4;
	[dreg:$0x0] =	wrdreg $0x0  }
0xa8: {  	s4 =	sshll.u32 s28, $0x1;
	[dreg:$0x2] =	wrdreg s2  }
0xa9: {  	[dreg:$0x3] =	wrdreg s4  }
0xaa: {  	[dreg:$0x4] =	wrdreg $0xC0  }
0xab: {  	_ =	task [dreg:s6], $0x5FFFF  }
0xac: {  	[dreg:$0x1] =	wrdreg $0xFFFFFFFF  }
0xad: {  	[dreg:$0x0] =	wrdreg $0x60  }
0xae: {  	[dreg:$0x2] =	wrdreg s24  }
0xaf: {  	[dreg:$0x3] =	wrdreg $0xA9000  }
0xb0: {  	[dreg:$0x4] =	wrdreg $0x9  }
0xb1: {  	_ =	task.clear_ibuf [dreg:s6], $0x5FFFF;
	_ =	strace $0x90000049  }
0xb2: {  	s29 =	simm.s32 $0x9;
	_ =	strace $0x8000004B  }
0xb3: {  	_ =	swait.ge [sflag:s29], $0x1  }
0xb4: {  	[sflag:s29] =	ssyncadd.s32 $0xFFFFFFFF  }
0xb5: {  	_ =	strace $0x9000004B  }
0xb6: {  	_ =	sfence  }
0xb7: {  	s30 =	sld [smem:$0x0];
	_ =	sdelay $0x2  }
0xb8: {  	s31 =	sshll.u32 s1, $0xD;
	s1 =	sshrl.u32 s1, $0x2  }
0xb9: {  	s3 =	sand.u32 $0x4000, s31;
	s1 =	sadd.s32 s1, s30  }
0xba: {  	s0 =	sor.u32 s3, s0;
	s1 =	sshll.u32 s1, $0x11  }
0xbb: {  	s0 =	sor.u32 s1, s0  }
0xbc: {  	s0 =	sadd.s32 $0x8F2B, s0  }
0xbd: {  	[sflag:s0] =	ssyncadd.remote.s32 $0x1  }
0xbe: {  	_ =	sfence.sel $0xFFFF  }
0xbf: {  	[dreg:$0x0] =	wrdreg $0xFFFFFFFF;
	(pc) =	sbr.abs _section_cstart, $3  }
0xc0: {  	[dreg:$0x1] =	wrdreg $0xFFFFFFFF  }
0xc1: {  	_ =	task.clear_ibuf [dreg:s6], $0x2FFFF;
	_ =	strace $0x9FFFFFFF  }
0xc2: {  	(tm) =	ssettm $0x7FFFFFFF  }
0xc3: {  	_ =	shalt  }
tec
execute0_lowered:
.L_overlay_start_1:
0x0: {  	(tag) =	ssettag $0x1  }
0x1: {  	s1 =	srdreg.scid;
	s7 =	rddreg [dreg:$0x0]  }
0x2: {  	s0 =	stileid.u32;
	s2 =	rddreg [dreg:$0x1];
	s23 =	simm.s32 $0x2900  }
0x3: {  	s25 =	simm.s32 $0x80;
	s26 =	simm.s32 $0x3;
	s28 =	simm.s32 $0x0  }
0x4: {  	s1 =	sand.u32 $0x1, s1;
	s3 =	sshll.u32 s0, $0x1;
	s10 =	smul.u32 $0x51000, s0  }
0x5: {  	s5 =	sadd.s32 $0x67400, s7;
	s6 =	sadd.s32 $0x2400, s7;
	s15 =	smul.u32 $0x14400, s0  }
0x6: {  	s4 =	sor.u32 s1, s3;
	s9 =	ssub.s32 $0x2, s1;
	s1 =	smul.u32 $0x144000, s1  }
0x7: {  	s20 =	sadd.s32 $0x8E600, s7;
	s3 =	simm.s32 $0x0;
	s4 =	smul.u32 $0x2800, s4  }
0x8: {  	[smem:$0x7FF] =	sst s3;
	s11 =	sshrl.u32 s9, $0x1;
	s31 =	sshrl.u32 s10, $0x2  }
0x9: {  	s16 =	sadd.s32 $0x4000, s15;
	s17 =	sadd.s32 $0x8000, s15;
	s18 =	sadd.s32 $0xC000, s15  }
0xa: {  	s19 =	sadd.s32 $0x10000, s15;
	s22 =	sadd.s32 $0x14000, s15;
	_ =	strace $0x8000004A  }
0xb: {  	s21 =	ssub.s32 s9, s11;
	s9 =	sadd.s32 s16, s2;
	s10 =	sadd.s32 s17, s2  }
0xc: {  	s11 =	sadd.s32 s18, s2;
	s12 =	sadd.s32 s19, s2;
	s13 =	sadd.s32 s22, s2  }
0xd: {  	s15 =	sadd.s32 s15, s1;
	s16 =	sadd.s32 s1, s16;
	s17 =	sadd.s32 s1, s17  }
0xe: {  	s18 =	sadd.s32 s1, s18;
	s19 =	sadd.s32 s1, s19;
	s1 =	sadd.s32 s1, s22  }
0xf: {  	s22 =	simm.s32 $0x7;
	s14 =	sshrl.u32 s4, $0x3;
	s15 =	sshrl.u32 s15, $0x3  }
0x10: {  	s16 =	sshrl.u32 s16, $0x3;
	s17 =	sshrl.u32 s17, $0x3;
	s18 =	sshrl.u32 s18, $0x3  }
.Ltmp0:
0x11: {  	s19 =	sshrl.u32 s19, $0x3;
	s1 =	sshrl.u32 s1, $0x3;
	(pc) =	sbr.rel .LBB2_1-.Ltmp0, $4  }
0x12: {  	s21 =	smax.u32 s21, $0x1;
	s8 =	sadd.s32 s14, s7;
	s14 =	sadd.s32 s6, s14  }
0x13: {  	s15 =	sadd.s32 s20, s15;
	s16 =	sadd.s32 s20, s16;
	s17 =	sadd.s32 s20, s17  }
0x14: {  	s18 =	sadd.s32 s20, s18;
	s19 =	sadd.s32 s20, s19;
	s30 =	sadd.s32 $0x5D400, s8  }
0x15: {  	v0 =	vimm.f32 $0.0e+00;
	s20 =	sadd.s32 s20, s1;
	s8 =	sadd.s32 s31, s2;
	[dreg:$0x3] =	wrdreg s30  }
.LBB2_6:
0x16: {  	_ =	swait.ge [sflag:s26], $0x4000  }
0x17: {  	[sflag:s26] =	ssyncset.done $0x0  }
0x18: {  	[sflag:s26] =	ssyncadd.s32 $0xFFFFC000  }
0x19: {  	[bflag:$0x0] =	sbarrier.arrive $0xFFFF  }
0x1a: {  	[tilespmem:s23], [sflag:$0x7] =	stream.linear.gather [spmem:s8], $0x4000, $0x38;
	[tilespmem:$0x1ED00] =	vst v63  }
0x1b: {  	_ =	swait.ge [sflag:s22], $0x4000  }
0x1c: {  	[sflag:s22] =	ssyncset.done $0x0  }
0x1d: {  	[sflag:s22] =	ssyncadd.s32 $0xFFFFC000  }
0x1e: {  	[hbm4b:s15+s3] =	stream.linear.scatter [tilespmem:s23], [sflag:$0x7], $0x4000, $0x38;
	[tilespmem:$0x1ED00] =	vst v63  }
0x1f: {  	_ =	swait.ge [sflag:s22], $0x4000  }
0x20: {  	[sflag:s22] =	ssyncset.done $0x0  }
0x21: {  	[sflag:s22] =	ssyncadd.s32 $0xFFFFC000  }
0x22: {  	[tilespmem:s23], [sflag:$0x7] =	stream.linear.gather [spmem:s9], $0x4000, $0x38;
	[tilespmem:$0x1ED00] =	vst v63  }
0x23: {  	_ =	swait.ge [sflag:s22], $0x4000  }
0x24: {  	[sflag:s22] =	ssyncset.done $0x0  }
0x25: {  	[sflag:s22] =	ssyncadd.s32 $0xFFFFC000  }
0x26: {  	[hbm4b:s16+s3] =	stream.linear.scatter [tilespmem:s23], [sflag:$0x7], $0x4000, $0x38;
	[tilespmem:$0x1ED00] =	vst v63  }
0x27: {  	_ =	swait.ge [sflag:s22], $0x4000  }
0x28: {  	[sflag:s22] =	ssyncset.done $0x0  }
0x29: {  	[sflag:s22] =	ssyncadd.s32 $0xFFFFC000  }
0x2a: {  	[tilespmem:s23], [sflag:$0x7] =	stream.linear.gather [spmem:s10], $0x4000, $0x38;
	[tilespmem:$0x1ED00] =	vst v63  }
0x2b: {  	_ =	swait.ge [sflag:s22], $0x4000  }
0x2c: {  	[sflag:s22] =	ssyncset.done $0x0  }
0x2d: {  	[sflag:s22] =	ssyncadd.s32 $0xFFFFC000  }
0x2e: {  	[hbm4b:s17+s3] =	stream.linear.scatter [tilespmem:s23], [sflag:$0x7], $0x4000, $0x38;
	[tilespmem:$0x1ED00] =	vst v63  }
0x2f: {  	_ =	swait.ge [sflag:s22], $0x4000  }
0x30: {  	[sflag:s22] =	ssyncset.done $0x0  }
0x31: {  	[sflag:s22] =	ssyncadd.s32 $0xFFFFC000  }
0x32: {  	[tilespmem:s23], [sflag:$0x7] =	stream.linear.gather [spmem:s11], $0x4000, $0x38;
	[tilespmem:$0x1ED00] =	vst v63  }
0x33: {  	_ =	swait.ge [sflag:s22], $0x4000  }
0x34: {  	[sflag:s22] =	ssyncset.done $0x0  }
0x35: {  	[sflag:s22] =	ssyncadd.s32 $0xFFFFC000  }
0x36: {  	[hbm4b:s18+s3] =	stream.linear.scatter [tilespmem:s23], [sflag:$0x7], $0x4000, $0x38;
	[tilespmem:$0x1ED00] =	vst v63  }
0x37: {  	_ =	swait.ge [sflag:s22], $0x4000  }
0x38: {  	[sflag:s22] =	ssyncset.done $0x0  }
0x39: {  	[sflag:s22] =	ssyncadd.s32 $0xFFFFC000  }
0x3a: {  	[tilespmem:s23], [sflag:$0x7] =	stream.linear.gather [spmem:s12], $0x4000, $0x38;
	[tilespmem:$0x1ED00] =	vst v63  }
0x3b: {  	_ =	swait.ge [sflag:s22], $0x4000  }
0x3c: {  	[sflag:s22] =	ssyncset.done $0x0  }
0x3d: {  	[sflag:s22] =	ssyncadd.s32 $0xFFFFC000  }
0x3e: {  	[hbm4b:s19+s3] =	stream.linear.scatter [tilespmem:s23], [sflag:$0x7], $0x4000, $0x38;
	[tilespmem:$0x1ED00] =	vst v63  }
0x3f: {  	_ =	swait.ge [sflag:s22], $0x4000  }
0x40: {  	[sflag:s22] =	ssyncset.done $0x0  }
0x41: {  	[sflag:s22] =	ssyncadd.s32 $0xFFFFC000  }
0x42: {  	[tilespmem:s23], [sflag:$0x7] =	stream.linear.gather [spmem:s13], $0x400, $0x38;
	[tilespmem:$0x1ED00] =	vst v63  }
0x43: {  	s28 =	sadd.s32 $0x1, s28;
	_ =	swait.ge [sflag:s22], $0x400  }
0x44: {  	p0 =	sne.s32 s28, s21;
	[sflag:s22] =	ssyncset.done $0x0  }
.Ltmp1:
0x45: {  	[sflag:s22] =	ssyncadd.s32 $0xFFFFFC00;
	(pc) =	sbr.rel @!p0 .LBB2_7-.Ltmp1, $4  }
0x46: {  	[hbm4b:s20+s3] =	stream.linear.scatter [tilespmem:s23], [sflag:$0x7], $0x400, $0x38;
	[tilespmem:$0x1ED00] =	vst v63  }
0x47: {  	_ =	swait.ge [sflag:s22], $0x400  }
0x48: {  	[sflag:s22] =	ssyncset.done $0x0  }
0x49: {  	[sflag:s22] =	ssyncadd.s32 $0xFFFFFC00  }
.LBB2_1:
0x4a: {  	s0 =	rddreg [dreg:$0x3]  }
0x4b: {  	[tilespmem:s3], [sflag:$0x7] =	stream.linear.gather [hbm4b:s0+s3], $0x2780, $0x38;
	[tilespmem:$0x1ED00] =	vst v63  }
0x4c: {  	_ =	swait.ge [sflag:s22], $0x2780  }
0x4d: {  	[sflag:s22] =	ssyncset.done $0x0  }
0x4e: {  	s29 =	simm.s32 $0x0;
	s30 =	simm.s32 $0x200;
	[sflag:s22] =	ssyncadd.s32 $0xFFFFD880  }
.LBB2_2:
0x4f: {  	p0 =	sne.s32 s30, $0xFE00;
	[tilespmem:s29+$0x2970] =	vst v0  }
0x50: {  	[tilespmem:s29+$0x2900] =	vst v0  }
0x51: {  	[tilespmem:s29+$0x2910] =	vst v0  }
.Ltmp2:
0x52: {  	[tilespmem:s29+$0x2920] =	vst v0;
	(pc) =	sbr.rel @p0 .LBB2_2-.Ltmp2, $4  }
0x53: {  	[tilespmem:s29+$0x2930] =	vst v0  }
0x54: {  	[tilespmem:s29+$0x2940] =	vst v0  }
0x55: {  	[tilespmem:s29+$0x2950] =	vst v0  }
0x56: {  	[tilespmem:s29+$0x2960] =	vst v0;
	s29 =	sshra.s32 s30, $0x2;
	s30 =	sadd.s32 $0x200, s30  }
0x57: {  	[tilespmem:s29+$0x2970] =	vst v0  }
0x58: {  	[tilespmem:s29+$0x2900] =	vst v0  }
0x59: {  	[tilespmem:s29+$0x2910] =	vst v0  }
0x5a: {  	[tilespmem:s29+$0x2920] =	vst v0  }
0x5b: {  	[tilespmem:s29+$0x2930] =	vst v0  }
0x5c: {  	[tilespmem:s29+$0x2940] =	vst v0  }
0x5d: {  	[tilespmem:s29+$0x2950] =	vst v0  }
0x5e: {  	[tilespmem:s29+$0x2960] =	vst v0  }
0x5f: {  	[spmem:s8] =	stream.linear.scatter [tilespmem:s23], [sflag:$0x7], $0x4000, $0x38;
	[tilespmem:$0x1ED00] =	vst v63  }
0x60: {  	_ =	swait.ge [sflag:s22], $0x4000  }
0x61: {  	[sflag:s22] =	ssyncset.done $0x0  }
0x62: {  	[sflag:s22] =	ssyncadd.s32 $0xFFFFC000  }
0x63: {  	[spmem:s9] =	stream.linear.scatter [tilespmem:s23], [sflag:$0x7], $0x4000, $0x38;
	[tilespmem:$0x1ED00] =	vst v63  }
0x64: {  	_ =	swait.ge [sflag:s22], $0x4000  }
0x65: {  	[sflag:s22] =	ssyncset.done $0x0  }
0x66: {  	[sflag:s22] =	ssyncadd.s32 $0xFFFFC000  }
0x67: {  	[spmem:s10] =	stream.linear.scatter [tilespmem:s23], [sflag:$0x7], $0x4000, $0x38;
	[tilespmem:$0x1ED00] =	vst v63  }
0x68: {  	_ =	swait.ge [sflag:s22], $0x4000  }
0x69: {  	[sflag:s22] =	ssyncset.done $0x0  }
0x6a: {  	[sflag:s22] =	ssyncadd.s32 $0xFFFFC000  }
0x6b: {  	[spmem:s11] =	stream.linear.scatter [tilespmem:s23], [sflag:$0x7], $0x4000, $0x38;
	[tilespmem:$0x1ED00] =	vst v63  }
0x6c: {  	_ =	swait.ge [sflag:s22], $0x4000  }
0x6d: {  	[sflag:s22] =	ssyncset.done $0x0  }
0x6e: {  	[sflag:s22] =	ssyncadd.s32 $0xFFFFC000  }
0x6f: {  	[spmem:s12] =	stream.linear.scatter [tilespmem:s23], [sflag:$0x7], $0x4000, $0x38;
	[tilespmem:$0x1ED00] =	vst v63  }
0x70: {  	_ =	swait.ge [sflag:s22], $0x4000  }
0x71: {  	[sflag:s22] =	ssyncset.done $0x0  }
0x72: {  	[sflag:s22] =	ssyncadd.s32 $0xFFFFC000  }
0x73: {  	[spmem:s13] =	stream.linear.scatter [tilespmem:s23], [sflag:$0x7], $0x400, $0x38;
	[tilespmem:$0x1ED00] =	vst v63  }
0x74: {  	_ =	swait.ge [sflag:s22], $0x400  }
0x75: {  	[sflag:s22] =	ssyncset.done $0x0  }
0x76: {  	[sflag:s22] =	ssyncadd.s32 $0xFFFFFC00  }
0x77: {  	s29 =	simm.s32 $0x80;
	s30 =	simm.s32 $0x0;
	[bflag:$0x0] =	sbarrier.arrive $0xFFFF  }
0x78: {  	[tilespmem:s23], [sflag:$0x1] =	stream.indirect.gather [hbm4b:s5+s29], $0x80, s30, s29, $0xb8;
	[tilespmem:$0x1ED00] =	vst v63  }
0x79: {  	s0 =	simm.s32 $0x2800;
	s31 =	simm.s32 $0x80  }
0x7a: {  	[tilespmem:s0], [sflag:$0x5] =	stream.linear.gather [hbm4b:s14+s30], $0x80, $0x38;
	[tilespmem:$0x1ED00] =	vst v63  }
.LBB2_4:
0x7b: {  	s1 =	sand.u32 $0x1, s30  }
0x7c: {  	s0 =	sadd.s32 $0x5, s1  }
0x7d: {  	_ =	swait.ge [sflag:s0], $0x80  }
0x7e: {  	p0 =	seq.s32 s30, $0x0;
	[sflag:s0] =	ssyncset.done $0x0  }
0x7f: {  	s24 =	sshll.u32 s1, $0x7;
	[sflag:s0] =	ssyncadd.s32 $0xFFFFFF80;
	s0 =	sadd.s32 $0x1, s1  }
0x80: {  	s7 =	sshll.u32 s1, $0xE;
	p1 =	seq.s32 @!p0 s30, $0x4E;
	_ =	swait.ge [sflag:s0], $0x4000  }
0x81: {  	s24 =	sor.u32 $0x2800, s24;
	s7 =	sor.u32 $0x2900, s7;
	[sflag:s0] =	ssyncset.done $0x0  }
0x82: {  	p1 =	por p0, !p1;
	[sflag:s0] =	ssyncadd.s32 $0xFFFFC000;
	s0 =	sadd.s32 $0x3, s1  }
0x83: {  	[spmem:s2] =	stream.indirect.scatter.add.f32 [tilespmem:s7], [sflag:s0], $0x80, s24, s25, $0xb8;
	[tilespmem:$0x1ED00] =	vst v63  }
.Ltmp3:
0x84: {  	s1 =	sxor.u32 @!p0 $0x1, s1;
	(pc) =	sbr.rel @!p1 .LBB2_6-.Ltmp3, $4  }
0x85: {  	s0 =	sadd.s32 @!p0 $0x3, s1  }
0x86: {  	_ =	swait.ge @!p0 [sflag:s0], $0x4000  }
0x87: {  	[sflag:s0] =	ssyncset.done @!p0 $0x0  }
0x88: {  	[sflag:s0] =	ssyncadd.s32 @!p0 $0xFFFFC000  }
0x89: {  	s1 =	simm.s32 @p0 $0x1  }
0x8a: {  	s0 =	sshll.u32 s1, $0xE  }
0x8b: {  	s7 =	sadd.s32 $0x1, s1;
	s0 =	sor.u32 $0x2900, s0  }
0x8c: {  	[tilespmem:s0], [sflag:s7] =	stream.indirect.gather [hbm4b:s5+s25], $0x80, s31, s25, $0xb8;
	[tilespmem:$0x1ED00] =	vst v63  }
0x8d: {  	s7 =	sand.u32 $0x7C00, s29  }
.Ltmp4:
0x8e: {  	s24 =	sand.u32 $0x380, s29;
	s0 =	sadd.s32 s4, s7;
	(pc) =	sbr.rel .LBB2_4-.Ltmp4, $4  }
0x8f: {  	s30 =	sadd.s32 $0x1, s30;
	s31 =	sadd.s32 $0x80, s31;
	s0 =	sor.u32 s24, s0  }
0x90: {  	s29 =	sadd.s32 $0x80, s29;
	s24 =	sshll.u32 s1, $0x7;
	s0 =	sshrl.u32 s0, $0x3  }
0x91: {  	s1 =	sadd.s32 $0x5, s1;
	s7 =	sor.u32 $0x2800, s24;
	s0 =	sadd.s32 s6, s0  }
0x92: {  	[tilespmem:s7], [sflag:s1] =	stream.linear.gather [hbm4b:s0+s3], $0x80, $0x38;
	[tilespmem:$0x1ED00] =	vst v63  }
.LBB2_7:
0x93: {  	_ =	sfence.sel $0x180000  }
0x94: {  	[bflag:$0x0] =	sbarrier.arrive $0xFFFF  }
0x95: {  	_ =	strace $0x9000004A  }
0x96: {  	s0 =	stileid.u32;
	[bflag:$0x2] =	sbarrier.arrive $0xFFFF  }
0x97: {  	p0 =	sne.s32 s0, $0x0;
	s0 =	rddreg [dreg:$0x2]  }
0x98: {  	s0 =	sadd.s32 @!p0 $0x100000, s0  }
0x99: {  	[sflag:s0] =	ssyncadd.tile.s32 @!p0 $0x1;
	_ =	shalt  }
.Lfunc_end2:
_tile_overlayer_lowered:
.L_overlay_start_2:
0x9a: {  	(tag) =	ssettag $0x2  }
0x9b: {  	s0 =	rddreg [dreg:$0x0];
	s2 =	stileid.u32  }
0x9c: {  	s1 =	rddreg [dreg:$0x1];
	p0 =	sne.s32 s2, $0x0  }
0x9d: {  	s3 =	rddreg [dreg:$0x2];
	[bflag:$0x3] =	sbarrier.arrive $0xFFFF;
	s2 =	simm.s32 @!p0 $0x1C07  }
0x9e: {  	[timem:s3], [sflag:s2] =	dma.local @!p0 [hbm:s0], s1  }
0x9f: {  	s0 =	simm.s32 @!p0 $0x7  }
0xa0: {  	_ =	swait.ge @!p0 [sflag:s0], s1  }
0xa1: {  	s1 =	ssub.s32 @!p0 $0x0, s1;
	[sflag:s0] =	ssyncset.done @!p0 $0x0  }
0xa2: {  	[sflag:s0] =	ssyncadd.s32 @!p0 s1  }
0xa3: {  	[bflag:$0x3] =	sbarrier.arrive $0xFFFF  }
0xa4: {  	_ =	shalt  }

// kernel: kernel.16.cloned.1.call-start
scs
__scs_entry_jumppad:
0x0: {  	(pc) =	sbr.rel $0x88, $3  }
0x1: {  	(tag) =	ssettag $0x0;
	lr =	simm.s32 $0x1  }
0x2: {  	[smem:$0x3F9E] =	sst lr;
	_ =	strace $0xD0000000  }
0x3: {  	_ = 	snop  }
0x4: {  	_ = 	snop  }
0x5: {  	_ = 	snop  }
0x6: {  	_ = 	snop  }
0x7: {  	_ = 	snop  }
__scs_overlays_trampoline_lowered:
0x8: {  	[smem:$0x3FAD] =	sst s0  }
0x9: {  	[smem:$0x3FAE] =	sst s1  }
0xa: {  	[smem:$0x3FAF] =	sst s2  }
0xb: {  	[smem:$0x3FB0] =	sst s3  }
0xc: {  	[smem:$0x3FB1] =	sst s4  }
0xd: {  	[smem:$0x3FB2] =	sst s5  }
0xe: {  	[smem:$0x3FB3] =	sst s6  }
0xf: {  	[smem:$0x3FB4] =	sst s7  }
0x10: {  	[smem:$0x3FB5] =	sst s8  }
0x11: {  	[smem:$0x3FB6] =	sst s9;
	s0 =	simm.s32 @!p0 $0x0  }
0x12: {  	s1 =	sld [smem:$0x3F9C];
	s0 =	simm.s32 @p0 $0x1  }
0x13: {  	[smem:$0x3FB7] =	sst s0;
	s0 =	simm.s32 @!p1 $0x0  }
0x14: {  	s2 =	sld [smem:$0x3F9B];
	s0 =	simm.s32 @p1 $0x1  }
0x15: {  	[smem:$0x3FB8] =	sst s0;
	s0 =	simm.s32 @!p2 $0x0  }
0x16: {  	s3 =	sld [smem:$0x3FDB];
	s0 =	simm.s32 @p2 $0x1  }
0x17: {  	s4 =	simm.s32 $0x1BF5;
	[smem:$0x3FBA] =	sst s0  }
0x18: {  	s0 =	sld [smem:$0x3F9D];
	_ =	swait.ge [sflag:s4], $0x0  }
0x19: {  	s7 =	sld [smem:$0x3F9E]  }
0x1a: {  	s8 =	sadd.s32 $0xFFFFE003, lr  }
0x1b: {  	s9 =	sadd.s32 $0xFFFFFEF7, lr;
	s5 =	simm.s32 $0xFFFFFFFF;
	p2 =	slt.u32 s8, $0xFFFFF086  }
0x1c: {  	p1 =	slt.u32 s9, $0xF7A;
	s5 =	simm.s32 @!p2 $0x0  }
0x1d: {  	s5 =	simm.s32 @p1 $0x1;
	p0 =	seq.s32 s7, s2  }
0x1e: {  	s7 =	smul.u32 @!p0 $0xF7A, s2;
	p2 =	seq.s32 @!p0 s5, $0x0  }
0x1f: {  	s9 =	smul.u32 $0xF7A, s1;
	s8 =	simm.s32 @!p0 $0x1BF5;
	p2 =	por !p2, p0  }
0x20: {  	[sflag:s8] =	ssyncset.s32 @!p0 $0xFFFFF086;
	s6 =	sadd.s32 @!p0 s3, s7;
	s7 =	simm.s32 @!p0 $0x108  }
0x21: {  	s3 =	sadd.s32 s3, s9;
	s6 =	sadd.s32 @!p0 $0x88, s6;
	s7 =	simm.s32 @p2 $0x1082  }
0x22: {  	[simem:s7], [sflag:s8] =	dma.local @!p0 [hbm:s6], $0xF7A  }
0x23: {  	s9 =	sor.u32 $0xD0000000, s2;
	s6 =	simm.s32 $0x108;
	_ =	swait.ge @!p0 [sflag:s8], $0x0  }
0x24: {  	s3 =	sadd.s32 $0x88, s3;
	s6 =	simm.s32 @!p1 $0x1082;
	[sflag:s4] =	ssyncset.s32 $0xFFFFF086  }
0x25: {  	[simem:s6], [sflag:s4] =	dma.local [hbm:s3], $0xF7A  }
0x26: {  	[smem:$0x3F9E] =	sst s1;
	(tag) =	ssettag s2;
	_ =	strace s9  }
0x27: {  	s1 =	sld [smem:$0x3FAE]  }
0x28: {  	s2 =	sld [smem:$0x3FAF]  }
0x29: {  	s4 =	sld [smem:$0x3FB1]  }
0x2a: {  	p0 =	seq.s32 s5, $0x0;
	s5 =	sld [smem:$0x3FB2]  }
0x2b: {  	s6 =	sld [smem:$0x3FB3]  }
0x2c: {  	s7 =	sld [smem:$0x3FB4]  }
0x2d: {  	s3 =	simm.s32 $0x108;
	s8 =	sld [smem:$0x3FB5]  }
0x2e: {  	s3 =	simm.s32 @!p0 $0x1082;
	s9 =	sld [smem:$0x3FB6]  }
0x2f: {  	lr =	sadd.s32 s0, s3;
	s0 =	sld [smem:$0x3FAD]  }
0x30: {  	s3 =	sld [smem:$0x3FB0]  }
0x31: {  	[smem:$0x3FB9] =	sst s10  }
0x32: {  	s10 =	sld [smem:$0x3FB7];
	_ =	sdelay $0x3  }
0x33: {  	p0 =	seq.s32 s10, $0x1;
	s10 =	sld [smem:$0x3FB9];
	_ =	sdelay $0x3  }
0x34: {  	[smem:$0x3FB9] =	sst s10  }
0x35: {  	s10 =	sld [smem:$0x3FB8];
	_ =	sdelay $0x3  }
0x36: {  	p1 =	seq.s32 s10, $0x1;
	s10 =	sld [smem:$0x3FB9];
	_ =	sdelay $0x3  }
0x37: {  	[smem:$0x3FB9] =	sst s10  }
0x38: {  	s10 =	sld [smem:$0x3FBA]  }
0x39: {  	_ = 	snop;
	(pc) =	sbr.ind lr, $3  }
0x3a: {  	_ = 	snop  }
0x3b: {  	_ = 	snop  }
0x3c: {  	p2 =	seq.s32 s10, $0x1;
	s10 =	sld [smem:$0x3FB9]  }
0x3d: {  	_ =	shalt  }
0x3e: {  	_ =	shalt  }
0x3f: {  	_ =	shalt  }
0x40: {  	_ =	shalt  }
0x41: {  	_ =	shalt  }
0x42: {  	_ =	shalt  }
0x43: {  	_ =	shalt  }
0x44: {  	_ =	shalt  }
0x45: {  	_ =	shalt  }
0x46: {  	_ =	shalt  }
0x47: {  	_ =	shalt  }
0x48: {  	_ =	shalt  }
0x49: {  	_ =	shalt  }
0x4a: {  	_ =	shalt  }
0x4b: {  	_ =	shalt  }
0x4c: {  	_ =	shalt  }
0x4d: {  	_ =	shalt  }
0x4e: {  	_ =	shalt  }
0x4f: {  	_ =	shalt  }
0x50: {  	_ =	shalt  }
0x51: {  	_ =	shalt  }
0x52: {  	_ =	shalt  }
0x53: {  	_ =	shalt  }
0x54: {  	_ =	shalt  }
0x55: {  	_ =	shalt  }
0x56: {  	_ =	shalt  }
0x57: {  	_ =	shalt  }
0x58: {  	_ =	shalt  }
0x59: {  	_ =	shalt  }
0x5a: {  	_ =	shalt  }
0x5b: {  	_ =	shalt  }
0x5c: {  	_ =	shalt  }
0x5d: {  	_ =	shalt  }
0x5e: {  	_ =	shalt  }
0x5f: {  	_ =	shalt  }
0x60: {  	_ =	shalt  }
0x61: {  	_ =	shalt  }
0x62: {  	_ =	shalt  }
0x63: {  	_ =	shalt  }
0x64: {  	_ =	shalt  }
0x65: {  	_ =	shalt  }
0x66: {  	_ =	shalt  }
0x67: {  	_ =	shalt  }
0x68: {  	_ =	shalt  }
0x69: {  	_ =	shalt  }
0x6a: {  	_ =	shalt  }
0x6b: {  	_ =	shalt  }
0x6c: {  	_ =	shalt  }
0x6d: {  	_ =	shalt  }
0x6e: {  	_ =	shalt  }
0x6f: {  	_ =	shalt  }
0x70: {  	_ =	shalt  }
0x71: {  	_ =	shalt  }
0x72: {  	_ =	shalt  }
0x73: {  	_ =	shalt  }
0x74: {  	_ =	shalt  }
0x75: {  	_ =	shalt  }
0x76: {  	_ =	shalt  }
0x77: {  	_ =	shalt  }
0x78: {  	_ =	shalt  }
0x79: {  	_ =	shalt  }
0x7a: {  	_ =	shalt  }
0x7b: {  	_ =	shalt  }
0x7c: {  	_ =	shalt  }
0x7d: {  	_ =	shalt  }
0x7e: {  	_ =	shalt  }
0x7f: {  	_ =	shalt  }
0x80: {  	_ =	shalt  }
0x81: {  	_ =	shalt  }
0x82: {  	_ =	shalt  }
0x83: {  	_ =	shalt  }
0x84: {  	_ =	shalt  }
0x85: {  	_ =	shalt  }
0x86: {  	_ =	shalt  }
0x87: {  	_ =	shalt  }
.Lfunc_end0:
.L_simem_size_0:
called_computation.2_lowered:
.L_overlay_start_0:
0x88: {  	s2 =	sld [smem:$0x3FD9]  }
0x89: {  	s3 =	sld [smem:$0x3FFE];
	_ =	sdelay $0x1  }
0x8a: {  	s1 =	srdreg.scid  }
0x8b: {  	s0 =	sand.u32 $0x1, s1  }
0x8c: {  	s16 =	sshll.u32 s0, $0xA;
	s2 =	sadd.s32 s3, s2  }
0x8d: {  	s2 =	sadd.s32 s2, s16  }
0x8e: {  	[smem:$0x3FC5] =	sst s2  }
0x8f: {  	_ = 	snop  }
0x90: {  	(tm) =	ssettm $0x1  }
0x91: {  	s17 =	sld [smem:$0x3FFB];
	_ =	sdelay $0x3  }
0x92: {  	_ =	strace s17  }
0x93: {  	s2 =	sld [smem:$0x3FFC];
	_ =	sdelay $0x3  }
0x94: {  	_ =	strace s2  }
0x95: {  	s2 =	sld [smem:$0x3FFD];
	_ =	sdelay $0x3  }
0x96: {  	_ =	strace s2  }
0x97: {  	_ =	strace $0x8FFFFFFF  }
0x98: {  	s18 =	sld [smem:$0x3FDB];
	_ =	sdelay $0x1  }
0x99: {  	s19 =	simm.s32 $_scs_section_size  }
0x9a: {  	s4 =	simm.s32 $_size__tile_overlayer_lowered;
	s5 =	simm.s32 $_tile_overlayer_lowered  }
0x9b: {  	s22 =	simm.s32 $0x1BFF;
	s21 =	sshll.u32 s5, $0x1;
	s2 =	sadd.s32 s19, s18  }
0x9c: {  	s6 =	simm.s32 $0x0;
	s20 =	sshll.u32 s4, $0x1;
	s4 =	sadd.s32 s21, s2  }
0x9d: {  	[timem:s6], [sflag:s22] =	dma.local [hbm:s4], s20  }
0x9e: {  	_ =	swait.ge [sflag:s22], s20  }
0x9f: {  	s3 =	ssub.s32 $0x0, s20;
	[sflag:s22] =	ssyncset.done $0x0  }
0xa0: {  	[sflag:s22] =	ssyncadd.s32 s3;
	_ =	sdelay $0x1  }
0xa1: {  	s23 =	simm.s32 $0x1B8B  }
0xa2: {  	_ =	swait.ge [sflag:s23], $0x1  }
0xa3: {  	[sflag:s23] =	ssyncset.done $0x0  }
0xa4: {  	s25 =	simm.s32 $0x1B8E;
	s24 =	sld [smem:$0x3FFE];
	[sflag:s23] =	ssyncadd.s32 $0xFFFFFFFF  }
0xa5: {  	s26 =	simm.s32 $execute0_lowered;
	[smem:$0x3FD2] =	sst s25  }
0xa6: {  	s4 =	sshll.u32 s26, $0x1;
	_ =	strace $0x8000004C;
	[dreg:$0x1] =	wrdreg $0xFFFFFFFF  }
0xa7: {  	s28 =	simm.s32 $_size_execute0_lowered;
	s2 =	sadd.s32 s2, s4;
	[dreg:$0x0] =	wrdreg $0x0  }
0xa8: {  	s4 =	sshll.u32 s28, $0x1;
	[dreg:$0x2] =	wrdreg s2  }
0xa9: {  	[dreg:$0x3] =	wrdreg s4  }
0xaa: {  	[dreg:$0x4] =	wrdreg $0xC0  }
0xab: {  	_ =	task [dreg:s6], $0x5FFFF  }
0xac: {  	[dreg:$0x1] =	wrdreg $0xFFFFFFFF  }
0xad: {  	[dreg:$0x0] =	wrdreg $0x60  }
0xae: {  	[dreg:$0x2] =	wrdreg s24  }
0xaf: {  	[dreg:$0x3] =	wrdreg $0xA9000  }
0xb0: {  	[dreg:$0x4] =	wrdreg $0x9  }
0xb1: {  	_ =	task.clear_ibuf [dreg:s6], $0x5FFFF;
	_ =	strace $0x9000004C  }
0xb2: {  	s29 =	simm.s32 $0x9;
	_ =	strace $0x8000004E  }
0xb3: {  	_ =	swait.ge [sflag:s29], $0x1  }
0xb4: {  	[sflag:s29] =	ssyncadd.s32 $0xFFFFFFFF  }
0xb5: {  	_ =	strace $0x9000004E  }
0xb6: {  	_ =	sfence  }
0xb7: {  	s30 =	sld [smem:$0x0];
	_ =	sdelay $0x2  }
0xb8: {  	s31 =	sshll.u32 s1, $0xD;
	s1 =	sshrl.u32 s1, $0x2  }
0xb9: {  	s3 =	sand.u32 $0x4000, s31;
	s1 =	sadd.s32 s1, s30  }
0xba: {  	s0 =	sor.u32 s3, s0;
	s1 =	sshll.u32 s1, $0x11  }
0xbb: {  	s0 =	sor.u32 s1, s0  }
0xbc: {  	s0 =	sadd.s32 $0x8F2B, s0  }
0xbd: {  	[sflag:s0] =	ssyncadd.remote.s32 $0x1  }
0xbe: {  	_ =	sfence.sel $0xFFFF  }
0xbf: {  	[dreg:$0x0] =	wrdreg $0xFFFFFFFF;
	(pc) =	sbr.abs _section_cstart, $3  }
0xc0: {  	[dreg:$0x1] =	wrdreg $0xFFFFFFFF  }
0xc1: {  	_ =	task.clear_ibuf [dreg:s6], $0x2FFFF;
	_ =	strace $0x9FFFFFFF  }
0xc2: {  	(tm) =	ssettm $0x7FFFFFFF  }
0xc3: {  	_ =	shalt  }
tec
execute0_lowered:
.L_overlay_start_1:
0x0: {  	(tag) =	ssettag $0x1  }
0x1: {  	s1 =	srdreg.scid;
	s7 =	rddreg [dreg:$0x0]  }
0x2: {  	s0 =	stileid.u32;
	s2 =	rddreg [dreg:$0x1];
	s23 =	simm.s32 $0x2900  }
0x3: {  	s25 =	simm.s32 $0x80;
	s26 =	simm.s32 $0x3;
	s28 =	simm.s32 $0x0  }
0x4: {  	s1 =	sand.u32 $0x1, s1;
	s3 =	sshll.u32 s0, $0x1;
	s10 =	smul.u32 $0x51000, s0  }
0x5: {  	s5 =	sadd.s32 $0x67400, s7;
	s6 =	sadd.s32 $0x2400, s7;
	s15 =	smul.u32 $0x14400, s0  }
0x6: {  	s4 =	sor.u32 s1, s3;
	s9 =	ssub.s32 $0x2, s1;
	s1 =	smul.u32 $0x144000, s1  }
0x7: {  	s20 =	sadd.s32 $0x8E600, s7;
	s3 =	simm.s32 $0x0;
	s4 =	smul.u32 $0x2800, s4  }
0x8: {  	[smem:$0x7FF] =	sst s3;
	s11 =	sshrl.u32 s9, $0x1;
	s31 =	sshrl.u32 s10, $0x2  }
0x9: {  	s16 =	sadd.s32 $0x4000, s15;
	s17 =	sadd.s32 $0x8000, s15;
	s18 =	sadd.s32 $0xC000, s15  }
0xa: {  	s19 =	sadd.s32 $0x10000, s15;
	s22 =	sadd.s32 $0x14000, s15;
	_ =	strace $0x8000004D  }
0xb: {  	s21 =	ssub.s32 s9, s11;
	s9 =	sadd.s32 s16, s2;
	s10 =	sadd.s32 s17, s2  }
0xc: {  	s11 =	sadd.s32 s18, s2;
	s12 =	sadd.s32 s19, s2;
	s13 =	sadd.s32 s22, s2  }
0xd: {  	s15 =	sadd.s32 s15, s1;
	s16 =	sadd.s32 s1, s16;
	s17 =	sadd.s32 s1, s17  }
0xe: {  	s18 =	sadd.s32 s1, s18;
	s19 =	sadd.s32 s1, s19;
	s1 =	sadd.s32 s1, s22  }
0xf: {  	s22 =	simm.s32 $0x7;
	s14 =	sshrl.u32 s4, $0x3;
	s15 =	sshrl.u32 s15, $0x3  }
0x10: {  	s16 =	sshrl.u32 s16, $0x3;
	s17 =	sshrl.u32 s17, $0x3;
	s18 =	sshrl.u32 s18, $0x3  }
.Ltmp0:
0x11: {  	s19 =	sshrl.u32 s19, $0x3;
	s1 =	sshrl.u32 s1, $0x3;
	(pc) =	sbr.rel .LBB2_1-.Ltmp0, $4  }
0x12: {  	s21 =	smax.u32 s21, $0x1;
	s8 =	sadd.s32 s14, s7;
	s14 =	sadd.s32 s6, s14  }
0x13: {  	s15 =	sadd.s32 s20, s15;
	s16 =	sadd.s32 s20, s16;
	s17 =	sadd.s32 s20, s17  }
0x14: {  	s18 =	sadd.s32 s20, s18;
	s19 =	sadd.s32 s20, s19;
	s30 =	sadd.s32 $0x5D400, s8  }
0x15: {  	v0 =	vimm.f32 $0.0e+00;
	s20 =	sadd.s32 s20, s1;
	s8 =	sadd.s32 s31, s2;
	[dreg:$0x3] =	wrdreg s30  }
.LBB2_6:
0x16: {  	_ =	swait.ge [sflag:s26], $0x4000  }
0x17: {  	[sflag:s26] =	ssyncset.done $0x0  }
0x18: {  	[sflag:s26] =	ssyncadd.s32 $0xFFFFC000  }
0x19: {  	[bflag:$0x0] =	sbarrier.arrive $0xFFFF  }
0x1a: {  	[tilespmem:s23], [sflag:$0x7] =	stream.linear.gather [spmem:s8], $0x4000, $0x38;
	[tilespmem:$0x1ED00] =	vst v63  }
0x1b: {  	_ =	swait.ge [sflag:s22], $0x4000  }
0x1c: {  	[sflag:s22] =	ssyncset.done $0x0  }
0x1d: {  	[sflag:s22] =	ssyncadd.s32 $0xFFFFC000  }
0x1e: {  	[hbm4b:s15+s3] =	stream.linear.scatter [tilespmem:s23], [sflag:$0x7], $0x4000, $0x38;
	[tilespmem:$0x1ED00] =	vst v63  }
0x1f: {  	_ =	swait.ge [sflag:s22], $0x4000  }
0x20: {  	[sflag:s22] =	ssyncset.done $0x0  }
0x21: {  	[sflag:s22] =	ssyncadd.s32 $0xFFFFC000  }
0x22: {  	[tilespmem:s23], [sflag:$0x7] =	stream.linear.gather [spmem:s9], $0x4000, $0x38;
	[tilespmem:$0x1ED00] =	vst v63  }
0x23: {  	_ =	swait.ge [sflag:s22], $0x4000  }
0x24: {  	[sflag:s22] =	ssyncset.done $0x0  }
0x25: {  	[sflag:s22] =	ssyncadd.s32 $0xFFFFC000  }
0x26: {  	[hbm4b:s16+s3] =	stream.linear.scatter [tilespmem:s23], [sflag:$0x7], $0x4000, $0x38;
	[tilespmem:$0x1ED00] =	vst v63  }
0x27: {  	_ =	swait.ge [sflag:s22], $0x4000  }
0x28: {  	[sflag:s22] =	ssyncset.done $0x0  }
0x29: {  	[sflag:s22] =	ssyncadd.s32 $0xFFFFC000  }
0x2a: {  	[tilespmem:s23], [sflag:$0x7] =	stream.linear.gather [spmem:s10], $0x4000, $0x38;
	[tilespmem:$0x1ED00] =	vst v63  }
0x2b: {  	_ =	swait.ge [sflag:s22], $0x4000  }
0x2c: {  	[sflag:s22] =	ssyncset.done $0x0  }
0x2d: {  	[sflag:s22] =	ssyncadd.s32 $0xFFFFC000  }
0x2e: {  	[hbm4b:s17+s3] =	stream.linear.scatter [tilespmem:s23], [sflag:$0x7], $0x4000, $0x38;
	[tilespmem:$0x1ED00] =	vst v63  }
0x2f: {  	_ =	swait.ge [sflag:s22], $0x4000  }
0x30: {  	[sflag:s22] =	ssyncset.done $0x0  }
0x31: {  	[sflag:s22] =	ssyncadd.s32 $0xFFFFC000  }
0x32: {  	[tilespmem:s23], [sflag:$0x7] =	stream.linear.gather [spmem:s11], $0x4000, $0x38;
	[tilespmem:$0x1ED00] =	vst v63  }
0x33: {  	_ =	swait.ge [sflag:s22], $0x4000  }
0x34: {  	[sflag:s22] =	ssyncset.done $0x0  }
0x35: {  	[sflag:s22] =	ssyncadd.s32 $0xFFFFC000  }
0x36: {  	[hbm4b:s18+s3] =	stream.linear.scatter [tilespmem:s23], [sflag:$0x7], $0x4000, $0x38;
	[tilespmem:$0x1ED00] =	vst v63  }
0x37: {  	_ =	swait.ge [sflag:s22], $0x4000  }
0x38: {  	[sflag:s22] =	ssyncset.done $0x0  }
0x39: {  	[sflag:s22] =	ssyncadd.s32 $0xFFFFC000  }
0x3a: {  	[tilespmem:s23], [sflag:$0x7] =	stream.linear.gather [spmem:s12], $0x4000, $0x38;
	[tilespmem:$0x1ED00] =	vst v63  }
0x3b: {  	_ =	swait.ge [sflag:s22], $0x4000  }
0x3c: {  	[sflag:s22] =	ssyncset.done $0x0  }
0x3d: {  	[sflag:s22] =	ssyncadd.s32 $0xFFFFC000  }
0x3e: {  	[hbm4b:s19+s3] =	stream.linear.scatter [tilespmem:s23], [sflag:$0x7], $0x4000, $0x38;
	[tilespmem:$0x1ED00] =	vst v63  }
0x3f: {  	_ =	swait.ge [sflag:s22], $0x4000  }
0x40: {  	[sflag:s22] =	ssyncset.done $0x0  }
0x41: {  	[sflag:s22] =	ssyncadd.s32 $0xFFFFC000  }
0x42: {  	[tilespmem:s23], [sflag:$0x7] =	stream.linear.gather [spmem:s13], $0x400, $0x38;
	[tilespmem:$0x1ED00] =	vst v63  }
0x43: {  	s28 =	sadd.s32 $0x1, s28;
	_ =	swait.ge [sflag:s22], $0x400  }
0x44: {  	p0 =	sne.s32 s28, s21;
	[sflag:s22] =	ssyncset.done $0x0  }
.Ltmp1:
0x45: {  	[sflag:s22] =	ssyncadd.s32 $0xFFFFFC00;
	(pc) =	sbr.rel @!p0 .LBB2_7-.Ltmp1, $4  }
0x46: {  	[hbm4b:s20+s3] =	stream.linear.scatter [tilespmem:s23], [sflag:$0x7], $0x400, $0x38;
	[tilespmem:$0x1ED00] =	vst v63  }
0x47: {  	_ =	swait.ge [sflag:s22], $0x400  }
0x48: {  	[sflag:s22] =	ssyncset.done $0x0  }
0x49: {  	[sflag:s22] =	ssyncadd.s32 $0xFFFFFC00  }
.LBB2_1:
0x4a: {  	s0 =	rddreg [dreg:$0x3]  }
0x4b: {  	[tilespmem:s3], [sflag:$0x7] =	stream.linear.gather [hbm4b:s0+s3], $0x2780, $0x38;
	[tilespmem:$0x1ED00] =	vst v63  }
0x4c: {  	_ =	swait.ge [sflag:s22], $0x2780  }
0x4d: {  	[sflag:s22] =	ssyncset.done $0x0  }
0x4e: {  	s29 =	simm.s32 $0x0;
	s30 =	simm.s32 $0x200;
	[sflag:s22] =	ssyncadd.s32 $0xFFFFD880  }
.LBB2_2:
0x4f: {  	p0 =	sne.s32 s30, $0xFE00;
	[tilespmem:s29+$0x2970] =	vst v0  }
0x50: {  	[tilespmem:s29+$0x2900] =	vst v0  }
0x51: {  	[tilespmem:s29+$0x2910] =	vst v0  }
.Ltmp2:
0x52: {  	[tilespmem:s29+$0x2920] =	vst v0;
	(pc) =	sbr.rel @p0 .LBB2_2-.Ltmp2, $4  }
0x53: {  	[tilespmem:s29+$0x2930] =	vst v0  }
0x54: {  	[tilespmem:s29+$0x2940] =	vst v0  }
0x55: {  	[tilespmem:s29+$0x2950] =	vst v0  }
0x56: {  	[tilespmem:s29+$0x2960] =	vst v0;
	s29 =	sshra.s32 s30, $0x2;
	s30 =	sadd.s32 $0x200, s30  }
0x57: {  	[tilespmem:s29+$0x2970] =	vst v0  }
0x58: {  	[tilespmem:s29+$0x2900] =	vst v0  }
0x59: {  	[tilespmem:s29+$0x2910] =	vst v0  }
0x5a: {  	[tilespmem:s29+$0x2920] =	vst v0  }
0x5b: {  	[tilespmem:s29+$0x2930] =	vst v0  }
0x5c: {  	[tilespmem:s29+$0x2940] =	vst v0  }
0x5d: {  	[tilespmem:s29+$0x2950] =	vst v0  }
0x5e: {  	[tilespmem:s29+$0x2960] =	vst v0  }
0x5f: {  	[spmem:s8] =	stream.linear.scatter [tilespmem:s23], [sflag:$0x7], $0x4000, $0x38;
	[tilespmem:$0x1ED00] =	vst v63  }
0x60: {  	_ =	swait.ge [sflag:s22], $0x4000  }
0x61: {  	[sflag:s22] =	ssyncset.done $0x0  }
0x62: {  	[sflag:s22] =	ssyncadd.s32 $0xFFFFC000  }
0x63: {  	[spmem:s9] =	stream.linear.scatter [tilespmem:s23], [sflag:$0x7], $0x4000, $0x38;
	[tilespmem:$0x1ED00] =	vst v63  }
0x64: {  	_ =	swait.ge [sflag:s22], $0x4000  }
0x65: {  	[sflag:s22] =	ssyncset.done $0x0  }
0x66: {  	[sflag:s22] =	ssyncadd.s32 $0xFFFFC000  }
0x67: {  	[spmem:s10] =	stream.linear.scatter [tilespmem:s23], [sflag:$0x7], $0x4000, $0x38;
	[tilespmem:$0x1ED00] =	vst v63  }
0x68: {  	_ =	swait.ge [sflag:s22], $0x4000  }
0x69: {  	[sflag:s22] =	ssyncset.done $0x0  }
0x6a: {  	[sflag:s22] =	ssyncadd.s32 $0xFFFFC000  }
0x6b: {  	[spmem:s11] =	stream.linear.scatter [tilespmem:s23], [sflag:$0x7], $0x4000, $0x38;
	[tilespmem:$0x1ED00] =	vst v63  }
0x6c: {  	_ =	swait.ge [sflag:s22], $0x4000  }
0x6d: {  	[sflag:s22] =	ssyncset.done $0x0  }
0x6e: {  	[sflag:s22] =	ssyncadd.s32 $0xFFFFC000  }
0x6f: {  	[spmem:s12] =	stream.linear.scatter [tilespmem:s23], [sflag:$0x7], $0x4000, $0x38;
	[tilespmem:$0x1ED00] =	vst v63  }
0x70: {  	_ =	swait.ge [sflag:s22], $0x4000  }
0x71: {  	[sflag:s22] =	ssyncset.done $0x0  }
0x72: {  	[sflag:s22] =	ssyncadd.s32 $0xFFFFC000  }
0x73: {  	[spmem:s13] =	stream.linear.scatter [tilespmem:s23], [sflag:$0x7], $0x400, $0x38;
	[tilespmem:$0x1ED00] =	vst v63  }
0x74: {  	_ =	swait.ge [sflag:s22], $0x400  }
0x75: {  	[sflag:s22] =	ssyncset.done $0x0  }
0x76: {  	[sflag:s22] =	ssyncadd.s32 $0xFFFFFC00  }
0x77: {  	s29 =	simm.s32 $0x80;
	s30 =	simm.s32 $0x0;
	[bflag:$0x0] =	sbarrier.arrive $0xFFFF  }
0x78: {  	[tilespmem:s23], [sflag:$0x1] =	stream.indirect.gather [hbm4b:s5+s29], $0x80, s30, s29, $0xb8;
	[tilespmem:$0x1ED00] =	vst v63  }
0x79: {  	s0 =	simm.s32 $0x2800;
	s31 =	simm.s32 $0x80  }
0x7a: {  	[tilespmem:s0], [sflag:$0x5] =	stream.linear.gather [hbm4b:s14+s30], $0x80, $0x38;
	[tilespmem:$0x1ED00] =	vst v63  }
.LBB2_4:
0x7b: {  	s1 =	sand.u32 $0x1, s30  }
0x7c: {  	s0 =	sadd.s32 $0x5, s1  }
0x7d: {  	_ =	swait.ge [sflag:s0], $0x80  }
0x7e: {  	p0 =	seq.s32 s30, $0x0;
	[sflag:s0] =	ssyncset.done $0x0  }
0x7f: {  	s24 =	sshll.u32 s1, $0x7;
	[sflag:s0] =	ssyncadd.s32 $0xFFFFFF80;
	s0 =	sadd.s32 $0x1, s1  }
0x80: {  	s7 =	sshll.u32 s1, $0xE;
	p1 =	seq.s32 @!p0 s30, $0x4E;
	_ =	swait.ge [sflag:s0], $0x4000  }
0x81: {  	s24 =	sor.u32 $0x2800, s24;
	s7 =	sor.u32 $0x2900, s7;
	[sflag:s0] =	ssyncset.done $0x0  }
0x82: {  	p1 =	por p0, !p1;
	[sflag:s0] =	ssyncadd.s32 $0xFFFFC000;
	s0 =	sadd.s32 $0x3, s1  }
0x83: {  	[spmem:s2] =	stream.indirect.scatter.add.f32 [tilespmem:s7], [sflag:s0], $0x80, s24, s25, $0xb8;
	[tilespmem:$0x1ED00] =	vst v63  }
.Ltmp3:
0x84: {  	s1 =	sxor.u32 @!p0 $0x1, s1;
	(pc) =	sbr.rel @!p1 .LBB2_6-.Ltmp3, $4  }
0x85: {  	s0 =	sadd.s32 @!p0 $0x3, s1  }
0x86: {  	_ =	swait.ge @!p0 [sflag:s0], $0x4000  }
0x87: {  	[sflag:s0] =	ssyncset.done @!p0 $0x0  }
0x88: {  	[sflag:s0] =	ssyncadd.s32 @!p0 $0xFFFFC000  }
0x89: {  	s1 =	simm.s32 @p0 $0x1  }
0x8a: {  	s0 =	sshll.u32 s1, $0xE  }
0x8b: {  	s7 =	sadd.s32 $0x1, s1;
	s0 =	sor.u32 $0x2900, s0  }
0x8c: {  	[tilespmem:s0], [sflag:s7] =	stream.indirect.gather [hbm4b:s5+s25], $0x80, s31, s25, $0xb8;
	[tilespmem:$0x1ED00] =	vst v63  }
0x8d: {  	s7 =	sand.u32 $0x7C00, s29  }
.Ltmp4:
0x8e: {  	s24 =	sand.u32 $0x380, s29;
	s0 =	sadd.s32 s4, s7;
	(pc) =	sbr.rel .LBB2_4-.Ltmp4, $4  }
0x8f: {  	s30 =	sadd.s32 $0x1, s30;
	s31 =	sadd.s32 $0x80, s31;
	s0 =	sor.u32 s24, s0  }
0x90: {  	s29 =	sadd.s32 $0x80, s29;
	s24 =	sshll.u32 s1, $0x7;
	s0 =	sshrl.u32 s0, $0x3  }
0x91: {  	s1 =	sadd.s32 $0x5, s1;
	s7 =	sor.u32 $0x2800, s24;
	s0 =	sadd.s32 s6, s0  }
0x92: {  	[tilespmem:s7], [sflag:s1] =	stream.linear.gather [hbm4b:s0+s3], $0x80, $0x38;
	[tilespmem:$0x1ED00] =	vst v63  }
.LBB2_7:
0x93: {  	_ =	sfence.sel $0x180000  }
0x94: {  	[bflag:$0x0] =	sbarrier.arrive $0xFFFF  }
0x95: {  	_ =	strace $0x9000004D  }
0x96: {  	s0 =	stileid.u32;
	[bflag:$0x2] =	sbarrier.arrive $0xFFFF  }
0x97: {  	p0 =	sne.s32 s0, $0x0;
	s0 =	rddreg [dreg:$0x2]  }
0x98: {  	s0 =	sadd.s32 @!p0 $0x100000, s0  }
0x99: {  	[sflag:s0] =	ssyncadd.tile.s32 @!p0 $0x1;
	_ =	shalt  }
.Lfunc_end2:
_tile_overlayer_lowered:
.L_overlay_start_2:
0x9a: {  	(tag) =	ssettag $0x2  }
0x9b: {  	s0 =	rddreg [dreg:$0x0];
	s2 =	stileid.u32  }
0x9c: {  	s1 =	rddreg [dreg:$0x1];
	p0 =	sne.s32 s2, $0x0  }
0x9d: {  	s3 =	rddreg [dreg:$0x2];
	[bflag:$0x3] =	sbarrier.arrive $0xFFFF;
	s2 =	simm.s32 @!p0 $0x1C07  }
0x9e: {  	[timem:s3], [sflag:s2] =	dma.local @!p0 [hbm:s0], s1  }
0x9f: {  	s0 =	simm.s32 @!p0 $0x7  }
0xa0: {  	_ =	swait.ge @!p0 [sflag:s0], s1  }
0xa1: {  	s1 =	ssub.s32 @!p0 $0x0, s1;
	[sflag:s0] =	ssyncset.done @!p0 $0x0  }
0xa2: {  	[sflag:s0] =	ssyncadd.s32 @!p0 s1  }
0xa3: {  	[bflag:$0x3] =	sbarrier.arrive $0xFFFF  }
0xa4: {  	_ =	shalt  }

// kernel: kernel.19.cloned.1.call-start
scs
__scs_entry_jumppad:
0x0: {  	(pc) =	sbr.rel $0x88, $3  }
0x1: {  	(tag) =	ssettag $0x0;
	lr =	simm.s32 $0x1  }
0x2: {  	[smem:$0x3F9E] =	sst lr;
	_ =	strace $0xD0000000  }
0x3: {  	_ = 	snop  }
0x4: {  	_ = 	snop  }
0x5: {  	_ = 	snop  }
0x6: {  	_ = 	snop  }
0x7: {  	_ = 	snop  }
__scs_overlays_trampoline_lowered:
0x8: {  	[smem:$0x3FAD] =	sst s0  }
0x9: {  	[smem:$0x3FAE] =	sst s1  }
0xa: {  	[smem:$0x3FAF] =	sst s2  }
0xb: {  	[smem:$0x3FB0] =	sst s3  }
0xc: {  	[smem:$0x3FB1] =	sst s4  }
0xd: {  	[smem:$0x3FB2] =	sst s5  }
0xe: {  	[smem:$0x3FB3] =	sst s6  }
0xf: {  	[smem:$0x3FB4] =	sst s7  }
0x10: {  	[smem:$0x3FB5] =	sst s8  }
0x11: {  	[smem:$0x3FB6] =	sst s9;
	s0 =	simm.s32 @!p0 $0x0  }
0x12: {  	s1 =	sld [smem:$0x3F9C];
	s0 =	simm.s32 @p0 $0x1  }
0x13: {  	[smem:$0x3FB7] =	sst s0;
	s0 =	simm.s32 @!p1 $0x0  }
0x14: {  	s2 =	sld [smem:$0x3F9B];
	s0 =	simm.s32 @p1 $0x1  }
0x15: {  	[smem:$0x3FB8] =	sst s0;
	s0 =	simm.s32 @!p2 $0x0  }
0x16: {  	s3 =	sld [smem:$0x3FDB];
	s0 =	simm.s32 @p2 $0x1  }
0x17: {  	s4 =	simm.s32 $0x1BF5;
	[smem:$0x3FBA] =	sst s0  }
0x18: {  	s0 =	sld [smem:$0x3F9D];
	_ =	swait.ge [sflag:s4], $0x0  }
0x19: {  	s7 =	sld [smem:$0x3F9E]  }
0x1a: {  	s8 =	sadd.s32 $0xFFFFE003, lr  }
0x1b: {  	s9 =	sadd.s32 $0xFFFFFEF7, lr;
	s5 =	simm.s32 $0xFFFFFFFF;
	p2 =	slt.u32 s8, $0xFFFFF086  }
0x1c: {  	p1 =	slt.u32 s9, $0xF7A;
	s5 =	simm.s32 @!p2 $0x0  }
0x1d: {  	s5 =	simm.s32 @p1 $0x1;
	p0 =	seq.s32 s7, s2  }
0x1e: {  	s7 =	smul.u32 @!p0 $0xF7A, s2;
	p2 =	seq.s32 @!p0 s5, $0x0  }
0x1f: {  	s9 =	smul.u32 $0xF7A, s1;
	s8 =	simm.s32 @!p0 $0x1BF5;
	p2 =	por !p2, p0  }
0x20: {  	[sflag:s8] =	ssyncset.s32 @!p0 $0xFFFFF086;
	s6 =	sadd.s32 @!p0 s3, s7;
	s7 =	simm.s32 @!p0 $0x108  }
0x21: {  	s3 =	sadd.s32 s3, s9;
	s6 =	sadd.s32 @!p0 $0x88, s6;
	s7 =	simm.s32 @p2 $0x1082  }
0x22: {  	[simem:s7], [sflag:s8] =	dma.local @!p0 [hbm:s6], $0xF7A  }
0x23: {  	s9 =	sor.u32 $0xD0000000, s2;
	s6 =	simm.s32 $0x108;
	_ =	swait.ge @!p0 [sflag:s8], $0x0  }
0x24: {  	s3 =	sadd.s32 $0x88, s3;
	s6 =	simm.s32 @!p1 $0x1082;
	[sflag:s4] =	ssyncset.s32 $0xFFFFF086  }
0x25: {  	[simem:s6], [sflag:s4] =	dma.local [hbm:s3], $0xF7A  }
0x26: {  	[smem:$0x3F9E] =	sst s1;
	(tag) =	ssettag s2;
	_ =	strace s9  }
0x27: {  	s1 =	sld [smem:$0x3FAE]  }
0x28: {  	s2 =	sld [smem:$0x3FAF]  }
0x29: {  	s4 =	sld [smem:$0x3FB1]  }
0x2a: {  	p0 =	seq.s32 s5, $0x0;
	s5 =	sld [smem:$0x3FB2]  }
0x2b: {  	s6 =	sld [smem:$0x3FB3]  }
0x2c: {  	s7 =	sld [smem:$0x3FB4]  }
0x2d: {  	s3 =	simm.s32 $0x108;
	s8 =	sld [smem:$0x3FB5]  }
0x2e: {  	s3 =	simm.s32 @!p0 $0x1082;
	s9 =	sld [smem:$0x3FB6]  }
0x2f: {  	lr =	sadd.s32 s0, s3;
	s0 =	sld [smem:$0x3FAD]  }
0x30: {  	s3 =	sld [smem:$0x3FB0]  }
0x31: {  	[smem:$0x3FB9] =	sst s10  }
0x32: {  	s10 =	sld [smem:$0x3FB7];
	_ =	sdelay $0x3  }
0x33: {  	p0 =	seq.s32 s10, $0x1;
	s10 =	sld [smem:$0x3FB9];
	_ =	sdelay $0x3  }
0x34: {  	[smem:$0x3FB9] =	sst s10  }
0x35: {  	s10 =	sld [smem:$0x3FB8];
	_ =	sdelay $0x3  }
0x36: {  	p1 =	seq.s32 s10, $0x1;
	s10 =	sld [smem:$0x3FB9];
	_ =	sdelay $0x3  }
0x37: {  	[smem:$0x3FB9] =	sst s10  }
0x38: {  	s10 =	sld [smem:$0x3FBA]  }
0x39: {  	_ = 	snop;
	(pc) =	sbr.ind lr, $3  }
0x3a: {  	_ = 	snop  }
0x3b: {  	_ = 	snop  }
0x3c: {  	p2 =	seq.s32 s10, $0x1;
	s10 =	sld [smem:$0x3FB9]  }
0x3d: {  	_ =	shalt  }
0x3e: {  	_ =	shalt  }
0x3f: {  	_ =	shalt  }
0x40: {  	_ =	shalt  }
0x41: {  	_ =	shalt  }
0x42: {  	_ =	shalt  }
0x43: {  	_ =	shalt  }
0x44: {  	_ =	shalt  }
0x45: {  	_ =	shalt  }
0x46: {  	_ =	shalt  }
0x47: {  	_ =	shalt  }
0x48: {  	_ =	shalt  }
0x49: {  	_ =	shalt  }
0x4a: {  	_ =	shalt  }
0x4b: {  	_ =	shalt  }
0x4c: {  	_ =	shalt  }
0x4d: {  	_ =	shalt  }
0x4e: {  	_ =	shalt  }
0x4f: {  	_ =	shalt  }
0x50: {  	_ =	shalt  }
0x51: {  	_ =	shalt  }
0x52: {  	_ =	shalt  }
0x53: {  	_ =	shalt  }
0x54: {  	_ =	shalt  }
0x55: {  	_ =	shalt  }
0x56: {  	_ =	shalt  }
0x57: {  	_ =	shalt  }
0x58: {  	_ =	shalt  }
0x59: {  	_ =	shalt  }
0x5a: {  	_ =	shalt  }
0x5b: {  	_ =	shalt  }
0x5c: {  	_ =	shalt  }
0x5d: {  	_ =	shalt  }
0x5e: {  	_ =	shalt  }
0x5f: {  	_ =	shalt  }
0x60: {  	_ =	shalt  }
0x61: {  	_ =	shalt  }
0x62: {  	_ =	shalt  }
0x63: {  	_ =	shalt  }
0x64: {  	_ =	shalt  }
0x65: {  	_ =	shalt  }
0x66: {  	_ =	shalt  }
0x67: {  	_ =	shalt  }
0x68: {  	_ =	shalt  }
0x69: {  	_ =	shalt  }
0x6a: {  	_ =	shalt  }
0x6b: {  	_ =	shalt  }
0x6c: {  	_ =	shalt  }
0x6d: {  	_ =	shalt  }
0x6e: {  	_ =	shalt  }
0x6f: {  	_ =	shalt  }
0x70: {  	_ =	shalt  }
0x71: {  	_ =	shalt  }
0x72: {  	_ =	shalt  }
0x73: {  	_ =	shalt  }
0x74: {  	_ =	shalt  }
0x75: {  	_ =	shalt  }
0x76: {  	_ =	shalt  }
0x77: {  	_ =	shalt  }
0x78: {  	_ =	shalt  }
0x79: {  	_ =	shalt  }
0x7a: {  	_ =	shalt  }
0x7b: {  	_ =	shalt  }
0x7c: {  	_ =	shalt  }
0x7d: {  	_ =	shalt  }
0x7e: {  	_ =	shalt  }
0x7f: {  	_ =	shalt  }
0x80: {  	_ =	shalt  }
0x81: {  	_ =	shalt  }
0x82: {  	_ =	shalt  }
0x83: {  	_ =	shalt  }
0x84: {  	_ =	shalt  }
0x85: {  	_ =	shalt  }
0x86: {  	_ =	shalt  }
0x87: {  	_ =	shalt  }
.Lfunc_end0:
.L_simem_size_0:
called_computation.3_lowered:
.L_overlay_start_0:
0x88: {  	s2 =	sld [smem:$0x3FD9]  }
0x89: {  	s3 =	sld [smem:$0x3FFE];
	_ =	sdelay $0x1  }
0x8a: {  	s1 =	srdreg.scid  }
0x8b: {  	s0 =	sand.u32 $0x1, s1  }
0x8c: {  	s17 =	sshll.u32 s0, $0xA;
	s2 =	sadd.s32 s3, s2  }
0x8d: {  	s2 =	sadd.s32 s2, s17  }
0x8e: {  	[smem:$0x3FC5] =	sst s2  }
0x8f: {  	_ = 	snop  }
0x90: {  	s2 =	sld [smem:$0x3FD0];
	(tm) =	ssettm $0x1  }
0x91: {  	s18 =	sld [smem:$0x3FFB];
	_ =	sdelay $0x3  }
0x92: {  	_ =	strace s18  }
0x93: {  	s3 =	sld [smem:$0x3FFC];
	_ =	sdelay $0x3  }
0x94: {  	_ =	strace s3  }
0x95: {  	s3 =	sld [smem:$0x3FFD];
	_ =	sdelay $0x3  }
0x96: {  	_ =	strace s3  }
0x97: {  	_ =	strace $0x8FFFFFFF  }
0x98: {  	s19 =	sld [smem:$0x3FDB];
	_ =	sdelay $0x1  }
0x99: {  	s4 =	simm.s32 $_scs_section_size  }
0x9a: {  	s5 =	simm.s32 $_size__tile_overlayer_lowered;
	s6 =	simm.s32 $_tile_overlayer_lowered  }
0x9b: {  	s22 =	simm.s32 $0x1BFF;
	s21 =	sshll.u32 s6, $0x1;
	s3 =	sadd.s32 s4, s19  }
0x9c: {  	s7 =	simm.s32 $0x0;
	s20 =	sshll.u32 s5, $0x1;
	s5 =	sadd.s32 s21, s3  }
0x9d: {  	[timem:s7], [sflag:s22] =	dma.local [hbm:s5], s20  }
0x9e: {  	_ =	swait.ge [sflag:s22], s20  }
0x9f: {  	s4 =	ssub.s32 $0x0, s20;
	[sflag:s22] =	ssyncset.done $0x0  }
0xa0: {  	[sflag:s22] =	ssyncadd.s32 s4;
	_ =	sdelay $0x1  }
0xa1: {  	s23 =	simm.s32 $0x1B8B  }
0xa2: {  	_ =	swait.ge [sflag:s23], $0x1  }
0xa3: {  	[sflag:s23] =	ssyncset.done $0x0  }
0xa4: {  	s25 =	simm.s32 $0x1B8E;
	s24 =	sld [smem:$0x3FFE];
	[sflag:s23] =	ssyncadd.s32 $0xFFFFFFFF  }
0xa5: {  	s26 =	simm.s32 $execute0_lowered;
	[smem:$0x3FD2] =	sst s25  }
0xa6: {  	s5 =	sshll.u32 s26, $0x1;
	_ =	strace $0x8000004F;
	[dreg:$0x1] =	wrdreg $0xFFFFFFFF  }
0xa7: {  	s28 =	simm.s32 $_size_execute0_lowered;
	s3 =	sadd.s32 s3, s5;
	[dreg:$0x0] =	wrdreg $0x0  }
0xa8: {  	s5 =	sshll.u32 s28, $0x1;
	[dreg:$0x2] =	wrdreg s3  }
0xa9: {  	[dreg:$0x3] =	wrdreg s5  }
0xaa: {  	[dreg:$0x4] =	wrdreg $0xC0  }
0xab: {  	_ =	task [dreg:s7], $0x5FFFF  }
0xac: {  	[dreg:$0x1] =	wrdreg $0xFFFFFFFF  }
0xad: {  	[dreg:$0x0] =	wrdreg $0x60  }
0xae: {  	[dreg:$0x2] =	wrdreg s24  }
0xaf: {  	[dreg:$0x3] =	wrdreg s2  }
0xb0: {  	[dreg:$0x4] =	wrdreg $0x9  }
0xb1: {  	_ =	task.clear_ibuf [dreg:s7], $0x5FFFF;
	_ =	strace $0x9000004F  }
0xb2: {  	s29 =	simm.s32 $0x9;
	_ =	strace $0x80000051  }
0xb3: {  	_ =	swait.ge [sflag:s29], $0x1  }
0xb4: {  	[sflag:s29] =	ssyncadd.s32 $0xFFFFFFFF  }
0xb5: {  	_ =	strace $0x90000051  }
0xb6: {  	_ =	sfence  }
0xb7: {  	s30 =	sld [smem:$0x0];
	_ =	sdelay $0x2  }
0xb8: {  	s31 =	sshll.u32 s1, $0xD;
	s1 =	sshrl.u32 s1, $0x2  }
0xb9: {  	s3 =	sand.u32 $0x4000, s31;
	s1 =	sadd.s32 s1, s30  }
0xba: {  	s0 =	sor.u32 s3, s0;
	s1 =	sshll.u32 s1, $0x11  }
0xbb: {  	s0 =	sor.u32 s1, s0  }
0xbc: {  	s0 =	sadd.s32 $0x8F2B, s0  }
0xbd: {  	[sflag:s0] =	ssyncadd.remote.s32 $0x1  }
0xbe: {  	_ =	sfence.sel $0xFFFF  }
0xbf: {  	[dreg:$0x0] =	wrdreg $0xFFFFFFFF;
	(pc) =	sbr.abs _section_cstart, $3  }
0xc0: {  	[dreg:$0x1] =	wrdreg $0xFFFFFFFF  }
0xc1: {  	_ =	task.clear_ibuf [dreg:s7], $0x2FFFF;
	_ =	strace $0x9FFFFFFF  }
0xc2: {  	(tm) =	ssettm $0x7FFFFFFF  }
0xc3: {  	_ =	shalt  }
tec
execute0_lowered:
.L_overlay_start_1:
0x0: {  	(tag) =	ssettag $0x1  }
0x1: {  	s1 =	srdreg.scid  }
0x2: {  	s0 =	stileid.u32;
	s14 =	sand.u32 $0x1, s1  }
0x3: {  	s12 =	rddreg [dreg:$0x0];
	s30 =	sshll.u32 s0, $0x9;
	s2 =	sshll.u32 s14, $0x8  }
0x4: {  	s5 =	rddreg [dreg:$0x1];
	s11 =	sor.u32 s2, s30  }
0x5: {  	s1 =	rddreg [dreg:$0x2];
	s2 =	simm.s32 $0x0;
	s6 =	sshrl.u32 s11, $0x3  }
0x6: {  	[smem:$0x7FF] =	sst s2;
	s3 =	sadd.s32 s6, s12  }
0x7: {  	_ =	strace $0x80000050;
	s4 =	sadd.s32 $0x5A600, s3;
	s3 =	simm.s32 $0x2  }
0x8: {  	[tilespmem:s2], [sflag:$0x2] =	stream.linear.gather [hbm4b:s4+s2], $0x100, $0x38;
	[tilespmem:$0x4200] =	vst v63  }
0x9: {  	_ =	swait.ge [sflag:s3], $0x100  }
0xa: {  	[sflag:s3] =	ssyncset.done $0x0  }
0xb: {  	s5 =	sadd.s32 s5, s6;
	s6 =	simm.s32 $0x100;
	[sflag:s3] =	ssyncadd.s32 $0xFFFFFF00  }
0xc: {  	[tilespmem:s6], [sflag:$0x2] =	stream.linear.gather [hbm4b:s5+s2], $0x100, $0x38;
	[tilespmem:$0x4200] =	vst v63  }
0xd: {  	_ =	swait.ge [sflag:s3], $0x100  }
0xe: {  	s8 =	simm.s32 $0x80;
	s9 =	simm.s32 $0x200;
	[sflag:s3] =	ssyncset.done $0x0  }
0xf: {  	s10 =	simm.s32 $0x1;
	s7 =	sadd.s32 $0x2400, s12;
	[sflag:s3] =	ssyncadd.s32 $0xFFFFFF00  }
0x10: {  	[tilespmem:s9], [sflag:$0x1] =	stream.indirect.gather [hbm4b:s7+s8], $0x80, s2, s8, $0xb8;
	[tilespmem:$0x4200] =	vst v63  }
0x11: {  	_ =	swait.ge [sflag:s10], $0x4000  }
0x12: {  	s13 =	sadd.s32 $0x29600, s12;
	s15 =	sshll.u32 s11, $0x4;
	[sflag:s10] =	ssyncset.done $0x0  }
0x13: {  	s11 =	sadd.s32 s13, s15;
	[sflag:s10] =	ssyncadd.s32 $0xFFFFC000  }
0x14: {  	[hbm4b:s11+s2] =	stream.linear.scatter [tilespmem:s9], [sflag:$0x2], $0x4000, $0x38;
	[tilespmem:$0x4200] =	vst v63  }
0x15: {  	_ =	swait.ge [sflag:s3], $0x4000  }
0x16: {  	[sflag:s3] =	ssyncset.done $0x0  }
0x17: {  	[sflag:s3] =	ssyncadd.s32 $0xFFFFC000  }
0x18: {  	[tilespmem:s9], [sflag:$0x1] =	stream.indirect.gather [hbm4b:s7+s8], $0x80, s6, s8, $0xb8;
	[tilespmem:$0x4200] =	vst v63  }
0x19: {  	_ =	swait.ge [sflag:s10], $0x4000  }
0x1a: {  	s16 =	sadd.s32 $0x5AA00, s12;
	[sflag:s10] =	ssyncset.done $0x0  }
0x1b: {  	s12 =	sadd.s32 s16, s15;
	[sflag:s10] =	ssyncadd.s32 $0xFFFFC000  }
0x1c: {  	[hbm4b:s12+s2] =	stream.linear.scatter [tilespmem:s9], [sflag:$0x2], $0x4000, $0x38;
	[tilespmem:$0x4200] =	vst v63  }
0x1d: {  	_ =	swait.ge [sflag:s3], $0x4000  }
0x1e: {  	[sflag:s3] =	ssyncset.done $0x0  }
0x1f: {  	[sflag:s3] =	ssyncadd.s32 $0xFFFFC000  }
0x20: {  	[tilespmem:s9], [sflag:$0x1] =	stream.indirect.gather [hbm4b:s7+s8], $0x80, s8, s8, $0xb8;
	[tilespmem:$0x4200] =	vst v63  }
0x21: {  	_ =	swait.ge [sflag:s10], $0x4000  }
0x22: {  	s15 =	sor.u32 $0x800, s15;
	[sflag:s10] =	ssyncset.done $0x0  }
0x23: {  	s17 =	ssub.s32 $0x2, s14;
	s13 =	sadd.s32 s13, s15;
	[sflag:s10] =	ssyncadd.s32 $0xFFFFC000  }
0x24: {  	[hbm4b:s13+s2] =	stream.linear.scatter [tilespmem:s9], [sflag:$0x2], $0x4000, $0x38;
	[tilespmem:$0x4200] =	vst v63  }
0x25: {  	s18 =	sshrl.u32 s17, $0x1;
	_ =	swait.ge [sflag:s3], $0x4000  }
0x26: {  	s17 =	ssub.s32 s17, s18;
	[sflag:s3] =	ssyncset.done $0x0  }
0x27: {  	s14 =	simm.s32 $0x180;
	s31 =	smax.u32 s17, $0x1;
	[sflag:s3] =	ssyncadd.s32 $0xFFFFC000  }
0x28: {  	[tilespmem:s9], [sflag:$0x1] =	stream.indirect.gather [hbm4b:s7+s8], $0x80, s14, s8, $0xb8;
	[tilespmem:$0x4200] =	vst v63  }
0x29: {  	p0 =	sne.s32 s31, $0x1;
	_ =	swait.ge [sflag:s10], $0x4000  }
.Ltmp0:
0x2a: {  	[sflag:s10] =	ssyncset.done $0x0;
	(pc) =	sbr.rel @!p0 .LBB2_2-.Ltmp0, $4  }
0x2b: {  	s15 =	sadd.s32 s16, s15;
	[sflag:s10] =	ssyncadd.s32 $0xFFFFC000  }
0x2c: {  	[hbm4b:s15+s2] =	stream.linear.scatter [tilespmem:s9], [sflag:$0x2], $0x4000, $0x38;
	[tilespmem:$0x4200] =	vst v63  }
0x2d: {  	_ =	swait.ge [sflag:s3], $0x4000  }
0x2e: {  	s16 =	sadd.s32 $0xFFFFFFFF, s31;
	[sflag:s3] =	ssyncset.done $0x0  }
.LBB2_1:
0x2f: {  	p0 =	sne.s32 s16, $0x1;
	s16 =	sadd.s32 $0xFFFFFFFF, s16;
	[sflag:s3] =	ssyncadd.s32 $0xFFFFC000  }
0x30: {  	[tilespmem:s2], [sflag:$0x2] =	stream.linear.gather [hbm4b:s4+s2], $0x100, $0x38;
	[tilespmem:$0x4200] =	vst v63  }
0x31: {  	_ =	swait.ge [sflag:s3], $0x100  }
0x32: {  	[sflag:s3] =	ssyncset.done $0x0  }
0x33: {  	[sflag:s3] =	ssyncadd.s32 $0xFFFFFF00  }
0x34: {  	[tilespmem:s6], [sflag:$0x2] =	stream.linear.gather [hbm4b:s5+s2], $0x100, $0x38;
	[tilespmem:$0x4200] =	vst v63  }
0x35: {  	_ =	swait.ge [sflag:s3], $0x100  }
0x36: {  	[sflag:s3] =	ssyncset.done $0x0  }
0x37: {  	[sflag:s3] =	ssyncadd.s32 $0xFFFFFF00  }
0x38: {  	[tilespmem:s9], [sflag:$0x1] =	stream.indirect.gather [hbm4b:s7+s8], $0x80, s2, s8, $0xb8;
	[tilespmem:$0x4200] =	vst v63  }
0x39: {  	_ =	swait.ge [sflag:s10], $0x4000  }
0x3a: {  	[sflag:s10] =	ssyncset.done $0x0  }
0x3b: {  	[sflag:s10] =	ssyncadd.s32 $0xFFFFC000  }
0x3c: {  	[hbm4b:s11+s2] =	stream.linear.scatter [tilespmem:s9], [sflag:$0x2], $0x4000, $0x38;
	[tilespmem:$0x4200] =	vst v63  }
0x3d: {  	_ =	swait.ge [sflag:s3], $0x4000  }
0x3e: {  	[sflag:s3] =	ssyncset.done $0x0  }
0x3f: {  	[sflag:s3] =	ssyncadd.s32 $0xFFFFC000  }
0x40: {  	[tilespmem:s9], [sflag:$0x1] =	stream.indirect.gather [hbm4b:s7+s8], $0x80, s6, s8, $0xb8;
	[tilespmem:$0x4200] =	vst v63  }
0x41: {  	_ =	swait.ge [sflag:s10], $0x4000  }
0x42: {  	[sflag:s10] =	ssyncset.done $0x0  }
0x43: {  	[sflag:s10] =	ssyncadd.s32 $0xFFFFC000  }
0x44: {  	[hbm4b:s12+s2] =	stream.linear.scatter [tilespmem:s9], [sflag:$0x2], $0x4000, $0x38;
	[tilespmem:$0x4200] =	vst v63  }
0x45: {  	_ =	swait.ge [sflag:s3], $0x4000  }
0x46: {  	[sflag:s3] =	ssyncset.done $0x0  }
0x47: {  	[sflag:s3] =	ssyncadd.s32 $0xFFFFC000  }
0x48: {  	[tilespmem:s9], [sflag:$0x1] =	stream.indirect.gather [hbm4b:s7+s8], $0x80, s8, s8, $0xb8;
	[tilespmem:$0x4200] =	vst v63  }
0x49: {  	_ =	swait.ge [sflag:s10], $0x4000  }
0x4a: {  	[sflag:s10] =	ssyncset.done $0x0  }
0x4b: {  	[sflag:s10] =	ssyncadd.s32 $0xFFFFC000  }
0x4c: {  	[hbm4b:s13+s2] =	stream.linear.scatter [tilespmem:s9], [sflag:$0x2], $0x4000, $0x38;
	[tilespmem:$0x4200] =	vst v63  }
0x4d: {  	_ =	swait.ge [sflag:s3], $0x4000  }
0x4e: {  	[sflag:s3] =	ssyncset.done $0x0  }
0x4f: {  	[sflag:s3] =	ssyncadd.s32 $0xFFFFC000  }
0x50: {  	[tilespmem:s9], [sflag:$0x1] =	stream.indirect.gather [hbm4b:s7+s8], $0x80, s14, s8, $0xb8;
	[tilespmem:$0x4200] =	vst v63  }
0x51: {  	_ =	swait.ge [sflag:s10], $0x4000  }
.Ltmp1:
0x52: {  	[sflag:s10] =	ssyncset.done $0x0;
	(pc) =	sbr.rel @p0 .LBB2_1-.Ltmp1, $4  }
0x53: {  	[sflag:s10] =	ssyncadd.s32 $0xFFFFC000  }
0x54: {  	[hbm4b:s15+s2] =	stream.linear.scatter [tilespmem:s9], [sflag:$0x2], $0x4000, $0x38;
	[tilespmem:$0x4200] =	vst v63  }
0x55: {  	_ =	swait.ge [sflag:s3], $0x4000  }
0x56: {  	[sflag:s3] =	ssyncset.done $0x0  }
.LBB2_2:
0x57: {  	[sflag:s3] =	ssyncadd.s32 $0xFFFFC000  }
0x58: {  	_ =	sfence.sel $0x180000  }
0x59: {  	[bflag:$0x0] =	sbarrier.arrive $0xFFFF  }
0x5a: {  	p0 =	sne.s32 s0, $0x0;
	_ =	strace $0x90000050  }
0x5b: {  	s0 =	sadd.s32 @!p0 $0x100000, s1;
	[bflag:$0x2] =	sbarrier.arrive $0xFFFF  }
0x5c: {  	[sflag:s0] =	ssyncadd.tile.s32 @!p0 $0x1;
	_ =	shalt  }
.Lfunc_end2:
_tile_overlayer_lowered:
.L_overlay_start_2:
0x5d: {  	(tag) =	ssettag $0x2  }
0x5e: {  	s0 =	rddreg [dreg:$0x0];
	s2 =	stileid.u32  }
0x5f: {  	s1 =	rddreg [dreg:$0x1];
	p0 =	sne.s32 s2, $0x0  }
0x60: {  	s3 =	rddreg [dreg:$0x2];
	[bflag:$0x3] =	sbarrier.arrive $0xFFFF;
	s2 =	simm.s32 @!p0 $0x1C02  }
0x61: {  	[timem:s3], [sflag:s2] =	dma.local @!p0 [hbm:s0], s1  }
0x62: {  	s0 =	simm.s32 @!p0 $0x2  }
0x63: {  	_ =	swait.ge @!p0 [sflag:s0], s1  }
0x64: {  	s1 =	ssub.s32 @!p0 $0x0, s1;
	[sflag:s0] =	ssyncset.done @!p0 $0x0  }
0x65: {  	[sflag:s0] =	ssyncadd.s32 @!p0 s1  }
0x66: {  	[bflag:$0x3] =	sbarrier.arrive $0xFFFF  }
0x67: {  	_ =	shalt  }

</sc_bundles>
